<compile_context>
chip_gen: v7x
topology: tpu7x:2x2x1
jax: 0.10.2.dev20260603
libtpu: 0.0.44.dev20260713+nightly
codegen_flags: <defaults>
</compile_context>

<pallas_src>
import functools

import jax
import jax.numpy as jnp
from jax import lax
from jax.experimental import pallas as pl
from jax.experimental.pallas import tpu as pltpu
from jax.experimental.pallas import tpu_sc as plsc

N = 50000
E = 800000
D_IN = 128
H = 64
HH = 32
L = 3
G = 64

R = 1000
GRID = N // R

CH = 128
NCHUNK = E // CH
NS = 16
NC = 2
RPT = 3128
LAST_ROWS = N - (NS - 1) * RPT

_EPS = 1e-5


def _zero_sp(zb, sp, start, rows):
    nz = zb.shape[0]
    q, rem = divmod(rows, nz)

    def dz(k, _):
        pltpu.sync_copy(zb, sp.at[pl.ds(start + k * nz, nz)])
        return _
    lax.fori_loop(0, q, dz, None)
    if rem:
        pltpu.sync_copy(zb.at[pl.ds(0, rem)],
                        sp.at[pl.ds(start + q * nz, rem)])


def _sp_to_hbm(sp, dref, stage, src_start, dst_start, rows):
    ns = stage.shape[0]
    q, rem = divmod(rows, ns)

    def mv(k, _):
        pltpu.sync_copy(sp.at[pl.ds(src_start + k * ns, ns)], stage)
        pltpu.sync_copy(stage, dref.at[pl.ds(dst_start + k * ns, ns)])
        return _
    lax.fori_loop(0, q, mv, None)
    if rem:
        st = stage.at[pl.ds(0, rem)]
        pltpu.sync_copy(sp.at[pl.ds(src_start + q * ns, rem)], st)
        pltpu.sync_copy(st, dref.at[pl.ds(dst_start + q * ns, rem)])


def _per_tile_rows(sid, fn):
    @pl.when(sid < NS - 1)
    def _():
        fn(sid * RPT, RPT)

    @pl.when(sid == NS - 1)
    def _():
        fn((NS - 1) * RPT, LAST_ROWS)


def _q16(v):
    u = plsc.bitcast(v, jnp.int32)
    r = (u + 0x7FFF + ((u >> 16) & 1)) & jnp.int32(-65536)
    return plsc.bitcast(r, jnp.float32)


def _chunk_base_count(wid, nworkers):
    per = NCHUNK // nworkers
    extra = NCHUNK - per * nworkers
    base = wid * per + jnp.minimum(wid, extra)
    cnt = per + jnp.where(wid < extra, 1, 0)
    return base, cnt, per + (1 if extra > 0 else 0)



CMAX_D2 = NCHUNK // (NC * NS) + 1


def _sc_d2_cnt_body(posx, posy, posz, dst1d, src1d, d2_out, cnt2,
                    dstrow, srcrow, table, d2acc, ones_b, zb, cnt_sp):
    cid = lax.axis_index("c")
    sid = lax.axis_index("s")
    wid = cid * NS + sid

    def zloop(r, _):
        zb[pl.ds(r * 16, 16)] = jnp.zeros((16,), jnp.float32)
        return _
    lax.fori_loop(0, RPT // 16 + 1, zloop, None)
    for r in range(CH // 16):
        ones_b[pl.ds(r * 16, 16)] = jnp.ones((16,), jnp.float32)

    def zr(start, rows):
        pltpu.sync_copy(zb.at[pl.ds(0, rows)], cnt_sp.at[pl.ds(start, rows)])
    _per_tile_rows(sid, zr)
    plsc.subcore_barrier()

    base, mychunks, _ = _chunk_base_count(wid, NC * NS)

    for coord, pref in enumerate((posx, posy, posz)):
        pltpu.sync_copy(pref, table)

        def chunk(c, _):
            @pl.when(c < mychunks)
            def _():
                g = base + c
                pltpu.sync_copy(dst1d.at[pl.ds(g * CH, CH)], dstrow)
                pltpu.sync_copy(src1d.at[pl.ds(g * CH, CH)], srcrow)

                def grp(j, _):
                    js = pl.ds(j * 16, 16)
                    xs = plsc.load_gather(table, [srcrow[js]])
                    xd = plsc.load_gather(table, [dstrow[js]])
                    dv = xs - xd
                    ds = pl.ds(c * CH + j * 16, 16)
                    if coord == 0:
                        d2acc[ds] = dv * dv
                    else:
                        d2acc[ds] = d2acc[ds] + dv * dv
                    return _
                lax.fori_loop(0, CH // 16, grp, None)
                if coord == 0:
                    pltpu.sync_copy(ones_b, cnt_sp.at[dstrow], add=True)
            return _
        lax.fori_loop(0, CMAX_D2, chunk, None)

    def wchunk(c, _):
        @pl.when(c < mychunks)
        def _():
            pltpu.sync_copy(d2acc.at[pl.ds(c * CH, CH)],
                            d2_out.at[pl.ds((base + c) * CH, CH)])
        return _
    lax.fori_loop(0, CMAX_D2, wchunk, None)

    plsc.subcore_barrier()

    def go(start, rows):
        _sp_to_hbm(cnt_sp, cnt2, d2acc, start, cid * N + start, rows)
    _per_tile_rows(sid, go)


def _make_sc_d2_cnt():
    mesh = plsc.VectorSubcoreMesh(core_axis_name="c", subcore_axis_name="s")
    return pl.kernel(
        _sc_d2_cnt_body,
        out_type=(
            jax.ShapeDtypeStruct((E,), jnp.float32),
            jax.ShapeDtypeStruct((2 * N,), jnp.float32),
        ),
        mesh=mesh,
        compiler_params=pltpu.CompilerParams(needs_layout_passes=False),
        scratch_types=[
            pltpu.VMEM((CH,), jnp.int32),
            pltpu.VMEM((CH,), jnp.int32),
            pltpu.VMEM((N,), jnp.float32),
            pltpu.VMEM((CMAX_D2 * CH,), jnp.float32),
            pltpu.VMEM((CH,), jnp.float32),
            pltpu.VMEM((3136,), jnp.float32),
            pltpu.VMEM_SHARED((N,), jnp.float32),
        ],
    )



def _sc_edge_body(a2, b2, whbm, dst1d, src1d, d2_1d, s2_out,
                  dstA, srcA, gdstA, gsrcA, d2A, arA, brA,
                  dstB, srcB, gdstB, gsrcB, d2B, arB, brB,
                  wv, zb, sbuf, s_sp,
                  semIA, semIB, semGA, semGB, semSA, semSB):
    cid = lax.axis_index("c")
    sid = lax.axis_index("s")
    goff = cid * N

    def zloop(r, _):
        zb[r, pl.ds(0, 16)] = jnp.zeros((16,), jnp.float32)
        zb[r, pl.ds(16, 16)] = jnp.zeros((16,), jnp.float32)
        return _
    lax.fori_loop(0, zb.shape[0], zloop, None)
    _per_tile_rows(sid, lambda start, rows: _zero_sp(zb, s_sp, start, rows))
    pltpu.sync_copy(whbm.at[pl.ds(cid * HH, HH)], wv)
    plsc.subcore_barrier()

    base, mychunks, cmax = _chunk_base_count(sid, NS)
    w0 = wv[pl.ds(0, 16)]
    w1 = wv[pl.ds(16, 16)]

    def idx_start(g, dstr, srcr, d2r, semI):
        pltpu.async_copy(dst1d.at[pl.ds(g * CH, CH)], dstr, semI)
        pltpu.async_copy(src1d.at[pl.ds(g * CH, CH)], srcr, semI)
        pltpu.async_copy(d2_1d.at[pl.ds(g * CH, CH)],
                         d2r.at[pl.ds(0, CH)], semI)

    def idx_wait(g, dstr, srcr, d2r, semI):
        pltpu.make_async_copy(dst1d.at[pl.ds(g * CH, CH)], dstr, semI).wait()
        pltpu.make_async_copy(src1d.at[pl.ds(g * CH, CH)], srcr, semI).wait()
        pltpu.make_async_copy(d2_1d.at[pl.ds(g * CH, CH)],
                              d2r.at[pl.ds(0, CH)], semI).wait()

    def gidx(dstr, srcr, gdst, gsrc):
        def gj(j, _):
            js = pl.ds(j * 16, 16)
            gdst[js] = dstr[js] + goff
            gsrc[js] = srcr[js] + goff
            return _
        lax.fori_loop(0, CH // 16, gj, None)

    def gather_start(gdst, gsrc, ar, br, semG):
        pltpu.async_copy(a2.at[gdst], ar, semG)
        pltpu.async_copy(b2.at[gsrc], br, semG)

    def gather_wait(gdst, gsrc, ar, br, semG):
        pltpu.make_async_copy(a2.at[gdst], ar, semG).wait()
        pltpu.make_async_copy(b2.at[gsrc], br, semG).wait()

    def scat_start(dstr, ar, semS):
        pltpu.async_copy(ar, s_sp.at[dstr], semS, add=True)

    def scat_wait(dstr, ar, semS):
        pltpu.make_async_copy(ar, s_sp.at[dstr], semS).wait()

    def compute(d2r, ar, br):
        def edge(e, _):
            dd = d2r[pl.ds(e, 16)][0]
            t0 = jnp.maximum(ar[e, pl.ds(0, 16)]
                             + br[e, pl.ds(0, 16)] + dd * w0, 0.0)
            t1 = jnp.maximum(ar[e, pl.ds(16, 16)]
                             + br[e, pl.ds(16, 16)] + dd * w1, 0.0)
            ar[e, pl.ds(0, 16)] = t0
            ar[e, pl.ds(16, 16)] = t1
            return _
        lax.fori_loop(0, CH, edge, None)

    bufs = ((dstA, srcA, gdstA, gsrcA, d2A, arA, brA, semIA, semGA, semSA),
            (dstB, srcB, gdstB, gsrcB, d2B, arB, brB, semIB, semGB, semSB))

    @pl.when(mychunks > 0)
    def _():
        dstr, srcr, gdst, gsrc, d2r, ar, br, semI, semG, semS = bufs[0]
        pltpu.sync_copy(dst1d.at[pl.ds(base * CH, CH)], dstr)
        pltpu.sync_copy(src1d.at[pl.ds(base * CH, CH)], srcr)
        pltpu.sync_copy(d2_1d.at[pl.ds(base * CH, CH)], d2r.at[pl.ds(0, CH)])
        gidx(dstr, srcr, gdst, gsrc)
        gather_start(gdst, gsrc, ar, br, semG)

    def step(c, cur, nxt):
        dstr, srcr, gdst, gsrc, d2r, ar, br, semI, semG, semS = cur
        ndstr, nsrcr, ngdst, ngsrc, nd2r, nar, nbr, nsemI, nsemG, nsemS = nxt
        g = base + c

        @pl.when(c >= 1)
        def _():
            scat_wait(ndstr, nar, nsemS)

        @pl.when(c + 1 < mychunks)
        def _():
            idx_start(g + 1, ndstr, nsrcr, nd2r, nsemI)

        gather_wait(gdst, gsrc, ar, br, semG)
        compute(d2r, ar, br)

        @pl.when(c + 1 < mychunks)
        def _():
            idx_wait(g + 1, ndstr, nsrcr, nd2r, nsemI)
            gidx(ndstr, nsrcr, ngdst, ngsrc)
            gather_start(ngdst, ngsrc, nar, nbr, nsemG)

        scat_start(dstr, ar, semS)

    def chunk(c, _):
        @pl.when(c < mychunks)
        def _():
            @pl.when(c % 2 == 0)
            def _():
                step(c, bufs[0], bufs[1])

            @pl.when(c % 2 == 1)
            def _():
                step(c, bufs[1], bufs[0])
        return _
    lax.fori_loop(0, cmax, chunk, None)

    @pl.when(jnp.logical_and(mychunks > 0, (mychunks - 1) % 2 == 0))
    def _():
        scat_wait(bufs[0][0], bufs[0][5], bufs[0][9])

    @pl.when(jnp.logical_and(mychunks > 0, (mychunks - 1) % 2 == 1))
    def _():
        scat_wait(bufs[1][0], bufs[1][5], bufs[1][9])

    plsc.subcore_barrier()

    def go(start, rows):
        _sp_to_hbm(s_sp, s2_out, sbuf, start, cid * N + start, rows)
    _per_tile_rows(sid, go)


def _make_sc_edge():
    mesh = plsc.VectorSubcoreMesh(core_axis_name="c", subcore_axis_name="s")
    return pl.kernel(
        _sc_edge_body,
        out_type=jax.ShapeDtypeStruct((2 * N, HH), jnp.float32),
        mesh=mesh,
        compiler_params=pltpu.CompilerParams(use_tc_tiling_on_sc=False,
                                             needs_layout_passes=False),
        scratch_types=[
            pltpu.VMEM((CH,), jnp.int32),
            pltpu.VMEM((CH,), jnp.int32),
            pltpu.VMEM((CH,), jnp.int32),
            pltpu.VMEM((CH,), jnp.int32),
            pltpu.VMEM((CH + 16,), jnp.float32),
            pltpu.VMEM((CH, HH), jnp.float32),
            pltpu.VMEM((CH, HH), jnp.float32),
            pltpu.VMEM((CH,), jnp.int32),
            pltpu.VMEM((CH,), jnp.int32),
            pltpu.VMEM((CH,), jnp.int32),
            pltpu.VMEM((CH,), jnp.int32),
            pltpu.VMEM((CH + 16,), jnp.float32),
            pltpu.VMEM((CH, HH), jnp.float32),
            pltpu.VMEM((CH, HH), jnp.float32),
            pltpu.VMEM((HH,), jnp.float32),
            pltpu.VMEM((64, HH), jnp.float32),
            pltpu.VMEM((120, HH), jnp.float32),
            pltpu.VMEM_SHARED((N, HH), jnp.float32),
            pltpu.SemaphoreType.DMA,
            pltpu.SemaphoreType.DMA,
            pltpu.SemaphoreType.DMA,
            pltpu.SemaphoreType.DMA,
            pltpu.SemaphoreType.DMA,
            pltpu.SemaphoreType.DMA,
        ],
    )



def _hdot(a, b):
    return jnp.dot(a, b, preferred_element_type=jnp.float32)


def _tc_embed_body(x, atom_W, atom_b, w1d, w1s, b1,
                   h_out, a2_out, b2_out):
    h = _hdot(x[...], atom_W[...]) + atom_b[...]
    h_out[...] = h
    a2_out[...] = _hdot(h, w1d[0]) + b1[0]
    b2_out[...] = _hdot(h, w1s[0])


def _make_tc_embed():
    return pl.pallas_call(
        _tc_embed_body,
        grid=(NC, GRID),
        in_specs=[
            pl.BlockSpec((R, D_IN), lambda c, i: (i, 0)),
            pl.BlockSpec((D_IN, H), lambda c, i: (0, 0)),
            pl.BlockSpec((1, H), lambda c, i: (0, 0)),
            pl.BlockSpec((1, H, HH), lambda c, i: (c, 0, 0)),
            pl.BlockSpec((1, H, HH), lambda c, i: (c, 0, 0)),
            pl.BlockSpec((1, 1, HH), lambda c, i: (c, 0, 0)),
        ],
        out_specs=[
            pl.BlockSpec((R, H), lambda c, i: (i, 0)),
            pl.BlockSpec((R, HH), lambda c, i: (c * GRID + i, 0)),
            pl.BlockSpec((R, HH), lambda c, i: (c * GRID + i, 0)),
        ],
        out_shape=[
            jax.ShapeDtypeStruct((N, H), jnp.float32),
            jax.ShapeDtypeStruct((2 * N, HH), jnp.float32),
            jax.ShapeDtypeStruct((2 * N, HH), jnp.float32),
        ],
    )


def _tc_update_body(last, h, s0, s1, cnt0, cnt1, W2, b2, updW, updb,
                    lng, lnb, w1d, w1s, b1, *outs):
    cnt = cnt0[...] + cnt1[...]
    agg = (_hdot(s0[...], W2[0:HH, :]) + _hdot(s1[...], W2[HH:H, :])
           + cnt * b2[...])
    hv = h[...]
    u = (_hdot(hv, updW[0:H, :]) + _hdot(agg, updW[H:2 * H, :])
         + updb[...])
    mu = jnp.mean(u, axis=-1, keepdims=True)
    var = jnp.mean((u - mu) ** 2, axis=-1, keepdims=True)
    v1 = var + _EPS
    r0 = lax.rsqrt(v1)
    rinv = r0 * (1.5 - 0.5 * v1 * r0 * r0)
    un = (u - mu) * rinv * lng[...] + lnb[...]
    hn = jnp.maximum(hv + un, 0.0)
    outs[0][...] = hn
    if not last:
        outs[1][...] = _hdot(hn, w1d[0]) + b1[0]
        outs[2][...] = _hdot(hn, w1s[0])


def _make_tc_update(last):
    if last:
        grid = (1, GRID)
        out_specs = [pl.BlockSpec((R, H), lambda c, i: (i, 0))]
        out_shape = [jax.ShapeDtypeStruct((N, H), jnp.float32)]
    else:
        grid = (NC, GRID)
        out_specs = [
            pl.BlockSpec((R, H), lambda c, i: (i, 0)),
            pl.BlockSpec((R, HH), lambda c, i: (c * GRID + i, 0)),
            pl.BlockSpec((R, HH), lambda c, i: (c * GRID + i, 0)),
        ]
        out_shape = [
            jax.ShapeDtypeStruct((N, H), jnp.float32),
            jax.ShapeDtypeStruct((2 * N, HH), jnp.float32),
            jax.ShapeDtypeStruct((2 * N, HH), jnp.float32),
        ]
    return pl.pallas_call(
        functools.partial(_tc_update_body, last),
        grid=grid,
        in_specs=[
            pl.BlockSpec((R, H), lambda c, i: (i, 0)),
            pl.BlockSpec((R, HH), lambda c, i: (i, 0)),
            pl.BlockSpec((R, HH), lambda c, i: (GRID + i, 0)),
            pl.BlockSpec((R, 1), lambda c, i: (i, 0)),
            pl.BlockSpec((R, 1), lambda c, i: (GRID + i, 0)),
            pl.BlockSpec((H, H), lambda c, i: (0, 0)),
            pl.BlockSpec((1, H), lambda c, i: (0, 0)),
            pl.BlockSpec((2 * H, H), lambda c, i: (0, 0)),
            pl.BlockSpec((1, H), lambda c, i: (0, 0)),
            pl.BlockSpec((1, H), lambda c, i: (0, 0)),
            pl.BlockSpec((1, H), lambda c, i: (0, 0)),
            pl.BlockSpec((1, H, HH), lambda c, i: (c, 0, 0)),
            pl.BlockSpec((1, H, HH), lambda c, i: (c, 0, 0)),
            pl.BlockSpec((1, 1, HH), lambda c, i: (c, 0, 0)),
        ],
        out_specs=out_specs,
        out_shape=out_shape,
    )


def _tc_pool_head_body(batch, h, hW1, hb1, hW2, hb2, hW3, hb3,
                       out, sums, cnts):
    i = pl.program_id(0)
    bb = batch[...]
    iot = lax.broadcasted_iota(jnp.int32, (R, G), 1)
    maskT = (bb == iot).astype(jnp.float32)
    part = lax.dot_general(maskT, h[...], (((0,), (0,)), ((), ())),
                           preferred_element_type=jnp.float32,
                           precision=lax.Precision.HIGHEST)
    ones = jnp.ones((R, 1), jnp.float32)
    pcnt = lax.dot_general(maskT, ones, (((0,), (0,)), ((), ())),
                           preferred_element_type=jnp.float32,
                           precision=lax.Precision.HIGHEST)


    @pl.when(i == 0)
    def _():
        sums[...] = part
        cnts[...] = pcnt

    @pl.when(i > 0)
    def _():
        sums[...] = sums[...] + part
        cnts[...] = cnts[...] + pcnt

    @pl.when(i == GRID - 1)
    def _():
        c = jnp.maximum(cnts[...], 1.0)
        rc0 = 1.0 / c
        rc = rc0 * (2.0 - c * rc0)
        gr = sums[...] * rc
        z = jnp.maximum(_hdot(gr, hW1[...]) + hb1[...], 0.0)
        z = jnp.maximum(_hdot(z, hW2[...]) + hb2[...], 0.0)
        out[...] = _hdot(z, hW3[...]) + hb3[...]


def _make_tc_pool_head():
    return pl.pallas_call(
        _tc_pool_head_body,
        grid=(GRID,),
        in_specs=[
            pl.BlockSpec((R, 1), lambda i: (i, 0)),
            pl.BlockSpec((R, H), lambda i: (i, 0)),
            pl.BlockSpec((H, H), lambda i: (0, 0)),
            pl.BlockSpec((1, H), lambda i: (0, 0)),
            pl.BlockSpec((H, H // 2), lambda i: (0, 0)),
            pl.BlockSpec((1, H // 2), lambda i: (0, 0)),
            pl.BlockSpec((H // 2, 1), lambda i: (0, 0)),
            pl.BlockSpec((1, 1), lambda i: (0, 0)),
        ],
        out_specs=pl.BlockSpec((G, 1), lambda i: (0, 0)),
        out_shape=jax.ShapeDtypeStruct((G, 1), jnp.float32),
        scratch_shapes=[
            pltpu.VMEM((G, H), jnp.float32),
            pltpu.VMEM((G, 1), jnp.float32),
        ],
    )



def kernel(x, edge_index, pos, batch, atom_W, atom_b, msg_W1, msg_b1,
           msg_W2, msg_b2, upd_W, upd_b, ln_g, ln_b, head_W1, head_b1,
           head_W2, head_b2, head_W3, head_b3):
    dst1d = edge_index[1]
    src1d = edge_index[0]
    posx, posy, posz = pos[:, 0], pos[:, 1], pos[:, 2]
    batch2d = batch.reshape(N, 1)

    w1d = [msg_W1[i, 0:H, :].reshape(H, NC, HH).transpose(1, 0, 2)
           for i in range(L)]
    w1s = [msg_W1[i, H:2 * H, :].reshape(H, NC, HH).transpose(1, 0, 2)
           for i in range(L)]
    wd2 = [msg_W1[i, 2 * H, :] for i in range(L)]
    b1r = [msg_b1[i].reshape(NC, 1, HH) for i in range(L)]
    b2r = [msg_b2[i].reshape(1, H) for i in range(L)]
    updbr = [upd_b[i].reshape(1, H) for i in range(L)]
    lngr = [ln_g[i].reshape(1, H) for i in range(L)]
    lnbr = [ln_b[i].reshape(1, H) for i in range(L)]
    atom_b2 = atom_b.reshape(1, H)
    hb1 = head_b1.reshape(1, H)
    hb2 = head_b2.reshape(1, H // 2)
    hb3 = head_b3.reshape(1, 1)

    d2_1d, cnt2 = _make_sc_d2_cnt()(posx, posy, posz, dst1d, src1d)
    cnt2 = cnt2.reshape(2 * N, 1)

    h, a2, b2v = _make_tc_embed()(x, atom_W, atom_b2, w1d[0], w1s[0], b1r[0])

    sc_edge = _make_sc_edge()
    for i in range(L):
        s2 = sc_edge(a2, b2v, wd2[i], dst1d, src1d, d2_1d)
        last = i == L - 1
        upd = _make_tc_update(last)
        nxt = 0 if last else i + 1
        outs = upd(h, s2, s2, cnt2, cnt2, msg_W2[i], b2r[i], upd_W[i],
                   updbr[i], lngr[i], lnbr[i], w1d[nxt], w1s[nxt], b1r[nxt])
        if last:
            (h,) = outs
        else:
            h, a2, b2v = outs

    pred = _make_tc_pool_head()(batch2d, h, head_W1, hb1, head_W2, hb2,
                                head_W3, hb3)
    return pred

# --- scband reference (transcript-rebuilt; emitter-appended) ---
"""Pipeline reference for scband-equi-bind-net-48722109006499 (READ-ONLY COPY).

The authoritative reference and input builder live on the scoring server;
editing this copy changes nothing except your own understanding.
"""

import jax, jax.numpy as jnp
import numpy as np

N = 50000
E = 800000
D_IN = 128
H = 64
L = 3
G = 64

def _ln(x, g, b, eps=1e-5):
    mu = jnp.mean(x, axis=-1, keepdims=True)
    var = jnp.var(x, axis=-1, keepdims=True)
    return (x - mu) / jnp.sqrt(var + eps) * g + b

def setup_inputs(seed: int = 0) -> dict:
    key = jax.random.key(seed)
    ks = jax.random.split(key, 32)
    x = jax.random.normal(ks[0], (N, D_IN), dtype=jnp.float32)
    edge_index = jax.random.randint(ks[1], (2, E), 0, N, dtype=jnp.int32)
    pos = jax.random.normal(ks[2], (N, 3), dtype=jnp.float32)
    batch = jnp.sort(jax.random.randint(ks[3], (N,), 0, G, dtype=jnp.int32))
    s = 0.05
    params = {
        'atom_W': jax.random.normal(ks[4], (D_IN, H), dtype=jnp.float32) * s,
        'atom_b': jnp.zeros((H,), dtype=jnp.float32),
        'msg_W1': jax.random.normal(ks[5], (L, 2 * H + 1, H), dtype=jnp.float32) * s,
        'msg_b1': jnp.zeros((L, H), dtype=jnp.float32),
        'msg_W2': jax.random.normal(ks[6], (L, H, H), dtype=jnp.float32) * s,
        'msg_b2': jnp.zeros((L, H), dtype=jnp.float32),
        'upd_W': jax.random.normal(ks[7], (L, 2 * H, H), dtype=jnp.float32) * s,
        'upd_b': jnp.zeros((L, H), dtype=jnp.float32),
        'ln_g': jnp.ones((L, H), dtype=jnp.float32),
        'ln_b': jnp.zeros((L, H), dtype=jnp.float32),
        'head_W1': jax.random.normal(ks[8], (H, H), dtype=jnp.float32) * s,
        'head_b1': jnp.zeros((H,), dtype=jnp.float32),
        'head_W2': jax.random.normal(ks[9], (H, H // 2), dtype=jnp.float32) * s,
        'head_b2': jnp.zeros((H // 2,), dtype=jnp.float32),
        'head_W3': jax.random.normal(ks[10], (H // 2, 1), dtype=jnp.float32) * s,
        'head_b3': jnp.zeros((1,), dtype=jnp.float32),
    }
    return {'x': x, 'edge_index': edge_index, 'pos': pos, 'batch': batch, **params}


def reference(x, edge_index, pos, batch, atom_W, atom_b, msg_W1, msg_b1, msg_W2, msg_b2, upd_W, upd_b, ln_g, ln_b, head_W1, head_b1, head_W2, head_b2, head_W3, head_b3):
    src = edge_index[0]
    dst = edge_index[1]
    h = x @ atom_W + atom_b
    for i in range(L):
        rel = pos[src] - pos[dst]
        d2 = jnp.sum(rel * rel, axis=-1, keepdims=True)
        m_in = jnp.concatenate([h[dst], h[src], d2], axis=-1)
        m = jax.nn.relu(m_in @ msg_W1[i] + msg_b1[i]) @ msg_W2[i] + msg_b2[i]
        agg = jax.ops.segment_sum(m, dst, num_segments=N)
        h_new = jnp.concatenate([h, agg], axis=-1) @ upd_W[i] + upd_b[i]
        h_new = _ln(h_new, ln_g[i], ln_b[i])
        h = jax.nn.relu(h + h_new)
    sums = jax.ops.segment_sum(h, batch, num_segments=G)
    counts = jnp.clip(jnp.bincount(batch, length=G), 1, None).astype(jnp.float32)
    graph_repr = sums / counts[:, None]
    z = jax.nn.relu(graph_repr @ head_W1 + head_b1)
    z = jax.nn.relu(z @ head_W2 + head_b2)
    pred = z @ head_W3 + head_b3
    return pred

if __name__ == "__main__":
    import jax
    _d = setup_inputs()
    print(jax.jit(kernel)(*tuple(_d.values())))

</pallas_src>

<mosaic_0001>
#map = affine_map<(d0, d1) -> (0)>
module attributes {stable_mosaic.version = 14 : i64} {
  func.func @_sc_d2_cnt_body(%arg0: i32, %arg1: i32, %arg2: memref<50000xf32, #tpu.memory_space<hbm>>, %arg3: memref<50000xf32, #tpu.memory_space<hbm>>, %arg4: memref<50000xf32, #tpu.memory_space<hbm>>, %arg5: memref<800000xi32, #tpu.memory_space<hbm>>, %arg6: memref<800000xi32, #tpu.memory_space<hbm>>, %arg7: memref<800000xf32, #tpu.memory_space<hbm>>, %arg8: memref<100000xf32, #tpu.memory_space<hbm>>, %arg9: memref<128xi32, #tpu.memory_space<vmem>>, %arg10: memref<128xi32, #tpu.memory_space<vmem>>, %arg11: memref<50000xf32, #tpu.memory_space<vmem>>, %arg12: memref<25088xf32, #tpu.memory_space<vmem>>, %arg13: memref<128xf32, #tpu.memory_space<vmem>>, %arg14: memref<3136xf32, #tpu.memory_space<vmem>>, %arg15: memref<50000xf32, #tpu.memory_space<vmem_shared>>) attributes {dimension_semantics = [#tpu.dimension_semantics<core_parallel>, #tpu.dimension_semantics<subcore_parallel>], iteration_bounds = array<i64: 2, 16>, scalar_prefetch = 0 : i64, scratch_operands = 7 : i64, tpu.core_type = #tpu.core_type<sc_vector_subcore>, window_params = [{transform_indices = #map}, {transform_indices = #map}, {transform_indices = #map}, {transform_indices = #map}, {transform_indices = #map}, {transform_indices = #map}, {transform_indices = #map}]} {
    %mul3A = arith.constant 16 : i32
    %mul3A_0 = arith.muli %arg0, %mul3A : i32
    %add3A = arith.addi %mul3A_0, %arg1 : i32
    %scan3A = arith.constant 0 : i32
    %scan3A_1 = arith.constant 196 : i32
    %scan3A_2 = arith.addi %scan3A, %scan3A_1 : i32
    %scan3A_3 = arith.constant 1 : i32
    scf.for %scan3A_81 = %scan3A to %scan3A_2 step %scan3A_3  : i32 {
      %broadcast_in_dim3A_82 = arith.constant 0.000000e+00 : f32
      %broadcast_in_dim3A_83 = vector.broadcast %broadcast_in_dim3A_82 : f32 to vector<16xf32>
      %mul3A_84 = arith.constant 16 : i32
      %mul3A_85 = arith.muli %scan3A_81, %mul3A_84 : i32
      %swap3A_86 = arith.index_cast %mul3A_85 : i32 to index
      %swap3A_87 = tpu.vector_load %arg14[%swap3A_86] {strides = array<i32>} : memref<3136xf32, #tpu.memory_space<vmem>>, vector<16xf32>,
      tpu.vector_store %arg14[%swap3A_86], %broadcast_in_dim3A_83 {strides = array<i32>} : memref<3136xf32, #tpu.memory_space<vmem>>, vector<16xf32>,
    }
    %scan3A_4 = arith.constant 196 : i32
    %broadcast_in_dim3A = arith.constant 1.000000e+00 : f32
    %broadcast_in_dim3A_5 = vector.broadcast %broadcast_in_dim3A : f32 to vector<16xf32>
    %swap3A = arith.constant 0 : index
    %swap3A_6 = tpu.vector_load %arg13[%swap3A] {strides = array<i32>} : memref<128xf32, #tpu.memory_space<vmem>>, vector<16xf32>,
    tpu.vector_store %arg13[%swap3A], %broadcast_in_dim3A_5 {strides = array<i32>} : memref<128xf32, #tpu.memory_space<vmem>>, vector<16xf32>,
    %broadcast_in_dim3A_7 = arith.constant 1.000000e+00 : f32
    %broadcast_in_dim3A_8 = vector.broadcast %broadcast_in_dim3A_7 : f32 to vector<16xf32>
    %swap3A_9 = arith.constant 16 : index
    %swap3A_10 = tpu.vector_load %arg13[%swap3A_9] {strides = array<i32>} : memref<128xf32, #tpu.memory_space<vmem>>, vector<16xf32>,
    tpu.vector_store %arg13[%swap3A_9], %broadcast_in_dim3A_8 {strides = array<i32>} : memref<128xf32, #tpu.memory_space<vmem>>, vector<16xf32>,
    %broadcast_in_dim3A_11 = arith.constant 1.000000e+00 : f32
    %broadcast_in_dim3A_12 = vector.broadcast %broadcast_in_dim3A_11 : f32 to vector<16xf32>
    %swap3A_13 = arith.constant 32 : index
    %swap3A_14 = tpu.vector_load %arg13[%swap3A_13] {strides = array<i32>} : memref<128xf32, #tpu.memory_space<vmem>>, vector<16xf32>,
    tpu.vector_store %arg13[%swap3A_13], %broadcast_in_dim3A_12 {strides = array<i32>} : memref<128xf32, #tpu.memory_space<vmem>>, vector<16xf32>,
    %broadcast_in_dim3A_15 = arith.constant 1.000000e+00 : f32
    %broadcast_in_dim3A_16 = vector.broadcast %broadcast_in_dim3A_15 : f32 to vector<16xf32>
    %swap3A_17 = arith.constant 48 : index
    %swap3A_18 = tpu.vector_load %arg13[%swap3A_17] {strides = array<i32>} : memref<128xf32, #tpu.memory_space<vmem>>, vector<16xf32>,
    tpu.vector_store %arg13[%swap3A_17], %broadcast_in_dim3A_16 {strides = array<i32>} : memref<128xf32, #tpu.memory_space<vmem>>, vector<16xf32>,
    %broadcast_in_dim3A_19 = arith.constant 1.000000e+00 : f32
    %broadcast_in_dim3A_20 = vector.broadcast %broadcast_in_dim3A_19 : f32 to vector<16xf32>
    %swap3A_21 = arith.constant 64 : index
    %swap3A_22 = tpu.vector_load %arg13[%swap3A_21] {strides = array<i32>} : memref<128xf32, #tpu.memory_space<vmem>>, vector<16xf32>,
    tpu.vector_store %arg13[%swap3A_21], %broadcast_in_dim3A_20 {strides = array<i32>} : memref<128xf32, #tpu.memory_space<vmem>>, vector<16xf32>,
    %broadcast_in_dim3A_23 = arith.constant 1.000000e+00 : f32
    %broadcast_in_dim3A_24 = vector.broadcast %broadcast_in_dim3A_23 : f32 to vector<16xf32>
    %swap3A_25 = arith.constant 80 : index
    %swap3A_26 = tpu.vector_load %arg13[%swap3A_25] {strides = array<i32>} : memref<128xf32, #tpu.memory_space<vmem>>, vector<16xf32>,
    tpu.vector_store %arg13[%swap3A_25], %broadcast_in_dim3A_24 {strides = array<i32>} : memref<128xf32, #tpu.memory_space<vmem>>, vector<16xf32>,
    %broadcast_in_dim3A_27 = arith.constant 1.000000e+00 : f32
    %broadcast_in_dim3A_28 = vector.broadcast %broadcast_in_dim3A_27 : f32 to vector<16xf32>
    %swap3A_29 = arith.constant 96 : index
    %swap3A_30 = tpu.vector_load %arg13[%swap3A_29] {strides = array<i32>} : memref<128xf32, #tpu.memory_space<vmem>>, vector<16xf32>,
    tpu.vector_store %arg13[%swap3A_29], %broadcast_in_dim3A_28 {strides = array<i32>} : memref<128xf32, #tpu.memory_space<vmem>>, vector<16xf32>,
    %broadcast_in_dim3A_31 = arith.constant 1.000000e+00 : f32
    %broadcast_in_dim3A_32 = vector.broadcast %broadcast_in_dim3A_31 : f32 to vector<16xf32>
    %swap3A_33 = arith.constant 112 : index
    %swap3A_34 = tpu.vector_load %arg13[%swap3A_33] {strides = array<i32>} : memref<128xf32, #tpu.memory_space<vmem>>, vector<16xf32>,
    tpu.vector_store %arg13[%swap3A_33], %broadcast_in_dim3A_32 {strides = array<i32>} : memref<128xf32, #tpu.memory_space<vmem>>, vector<16xf32>,
    %lt3A = arith.constant 15 : i32
    %lt3A_35 = arith.cmpi slt, %arg1, %lt3A : i32
    %convert_element_type3A = arith.extui %lt3A_35 : i1 to i32
    %cond3A = arith.constant 0 : i32
    %cond3A_36 = arith.cmpi ne, %convert_element_type3A, %cond3A : i32
    scf.if %cond3A_36 {
      %mul3A_81 = arith.constant 3128 : i32
      %mul3A_82 = arith.muli %arg1, %mul3A_81 : i32
      "tpu.region"() ({
        %run_scoped3A = tpu.sem_alloc : memref<!tpu.dma_semaphore, #tpu.memory_space<semaphore_mem>>
        %dma_start3A = arith.constant 0 : i32
        %dma_start3A_83 = tpu.memref_slice %arg14[%dma_start3A] : memref<3136xf32, #tpu.memory_space<vmem>> -> memref<3128xf32, #tpu.memory_space<vmem>>
        %dma_start3A_84 = tpu.memref_slice %arg15[%mul3A_82] : memref<50000xf32, #tpu.memory_space<vmem_shared>> -> memref<3128xf32, #tpu.memory_space<vmem_shared>>
        %dma_start3A_85 = tpu.memref_slice %arg15[%mul3A_82] : memref<50000xf32, #tpu.memory_space<vmem_shared>> -> memref<3128xf32, #tpu.memory_space<vmem_shared>>
        %dma_start3A_86 = arith.constant 0 : i32
        %dma_start3A_87 = tpu.memref_slice %arg14[%dma_start3A_86] : memref<3136xf32, #tpu.memory_space<vmem>> -> memref<3128xf32, #tpu.memory_space<vmem>>
        tpu.enqueue_dma source(%dma_start3A_87 : memref<3128xf32, #tpu.memory_space<vmem>>) target(%dma_start3A_85 : memref<3128xf32, #tpu.memory_space<vmem_shared>>) target_semaphore(%run_scoped3A : memref<!tpu.dma_semaphore, #tpu.memory_space<semaphore_mem>>)
        %dma_wait3A = arith.constant 0 : i32
        %dma_wait3A_88 = tpu.memref_slice %arg14[%dma_wait3A] : memref<3136xf32, #tpu.memory_space<vmem>> -> memref<3128xf32, #tpu.memory_space<vmem>>
        %dma_wait3A_89 = tpu.memref_slice %arg15[%mul3A_82] : memref<50000xf32, #tpu.memory_space<vmem_shared>> -> memref<3128xf32, #tpu.memory_space<vmem_shared>>
        %dma_wait3A_90 = tpu.memref_slice %arg15[%mul3A_82] : memref<50000xf32, #tpu.memory_space<vmem_shared>> -> memref<3128xf32, #tpu.memory_space<vmem_shared>>
        %dma_wait3A_91 = arith.constant 0 : i32
        %dma_wait3A_92 = tpu.memref_slice %arg14[%dma_wait3A_91] : memref<3136xf32, #tpu.memory_space<vmem>> -> memref<3128xf32, #tpu.memory_space<vmem>>
        tpu.wait_dma2 semaphore(%run_scoped3A : memref<!tpu.dma_semaphore, #tpu.memory_space<semaphore_mem>>) src(%dma_wait3A_92 : memref<3128xf32, #tpu.memory_space<vmem>>) dst(%dma_wait3A_90 : memref<3128xf32, #tpu.memory_space<vmem_shared>>)
        tpu.yield
      }) : () -> ()
    } else {
    }
    %eq3A = arith.constant 15 : i32
    %eq3A_37 = arith.cmpi eq, %arg1, %eq3A : i32
    %convert_element_type3A_38 = arith.extui %eq3A_37 : i1 to i32
    %cond3A_39 = arith.constant 0 : i32
    %cond3A_40 = arith.cmpi ne, %convert_element_type3A_38, %cond3A_39 : i32
    scf.if %cond3A_40 {
      "tpu.region"() ({
        %run_scoped3A = tpu.sem_alloc : memref<!tpu.dma_semaphore, #tpu.memory_space<semaphore_mem>>
        %dma_start3A = arith.constant 0 : i32
        %dma_start3A_81 = tpu.memref_slice %arg14[%dma_start3A] : memref<3136xf32, #tpu.memory_space<vmem>> -> memref<3080xf32, #tpu.memory_space<vmem>>
        %dma_start3A_82 = arith.constant 46920 : i32
        %dma_start3A_83 = tpu.memref_slice %arg15[%dma_start3A_82] : memref<50000xf32, #tpu.memory_space<vmem_shared>> -> memref<3080xf32, #tpu.memory_space<vmem_shared>>
        %dma_start3A_84 = arith.constant 46920 : i32
        %dma_start3A_85 = tpu.memref_slice %arg15[%dma_start3A_84] : memref<50000xf32, #tpu.memory_space<vmem_shared>> -> memref<3080xf32, #tpu.memory_space<vmem_shared>>
        %dma_start3A_86 = arith.constant 0 : i32
        %dma_start3A_87 = tpu.memref_slice %arg14[%dma_start3A_86] : memref<3136xf32, #tpu.memory_space<vmem>> -> memref<3080xf32, #tpu.memory_space<vmem>>
        tpu.enqueue_dma source(%dma_start3A_87 : memref<3080xf32, #tpu.memory_space<vmem>>) target(%dma_start3A_85 : memref<3080xf32, #tpu.memory_space<vmem_shared>>) target_semaphore(%run_scoped3A : memref<!tpu.dma_semaphore, #tpu.memory_space<semaphore_mem>>)
        %dma_wait3A = arith.constant 0 : i32
        %dma_wait3A_88 = tpu.memref_slice %arg14[%dma_wait3A] : memref<3136xf32, #tpu.memory_space<vmem>> -> memref<3080xf32, #tpu.memory_space<vmem>>
        %dma_wait3A_89 = arith.constant 46920 : i32
        %dma_wait3A_90 = tpu.memref_slice %arg15[%dma_wait3A_89] : memref<50000xf32, #tpu.memory_space<vmem_shared>> -> memref<3080xf32, #tpu.memory_space<vmem_shared>>
        %dma_wait3A_91 = arith.constant 46920 : i32
        %dma_wait3A_92 = tpu.memref_slice %arg15[%dma_wait3A_91] : memref<50000xf32, #tpu.memory_space<vmem_shared>> -> memref<3080xf32, #tpu.memory_space<vmem_shared>>
        %dma_wait3A_93 = arith.constant 0 : i32
        %dma_wait3A_94 = tpu.memref_slice %arg14[%dma_wait3A_93] : memref<3136xf32, #tpu.memory_space<vmem>> -> memref<3080xf32, #tpu.memory_space<vmem>>
        tpu.wait_dma2 semaphore(%run_scoped3A : memref<!tpu.dma_semaphore, #tpu.memory_space<semaphore_mem>>) src(%dma_wait3A_94 : memref<3080xf32, #tpu.memory_space<vmem>>) dst(%dma_wait3A_92 : memref<3080xf32, #tpu.memory_space<vmem_shared>>)
        tpu.yield
      }) : () -> ()
    } else {
    }
    %barrier3A = arith.constant 0 : index
    tpu.barrier barrier_id(%barrier3A)
    %mul3A_41 = arith.constant 195 : i32
    %mul3A_42 = arith.muli %add3A, %mul3A_41 : i32
    %min3A = arith.constant 10 : i32
    %min3A_43 = arith.minsi %add3A, %min3A : i32
    %add3A_44 = arith.addi %mul3A_42, %min3A_43 : i32
    %lt3A_45 = arith.constant 10 : i32
    %lt3A_46 = arith.cmpi slt, %add3A, %lt3A_45 : i32
    %jit3A = arith.constant 1 : i32
    %jit3A_47 = arith.constant 0 : i32
    %select_n3A = arith.select %lt3A_46, %jit3A, %jit3A_47 : i32
    %add3A_48 = arith.constant 195 : i32
    %add3A_49 = arith.addi %add3A_48, %select_n3A : i32
    "tpu.region"() ({
      %run_scoped3A = tpu.sem_alloc : memref<!tpu.dma_semaphore, #tpu.memory_space<semaphore_mem>>
      tpu.enqueue_dma source(%arg2 : memref<50000xf32, #tpu.memory_space<hbm>>) target(%arg11 : memref<50000xf32, #tpu.memory_space<vmem>>) target_semaphore(%run_scoped3A : memref<!tpu.dma_semaphore, #tpu.memory_space<semaphore_mem>>)
      tpu.wait_dma2 semaphore(%run_scoped3A : memref<!tpu.dma_semaphore, #tpu.memory_space<semaphore_mem>>) src(%arg2 : memref<50000xf32, #tpu.memory_space<hbm>>) dst(%arg11 : memref<50000xf32, #tpu.memory_space<vmem>>)
      tpu.yield
    }) : () -> ()
    %scan3A_50 = arith.constant 0 : i32
    %scan3A_51 = arith.constant 196 : i32
    %scan3A_52 = arith.addi %scan3A_50, %scan3A_51 : i32
    %scan3A_53 = arith.constant 1 : i32
    scf.for %scan3A_81 = %scan3A_50 to %scan3A_52 step %scan3A_53  : i32 {
      %lt3A_82 = arith.cmpi slt, %scan3A_81, %add3A_49 : i32
      %convert_element_type3A_83 = arith.extui %lt3A_82 : i1 to i32
      %cond3A_84 = arith.constant 0 : i32
      %cond3A_85 = arith.cmpi ne, %convert_element_type3A_83, %cond3A_84 : i32
      scf.if %cond3A_85 {
        %add3A_86 = arith.addi %add3A_44, %scan3A_81 : i32
        %mul3A_87 = arith.constant 128 : i32
        %mul3A_88 = arith.muli %add3A_86, %mul3A_87 : i32
        "tpu.region"() ({
          %run_scoped3A = tpu.sem_alloc : memref<!tpu.dma_semaphore, #tpu.memory_space<semaphore_mem>>
          %dma_start3A = tpu.memref_slice %arg5[%mul3A_88] : memref<800000xi32, #tpu.memory_space<hbm>> -> memref<128xi32, #tpu.memory_space<hbm>>
          %dma_start3A_96 = tpu.memref_slice %arg5[%mul3A_88] : memref<800000xi32, #tpu.memory_space<hbm>> -> memref<128xi32, #tpu.memory_space<hbm>>
          tpu.enqueue_dma source(%dma_start3A_96 : memref<128xi32, #tpu.memory_space<hbm>>) target(%arg9 : memref<128xi32, #tpu.memory_space<vmem>>) target_semaphore(%run_scoped3A : memref<!tpu.dma_semaphore, #tpu.memory_space<semaphore_mem>>)
          %dma_wait3A = tpu.memref_slice %arg5[%mul3A_88] : memref<800000xi32, #tpu.memory_space<hbm>> -> memref<128xi32, #tpu.memory_space<hbm>>
          %dma_wait3A_97 = tpu.memref_slice %arg5[%mul3A_88] : memref<800000xi32, #tpu.memory_space<hbm>> -> memref<128xi32, #tpu.memory_space<hbm>>
          tpu.wait_dma2 semaphore(%run_scoped3A : memref<!tpu.dma_semaphore, #tpu.memory_space<semaphore_mem>>) src(%dma_wait3A_97 : memref<128xi32, #tpu.memory_space<hbm>>) dst(%arg9 : memref<128xi32, #tpu.memory_space<vmem>>)
          tpu.yield
        }) : () -> ()
        %mul3A_89 = arith.constant 128 : i32
        %mul3A_90 = arith.muli %add3A_86, %mul3A_89 : i32
        "tpu.region"() ({
          %run_scoped3A = tpu.sem_alloc : memref<!tpu.dma_semaphore, #tpu.memory_space<semaphore_mem>>
          %dma_start3A = tpu.memref_slice %arg6[%mul3A_90] : memref<800000xi32, #tpu.memory_space<hbm>> -> memref<128xi32, #tpu.memory_space<hbm>>
          %dma_start3A_96 = tpu.memref_slice %arg6[%mul3A_90] : memref<800000xi32, #tpu.memory_space<hbm>> -> memref<128xi32, #tpu.memory_space<hbm>>
          tpu.enqueue_dma source(%dma_start3A_96 : memref<128xi32, #tpu.memory_space<hbm>>) target(%arg10 : memref<128xi32, #tpu.memory_space<vmem>>) target_semaphore(%run_scoped3A : memref<!tpu.dma_semaphore, #tpu.memory_space<semaphore_mem>>)
          %dma_wait3A = tpu.memref_slice %arg6[%mul3A_90] : memref<800000xi32, #tpu.memory_space<hbm>> -> memref<128xi32, #tpu.memory_space<hbm>>
          %dma_wait3A_97 = tpu.memref_slice %arg6[%mul3A_90] : memref<800000xi32, #tpu.memory_space<hbm>> -> memref<128xi32, #tpu.memory_space<hbm>>
          tpu.wait_dma2 semaphore(%run_scoped3A : memref<!tpu.dma_semaphore, #tpu.memory_space<semaphore_mem>>) src(%dma_wait3A_97 : memref<128xi32, #tpu.memory_space<hbm>>) dst(%arg10 : memref<128xi32, #tpu.memory_space<vmem>>)
          tpu.yield
        }) : () -> ()
        %scan3A_91 = arith.constant 0 : i32
        %scan3A_92 = arith.constant 8 : i32
        %scan3A_93 = arith.addi %scan3A_91, %scan3A_92 : i32
        %scan3A_94 = arith.constant 1 : i32
        scf.for %scan3A_96 = %scan3A_91 to %scan3A_93 step %scan3A_94  : i32 {
          %mul3A_97 = arith.constant 16 : i32
          %mul3A_98 = arith.muli %scan3A_96, %mul3A_97 : i32
          %get3A = arith.index_cast %mul3A_98 : i32 to index
          %get3A_99 = tpu.vector_load %arg10[%get3A] {strides = array<i32>} : memref<128xi32, #tpu.memory_space<vmem>>, vector<16xi32>,
          %gather3A = tpu.vector_load_idx %arg11[%get3A_99] : memref<50000xf32, #tpu.memory_space<vmem>>[vector<16xi32>], vector<16xf32>,
          %get3A_100 = arith.index_cast %mul3A_98 : i32 to index
          %get3A_101 = tpu.vector_load %arg9[%get3A_100] {strides = array<i32>} : memref<128xi32, #tpu.memory_space<vmem>>, vector<16xi32>,
          %gather3A_102 = tpu.vector_load_idx %arg11[%get3A_101] : memref<50000xf32, #tpu.memory_space<vmem>>[vector<16xi32>], vector<16xf32>,
          %sub3A = arith.subf %gather3A, %gather3A_102 : vector<16xf32>
          %mul3A_103 = arith.constant 128 : i32
          %mul3A_104 = arith.muli %scan3A_81, %mul3A_103 : i32
          %mul3A_105 = arith.constant 16 : i32
          %mul3A_106 = arith.muli %scan3A_96, %mul3A_105 : i32
          %add3A_107 = arith.addi %mul3A_104, %mul3A_106 : i32
          %mul3A_108 = arith.mulf %sub3A, %sub3A : vector<16xf32>
          %swap3A_109 = arith.index_cast %add3A_107 : i32 to index
          %swap3A_110 = tpu.vector_load %arg12[%swap3A_109] {strides = array<i32>} : memref<25088xf32, #tpu.memory_space<vmem>>, vector<16xf32>,
          tpu.vector_store %arg12[%swap3A_109], %mul3A_108 {strides = array<i32>} : memref<25088xf32, #tpu.memory_space<vmem>>, vector<16xf32>,
        }
        %scan3A_95 = arith.constant 8 : i32
        "tpu.region"() ({
          %run_scoped3A = tpu.sem_alloc : memref<!tpu.dma_semaphore, #tpu.memory_space<semaphore_mem>>
          %dma_start3A = arith.constant 0 : i32
          %dma_start3A_96 = tpu.memref_slice %arg15[%dma_start3A] : memref<50000xf32, #tpu.memory_space<vmem_shared>> -> memref<50000xf32, #tpu.memory_space<vmem_shared>>
          tpu.enqueue_indirect_dma source(%arg13 : memref<128xf32, #tpu.memory_space<vmem>>) target(%dma_start3A_96 : memref<50000xf32, #tpu.memory_space<vmem_shared>>) offsets(%arg9 : memref<128xi32, #tpu.memory_space<vmem>>) semaphore(%run_scoped3A : memref<!tpu.dma_semaphore, #tpu.memory_space<semaphore_mem>>) {add = true}
          %dma_wait3A = arith.constant 0 : i32
          %dma_wait3A_97 = tpu.memref_slice %arg15[%dma_wait3A] : memref<50000xf32, #tpu.memory_space<vmem_shared>> -> memref<50000xf32, #tpu.memory_space<vmem_shared>>
          tpu.wait_indirect_dma semaphore(%run_scoped3A : memref<!tpu.dma_semaphore, #tpu.memory_space<semaphore_mem>>) src(%arg13 : memref<128xf32, #tpu.memory_space<vmem>>) dst(%dma_wait3A_97 : memref<50000xf32, #tpu.memory_space<vmem_shared>>)
          tpu.yield
        }) : () -> ()
      } else {
      }
    }
    %scan3A_54 = arith.constant 196 : i32
    "tpu.region"() ({
      %run_scoped3A = tpu.sem_alloc : memref<!tpu.dma_semaphore, #tpu.memory_space<semaphore_mem>>
      tpu.enqueue_dma source(%arg3 : memref<50000xf32, #tpu.memory_space<hbm>>) target(%arg11 : memref<50000xf32, #tpu.memory_space<vmem>>) target_semaphore(%run_scoped3A : memref<!tpu.dma_semaphore, #tpu.memory_space<semaphore_mem>>)
      tpu.wait_dma2 semaphore(%run_scoped3A : memref<!tpu.dma_semaphore, #tpu.memory_space<semaphore_mem>>) src(%arg3 : memref<50000xf32, #tpu.memory_space<hbm>>) dst(%arg11 : memref<50000xf32, #tpu.memory_space<vmem>>)
      tpu.yield
    }) : () -> ()
    %scan3A_55 = arith.constant 0 : i32
    %scan3A_56 = arith.constant 196 : i32
    %scan3A_57 = arith.addi %scan3A_55, %scan3A_56 : i32
    %scan3A_58 = arith.constant 1 : i32
    scf.for %scan3A_81 = %scan3A_55 to %scan3A_57 step %scan3A_58  : i32 {
      %lt3A_82 = arith.cmpi slt, %scan3A_81, %add3A_49 : i32
      %convert_element_type3A_83 = arith.extui %lt3A_82 : i1 to i32
      %cond3A_84 = arith.constant 0 : i32
      %cond3A_85 = arith.cmpi ne, %convert_element_type3A_83, %cond3A_84 : i32
      scf.if %cond3A_85 {
        %add3A_86 = arith.addi %add3A_44, %scan3A_81 : i32
        %mul3A_87 = arith.constant 128 : i32
        %mul3A_88 = arith.muli %add3A_86, %mul3A_87 : i32
        "tpu.region"() ({
          %run_scoped3A = tpu.sem_alloc : memref<!tpu.dma_semaphore, #tpu.memory_space<semaphore_mem>>
          %dma_start3A = tpu.memref_slice %arg5[%mul3A_88] : memref<800000xi32, #tpu.memory_space<hbm>> -> memref<128xi32, #tpu.memory_space<hbm>>
          %dma_start3A_96 = tpu.memref_slice %arg5[%mul3A_88] : memref<800000xi32, #tpu.memory_space<hbm>> -> memref<128xi32, #tpu.memory_space<hbm>>
          tpu.enqueue_dma source(%dma_start3A_96 : memref<128xi32, #tpu.memory_space<hbm>>) target(%arg9 : memref<128xi32, #tpu.memory_space<vmem>>) target_semaphore(%run_scoped3A : memref<!tpu.dma_semaphore, #tpu.memory_space<semaphore_mem>>)
          %dma_wait3A = tpu.memref_slice %arg5[%mul3A_88] : memref<800000xi32, #tpu.memory_space<hbm>> -> memref<128xi32, #tpu.memory_space<hbm>>
          %dma_wait3A_97 = tpu.memref_slice %arg5[%mul3A_88] : memref<800000xi32, #tpu.memory_space<hbm>> -> memref<128xi32, #tpu.memory_space<hbm>>
          tpu.wait_dma2 semaphore(%run_scoped3A : memref<!tpu.dma_semaphore, #tpu.memory_space<semaphore_mem>>) src(%dma_wait3A_97 : memref<128xi32, #tpu.memory_space<hbm>>) dst(%arg9 : memref<128xi32, #tpu.memory_space<vmem>>)
          tpu.yield
        }) : () -> ()
        %mul3A_89 = arith.constant 128 : i32
        %mul3A_90 = arith.muli %add3A_86, %mul3A_89 : i32
        "tpu.region"() ({
          %run_scoped3A = tpu.sem_alloc : memref<!tpu.dma_semaphore, #tpu.memory_space<semaphore_mem>>
          %dma_start3A = tpu.memref_slice %arg6[%mul3A_90] : memref<800000xi32, #tpu.memory_space<hbm>> -> memref<128xi32, #tpu.memory_space<hbm>>
          %dma_start3A_96 = tpu.memref_slice %arg6[%mul3A_90] : memref<800000xi32, #tpu.memory_space<hbm>> -> memref<128xi32, #tpu.memory_space<hbm>>
          tpu.enqueue_dma source(%dma_start3A_96 : memref<128xi32, #tpu.memory_space<hbm>>) target(%arg10 : memref<128xi32, #tpu.memory_space<vmem>>) target_semaphore(%run_scoped3A : memref<!tpu.dma_semaphore, #tpu.memory_space<semaphore_mem>>)
          %dma_wait3A = tpu.memref_slice %arg6[%mul3A_90] : memref<800000xi32, #tpu.memory_space<hbm>> -> memref<128xi32, #tpu.memory_space<hbm>>
          %dma_wait3A_97 = tpu.memref_slice %arg6[%mul3A_90] : memref<800000xi32, #tpu.memory_space<hbm>> -> memref<128xi32, #tpu.memory_space<hbm>>
          tpu.wait_dma2 semaphore(%run_scoped3A : memref<!tpu.dma_semaphore, #tpu.memory_space<semaphore_mem>>) src(%dma_wait3A_97 : memref<128xi32, #tpu.memory_space<hbm>>) dst(%arg10 : memref<128xi32, #tpu.memory_space<vmem>>)
          tpu.yield
        }) : () -> ()
        %scan3A_91 = arith.constant 0 : i32
        %scan3A_92 = arith.constant 8 : i32
        %scan3A_93 = arith.addi %scan3A_91, %scan3A_92 : i32
        %scan3A_94 = arith.constant 1 : i32
        scf.for %scan3A_96 = %scan3A_91 to %scan3A_93 step %scan3A_94  : i32 {
          %mul3A_97 = arith.constant 16 : i32
          %mul3A_98 = arith.muli %scan3A_96, %mul3A_97 : i32
          %get3A = arith.index_cast %mul3A_98 : i32 to index
          %get3A_99 = tpu.vector_load %arg10[%get3A] {strides = array<i32>} : memref<128xi32, #tpu.memory_space<vmem>>, vector<16xi32>,
          %gather3A = tpu.vector_load_idx %arg11[%get3A_99] : memref<50000xf32, #tpu.memory_space<vmem>>[vector<16xi32>], vector<16xf32>,
          %get3A_100 = arith.index_cast %mul3A_98 : i32 to index
          %get3A_101 = tpu.vector_load %arg9[%get3A_100] {strides = array<i32>} : memref<128xi32, #tpu.memory_space<vmem>>, vector<16xi32>,
          %gather3A_102 = tpu.vector_load_idx %arg11[%get3A_101] : memref<50000xf32, #tpu.memory_space<vmem>>[vector<16xi32>], vector<16xf32>,
          %sub3A = arith.subf %gather3A, %gather3A_102 : vector<16xf32>
          %mul3A_103 = arith.constant 128 : i32
          %mul3A_104 = arith.muli %scan3A_81, %mul3A_103 : i32
          %mul3A_105 = arith.constant 16 : i32
          %mul3A_106 = arith.muli %scan3A_96, %mul3A_105 : i32
          %add3A_107 = arith.addi %mul3A_104, %mul3A_106 : i32
          %get3A_108 = arith.index_cast %add3A_107 : i32 to index
          %get3A_109 = tpu.vector_load %arg12[%get3A_108] {strides = array<i32>} : memref<25088xf32, #tpu.memory_space<vmem>>, vector<16xf32>,
          %mul3A_110 = arith.mulf %sub3A, %sub3A : vector<16xf32>
          %add3A_111 = arith.addf %get3A_109, %mul3A_110 : vector<16xf32>
          %swap3A_112 = arith.index_cast %add3A_107 : i32 to index
          %swap3A_113 = tpu.vector_load %arg12[%swap3A_112] {strides = array<i32>} : memref<25088xf32, #tpu.memory_space<vmem>>, vector<16xf32>,
          tpu.vector_store %arg12[%swap3A_112], %add3A_111 {strides = array<i32>} : memref<25088xf32, #tpu.memory_space<vmem>>, vector<16xf32>,
        }
        %scan3A_95 = arith.constant 8 : i32
      } else {
      }
    }
    %scan3A_59 = arith.constant 196 : i32
    "tpu.region"() ({
      %run_scoped3A = tpu.sem_alloc : memref<!tpu.dma_semaphore, #tpu.memory_space<semaphore_mem>>
      tpu.enqueue_dma source(%arg4 : memref<50000xf32, #tpu.memory_space<hbm>>) target(%arg11 : memref<50000xf32, #tpu.memory_space<vmem>>) target_semaphore(%run_scoped3A : memref<!tpu.dma_semaphore, #tpu.memory_space<semaphore_mem>>)
      tpu.wait_dma2 semaphore(%run_scoped3A : memref<!tpu.dma_semaphore, #tpu.memory_space<semaphore_mem>>) src(%arg4 : memref<50000xf32, #tpu.memory_space<hbm>>) dst(%arg11 : memref<50000xf32, #tpu.memory_space<vmem>>)
      tpu.yield
    }) : () -> ()
    %scan3A_60 = arith.constant 0 : i32
    %scan3A_61 = arith.constant 196 : i32
    %scan3A_62 = arith.addi %scan3A_60, %scan3A_61 : i32
    %scan3A_63 = arith.constant 1 : i32
    scf.for %scan3A_81 = %scan3A_60 to %scan3A_62 step %scan3A_63  : i32 {
      %lt3A_82 = arith.cmpi slt, %scan3A_81, %add3A_49 : i32
      %convert_element_type3A_83 = arith.extui %lt3A_82 : i1 to i32
      %cond3A_84 = arith.constant 0 : i32
      %cond3A_85 = arith.cmpi ne, %convert_element_type3A_83, %cond3A_84 : i32
      scf.if %cond3A_85 {
        %add3A_86 = arith.addi %add3A_44, %scan3A_81 : i32
        %mul3A_87 = arith.constant 128 : i32
        %mul3A_88 = arith.muli %add3A_86, %mul3A_87 : i32
        "tpu.region"() ({
          %run_scoped3A = tpu.sem_alloc : memref<!tpu.dma_semaphore, #tpu.memory_space<semaphore_mem>>
          %dma_start3A = tpu.memref_slice %arg5[%mul3A_88] : memref<800000xi32, #tpu.memory_space<hbm>> -> memref<128xi32, #tpu.memory_space<hbm>>
          %dma_start3A_96 = tpu.memref_slice %arg5[%mul3A_88] : memref<800000xi32, #tpu.memory_space<hbm>> -> memref<128xi32, #tpu.memory_space<hbm>>
          tpu.enqueue_dma source(%dma_start3A_96 : memref<128xi32, #tpu.memory_space<hbm>>) target(%arg9 : memref<128xi32, #tpu.memory_space<vmem>>) target_semaphore(%run_scoped3A : memref<!tpu.dma_semaphore, #tpu.memory_space<semaphore_mem>>)
          %dma_wait3A = tpu.memref_slice %arg5[%mul3A_88] : memref<800000xi32, #tpu.memory_space<hbm>> -> memref<128xi32, #tpu.memory_space<hbm>>
          %dma_wait3A_97 = tpu.memref_slice %arg5[%mul3A_88] : memref<800000xi32, #tpu.memory_space<hbm>> -> memref<128xi32, #tpu.memory_space<hbm>>
          tpu.wait_dma2 semaphore(%run_scoped3A : memref<!tpu.dma_semaphore, #tpu.memory_space<semaphore_mem>>) src(%dma_wait3A_97 : memref<128xi32, #tpu.memory_space<hbm>>) dst(%arg9 : memref<128xi32, #tpu.memory_space<vmem>>)
          tpu.yield
        }) : () -> ()
        %mul3A_89 = arith.constant 128 : i32
        %mul3A_90 = arith.muli %add3A_86, %mul3A_89 : i32
        "tpu.region"() ({
          %run_scoped3A = tpu.sem_alloc : memref<!tpu.dma_semaphore, #tpu.memory_space<semaphore_mem>>
          %dma_start3A = tpu.memref_slice %arg6[%mul3A_90] : memref<800000xi32, #tpu.memory_space<hbm>> -> memref<128xi32, #tpu.memory_space<hbm>>
          %dma_start3A_96 = tpu.memref_slice %arg6[%mul3A_90] : memref<800000xi32, #tpu.memory_space<hbm>> -> memref<128xi32, #tpu.memory_space<hbm>>
          tpu.enqueue_dma source(%dma_start3A_96 : memref<128xi32, #tpu.memory_space<hbm>>) target(%arg10 : memref<128xi32, #tpu.memory_space<vmem>>) target_semaphore(%run_scoped3A : memref<!tpu.dma_semaphore, #tpu.memory_space<semaphore_mem>>)
          %dma_wait3A = tpu.memref_slice %arg6[%mul3A_90] : memref<800000xi32, #tpu.memory_space<hbm>> -> memref<128xi32, #tpu.memory_space<hbm>>
          %dma_wait3A_97 = tpu.memref_slice %arg6[%mul3A_90] : memref<800000xi32, #tpu.memory_space<hbm>> -> memref<128xi32, #tpu.memory_space<hbm>>
          tpu.wait_dma2 semaphore(%run_scoped3A : memref<!tpu.dma_semaphore, #tpu.memory_space<semaphore_mem>>) src(%dma_wait3A_97 : memref<128xi32, #tpu.memory_space<hbm>>) dst(%arg10 : memref<128xi32, #tpu.memory_space<vmem>>)
          tpu.yield
        }) : () -> ()
        %scan3A_91 = arith.constant 0 : i32
        %scan3A_92 = arith.constant 8 : i32
        %scan3A_93 = arith.addi %scan3A_91, %scan3A_92 : i32
        %scan3A_94 = arith.constant 1 : i32
        scf.for %scan3A_96 = %scan3A_91 to %scan3A_93 step %scan3A_94  : i32 {
          %mul3A_97 = arith.constant 16 : i32
          %mul3A_98 = arith.muli %scan3A_96, %mul3A_97 : i32
          %get3A = arith.index_cast %mul3A_98 : i32 to index
          %get3A_99 = tpu.vector_load %arg10[%get3A] {strides = array<i32>} : memref<128xi32, #tpu.memory_space<vmem>>, vector<16xi32>,
          %gather3A = tpu.vector_load_idx %arg11[%get3A_99] : memref<50000xf32, #tpu.memory_space<vmem>>[vector<16xi32>], vector<16xf32>,
          %get3A_100 = arith.index_cast %mul3A_98 : i32 to index
          %get3A_101 = tpu.vector_load %arg9[%get3A_100] {strides = array<i32>} : memref<128xi32, #tpu.memory_space<vmem>>, vector<16xi32>,
          %gather3A_102 = tpu.vector_load_idx %arg11[%get3A_101] : memref<50000xf32, #tpu.memory_space<vmem>>[vector<16xi32>], vector<16xf32>,
          %sub3A = arith.subf %gather3A, %gather3A_102 : vector<16xf32>
          %mul3A_103 = arith.constant 128 : i32
          %mul3A_104 = arith.muli %scan3A_81, %mul3A_103 : i32
          %mul3A_105 = arith.constant 16 : i32
          %mul3A_106 = arith.muli %scan3A_96, %mul3A_105 : i32
          %add3A_107 = arith.addi %mul3A_104, %mul3A_106 : i32
          %get3A_108 = arith.index_cast %add3A_107 : i32 to index
          %get3A_109 = tpu.vector_load %arg12[%get3A_108] {strides = array<i32>} : memref<25088xf32, #tpu.memory_space<vmem>>, vector<16xf32>,
          %mul3A_110 = arith.mulf %sub3A, %sub3A : vector<16xf32>
          %add3A_111 = arith.addf %get3A_109, %mul3A_110 : vector<16xf32>
          %swap3A_112 = arith.index_cast %add3A_107 : i32 to index
          %swap3A_113 = tpu.vector_load %arg12[%swap3A_112] {strides = array<i32>} : memref<25088xf32, #tpu.memory_space<vmem>>, vector<16xf32>,
          tpu.vector_store %arg12[%swap3A_112], %add3A_111 {strides = array<i32>} : memref<25088xf32, #tpu.memory_space<vmem>>, vector<16xf32>,
        }
        %scan3A_95 = arith.constant 8 : i32
      } else {
      }
    }
    %scan3A_64 = arith.constant 196 : i32
    %scan3A_65 = arith.constant 0 : i32
    %scan3A_66 = arith.constant 196 : i32
    %scan3A_67 = arith.addi %scan3A_65, %scan3A_66 : i32
    %scan3A_68 = arith.constant 1 : i32
    scf.for %scan3A_81 = %scan3A_65 to %scan3A_67 step %scan3A_68  : i32 {
      %lt3A_82 = arith.cmpi slt, %scan3A_81, %add3A_49 : i32
      %convert_element_type3A_83 = arith.extui %lt3A_82 : i1 to i32
      %cond3A_84 = arith.constant 0 : i32
      %cond3A_85 = arith.cmpi ne, %convert_element_type3A_83, %cond3A_84 : i32
      scf.if %cond3A_85 {
        %mul3A_86 = arith.constant 128 : i32
        %mul3A_87 = arith.muli %scan3A_81, %mul3A_86 : i32
        %add3A_88 = arith.addi %add3A_44, %scan3A_81 : i32
        %mul3A_89 = arith.constant 128 : i32
        %mul3A_90 = arith.muli %add3A_88, %mul3A_89 : i32
        "tpu.region"() ({
          %run_scoped3A = tpu.sem_alloc : memref<!tpu.dma_semaphore, #tpu.memory_space<semaphore_mem>>
          %dma_start3A = tpu.memref_slice %arg12[%mul3A_87] : memref<25088xf32, #tpu.memory_space<vmem>> -> memref<128xf32, #tpu.memory_space<vmem>>
          %dma_start3A_91 = tpu.memref_slice %arg7[%mul3A_90] : memref<800000xf32, #tpu.memory_space<hbm>> -> memref<128xf32, #tpu.memory_space<hbm>>
          %dma_start3A_92 = tpu.memref_slice %arg7[%mul3A_90] : memref<800000xf32, #tpu.memory_space<hbm>> -> memref<128xf32, #tpu.memory_space<hbm>>
          %dma_start3A_93 = tpu.memref_slice %arg12[%mul3A_87] : memref<25088xf32, #tpu.memory_space<vmem>> -> memref<128xf32, #tpu.memory_space<vmem>>
          tpu.enqueue_dma source(%dma_start3A_93 : memref<128xf32, #tpu.memory_space<vmem>>) target(%dma_start3A_92 : memref<128xf32, #tpu.memory_space<hbm>>) target_semaphore(%run_scoped3A : memref<!tpu.dma_semaphore, #tpu.memory_space<semaphore_mem>>)
          %dma_wait3A = tpu.memref_slice %arg12[%mul3A_87] : memref<25088xf32, #tpu.memory_space<vmem>> -> memref<128xf32, #tpu.memory_space<vmem>>
          %dma_wait3A_94 = tpu.memref_slice %arg7[%mul3A_90] : memref<800000xf32, #tpu.memory_space<hbm>> -> memref<128xf32, #tpu.memory_space<hbm>>
          %dma_wait3A_95 = tpu.memref_slice %arg7[%mul3A_90] : memref<800000xf32, #tpu.memory_space<hbm>> -> memref<128xf32, #tpu.memory_space<hbm>>
          %dma_wait3A_96 = tpu.memref_slice %arg12[%mul3A_87] : memref<25088xf32, #tpu.memory_space<vmem>> -> memref<128xf32, #tpu.memory_space<vmem>>
          tpu.wait_dma2 semaphore(%run_scoped3A : memref<!tpu.dma_semaphore, #tpu.memory_space<semaphore_mem>>) src(%dma_wait3A_96 : memref<128xf32, #tpu.memory_space<vmem>>) dst(%dma_wait3A_95 : memref<128xf32, #tpu.memory_space<hbm>>)
          tpu.yield
        }) : () -> ()
      } else {
      }
    }
    %scan3A_69 = arith.constant 196 : i32
    %barrier3A_70 = arith.constant 0 : index
    tpu.barrier barrier_id(%barrier3A_70)
    %lt3A_71 = arith.constant 15 : i32
    %lt3A_72 = arith.cmpi slt, %arg1, %lt3A_71 : i32
    %convert_element_type3A_73 = arith.extui %lt3A_72 : i1 to i32
    %cond3A_74 = arith.constant 0 : i32
    %cond3A_75 = arith.cmpi ne, %convert_element_type3A_73, %cond3A_74 : i32
    scf.if %cond3A_75 {
      %mul3A_81 = arith.constant 3128 : i32
      %mul3A_82 = arith.muli %arg1, %mul3A_81 : i32
      %mul3A_83 = arith.constant 50000 : i32
      %mul3A_84 = arith.muli %arg0, %mul3A_83 : i32
      %add3A_85 = arith.addi %mul3A_84, %mul3A_82 : i32
      %scan3A_86 = arith.constant 0 : i32
      %scan3A_87 = arith.constant 0 : i32
      %scan3A_88 = arith.addi %scan3A_86, %scan3A_87 : i32
      %scan3A_89 = arith.constant 0 : i32
      %add3A_90 = arith.constant 0 : i32
      %add3A_91 = arith.addi %mul3A_82, %add3A_90 : i32
      "tpu.region"() ({
        %run_scoped3A = tpu.sem_alloc : memref<!tpu.dma_semaphore, #tpu.memory_space<semaphore_mem>>
        %dma_start3A = arith.constant 0 : i32
        %dma_start3A_94 = tpu.memref_slice %arg12[%dma_start3A] : memref<25088xf32, #tpu.memory_space<vmem>> -> memref<3128xf32, #tpu.memory_space<vmem>>
        %dma_start3A_95 = tpu.memref_slice %arg15[%add3A_91] : memref<50000xf32, #tpu.memory_space<vmem_shared>> -> memref<3128xf32, #tpu.memory_space<vmem_shared>>
        %dma_start3A_96 = arith.constant 0 : i32
        %dma_start3A_97 = tpu.memref_slice %arg12[%dma_start3A_96] : memref<25088xf32, #tpu.memory_space<vmem>> -> memref<3128xf32, #tpu.memory_space<vmem>>
        %dma_start3A_98 = tpu.memref_slice %arg15[%add3A_91] : memref<50000xf32, #tpu.memory_space<vmem_shared>> -> memref<3128xf32, #tpu.memory_space<vmem_shared>>
        tpu.enqueue_dma source(%dma_start3A_98 : memref<3128xf32, #tpu.memory_space<vmem_shared>>) target(%dma_start3A_97 : memref<3128xf32, #tpu.memory_space<vmem>>) target_semaphore(%run_scoped3A : memref<!tpu.dma_semaphore, #tpu.memory_space<semaphore_mem>>)
        %dma_wait3A = arith.constant 0 : i32
        %dma_wait3A_99 = tpu.memref_slice %arg12[%dma_wait3A] : memref<25088xf32, #tpu.memory_space<vmem>> -> memref<3128xf32, #tpu.memory_space<vmem>>
        %dma_wait3A_100 = tpu.memref_slice %arg15[%add3A_91] : memref<50000xf32, #tpu.memory_space<vmem_shared>> -> memref<3128xf32, #tpu.memory_space<vmem_shared>>
        %dma_wait3A_101 = arith.constant 0 : i32
        %dma_wait3A_102 = tpu.memref_slice %arg12[%dma_wait3A_101] : memref<25088xf32, #tpu.memory_space<vmem>> -> memref<3128xf32, #tpu.memory_space<vmem>>
        %dma_wait3A_103 = tpu.memref_slice %arg15[%add3A_91] : memref<50000xf32, #tpu.memory_space<vmem_shared>> -> memref<3128xf32, #tpu.memory_space<vmem_shared>>
        tpu.wait_dma2 semaphore(%run_scoped3A : memref<!tpu.dma_semaphore, #tpu.memory_space<semaphore_mem>>) src(%dma_wait3A_103 : memref<3128xf32, #tpu.memory_space<vmem_shared>>) dst(%dma_wait3A_102 : memref<3128xf32, #tpu.memory_space<vmem>>)
        tpu.yield
      }) : () -> ()
      %add3A_92 = arith.constant 0 : i32
      %add3A_93 = arith.addi %add3A_85, %add3A_92 : i32
      "tpu.region"() ({
        %run_scoped3A = tpu.sem_alloc : memref<!tpu.dma_semaphore, #tpu.memory_space<semaphore_mem>>
        %dma_start3A = arith.constant 0 : i32
        %dma_start3A_94 = tpu.memref_slice %arg12[%dma_start3A] : memref<25088xf32, #tpu.memory_space<vmem>> -> memref<3128xf32, #tpu.memory_space<vmem>>
        %dma_start3A_95 = tpu.memref_slice %arg8[%add3A_93] : memref<100000xf32, #tpu.memory_space<hbm>> -> memref<3128xf32, #tpu.memory_space<hbm>>
        %dma_start3A_96 = tpu.memref_slice %arg8[%add3A_93] : memref<100000xf32, #tpu.memory_space<hbm>> -> memref<3128xf32, #tpu.memory_space<hbm>>
        %dma_start3A_97 = arith.constant 0 : i32
        %dma_start3A_98 = tpu.memref_slice %arg12[%dma_start3A_97] : memref<25088xf32, #tpu.memory_space<vmem>> -> memref<3128xf32, #tpu.memory_space<vmem>>
        tpu.enqueue_dma source(%dma_start3A_98 : memref<3128xf32, #tpu.memory_space<vmem>>) target(%dma_start3A_96 : memref<3128xf32, #tpu.memory_space<hbm>>) target_semaphore(%run_scoped3A : memref<!tpu.dma_semaphore, #tpu.memory_space<semaphore_mem>>)
        %dma_wait3A = arith.constant 0 : i32
        %dma_wait3A_99 = tpu.memref_slice %arg12[%dma_wait3A] : memref<25088xf32, #tpu.memory_space<vmem>> -> memref<3128xf32, #tpu.memory_space<vmem>>
        %dma_wait3A_100 = tpu.memref_slice %arg8[%add3A_93] : memref<100000xf32, #tpu.memory_space<hbm>> -> memref<3128xf32, #tpu.memory_space<hbm>>
        %dma_wait3A_101 = tpu.memref_slice %arg8[%add3A_93] : memref<100000xf32, #tpu.memory_space<hbm>> -> memref<3128xf32, #tpu.memory_space<hbm>>
        %dma_wait3A_102 = arith.constant 0 : i32
        %dma_wait3A_103 = tpu.memref_slice %arg12[%dma_wait3A_102] : memref<25088xf32, #tpu.memory_space<vmem>> -> memref<3128xf32, #tpu.memory_space<vmem>>
        tpu.wait_dma2 semaphore(%run_scoped3A : memref<!tpu.dma_semaphore, #tpu.memory_space<semaphore_mem>>) src(%dma_wait3A_103 : memref<3128xf32, #tpu.memory_space<vmem>>) dst(%dma_wait3A_101 : memref<3128xf32, #tpu.memory_space<hbm>>)
        tpu.yield
      }) : () -> ()
    } else {
    }
    %eq3A_76 = arith.constant 15 : i32
    %eq3A_77 = arith.cmpi eq, %arg1, %eq3A_76 : i32
    %convert_element_type3A_78 = arith.extui %eq3A_77 : i1 to i32
    %cond3A_79 = arith.constant 0 : i32
    %cond3A_80 = arith.cmpi ne, %convert_element_type3A_78, %cond3A_79 : i32
    scf.if %cond3A_80 {
      %mul3A_81 = arith.constant 50000 : i32
      %mul3A_82 = arith.muli %arg0, %mul3A_81 : i32
      %add3A_83 = arith.constant 46920 : i32
      %add3A_84 = arith.addi %mul3A_82, %add3A_83 : i32
      %scan3A_85 = arith.constant 0 : i32
      %scan3A_86 = arith.constant 0 : i32
      %scan3A_87 = arith.addi %scan3A_85, %scan3A_86 : i32
      %scan3A_88 = arith.constant 0 : i32
      "tpu.region"() ({
        %run_scoped3A = tpu.sem_alloc : memref<!tpu.dma_semaphore, #tpu.memory_space<semaphore_mem>>
        %dma_start3A = arith.constant 0 : i32
        %dma_start3A_91 = tpu.memref_slice %arg12[%dma_start3A] : memref<25088xf32, #tpu.memory_space<vmem>> -> memref<3080xf32, #tpu.memory_space<vmem>>
        %dma_start3A_92 = arith.constant 46920 : i32
        %dma_start3A_93 = tpu.memref_slice %arg15[%dma_start3A_92] : memref<50000xf32, #tpu.memory_space<vmem_shared>> -> memref<3080xf32, #tpu.memory_space<vmem_shared>>
        %dma_start3A_94 = arith.constant 0 : i32
        %dma_start3A_95 = tpu.memref_slice %arg12[%dma_start3A_94] : memref<25088xf32, #tpu.memory_space<vmem>> -> memref<3080xf32, #tpu.memory_space<vmem>>
        %dma_start3A_96 = arith.constant 46920 : i32
        %dma_start3A_97 = tpu.memref_slice %arg15[%dma_start3A_96] : memref<50000xf32, #tpu.memory_space<vmem_shared>> -> memref<3080xf32, #tpu.memory_space<vmem_shared>>
        tpu.enqueue_dma source(%dma_start3A_97 : memref<3080xf32, #tpu.memory_space<vmem_shared>>) target(%dma_start3A_95 : memref<3080xf32, #tpu.memory_space<vmem>>) target_semaphore(%run_scoped3A : memref<!tpu.dma_semaphore, #tpu.memory_space<semaphore_mem>>)
        %dma_wait3A = arith.constant 0 : i32
        %dma_wait3A_98 = tpu.memref_slice %arg12[%dma_wait3A] : memref<25088xf32, #tpu.memory_space<vmem>> -> memref<3080xf32, #tpu.memory_space<vmem>>
        %dma_wait3A_99 = arith.constant 46920 : i32
        %dma_wait3A_100 = tpu.memref_slice %arg15[%dma_wait3A_99] : memref<50000xf32, #tpu.memory_space<vmem_shared>> -> memref<3080xf32, #tpu.memory_space<vmem_shared>>
        %dma_wait3A_101 = arith.constant 0 : i32
        %dma_wait3A_102 = tpu.memref_slice %arg12[%dma_wait3A_101] : memref<25088xf32, #tpu.memory_space<vmem>> -> memref<3080xf32, #tpu.memory_space<vmem>>
        %dma_wait3A_103 = arith.constant 46920 : i32
        %dma_wait3A_104 = tpu.memref_slice %arg15[%dma_wait3A_103] : memref<50000xf32, #tpu.memory_space<vmem_shared>> -> memref<3080xf32, #tpu.memory_space<vmem_shared>>
        tpu.wait_dma2 semaphore(%run_scoped3A : memref<!tpu.dma_semaphore, #tpu.memory_space<semaphore_mem>>) src(%dma_wait3A_104 : memref<3080xf32, #tpu.memory_space<vmem_shared>>) dst(%dma_wait3A_102 : memref<3080xf32, #tpu.memory_space<vmem>>)
        tpu.yield
      }) : () -> ()
      %add3A_89 = arith.constant 0 : i32
      %add3A_90 = arith.addi %add3A_84, %add3A_89 : i32
      "tpu.region"() ({
        %run_scoped3A = tpu.sem_alloc : memref<!tpu.dma_semaphore, #tpu.memory_space<semaphore_mem>>
        %dma_start3A = arith.constant 0 : i32
        %dma_start3A_91 = tpu.memref_slice %arg12[%dma_start3A] : memref<25088xf32, #tpu.memory_space<vmem>> -> memref<3080xf32, #tpu.memory_space<vmem>>
        %dma_start3A_92 = tpu.memref_slice %arg8[%add3A_90] : memref<100000xf32, #tpu.memory_space<hbm>> -> memref<3080xf32, #tpu.memory_space<hbm>>
        %dma_start3A_93 = tpu.memref_slice %arg8[%add3A_90] : memref<100000xf32, #tpu.memory_space<hbm>> -> memref<3080xf32, #tpu.memory_space<hbm>>
        %dma_start3A_94 = arith.constant 0 : i32
        %dma_start3A_95 = tpu.memref_slice %arg12[%dma_start3A_94] : memref<25088xf32, #tpu.memory_space<vmem>> -> memref<3080xf32, #tpu.memory_space<vmem>>
        tpu.enqueue_dma source(%dma_start3A_95 : memref<3080xf32, #tpu.memory_space<vmem>>) target(%dma_start3A_93 : memref<3080xf32, #tpu.memory_space<hbm>>) target_semaphore(%run_scoped3A : memref<!tpu.dma_semaphore, #tpu.memory_space<semaphore_mem>>)
        %dma_wait3A = arith.constant 0 : i32
        %dma_wait3A_96 = tpu.memref_slice %arg12[%dma_wait3A] : memref<25088xf32, #tpu.memory_space<vmem>> -> memref<3080xf32, #tpu.memory_space<vmem>>
        %dma_wait3A_97 = tpu.memref_slice %arg8[%add3A_90] : memref<100000xf32, #tpu.memory_space<hbm>> -> memref<3080xf32, #tpu.memory_space<hbm>>
        %dma_wait3A_98 = tpu.memref_slice %arg8[%add3A_90] : memref<100000xf32, #tpu.memory_space<hbm>> -> memref<3080xf32, #tpu.memory_space<hbm>>
        %dma_wait3A_99 = arith.constant 0 : i32
        %dma_wait3A_100 = tpu.memref_slice %arg12[%dma_wait3A_99] : memref<25088xf32, #tpu.memory_space<vmem>> -> memref<3080xf32, #tpu.memory_space<vmem>>
        tpu.wait_dma2 semaphore(%run_scoped3A : memref<!tpu.dma_semaphore, #tpu.memory_space<semaphore_mem>>) src(%dma_wait3A_100 : memref<3080xf32, #tpu.memory_space<vmem>>) dst(%dma_wait3A_98 : memref<3080xf32, #tpu.memory_space<hbm>>)
        tpu.yield
      }) : () -> ()
    } else {
    }
    return
  }
}

#map = affine_map<(d0, d1) -> (0, 0)>
#map1 = affine_map<(d0, d1) -> (0)>
module attributes {stable_mosaic.version = 14 : i64} {
  func.func @_sc_edge_body(%arg0: i32, %arg1: i32, %arg2: memref<100000x32xf32, #tpu.memory_space<hbm>>, %arg3: memref<100000x32xf32, #tpu.memory_space<hbm>>, %arg4: memref<64xf32, #tpu.memory_space<hbm>>, %arg5: memref<800000xi32, #tpu.memory_space<hbm>>, %arg6: memref<800000xi32, #tpu.memory_space<hbm>>, %arg7: memref<800000xf32, #tpu.memory_space<hbm>>, %arg8: memref<100000x32xf32, #tpu.memory_space<hbm>>, %arg9: memref<128xi32, #tpu.memory_space<vmem>>, %arg10: memref<128xi32, #tpu.memory_space<vmem>>, %arg11: memref<128xi32, #tpu.memory_space<vmem>>, %arg12: memref<128xi32, #tpu.memory_space<vmem>>, %arg13: memref<144xf32, #tpu.memory_space<vmem>>, %arg14: memref<128x32xf32, #tpu.memory_space<vmem>>, %arg15: memref<128x32xf32, #tpu.memory_space<vmem>>, %arg16: memref<128xi32, #tpu.memory_space<vmem>>, %arg17: memref<128xi32, #tpu.memory_space<vmem>>, %arg18: memref<128xi32, #tpu.memory_space<vmem>>, %arg19: memref<128xi32, #tpu.memory_space<vmem>>, %arg20: memref<144xf32, #tpu.memory_space<vmem>>, %arg21: memref<128x32xf32, #tpu.memory_space<vmem>>, %arg22: memref<128x32xf32, #tpu.memory_space<vmem>>, %arg23: memref<32xf32, #tpu.memory_space<vmem>>, %arg24: memref<64x32xf32, #tpu.memory_space<vmem>>, %arg25: memref<120x32xf32, #tpu.memory_space<vmem>>, %arg26: memref<50000x32xf32, #tpu.memory_space<vmem_shared>>, %arg27: memref<!tpu.dma_semaphore, #tpu.memory_space<semaphore_mem>>, %arg28: memref<!tpu.dma_semaphore, #tpu.memory_space<semaphore_mem>>, %arg29: memref<!tpu.dma_semaphore, #tpu.memory_space<semaphore_mem>>, %arg30: memref<!tpu.dma_semaphore, #tpu.memory_space<semaphore_mem>>, %arg31: memref<!tpu.dma_semaphore, #tpu.memory_space<semaphore_mem>>, %arg32: memref<!tpu.dma_semaphore, #tpu.memory_space<semaphore_mem>>) attributes {dimension_semantics = [#tpu.dimension_semantics<core_parallel>, #tpu.dimension_semantics<subcore_parallel>], iteration_bounds = array<i64: 2, 16>, scalar_prefetch = 0 : i64, scratch_operands = 24 : i64, tpu.core_type = #tpu.core_type<sc_vector_subcore>, window_params = [{transform_indices = #map}, {transform_indices = #map}, {transform_indices = #map1}, {transform_indices = #map1}, {transform_indices = #map1}, {transform_indices = #map1}, {transform_indices = #map}]} {
    %mul3A = arith.constant 50000 : i32
    %mul3A_0 = arith.muli %arg0, %mul3A : i32
    %scan3A = arith.constant 0 : i32
    %scan3A_1 = arith.constant 64 : i32
    %scan3A_2 = arith.addi %scan3A, %scan3A_1 : i32
    %scan3A_3 = arith.constant 1 : i32
    scf.for %scan3A_92 = %scan3A to %scan3A_2 step %scan3A_3  : i32 {
      %broadcast_in_dim3A = arith.constant 0.000000e+00 : f32
      %broadcast_in_dim3A_93 = vector.broadcast %broadcast_in_dim3A : f32 to vector<16xf32>
      %swap3A = arith.index_cast %scan3A_92 : i32 to index
      %swap3A_94 = arith.constant 0 : index
      %swap3A_95 = tpu.vector_load %arg24[%swap3A, %swap3A_94] {strides = array<i32>} : memref<64x32xf32, #tpu.memory_space<vmem>>, vector<16xf32>,
      tpu.vector_store %arg24[%swap3A, %swap3A_94], %broadcast_in_dim3A_93 {strides = array<i32>} : memref<64x32xf32, #tpu.memory_space<vmem>>, vector<16xf32>,
      %broadcast_in_dim3A_96 = arith.constant 0.000000e+00 : f32
      %broadcast_in_dim3A_97 = vector.broadcast %broadcast_in_dim3A_96 : f32 to vector<16xf32>
      %swap3A_98 = arith.index_cast %scan3A_92 : i32 to index
      %swap3A_99 = arith.constant 16 : index
      %swap3A_100 = tpu.vector_load %arg24[%swap3A_98, %swap3A_99] {strides = array<i32>} : memref<64x32xf32, #tpu.memory_space<vmem>>, vector<16xf32>,
      tpu.vector_store %arg24[%swap3A_98, %swap3A_99], %broadcast_in_dim3A_97 {strides = array<i32>} : memref<64x32xf32, #tpu.memory_space<vmem>>, vector<16xf32>,
    }
    %scan3A_4 = arith.constant 64 : i32
    %lt3A = arith.constant 15 : i32
    %lt3A_5 = arith.cmpi slt, %arg1, %lt3A : i32
    %convert_element_type3A = arith.extui %lt3A_5 : i1 to i32
    %cond3A = arith.constant 0 : i32
    %cond3A_6 = arith.cmpi ne, %convert_element_type3A, %cond3A : i32
    scf.if %cond3A_6 {
      %mul3A_92 = arith.constant 3128 : i32
      %mul3A_93 = arith.muli %arg1, %mul3A_92 : i32
      %scan3A_94 = arith.constant 0 : i32
      %scan3A_95 = arith.constant 48 : i32
      %scan3A_96 = arith.addi %scan3A_94, %scan3A_95 : i32
      %scan3A_97 = arith.constant 1 : i32
      scf.for %scan3A_101 = %scan3A_94 to %scan3A_96 step %scan3A_97  : i32 {
        %mul3A_102 = arith.constant 64 : i32
        %mul3A_103 = arith.muli %scan3A_101, %mul3A_102 : i32
        %add3A_104 = arith.addi %mul3A_93, %mul3A_103 : i32
        "tpu.region"() ({
          %run_scoped3A = tpu.sem_alloc : memref<!tpu.dma_semaphore, #tpu.memory_space<semaphore_mem>>
          %dma_start3A = arith.constant 0 : i32
          %dma_start3A_105 = tpu.memref_slice %arg26[%add3A_104, %dma_start3A] : memref<50000x32xf32, #tpu.memory_space<vmem_shared>> -> memref<64x32xf32, #tpu.memory_space<vmem_shared>>
          %dma_start3A_106 = arith.constant 0 : i32
          %dma_start3A_107 = tpu.memref_slice %arg26[%add3A_104, %dma_start3A_106] : memref<50000x32xf32, #tpu.memory_space<vmem_shared>> -> memref<64x32xf32, #tpu.memory_space<vmem_shared>>
          tpu.enqueue_dma source(%arg24 : memref<64x32xf32, #tpu.memory_space<vmem>>) target(%dma_start3A_107 : memref<64x32xf32, #tpu.memory_space<vmem_shared>>) target_semaphore(%run_scoped3A : memref<!tpu.dma_semaphore, #tpu.memory_space<semaphore_mem>>)
          %dma_wait3A = arith.constant 0 : i32
          %dma_wait3A_108 = tpu.memref_slice %arg26[%add3A_104, %dma_wait3A] : memref<50000x32xf32, #tpu.memory_space<vmem_shared>> -> memref<64x32xf32, #tpu.memory_space<vmem_shared>>
          %dma_wait3A_109 = arith.constant 0 : i32
          %dma_wait3A_110 = tpu.memref_slice %arg26[%add3A_104, %dma_wait3A_109] : memref<50000x32xf32, #tpu.memory_space<vmem_shared>> -> memref<64x32xf32, #tpu.memory_space<vmem_shared>>
          tpu.wait_dma2 semaphore(%run_scoped3A : memref<!tpu.dma_semaphore, #tpu.memory_space<semaphore_mem>>) src(%arg24 : memref<64x32xf32, #tpu.memory_space<vmem>>) dst(%dma_wait3A_110 : memref<64x32xf32, #tpu.memory_space<vmem_shared>>)
          tpu.yield
        }) : () -> ()
      }
      %scan3A_98 = arith.constant 48 : i32
      %add3A_99 = arith.constant 3072 : i32
      %add3A_100 = arith.addi %mul3A_93, %add3A_99 : i32
      "tpu.region"() ({
        %run_scoped3A = tpu.sem_alloc : memref<!tpu.dma_semaphore, #tpu.memory_space<semaphore_mem>>
        %dma_start3A = arith.constant 0 : i32
        %dma_start3A_101 = arith.constant 0 : i32
        %dma_start3A_102 = tpu.memref_slice %arg24[%dma_start3A, %dma_start3A_101] : memref<64x32xf32, #tpu.memory_space<vmem>> -> memref<56x32xf32, #tpu.memory_space<vmem>>
        %dma_start3A_103 = arith.constant 0 : i32
        %dma_start3A_104 = tpu.memref_slice %arg26[%add3A_100, %dma_start3A_103] : memref<50000x32xf32, #tpu.memory_space<vmem_shared>> -> memref<56x32xf32, #tpu.memory_space<vmem_shared>>
        %dma_start3A_105 = arith.constant 0 : i32
        %dma_start3A_106 = tpu.memref_slice %arg26[%add3A_100, %dma_start3A_105] : memref<50000x32xf32, #tpu.memory_space<vmem_shared>> -> memref<56x32xf32, #tpu.memory_space<vmem_shared>>
        %dma_start3A_107 = arith.constant 0 : i32
        %dma_start3A_108 = arith.constant 0 : i32
        %dma_start3A_109 = tpu.memref_slice %arg24[%dma_start3A_107, %dma_start3A_108] : memref<64x32xf32, #tpu.memory_space<vmem>> -> memref<56x32xf32, #tpu.memory_space<vmem>>
        tpu.enqueue_dma source(%dma_start3A_109 : memref<56x32xf32, #tpu.memory_space<vmem>>) target(%dma_start3A_106 : memref<56x32xf32, #tpu.memory_space<vmem_shared>>) target_semaphore(%run_scoped3A : memref<!tpu.dma_semaphore, #tpu.memory_space<semaphore_mem>>)
        %dma_wait3A = arith.constant 0 : i32
        %dma_wait3A_110 = arith.constant 0 : i32
        %dma_wait3A_111 = tpu.memref_slice %arg24[%dma_wait3A, %dma_wait3A_110] : memref<64x32xf32, #tpu.memory_space<vmem>> -> memref<56x32xf32, #tpu.memory_space<vmem>>
        %dma_wait3A_112 = arith.constant 0 : i32
        %dma_wait3A_113 = tpu.memref_slice %arg26[%add3A_100, %dma_wait3A_112] : memref<50000x32xf32, #tpu.memory_space<vmem_shared>> -> memref<56x32xf32, #tpu.memory_space<vmem_shared>>
        %dma_wait3A_114 = arith.constant 0 : i32
        %dma_wait3A_115 = tpu.memref_slice %arg26[%add3A_100, %dma_wait3A_114] : memref<50000x32xf32, #tpu.memory_space<vmem_shared>> -> memref<56x32xf32, #tpu.memory_space<vmem_shared>>
        %dma_wait3A_116 = arith.constant 0 : i32
        %dma_wait3A_117 = arith.constant 0 : i32
        %dma_wait3A_118 = tpu.memref_slice %arg24[%dma_wait3A_116, %dma_wait3A_117] : memref<64x32xf32, #tpu.memory_space<vmem>> -> memref<56x32xf32, #tpu.memory_space<vmem>>
        tpu.wait_dma2 semaphore(%run_scoped3A : memref<!tpu.dma_semaphore, #tpu.memory_space<semaphore_mem>>) src(%dma_wait3A_118 : memref<56x32xf32, #tpu.memory_space<vmem>>) dst(%dma_wait3A_115 : memref<56x32xf32, #tpu.memory_space<vmem_shared>>)
        tpu.yield
      }) : () -> ()
    } else {
    }
    %eq3A = arith.constant 15 : i32
    %eq3A_7 = arith.cmpi eq, %arg1, %eq3A : i32
    %convert_element_type3A_8 = arith.extui %eq3A_7 : i1 to i32
    %cond3A_9 = arith.constant 0 : i32
    %cond3A_10 = arith.cmpi ne, %convert_element_type3A_8, %cond3A_9 : i32
    scf.if %cond3A_10 {
      %scan3A_92 = arith.constant 0 : i32
      %scan3A_93 = arith.constant 48 : i32
      %scan3A_94 = arith.addi %scan3A_92, %scan3A_93 : i32
      %scan3A_95 = arith.constant 1 : i32
      scf.for %scan3A_97 = %scan3A_92 to %scan3A_94 step %scan3A_95  : i32 {
        %mul3A_98 = arith.constant 64 : i32
        %mul3A_99 = arith.muli %scan3A_97, %mul3A_98 : i32
        %add3A_100 = arith.constant 46920 : i32
        %add3A_101 = arith.addi %add3A_100, %mul3A_99 : i32
        "tpu.region"() ({
          %run_scoped3A = tpu.sem_alloc : memref<!tpu.dma_semaphore, #tpu.memory_space<semaphore_mem>>
          %dma_start3A = arith.constant 0 : i32
          %dma_start3A_102 = tpu.memref_slice %arg26[%add3A_101, %dma_start3A] : memref<50000x32xf32, #tpu.memory_space<vmem_shared>> -> memref<64x32xf32, #tpu.memory_space<vmem_shared>>
          %dma_start3A_103 = arith.constant 0 : i32
          %dma_start3A_104 = tpu.memref_slice %arg26[%add3A_101, %dma_start3A_103] : memref<50000x32xf32, #tpu.memory_space<vmem_shared>> -> memref<64x32xf32, #tpu.memory_space<vmem_shared>>
          tpu.enqueue_dma source(%arg24 : memref<64x32xf32, #tpu.memory_space<vmem>>) target(%dma_start3A_104 : memref<64x32xf32, #tpu.memory_space<vmem_shared>>) target_semaphore(%run_scoped3A : memref<!tpu.dma_semaphore, #tpu.memory_space<semaphore_mem>>)
          %dma_wait3A = arith.constant 0 : i32
          %dma_wait3A_105 = tpu.memref_slice %arg26[%add3A_101, %dma_wait3A] : memref<50000x32xf32, #tpu.memory_space<vmem_shared>> -> memref<64x32xf32, #tpu.memory_space<vmem_shared>>
          %dma_wait3A_106 = arith.constant 0 : i32
          %dma_wait3A_107 = tpu.memref_slice %arg26[%add3A_101, %dma_wait3A_106] : memref<50000x32xf32, #tpu.memory_space<vmem_shared>> -> memref<64x32xf32, #tpu.memory_space<vmem_shared>>
          tpu.wait_dma2 semaphore(%run_scoped3A : memref<!tpu.dma_semaphore, #tpu.memory_space<semaphore_mem>>) src(%arg24 : memref<64x32xf32, #tpu.memory_space<vmem>>) dst(%dma_wait3A_107 : memref<64x32xf32, #tpu.memory_space<vmem_shared>>)
          tpu.yield
        }) : () -> ()
      }
      %scan3A_96 = arith.constant 48 : i32
      "tpu.region"() ({
        %run_scoped3A = tpu.sem_alloc : memref<!tpu.dma_semaphore, #tpu.memory_space<semaphore_mem>>
        %dma_start3A = arith.constant 0 : i32
        %dma_start3A_97 = arith.constant 0 : i32
        %dma_start3A_98 = tpu.memref_slice %arg24[%dma_start3A, %dma_start3A_97] : memref<64x32xf32, #tpu.memory_space<vmem>> -> memref<8x32xf32, #tpu.memory_space<vmem>>
        %dma_start3A_99 = arith.constant 49992 : i32
        %dma_start3A_100 = arith.constant 0 : i32
        %dma_start3A_101 = tpu.memref_slice %arg26[%dma_start3A_99, %dma_start3A_100] : memref<50000x32xf32, #tpu.memory_space<vmem_shared>> -> memref<8x32xf32, #tpu.memory_space<vmem_shared>>
        %dma_start3A_102 = arith.constant 49992 : i32
        %dma_start3A_103 = arith.constant 0 : i32
        %dma_start3A_104 = tpu.memref_slice %arg26[%dma_start3A_102, %dma_start3A_103] : memref<50000x32xf32, #tpu.memory_space<vmem_shared>> -> memref<8x32xf32, #tpu.memory_space<vmem_shared>>
        %dma_start3A_105 = arith.constant 0 : i32
        %dma_start3A_106 = arith.constant 0 : i32
        %dma_start3A_107 = tpu.memref_slice %arg24[%dma_start3A_105, %dma_start3A_106] : memref<64x32xf32, #tpu.memory_space<vmem>> -> memref<8x32xf32, #tpu.memory_space<vmem>>
        tpu.enqueue_dma source(%dma_start3A_107 : memref<8x32xf32, #tpu.memory_space<vmem>>) target(%dma_start3A_104 : memref<8x32xf32, #tpu.memory_space<vmem_shared>>) target_semaphore(%run_scoped3A : memref<!tpu.dma_semaphore, #tpu.memory_space<semaphore_mem>>)
        %dma_wait3A = arith.constant 0 : i32
        %dma_wait3A_108 = arith.constant 0 : i32
        %dma_wait3A_109 = tpu.memref_slice %arg24[%dma_wait3A, %dma_wait3A_108] : memref<64x32xf32, #tpu.memory_space<vmem>> -> memref<8x32xf32, #tpu.memory_space<vmem>>
        %dma_wait3A_110 = arith.constant 49992 : i32
        %dma_wait3A_111 = arith.constant 0 : i32
        %dma_wait3A_112 = tpu.memref_slice %arg26[%dma_wait3A_110, %dma_wait3A_111] : memref<50000x32xf32, #tpu.memory_space<vmem_shared>> -> memref<8x32xf32, #tpu.memory_space<vmem_shared>>
        %dma_wait3A_113 = arith.constant 49992 : i32
        %dma_wait3A_114 = arith.constant 0 : i32
        %dma_wait3A_115 = tpu.memref_slice %arg26[%dma_wait3A_113, %dma_wait3A_114] : memref<50000x32xf32, #tpu.memory_space<vmem_shared>> -> memref<8x32xf32, #tpu.memory_space<vmem_shared>>
        %dma_wait3A_116 = arith.constant 0 : i32
        %dma_wait3A_117 = arith.constant 0 : i32
        %dma_wait3A_118 = tpu.memref_slice %arg24[%dma_wait3A_116, %dma_wait3A_117] : memref<64x32xf32, #tpu.memory_space<vmem>> -> memref<8x32xf32, #tpu.memory_space<vmem>>
        tpu.wait_dma2 semaphore(%run_scoped3A : memref<!tpu.dma_semaphore, #tpu.memory_space<semaphore_mem>>) src(%dma_wait3A_118 : memref<8x32xf32, #tpu.memory_space<vmem>>) dst(%dma_wait3A_115 : memref<8x32xf32, #tpu.memory_space<vmem_shared>>)
        tpu.yield
      }) : () -> ()
    } else {
    }
    %mul3A_11 = arith.constant 32 : i32
    %mul3A_12 = arith.muli %arg0, %mul3A_11 : i32
    "tpu.region"() ({
      %run_scoped3A = tpu.sem_alloc : memref<!tpu.dma_semaphore, #tpu.memory_space<semaphore_mem>>
      %dma_start3A = tpu.memref_slice %arg4[%mul3A_12] : memref<64xf32, #tpu.memory_space<hbm>> -> memref<32xf32, #tpu.memory_space<hbm>>
      %dma_start3A_92 = tpu.memref_slice %arg4[%mul3A_12] : memref<64xf32, #tpu.memory_space<hbm>> -> memref<32xf32, #tpu.memory_space<hbm>>
      tpu.enqueue_dma source(%dma_start3A_92 : memref<32xf32, #tpu.memory_space<hbm>>) target(%arg23 : memref<32xf32, #tpu.memory_space<vmem>>) target_semaphore(%run_scoped3A : memref<!tpu.dma_semaphore, #tpu.memory_space<semaphore_mem>>)
      %dma_wait3A = tpu.memref_slice %arg4[%mul3A_12] : memref<64xf32, #tpu.memory_space<hbm>> -> memref<32xf32, #tpu.memory_space<hbm>>
      %dma_wait3A_93 = tpu.memref_slice %arg4[%mul3A_12] : memref<64xf32, #tpu.memory_space<hbm>> -> memref<32xf32, #tpu.memory_space<hbm>>
      tpu.wait_dma2 semaphore(%run_scoped3A : memref<!tpu.dma_semaphore, #tpu.memory_space<semaphore_mem>>) src(%dma_wait3A_93 : memref<32xf32, #tpu.memory_space<hbm>>) dst(%arg23 : memref<32xf32, #tpu.memory_space<vmem>>)
      tpu.yield
    }) : () -> ()
    %barrier3A = arith.constant 0 : index
    tpu.barrier barrier_id(%barrier3A)
    %mul3A_13 = arith.constant 390 : i32
    %mul3A_14 = arith.muli %arg1, %mul3A_13 : i32
    %min3A = arith.constant 10 : i32
    %min3A_15 = arith.minsi %arg1, %min3A : i32
    %add3A = arith.addi %mul3A_14, %min3A_15 : i32
    %lt3A_16 = arith.constant 10 : i32
    %lt3A_17 = arith.cmpi slt, %arg1, %lt3A_16 : i32
    %jit3A = arith.constant 1 : i32
    %jit3A_18 = arith.constant 0 : i32
    %select_n3A = arith.select %lt3A_17, %jit3A, %jit3A_18 : i32
    %add3A_19 = arith.constant 390 : i32
    %add3A_20 = arith.addi %add3A_19, %select_n3A : i32
    %get3A = arith.constant 0 : index
    %get3A_21 = tpu.vector_load %arg23[%get3A] {strides = array<i32>} : memref<32xf32, #tpu.memory_space<vmem>>, vector<16xf32>,
    %get3A_22 = arith.constant 16 : index
    %get3A_23 = tpu.vector_load %arg23[%get3A_22] {strides = array<i32>} : memref<32xf32, #tpu.memory_space<vmem>>, vector<16xf32>,
    %gt3A = arith.constant 0 : i32
    %gt3A_24 = arith.cmpi sgt, %add3A_20, %gt3A : i32
    %convert_element_type3A_25 = arith.extui %gt3A_24 : i1 to i32
    %cond3A_26 = arith.constant 0 : i32
    %cond3A_27 = arith.cmpi ne, %convert_element_type3A_25, %cond3A_26 : i32
    scf.if %cond3A_27 {
      %mul3A_92 = arith.constant 128 : i32
      %mul3A_93 = arith.muli %add3A, %mul3A_92 : i32
      "tpu.region"() ({
        %run_scoped3A = tpu.sem_alloc : memref<!tpu.dma_semaphore, #tpu.memory_space<semaphore_mem>>
        %dma_start3A_108 = tpu.memref_slice %arg5[%mul3A_93] : memref<800000xi32, #tpu.memory_space<hbm>> -> memref<128xi32, #tpu.memory_space<hbm>>
        %dma_start3A_109 = tpu.memref_slice %arg5[%mul3A_93] : memref<800000xi32, #tpu.memory_space<hbm>> -> memref<128xi32, #tpu.memory_space<hbm>>
        tpu.enqueue_dma source(%dma_start3A_109 : memref<128xi32, #tpu.memory_space<hbm>>) target(%arg9 : memref<128xi32, #tpu.memory_space<vmem>>) target_semaphore(%run_scoped3A : memref<!tpu.dma_semaphore, #tpu.memory_space<semaphore_mem>>)
        %dma_wait3A = tpu.memref_slice %arg5[%mul3A_93] : memref<800000xi32, #tpu.memory_space<hbm>> -> memref<128xi32, #tpu.memory_space<hbm>>
        %dma_wait3A_110 = tpu.memref_slice %arg5[%mul3A_93] : memref<800000xi32, #tpu.memory_space<hbm>> -> memref<128xi32, #tpu.memory_space<hbm>>
        tpu.wait_dma2 semaphore(%run_scoped3A : memref<!tpu.dma_semaphore, #tpu.memory_space<semaphore_mem>>) src(%dma_wait3A_110 : memref<128xi32, #tpu.memory_space<hbm>>) dst(%arg9 : memref<128xi32, #tpu.memory_space<vmem>>)
        tpu.yield
      }) : () -> ()
      %mul3A_94 = arith.constant 128 : i32
      %mul3A_95 = arith.muli %add3A, %mul3A_94 : i32
      "tpu.region"() ({
        %run_scoped3A = tpu.sem_alloc : memref<!tpu.dma_semaphore, #tpu.memory_space<semaphore_mem>>
        %dma_start3A_108 = tpu.memref_slice %arg6[%mul3A_95] : memref<800000xi32, #tpu.memory_space<hbm>> -> memref<128xi32, #tpu.memory_space<hbm>>
        %dma_start3A_109 = tpu.memref_slice %arg6[%mul3A_95] : memref<800000xi32, #tpu.memory_space<hbm>> -> memref<128xi32, #tpu.memory_space<hbm>>
        tpu.enqueue_dma source(%dma_start3A_109 : memref<128xi32, #tpu.memory_space<hbm>>) target(%arg10 : memref<128xi32, #tpu.memory_space<vmem>>) target_semaphore(%run_scoped3A : memref<!tpu.dma_semaphore, #tpu.memory_space<semaphore_mem>>)
        %dma_wait3A = tpu.memref_slice %arg6[%mul3A_95] : memref<800000xi32, #tpu.memory_space<hbm>> -> memref<128xi32, #tpu.memory_space<hbm>>
        %dma_wait3A_110 = tpu.memref_slice %arg6[%mul3A_95] : memref<800000xi32, #tpu.memory_space<hbm>> -> memref<128xi32, #tpu.memory_space<hbm>>
        tpu.wait_dma2 semaphore(%run_scoped3A : memref<!tpu.dma_semaphore, #tpu.memory_space<semaphore_mem>>) src(%dma_wait3A_110 : memref<128xi32, #tpu.memory_space<hbm>>) dst(%arg10 : memref<128xi32, #tpu.memory_space<vmem>>)
        tpu.yield
      }) : () -> ()
      %mul3A_96 = arith.constant 128 : i32
      %mul3A_97 = arith.muli %add3A, %mul3A_96 : i32
      "tpu.region"() ({
        %run_scoped3A = tpu.sem_alloc : memref<!tpu.dma_semaphore, #tpu.memory_space<semaphore_mem>>
        %dma_start3A_108 = arith.constant 0 : i32
        %dma_start3A_109 = tpu.memref_slice %arg13[%dma_start3A_108] : memref<144xf32, #tpu.memory_space<vmem>> -> memref<128xf32, #tpu.memory_space<vmem>>
        %dma_start3A_110 = tpu.memref_slice %arg7[%mul3A_97] : memref<800000xf32, #tpu.memory_space<hbm>> -> memref<128xf32, #tpu.memory_space<hbm>>
        %dma_start3A_111 = arith.constant 0 : i32
        %dma_start3A_112 = tpu.memref_slice %arg13[%dma_start3A_111] : memref<144xf32, #tpu.memory_space<vmem>> -> memref<128xf32, #tpu.memory_space<vmem>>
        %dma_start3A_113 = tpu.memref_slice %arg7[%mul3A_97] : memref<800000xf32, #tpu.memory_space<hbm>> -> memref<128xf32, #tpu.memory_space<hbm>>
        tpu.enqueue_dma source(%dma_start3A_113 : memref<128xf32, #tpu.memory_space<hbm>>) target(%dma_start3A_112 : memref<128xf32, #tpu.memory_space<vmem>>) target_semaphore(%run_scoped3A : memref<!tpu.dma_semaphore, #tpu.memory_space<semaphore_mem>>)
        %dma_wait3A = arith.constant 0 : i32
        %dma_wait3A_114 = tpu.memref_slice %arg13[%dma_wait3A] : memref<144xf32, #tpu.memory_space<vmem>> -> memref<128xf32, #tpu.memory_space<vmem>>
        %dma_wait3A_115 = tpu.memref_slice %arg7[%mul3A_97] : memref<800000xf32, #tpu.memory_space<hbm>> -> memref<128xf32, #tpu.memory_space<hbm>>
        %dma_wait3A_116 = arith.constant 0 : i32
        %dma_wait3A_117 = tpu.memref_slice %arg13[%dma_wait3A_116] : memref<144xf32, #tpu.memory_space<vmem>> -> memref<128xf32, #tpu.memory_space<vmem>>
        %dma_wait3A_118 = tpu.memref_slice %arg7[%mul3A_97] : memref<800000xf32, #tpu.memory_space<hbm>> -> memref<128xf32, #tpu.memory_space<hbm>>
        tpu.wait_dma2 semaphore(%run_scoped3A : memref<!tpu.dma_semaphore, #tpu.memory_space<semaphore_mem>>) src(%dma_wait3A_118 : memref<128xf32, #tpu.memory_space<hbm>>) dst(%dma_wait3A_117 : memref<128xf32, #tpu.memory_space<vmem>>)
        tpu.yield
      }) : () -> ()
      %scan3A_98 = arith.constant 0 : i32
      %scan3A_99 = arith.constant 8 : i32
      %scan3A_100 = arith.addi %scan3A_98, %scan3A_99 : i32
      %scan3A_101 = arith.constant 1 : i32
      scf.for %scan3A_108 = %scan3A_98 to %scan3A_100 step %scan3A_101  : i32 {
        %mul3A_109 = arith.constant 16 : i32
        %mul3A_110 = arith.muli %scan3A_108, %mul3A_109 : i32
        %get3A_111 = arith.index_cast %mul3A_110 : i32 to index
        %get3A_112 = tpu.vector_load %arg9[%get3A_111] {strides = array<i32>} : memref<128xi32, #tpu.memory_space<vmem>>, vector<16xi32>,
        %add3A_113 = vector.broadcast %mul3A_0 : i32 to vector<16xi32>
        %add3A_114 = arith.addi %get3A_112, %add3A_113 : vector<16xi32>
        %swap3A = arith.index_cast %mul3A_110 : i32 to index
        %swap3A_115 = tpu.vector_load %arg11[%swap3A] {strides = array<i32>} : memref<128xi32, #tpu.memory_space<vmem>>, vector<16xi32>,
        tpu.vector_store %arg11[%swap3A], %add3A_114 {strides = array<i32>} : memref<128xi32, #tpu.memory_space<vmem>>, vector<16xi32>,
        %get3A_116 = arith.index_cast %mul3A_110 : i32 to index
        %get3A_117 = tpu.vector_load %arg10[%get3A_116] {strides = array<i32>} : memref<128xi32, #tpu.memory_space<vmem>>, vector<16xi32>,
        %add3A_118 = vector.broadcast %mul3A_0 : i32 to vector<16xi32>
        %add3A_119 = arith.addi %get3A_117, %add3A_118 : vector<16xi32>
        %swap3A_120 = arith.index_cast %mul3A_110 : i32 to index
        %swap3A_121 = tpu.vector_load %arg12[%swap3A_120] {strides = array<i32>} : memref<128xi32, #tpu.memory_space<vmem>>, vector<16xi32>,
        tpu.vector_store %arg12[%swap3A_120], %add3A_119 {strides = array<i32>} : memref<128xi32, #tpu.memory_space<vmem>>, vector<16xi32>,
      }
      %scan3A_102 = arith.constant 8 : i32
      %dma_start3A = arith.constant 0 : i32
      %dma_start3A_103 = arith.constant 0 : i32
      %dma_start3A_104 = tpu.memref_slice %arg2[%dma_start3A, %dma_start3A_103] : memref<100000x32xf32, #tpu.memory_space<hbm>> -> memref<100000x32xf32, #tpu.memory_space<hbm>>
      tpu.enqueue_indirect_dma source(%dma_start3A_104 : memref<100000x32xf32, #tpu.memory_space<hbm>>) target(%arg14 : memref<128x32xf32, #tpu.memory_space<vmem>>) offsets(%arg11 : memref<128xi32, #tpu.memory_space<vmem>>) semaphore(%arg29 : memref<!tpu.dma_semaphore, #tpu.memory_space<semaphore_mem>>)
      %dma_start3A_105 = arith.constant 0 : i32
      %dma_start3A_106 = arith.constant 0 : i32
      %dma_start3A_107 = tpu.memref_slice %arg3[%dma_start3A_105, %dma_start3A_106] : memref<100000x32xf32, #tpu.memory_space<hbm>> -> memref<100000x32xf32, #tpu.memory_space<hbm>>
      tpu.enqueue_indirect_dma source(%dma_start3A_107 : memref<100000x32xf32, #tpu.memory_space<hbm>>) target(%arg15 : memref<128x32xf32, #tpu.memory_space<vmem>>) offsets(%arg12 : memref<128xi32, #tpu.memory_space<vmem>>) semaphore(%arg29 : memref<!tpu.dma_semaphore, #tpu.memory_space<semaphore_mem>>)
    } else {
    }
    %scan3A_28 = arith.constant 0 : i32
    %scan3A_29 = arith.constant 391 : i32
    %scan3A_30 = arith.addi %scan3A_28, %scan3A_29 : i32
    %scan3A_31 = arith.constant 1 : i32
    scf.for %scan3A_92 = %scan3A_28 to %scan3A_30 step %scan3A_31  : i32 {
      %lt3A_93 = arith.cmpi slt, %scan3A_92, %add3A_20 : i32
      %convert_element_type3A_94 = arith.extui %lt3A_93 : i1 to i32
      %cond3A_95 = arith.constant 0 : i32
      %cond3A_96 = arith.cmpi ne, %convert_element_type3A_94, %cond3A_95 : i32
      scf.if %cond3A_96 {
        %jit3A_97 = arith.constant 2 : i32
        %eq3A_98 = arith.constant 0 : i32
        %eq3A_99 = arith.cmpi eq, %jit3A_97, %eq3A_98 : i32
        %jit3A_100 = arith.constant 1 : i32
        %select_n3A_101 = arith.select %eq3A_99, %jit3A_100, %jit3A_97 : i32
        %rem3A_102 = arith.remsi %scan3A_92, %select_n3A_101 : i32
        %ne3A_103 = arith.constant 0 : i32
        %ne3A_104 = arith.cmpi ne, %rem3A_102, %ne3A_103 : i32
        %lt3A_105 = arith.constant 0 : i32
        %lt3A_106 = arith.cmpi slt, %rem3A_102, %lt3A_105 : i32
        %lt3A_107 = arith.constant 0 : i32
        %lt3A_108 = arith.cmpi slt, %select_n3A_101, %lt3A_107 : i32
        %ne3A_109 = arith.xori %lt3A_106, %lt3A_108 : i1
        %and3A_110 = arith.andi %ne3A_109, %ne3A_104 : i1
        %add3A_111 = arith.addi %rem3A_102, %select_n3A_101 : i32
        %select_n3A_112 = arith.select %and3A_110, %add3A_111, %rem3A_102 : i32
        %eq3A_113 = arith.constant 0 : i32
        %eq3A_114 = arith.cmpi eq, %select_n3A_112, %eq3A_113 : i32
        %convert_element_type3A_115 = arith.extui %eq3A_114 : i1 to i32
        %cond3A_116 = arith.constant 0 : i32
        %cond3A_117 = arith.cmpi ne, %convert_element_type3A_115, %cond3A_116 : i32
        scf.if %cond3A_117 {
          %add3A_139 = arith.addi %add3A, %scan3A_92 : i32
          %ge3A = arith.constant 1 : i32
          %ge3A_140 = arith.cmpi sge, %scan3A_92, %ge3A : i32
          %convert_element_type3A_141 = arith.extui %ge3A_140 : i1 to i32
          %cond3A_142 = arith.constant 0 : i32
          %cond3A_143 = arith.cmpi ne, %convert_element_type3A_141, %cond3A_142 : i32
          scf.if %cond3A_143 {
            %dma_wait3A_168 = arith.constant 0 : i32
            %dma_wait3A_169 = arith.constant 0 : i32
            %dma_wait3A_170 = tpu.memref_slice %arg26[%dma_wait3A_168, %dma_wait3A_169] : memref<50000x32xf32, #tpu.memory_space<vmem_shared>> -> memref<50000x32xf32, #tpu.memory_space<vmem_shared>>
            tpu.wait_indirect_dma semaphore(%arg32 : memref<!tpu.dma_semaphore, #tpu.memory_space<semaphore_mem>>) src(%arg21 : memref<128x32xf32, #tpu.memory_space<vmem>>) dst(%dma_wait3A_170 : memref<50000x32xf32, #tpu.memory_space<vmem_shared>>)
          } else {
          }
          %add3A_144 = arith.constant 1 : i32
          %add3A_145 = arith.addi %scan3A_92, %add3A_144 : i32
          %lt3A_146 = arith.cmpi slt, %add3A_145, %add3A_20 : i32
          %convert_element_type3A_147 = arith.extui %lt3A_146 : i1 to i32
          %cond3A_148 = arith.constant 0 : i32
          %cond3A_149 = arith.cmpi ne, %convert_element_type3A_147, %cond3A_148 : i32
          scf.if %cond3A_149 {
            %add3A_168 = arith.constant 1 : i32
            %add3A_169 = arith.addi %add3A_139, %add3A_168 : i32
            %mul3A_170 = arith.constant 128 : i32
            %mul3A_171 = arith.muli %add3A_169, %mul3A_170 : i32
            %dma_start3A_172 = tpu.memref_slice %arg5[%mul3A_171] : memref<800000xi32, #tpu.memory_space<hbm>> -> memref<128xi32, #tpu.memory_space<hbm>>
            %dma_start3A_173 = tpu.memref_slice %arg5[%mul3A_171] : memref<800000xi32, #tpu.memory_space<hbm>> -> memref<128xi32, #tpu.memory_space<hbm>>
            tpu.enqueue_dma source(%dma_start3A_173 : memref<128xi32, #tpu.memory_space<hbm>>) target(%arg16 : memref<128xi32, #tpu.memory_space<vmem>>) target_semaphore(%arg28 : memref<!tpu.dma_semaphore, #tpu.memory_space<semaphore_mem>>)
            %mul3A_174 = arith.constant 128 : i32
            %mul3A_175 = arith.muli %add3A_169, %mul3A_174 : i32
            %dma_start3A_176 = tpu.memref_slice %arg6[%mul3A_175] : memref<800000xi32, #tpu.memory_space<hbm>> -> memref<128xi32, #tpu.memory_space<hbm>>
            %dma_start3A_177 = tpu.memref_slice %arg6[%mul3A_175] : memref<800000xi32, #tpu.memory_space<hbm>> -> memref<128xi32, #tpu.memory_space<hbm>>
            tpu.enqueue_dma source(%dma_start3A_177 : memref<128xi32, #tpu.memory_space<hbm>>) target(%arg17 : memref<128xi32, #tpu.memory_space<vmem>>) target_semaphore(%arg28 : memref<!tpu.dma_semaphore, #tpu.memory_space<semaphore_mem>>)
            %mul3A_178 = arith.constant 128 : i32
            %mul3A_179 = arith.muli %add3A_169, %mul3A_178 : i32
            %dma_start3A_180 = arith.constant 0 : i32
            %dma_start3A_181 = tpu.memref_slice %arg20[%dma_start3A_180] : memref<144xf32, #tpu.memory_space<vmem>> -> memref<128xf32, #tpu.memory_space<vmem>>
            %dma_start3A_182 = tpu.memref_slice %arg7[%mul3A_179] : memref<800000xf32, #tpu.memory_space<hbm>> -> memref<128xf32, #tpu.memory_space<hbm>>
            %dma_start3A_183 = arith.constant 0 : i32
            %dma_start3A_184 = tpu.memref_slice %arg20[%dma_start3A_183] : memref<144xf32, #tpu.memory_space<vmem>> -> memref<128xf32, #tpu.memory_space<vmem>>
            %dma_start3A_185 = tpu.memref_slice %arg7[%mul3A_179] : memref<800000xf32, #tpu.memory_space<hbm>> -> memref<128xf32, #tpu.memory_space<hbm>>
            tpu.enqueue_dma source(%dma_start3A_185 : memref<128xf32, #tpu.memory_space<hbm>>) target(%dma_start3A_184 : memref<128xf32, #tpu.memory_space<vmem>>) target_semaphore(%arg28 : memref<!tpu.dma_semaphore, #tpu.memory_space<semaphore_mem>>)
          } else {
          }
          %dma_wait3A = arith.constant 0 : i32
          %dma_wait3A_150 = arith.constant 0 : i32
          %dma_wait3A_151 = tpu.memref_slice %arg2[%dma_wait3A, %dma_wait3A_150] : memref<100000x32xf32, #tpu.memory_space<hbm>> -> memref<100000x32xf32, #tpu.memory_space<hbm>>
          tpu.wait_indirect_dma semaphore(%arg29 : memref<!tpu.dma_semaphore, #tpu.memory_space<semaphore_mem>>) src(%dma_wait3A_151 : memref<100000x32xf32, #tpu.memory_space<hbm>>) dst(%arg14 : memref<128x32xf32, #tpu.memory_space<vmem>>)
          %dma_wait3A_152 = arith.constant 0 : i32
          %dma_wait3A_153 = arith.constant 0 : i32
          %dma_wait3A_154 = tpu.memref_slice %arg3[%dma_wait3A_152, %dma_wait3A_153] : memref<100000x32xf32, #tpu.memory_space<hbm>> -> memref<100000x32xf32, #tpu.memory_space<hbm>>
          tpu.wait_indirect_dma semaphore(%arg29 : memref<!tpu.dma_semaphore, #tpu.memory_space<semaphore_mem>>) src(%dma_wait3A_154 : memref<100000x32xf32, #tpu.memory_space<hbm>>) dst(%arg15 : memref<128x32xf32, #tpu.memory_space<vmem>>)
          %scan3A_155 = arith.constant 0 : i32
          %scan3A_156 = arith.constant 128 : i32
          %scan3A_157 = arith.addi %scan3A_155, %scan3A_156 : i32
          %scan3A_158 = arith.constant 1 : i32
          scf.for %scan3A_168 = %scan3A_155 to %scan3A_157 step %scan3A_158  : i32 {
            %get3A_169 = arith.index_cast %scan3A_168 : i32 to index
            %get3A_170 = tpu.vector_load %arg13[%get3A_169] {strides = array<i32>} : memref<144xf32, #tpu.memory_space<vmem>>, vector<16xf32>,
            %slice3A = vector.extract_strided_slice %get3A_170 {offsets = [0], sizes = [1], strides = [1]} : vector<16xf32> to vector<1xf32>
            %squeeze3A = vector.extract %slice3A[0] : f32 from vector<1xf32>
            %get3A_171 = arith.index_cast %scan3A_168 : i32 to index
            %get3A_172 = arith.constant 0 : index
            %get3A_173 = tpu.vector_load %arg14[%get3A_171, %get3A_172] {strides = array<i32>} : memref<128x32xf32, #tpu.memory_space<vmem>>, vector<16xf32>,
            %get3A_174 = arith.index_cast %scan3A_168 : i32 to index
            %get3A_175 = arith.constant 0 : index
            %get3A_176 = tpu.vector_load %arg15[%get3A_174, %get3A_175] {strides = array<i32>} : memref<128x32xf32, #tpu.memory_space<vmem>>, vector<16xf32>,
            %add3A_177 = arith.addf %get3A_173, %get3A_176 : vector<16xf32>
            %mul3A_178 = vector.broadcast %squeeze3A : f32 to vector<16xf32>
            %mul3A_179 = arith.mulf %mul3A_178, %get3A_21 : vector<16xf32>
            %add3A_180 = arith.addf %add3A_177, %mul3A_179 : vector<16xf32>
            %max3A = arith.constant 0.000000e+00 : f32
            %max3A_181 = vector.broadcast %max3A : f32 to vector<16xf32>
            %max3A_182 = arith.maximumf %add3A_180, %max3A_181 : vector<16xf32>
            %get3A_183 = arith.index_cast %scan3A_168 : i32 to index
            %get3A_184 = arith.constant 16 : index
            %get3A_185 = tpu.vector_load %arg14[%get3A_183, %get3A_184] {strides = array<i32>} : memref<128x32xf32, #tpu.memory_space<vmem>>, vector<16xf32>,
            %get3A_186 = arith.index_cast %scan3A_168 : i32 to index
            %get3A_187 = arith.constant 16 : index
            %get3A_188 = tpu.vector_load %arg15[%get3A_186, %get3A_187] {strides = array<i32>} : memref<128x32xf32, #tpu.memory_space<vmem>>, vector<16xf32>,
            %add3A_189 = arith.addf %get3A_185, %get3A_188 : vector<16xf32>
            %mul3A_190 = vector.broadcast %squeeze3A : f32 to vector<16xf32>
            %mul3A_191 = arith.mulf %mul3A_190, %get3A_23 : vector<16xf32>
            %add3A_192 = arith.addf %add3A_189, %mul3A_191 : vector<16xf32>
            %max3A_193 = arith.constant 0.000000e+00 : f32
            %max3A_194 = vector.broadcast %max3A_193 : f32 to vector<16xf32>
            %max3A_195 = arith.maximumf %add3A_192, %max3A_194 : vector<16xf32>
            %swap3A = arith.index_cast %scan3A_168 : i32 to index
            %swap3A_196 = arith.constant 0 : index
            %swap3A_197 = tpu.vector_load %arg14[%swap3A, %swap3A_196] {strides = array<i32>} : memref<128x32xf32, #tpu.memory_space<vmem>>, vector<16xf32>,
            tpu.vector_store %arg14[%swap3A, %swap3A_196], %max3A_182 {strides = array<i32>} : memref<128x32xf32, #tpu.memory_space<vmem>>, vector<16xf32>,
            %swap3A_198 = arith.index_cast %scan3A_168 : i32 to index
            %swap3A_199 = arith.constant 16 : index
            %swap3A_200 = tpu.vector_load %arg14[%swap3A_198, %swap3A_199] {strides = array<i32>} : memref<128x32xf32, #tpu.memory_space<vmem>>, vector<16xf32>,
            tpu.vector_store %arg14[%swap3A_198, %swap3A_199], %max3A_195 {strides = array<i32>} : memref<128x32xf32, #tpu.memory_space<vmem>>, vector<16xf32>,
          }
          %scan3A_159 = arith.constant 128 : i32
          %add3A_160 = arith.constant 1 : i32
          %add3A_161 = arith.addi %scan3A_92, %add3A_160 : i32
          %lt3A_162 = arith.cmpi slt, %add3A_161, %add3A_20 : i32
          %convert_element_type3A_163 = arith.extui %lt3A_162 : i1 to i32
          %cond3A_164 = arith.constant 0 : i32
          %cond3A_165 = arith.cmpi ne, %convert_element_type3A_163, %cond3A_164 : i32
          scf.if %cond3A_165 {
            %add3A_168 = arith.constant 1 : i32
            %add3A_169 = arith.addi %add3A_139, %add3A_168 : i32
            %mul3A_170 = arith.constant 128 : i32
            %mul3A_171 = arith.muli %add3A_169, %mul3A_170 : i32
            %dma_wait3A_172 = tpu.memref_slice %arg5[%mul3A_171] : memref<800000xi32, #tpu.memory_space<hbm>> -> memref<128xi32, #tpu.memory_space<hbm>>
            %dma_wait3A_173 = tpu.memref_slice %arg5[%mul3A_171] : memref<800000xi32, #tpu.memory_space<hbm>> -> memref<128xi32, #tpu.memory_space<hbm>>
            tpu.wait_dma2 semaphore(%arg28 : memref<!tpu.dma_semaphore, #tpu.memory_space<semaphore_mem>>) src(%dma_wait3A_173 : memref<128xi32, #tpu.memory_space<hbm>>) dst(%arg16 : memref<128xi32, #tpu.memory_space<vmem>>)
            %mul3A_174 = arith.constant 128 : i32
            %mul3A_175 = arith.muli %add3A_169, %mul3A_174 : i32
            %dma_wait3A_176 = tpu.memref_slice %arg6[%mul3A_175] : memref<800000xi32, #tpu.memory_space<hbm>> -> memref<128xi32, #tpu.memory_space<hbm>>
            %dma_wait3A_177 = tpu.memref_slice %arg6[%mul3A_175] : memref<800000xi32, #tpu.memory_space<hbm>> -> memref<128xi32, #tpu.memory_space<hbm>>
            tpu.wait_dma2 semaphore(%arg28 : memref<!tpu.dma_semaphore, #tpu.memory_space<semaphore_mem>>) src(%dma_wait3A_177 : memref<128xi32, #tpu.memory_space<hbm>>) dst(%arg17 : memref<128xi32, #tpu.memory_space<vmem>>)
            %mul3A_178 = arith.constant 128 : i32
            %mul3A_179 = arith.muli %add3A_169, %mul3A_178 : i32
            %dma_wait3A_180 = arith.constant 0 : i32
            %dma_wait3A_181 = tpu.memref_slice %arg20[%dma_wait3A_180] : memref<144xf32, #tpu.memory_space<vmem>> -> memref<128xf32, #tpu.memory_space<vmem>>
            %dma_wait3A_182 = tpu.memref_slice %arg7[%mul3A_179] : memref<800000xf32, #tpu.memory_space<hbm>> -> memref<128xf32, #tpu.memory_space<hbm>>
            %dma_wait3A_183 = arith.constant 0 : i32
            %dma_wait3A_184 = tpu.memref_slice %arg20[%dma_wait3A_183] : memref<144xf32, #tpu.memory_space<vmem>> -> memref<128xf32, #tpu.memory_space<vmem>>
            %dma_wait3A_185 = tpu.memref_slice %arg7[%mul3A_179] : memref<800000xf32, #tpu.memory_space<hbm>> -> memref<128xf32, #tpu.memory_space<hbm>>
            tpu.wait_dma2 semaphore(%arg28 : memref<!tpu.dma_semaphore, #tpu.memory_space<semaphore_mem>>) src(%dma_wait3A_185 : memref<128xf32, #tpu.memory_space<hbm>>) dst(%dma_wait3A_184 : memref<128xf32, #tpu.memory_space<vmem>>)
            %scan3A_186 = arith.constant 0 : i32
            %scan3A_187 = arith.constant 8 : i32
            %scan3A_188 = arith.addi %scan3A_186, %scan3A_187 : i32
            %scan3A_189 = arith.constant 1 : i32
            scf.for %scan3A_197 = %scan3A_186 to %scan3A_188 step %scan3A_189  : i32 {
              %mul3A_198 = arith.constant 16 : i32
              %mul3A_199 = arith.muli %scan3A_197, %mul3A_198 : i32
              %get3A_200 = arith.index_cast %mul3A_199 : i32 to index
              %get3A_201 = tpu.vector_load %arg16[%get3A_200] {strides = array<i32>} : memref<128xi32, #tpu.memory_space<vmem>>, vector<16xi32>,
              %add3A_202 = vector.broadcast %mul3A_0 : i32 to vector<16xi32>
              %add3A_203 = arith.addi %get3A_201, %add3A_202 : vector<16xi32>
              %swap3A = arith.index_cast %mul3A_199 : i32 to index
              %swap3A_204 = tpu.vector_load %arg18[%swap3A] {strides = array<i32>} : memref<128xi32, #tpu.memory_space<vmem>>, vector<16xi32>,
              tpu.vector_store %arg18[%swap3A], %add3A_203 {strides = array<i32>} : memref<128xi32, #tpu.memory_space<vmem>>, vector<16xi32>,
              %get3A_205 = arith.index_cast %mul3A_199 : i32 to index
              %get3A_206 = tpu.vector_load %arg17[%get3A_205] {strides = array<i32>} : memref<128xi32, #tpu.memory_space<vmem>>, vector<16xi32>,
              %add3A_207 = vector.broadcast %mul3A_0 : i32 to vector<16xi32>
              %add3A_208 = arith.addi %get3A_206, %add3A_207 : vector<16xi32>
              %swap3A_209 = arith.index_cast %mul3A_199 : i32 to index
              %swap3A_210 = tpu.vector_load %arg19[%swap3A_209] {strides = array<i32>} : memref<128xi32, #tpu.memory_space<vmem>>, vector<16xi32>,
              tpu.vector_store %arg19[%swap3A_209], %add3A_208 {strides = array<i32>} : memref<128xi32, #tpu.memory_space<vmem>>, vector<16xi32>,
            }
            %scan3A_190 = arith.constant 8 : i32
            %dma_start3A_191 = arith.constant 0 : i32
            %dma_start3A_192 = arith.constant 0 : i32
            %dma_start3A_193 = tpu.memref_slice %arg2[%dma_start3A_191, %dma_start3A_192] : memref<100000x32xf32, #tpu.memory_space<hbm>> -> memref<100000x32xf32, #tpu.memory_space<hbm>>
            tpu.enqueue_indirect_dma source(%dma_start3A_193 : memref<100000x32xf32, #tpu.memory_space<hbm>>) target(%arg21 : memref<128x32xf32, #tpu.memory_space<vmem>>) offsets(%arg18 : memref<128xi32, #tpu.memory_space<vmem>>) semaphore(%arg30 : memref<!tpu.dma_semaphore, #tpu.memory_space<semaphore_mem>>)
            %dma_start3A_194 = arith.constant 0 : i32
            %dma_start3A_195 = arith.constant 0 : i32
            %dma_start3A_196 = tpu.memref_slice %arg3[%dma_start3A_194, %dma_start3A_195] : memref<100000x32xf32, #tpu.memory_space<hbm>> -> memref<100000x32xf32, #tpu.memory_space<hbm>>
            tpu.enqueue_indirect_dma source(%dma_start3A_196 : memref<100000x32xf32, #tpu.memory_space<hbm>>) target(%arg22 : memref<128x32xf32, #tpu.memory_space<vmem>>) offsets(%arg19 : memref<128xi32, #tpu.memory_space<vmem>>) semaphore(%arg30 : memref<!tpu.dma_semaphore, #tpu.memory_space<semaphore_mem>>)
          } else {
          }
          %dma_start3A = arith.constant 0 : i32
          %dma_start3A_166 = arith.constant 0 : i32
          %dma_start3A_167 = tpu.memref_slice %arg26[%dma_start3A, %dma_start3A_166] : memref<50000x32xf32, #tpu.memory_space<vmem_shared>> -> memref<50000x32xf32, #tpu.memory_space<vmem_shared>>
          tpu.enqueue_indirect_dma source(%arg14 : memref<128x32xf32, #tpu.memory_space<vmem>>) target(%dma_start3A_167 : memref<50000x32xf32, #tpu.memory_space<vmem_shared>>) offsets(%arg9 : memref<128xi32, #tpu.memory_space<vmem>>) semaphore(%arg31 : memref<!tpu.dma_semaphore, #tpu.memory_space<semaphore_mem>>) {add = true}
        } else {
        }
        %jit3A_118 = arith.constant 2 : i32
        %eq3A_119 = arith.constant 0 : i32
        %eq3A_120 = arith.cmpi eq, %jit3A_118, %eq3A_119 : i32
        %jit3A_121 = arith.constant 1 : i32
        %select_n3A_122 = arith.select %eq3A_120, %jit3A_121, %jit3A_118 : i32
        %rem3A_123 = arith.remsi %scan3A_92, %select_n3A_122 : i32
        %ne3A_124 = arith.constant 0 : i32
        %ne3A_125 = arith.cmpi ne, %rem3A_123, %ne3A_124 : i32
        %lt3A_126 = arith.constant 0 : i32
        %lt3A_127 = arith.cmpi slt, %rem3A_123, %lt3A_126 : i32
        %lt3A_128 = arith.constant 0 : i32
        %lt3A_129 = arith.cmpi slt, %select_n3A_122, %lt3A_128 : i32
        %ne3A_130 = arith.xori %lt3A_127, %lt3A_129 : i1
        %and3A_131 = arith.andi %ne3A_130, %ne3A_125 : i1
        %add3A_132 = arith.addi %rem3A_123, %select_n3A_122 : i32
        %select_n3A_133 = arith.select %and3A_131, %add3A_132, %rem3A_123 : i32
        %eq3A_134 = arith.constant 1 : i32
        %eq3A_135 = arith.cmpi eq, %select_n3A_133, %eq3A_134 : i32
        %convert_element_type3A_136 = arith.extui %eq3A_135 : i1 to i32
        %cond3A_137 = arith.constant 0 : i32
        %cond3A_138 = arith.cmpi ne, %convert_element_type3A_136, %cond3A_137 : i32
        scf.if %cond3A_138 {
          %add3A_139 = arith.addi %add3A, %scan3A_92 : i32
          %ge3A = arith.constant 1 : i32
          %ge3A_140 = arith.cmpi sge, %scan3A_92, %ge3A : i32
          %convert_element_type3A_141 = arith.extui %ge3A_140 : i1 to i32
          %cond3A_142 = arith.constant 0 : i32
          %cond3A_143 = arith.cmpi ne, %convert_element_type3A_141, %cond3A_142 : i32
          scf.if %cond3A_143 {
            %dma_wait3A_168 = arith.constant 0 : i32
            %dma_wait3A_169 = arith.constant 0 : i32
            %dma_wait3A_170 = tpu.memref_slice %arg26[%dma_wait3A_168, %dma_wait3A_169] : memref<50000x32xf32, #tpu.memory_space<vmem_shared>> -> memref<50000x32xf32, #tpu.memory_space<vmem_shared>>
            tpu.wait_indirect_dma semaphore(%arg31 : memref<!tpu.dma_semaphore, #tpu.memory_space<semaphore_mem>>) src(%arg14 : memref<128x32xf32, #tpu.memory_space<vmem>>) dst(%dma_wait3A_170 : memref<50000x32xf32, #tpu.memory_space<vmem_shared>>)
          } else {
          }
          %add3A_144 = arith.constant 1 : i32
          %add3A_145 = arith.addi %scan3A_92, %add3A_144 : i32
          %lt3A_146 = arith.cmpi slt, %add3A_145, %add3A_20 : i32
          %convert_element_type3A_147 = arith.extui %lt3A_146 : i1 to i32
          %cond3A_148 = arith.constant 0 : i32
          %cond3A_149 = arith.cmpi ne, %convert_element_type3A_147, %cond3A_148 : i32
          scf.if %cond3A_149 {
            %add3A_168 = arith.constant 1 : i32
            %add3A_169 = arith.addi %add3A_139, %add3A_168 : i32
            %mul3A_170 = arith.constant 128 : i32
            %mul3A_171 = arith.muli %add3A_169, %mul3A_170 : i32
            %dma_start3A_172 = tpu.memref_slice %arg5[%mul3A_171] : memref<800000xi32, #tpu.memory_space<hbm>> -> memref<128xi32, #tpu.memory_space<hbm>>
            %dma_start3A_173 = tpu.memref_slice %arg5[%mul3A_171] : memref<800000xi32, #tpu.memory_space<hbm>> -> memref<128xi32, #tpu.memory_space<hbm>>
            tpu.enqueue_dma source(%dma_start3A_173 : memref<128xi32, #tpu.memory_space<hbm>>) target(%arg9 : memref<128xi32, #tpu.memory_space<vmem>>) target_semaphore(%arg27 : memref<!tpu.dma_semaphore, #tpu.memory_space<semaphore_mem>>)
            %mul3A_174 = arith.constant 128 : i32
            %mul3A_175 = arith.muli %add3A_169, %mul3A_174 : i32
            %dma_start3A_176 = tpu.memref_slice %arg6[%mul3A_175] : memref<800000xi32, #tpu.memory_space<hbm>> -> memref<128xi32, #tpu.memory_space<hbm>>
            %dma_start3A_177 = tpu.memref_slice %arg6[%mul3A_175] : memref<800000xi32, #tpu.memory_space<hbm>> -> memref<128xi32, #tpu.memory_space<hbm>>
            tpu.enqueue_dma source(%dma_start3A_177 : memref<128xi32, #tpu.memory_space<hbm>>) target(%arg10 : memref<128xi32, #tpu.memory_space<vmem>>) target_semaphore(%arg27 : memref<!tpu.dma_semaphore, #tpu.memory_space<semaphore_mem>>)
            %mul3A_178 = arith.constant 128 : i32
            %mul3A_179 = arith.muli %add3A_169, %mul3A_178 : i32
            %dma_start3A_180 = arith.constant 0 : i32
            %dma_start3A_181 = tpu.memref_slice %arg13[%dma_start3A_180] : memref<144xf32, #tpu.memory_space<vmem>> -> memref<128xf32, #tpu.memory_space<vmem>>
            %dma_start3A_182 = tpu.memref_slice %arg7[%mul3A_179] : memref<800000xf32, #tpu.memory_space<hbm>> -> memref<128xf32, #tpu.memory_space<hbm>>
            %dma_start3A_183 = arith.constant 0 : i32
            %dma_start3A_184 = tpu.memref_slice %arg13[%dma_start3A_183] : memref<144xf32, #tpu.memory_space<vmem>> -> memref<128xf32, #tpu.memory_space<vmem>>
            %dma_start3A_185 = tpu.memref_slice %arg7[%mul3A_179] : memref<800000xf32, #tpu.memory_space<hbm>> -> memref<128xf32, #tpu.memory_space<hbm>>
            tpu.enqueue_dma source(%dma_start3A_185 : memref<128xf32, #tpu.memory_space<hbm>>) target(%dma_start3A_184 : memref<128xf32, #tpu.memory_space<vmem>>) target_semaphore(%arg27 : memref<!tpu.dma_semaphore, #tpu.memory_space<semaphore_mem>>)
          } else {
          }
          %dma_wait3A = arith.constant 0 : i32
          %dma_wait3A_150 = arith.constant 0 : i32
          %dma_wait3A_151 = tpu.memref_slice %arg2[%dma_wait3A, %dma_wait3A_150] : memref<100000x32xf32, #tpu.memory_space<hbm>> -> memref<100000x32xf32, #tpu.memory_space<hbm>>
          tpu.wait_indirect_dma semaphore(%arg30 : memref<!tpu.dma_semaphore, #tpu.memory_space<semaphore_mem>>) src(%dma_wait3A_151 : memref<100000x32xf32, #tpu.memory_space<hbm>>) dst(%arg21 : memref<128x32xf32, #tpu.memory_space<vmem>>)
          %dma_wait3A_152 = arith.constant 0 : i32
          %dma_wait3A_153 = arith.constant 0 : i32
          %dma_wait3A_154 = tpu.memref_slice %arg3[%dma_wait3A_152, %dma_wait3A_153] : memref<100000x32xf32, #tpu.memory_space<hbm>> -> memref<100000x32xf32, #tpu.memory_space<hbm>>
          tpu.wait_indirect_dma semaphore(%arg30 : memref<!tpu.dma_semaphore, #tpu.memory_space<semaphore_mem>>) src(%dma_wait3A_154 : memref<100000x32xf32, #tpu.memory_space<hbm>>) dst(%arg22 : memref<128x32xf32, #tpu.memory_space<vmem>>)
          %scan3A_155 = arith.constant 0 : i32
          %scan3A_156 = arith.constant 128 : i32
          %scan3A_157 = arith.addi %scan3A_155, %scan3A_156 : i32
          %scan3A_158 = arith.constant 1 : i32
          scf.for %scan3A_168 = %scan3A_155 to %scan3A_157 step %scan3A_158  : i32 {
            %get3A_169 = arith.index_cast %scan3A_168 : i32 to index
            %get3A_170 = tpu.vector_load %arg20[%get3A_169] {strides = array<i32>} : memref<144xf32, #tpu.memory_space<vmem>>, vector<16xf32>,
            %slice3A = vector.extract_strided_slice %get3A_170 {offsets = [0], sizes = [1], strides = [1]} : vector<16xf32> to vector<1xf32>
            %squeeze3A = vector.extract %slice3A[0] : f32 from vector<1xf32>
            %get3A_171 = arith.index_cast %scan3A_168 : i32 to index
            %get3A_172 = arith.constant 0 : index
            %get3A_173 = tpu.vector_load %arg21[%get3A_171, %get3A_172] {strides = array<i32>} : memref<128x32xf32, #tpu.memory_space<vmem>>, vector<16xf32>,
            %get3A_174 = arith.index_cast %scan3A_168 : i32 to index
            %get3A_175 = arith.constant 0 : index
            %get3A_176 = tpu.vector_load %arg22[%get3A_174, %get3A_175] {strides = array<i32>} : memref<128x32xf32, #tpu.memory_space<vmem>>, vector<16xf32>,
            %add3A_177 = arith.addf %get3A_173, %get3A_176 : vector<16xf32>
            %mul3A_178 = vector.broadcast %squeeze3A : f32 to vector<16xf32>
            %mul3A_179 = arith.mulf %mul3A_178, %get3A_21 : vector<16xf32>
            %add3A_180 = arith.addf %add3A_177, %mul3A_179 : vector<16xf32>
            %max3A = arith.constant 0.000000e+00 : f32
            %max3A_181 = vector.broadcast %max3A : f32 to vector<16xf32>
            %max3A_182 = arith.maximumf %add3A_180, %max3A_181 : vector<16xf32>
            %get3A_183 = arith.index_cast %scan3A_168 : i32 to index
            %get3A_184 = arith.constant 16 : index
            %get3A_185 = tpu.vector_load %arg21[%get3A_183, %get3A_184] {strides = array<i32>} : memref<128x32xf32, #tpu.memory_space<vmem>>, vector<16xf32>,
            %get3A_186 = arith.index_cast %scan3A_168 : i32 to index
            %get3A_187 = arith.constant 16 : index
            %get3A_188 = tpu.vector_load %arg22[%get3A_186, %get3A_187] {strides = array<i32>} : memref<128x32xf32, #tpu.memory_space<vmem>>, vector<16xf32>,
            %add3A_189 = arith.addf %get3A_185, %get3A_188 : vector<16xf32>
            %mul3A_190 = vector.broadcast %squeeze3A : f32 to vector<16xf32>
            %mul3A_191 = arith.mulf %mul3A_190, %get3A_23 : vector<16xf32>
            %add3A_192 = arith.addf %add3A_189, %mul3A_191 : vector<16xf32>
            %max3A_193 = arith.constant 0.000000e+00 : f32
            %max3A_194 = vector.broadcast %max3A_193 : f32 to vector<16xf32>
            %max3A_195 = arith.maximumf %add3A_192, %max3A_194 : vector<16xf32>
            %swap3A = arith.index_cast %scan3A_168 : i32 to index
            %swap3A_196 = arith.constant 0 : index
            %swap3A_197 = tpu.vector_load %arg21[%swap3A, %swap3A_196] {strides = array<i32>} : memref<128x32xf32, #tpu.memory_space<vmem>>, vector<16xf32>,
            tpu.vector_store %arg21[%swap3A, %swap3A_196], %max3A_182 {strides = array<i32>} : memref<128x32xf32, #tpu.memory_space<vmem>>, vector<16xf32>,
            %swap3A_198 = arith.index_cast %scan3A_168 : i32 to index
            %swap3A_199 = arith.constant 16 : index
            %swap3A_200 = tpu.vector_load %arg21[%swap3A_198, %swap3A_199] {strides = array<i32>} : memref<128x32xf32, #tpu.memory_space<vmem>>, vector<16xf32>,
            tpu.vector_store %arg21[%swap3A_198, %swap3A_199], %max3A_195 {strides = array<i32>} : memref<128x32xf32, #tpu.memory_space<vmem>>, vector<16xf32>,
          }
          %scan3A_159 = arith.constant 128 : i32
          %add3A_160 = arith.constant 1 : i32
          %add3A_161 = arith.addi %scan3A_92, %add3A_160 : i32
          %lt3A_162 = arith.cmpi slt, %add3A_161, %add3A_20 : i32
          %convert_element_type3A_163 = arith.extui %lt3A_162 : i1 to i32
          %cond3A_164 = arith.constant 0 : i32
          %cond3A_165 = arith.cmpi ne, %convert_element_type3A_163, %cond3A_164 : i32
          scf.if %cond3A_165 {
            %add3A_168 = arith.constant 1 : i32
            %add3A_169 = arith.addi %add3A_139, %add3A_168 : i32
            %mul3A_170 = arith.constant 128 : i32
            %mul3A_171 = arith.muli %add3A_169, %mul3A_170 : i32
            %dma_wait3A_172 = tpu.memref_slice %arg5[%mul3A_171] : memref<800000xi32, #tpu.memory_space<hbm>> -> memref<128xi32, #tpu.memory_space<hbm>>
            %dma_wait3A_173 = tpu.memref_slice %arg5[%mul3A_171] : memref<800000xi32, #tpu.memory_space<hbm>> -> memref<128xi32, #tpu.memory_space<hbm>>
            tpu.wait_dma2 semaphore(%arg27 : memref<!tpu.dma_semaphore, #tpu.memory_space<semaphore_mem>>) src(%dma_wait3A_173 : memref<128xi32, #tpu.memory_space<hbm>>) dst(%arg9 : memref<128xi32, #tpu.memory_space<vmem>>)
            %mul3A_174 = arith.constant 128 : i32
            %mul3A_175 = arith.muli %add3A_169, %mul3A_174 : i32
            %dma_wait3A_176 = tpu.memref_slice %arg6[%mul3A_175] : memref<800000xi32, #tpu.memory_space<hbm>> -> memref<128xi32, #tpu.memory_space<hbm>>
            %dma_wait3A_177 = tpu.memref_slice %arg6[%mul3A_175] : memref<800000xi32, #tpu.memory_space<hbm>> -> memref<128xi32, #tpu.memory_space<hbm>>
            tpu.wait_dma2 semaphore(%arg27 : memref<!tpu.dma_semaphore, #tpu.memory_space<semaphore_mem>>) src(%dma_wait3A_177 : memref<128xi32, #tpu.memory_space<hbm>>) dst(%arg10 : memref<128xi32, #tpu.memory_space<vmem>>)
            %mul3A_178 = arith.constant 128 : i32
            %mul3A_179 = arith.muli %add3A_169, %mul3A_178 : i32
            %dma_wait3A_180 = arith.constant 0 : i32
            %dma_wait3A_181 = tpu.memref_slice %arg13[%dma_wait3A_180] : memref<144xf32, #tpu.memory_space<vmem>> -> memref<128xf32, #tpu.memory_space<vmem>>
            %dma_wait3A_182 = tpu.memref_slice %arg7[%mul3A_179] : memref<800000xf32, #tpu.memory_space<hbm>> -> memref<128xf32, #tpu.memory_space<hbm>>
            %dma_wait3A_183 = arith.constant 0 : i32
            %dma_wait3A_184 = tpu.memref_slice %arg13[%dma_wait3A_183] : memref<144xf32, #tpu.memory_space<vmem>> -> memref<128xf32, #tpu.memory_space<vmem>>
            %dma_wait3A_185 = tpu.memref_slice %arg7[%mul3A_179] : memref<800000xf32, #tpu.memory_space<hbm>> -> memref<128xf32, #tpu.memory_space<hbm>>
            tpu.wait_dma2 semaphore(%arg27 : memref<!tpu.dma_semaphore, #tpu.memory_space<semaphore_mem>>) src(%dma_wait3A_185 : memref<128xf32, #tpu.memory_space<hbm>>) dst(%dma_wait3A_184 : memref<128xf32, #tpu.memory_space<vmem>>)
            %scan3A_186 = arith.constant 0 : i32
            %scan3A_187 = arith.constant 8 : i32
            %scan3A_188 = arith.addi %scan3A_186, %scan3A_187 : i32
            %scan3A_189 = arith.constant 1 : i32
            scf.for %scan3A_197 = %scan3A_186 to %scan3A_188 step %scan3A_189  : i32 {
              %mul3A_198 = arith.constant 16 : i32
              %mul3A_199 = arith.muli %scan3A_197, %mul3A_198 : i32
              %get3A_200 = arith.index_cast %mul3A_199 : i32 to index
              %get3A_201 = tpu.vector_load %arg9[%get3A_200] {strides = array<i32>} : memref<128xi32, #tpu.memory_space<vmem>>, vector<16xi32>,
              %add3A_202 = vector.broadcast %mul3A_0 : i32 to vector<16xi32>
              %add3A_203 = arith.addi %get3A_201, %add3A_202 : vector<16xi32>
              %swap3A = arith.index_cast %mul3A_199 : i32 to index
              %swap3A_204 = tpu.vector_load %arg11[%swap3A] {strides = array<i32>} : memref<128xi32, #tpu.memory_space<vmem>>, vector<16xi32>,
              tpu.vector_store %arg11[%swap3A], %add3A_203 {strides = array<i32>} : memref<128xi32, #tpu.memory_space<vmem>>, vector<16xi32>,
              %get3A_205 = arith.index_cast %mul3A_199 : i32 to index
              %get3A_206 = tpu.vector_load %arg10[%get3A_205] {strides = array<i32>} : memref<128xi32, #tpu.memory_space<vmem>>, vector<16xi32>,
              %add3A_207 = vector.broadcast %mul3A_0 : i32 to vector<16xi32>
              %add3A_208 = arith.addi %get3A_206, %add3A_207 : vector<16xi32>
              %swap3A_209 = arith.index_cast %mul3A_199 : i32 to index
              %swap3A_210 = tpu.vector_load %arg12[%swap3A_209] {strides = array<i32>} : memref<128xi32, #tpu.memory_space<vmem>>, vector<16xi32>,
              tpu.vector_store %arg12[%swap3A_209], %add3A_208 {strides = array<i32>} : memref<128xi32, #tpu.memory_space<vmem>>, vector<16xi32>,
            }
            %scan3A_190 = arith.constant 8 : i32
            %dma_start3A_191 = arith.constant 0 : i32
            %dma_start3A_192 = arith.constant 0 : i32
            %dma_start3A_193 = tpu.memref_slice %arg2[%dma_start3A_191, %dma_start3A_192] : memref<100000x32xf32, #tpu.memory_space<hbm>> -> memref<100000x32xf32, #tpu.memory_space<hbm>>
            tpu.enqueue_indirect_dma source(%dma_start3A_193 : memref<100000x32xf32, #tpu.memory_space<hbm>>) target(%arg14 : memref<128x32xf32, #tpu.memory_space<vmem>>) offsets(%arg11 : memref<128xi32, #tpu.memory_space<vmem>>) semaphore(%arg29 : memref<!tpu.dma_semaphore, #tpu.memory_space<semaphore_mem>>)
            %dma_start3A_194 = arith.constant 0 : i32
            %dma_start3A_195 = arith.constant 0 : i32
            %dma_start3A_196 = tpu.memref_slice %arg3[%dma_start3A_194, %dma_start3A_195] : memref<100000x32xf32, #tpu.memory_space<hbm>> -> memref<100000x32xf32, #tpu.memory_space<hbm>>
            tpu.enqueue_indirect_dma source(%dma_start3A_196 : memref<100000x32xf32, #tpu.memory_space<hbm>>) target(%arg15 : memref<128x32xf32, #tpu.memory_space<vmem>>) offsets(%arg12 : memref<128xi32, #tpu.memory_space<vmem>>) semaphore(%arg29 : memref<!tpu.dma_semaphore, #tpu.memory_space<semaphore_mem>>)
          } else {
          }
          %dma_start3A = arith.constant 0 : i32
          %dma_start3A_166 = arith.constant 0 : i32
          %dma_start3A_167 = tpu.memref_slice %arg26[%dma_start3A, %dma_start3A_166] : memref<50000x32xf32, #tpu.memory_space<vmem_shared>> -> memref<50000x32xf32, #tpu.memory_space<vmem_shared>>
          tpu.enqueue_indirect_dma source(%arg21 : memref<128x32xf32, #tpu.memory_space<vmem>>) target(%dma_start3A_167 : memref<50000x32xf32, #tpu.memory_space<vmem_shared>>) offsets(%arg16 : memref<128xi32, #tpu.memory_space<vmem>>) semaphore(%arg32 : memref<!tpu.dma_semaphore, #tpu.memory_space<semaphore_mem>>) {add = true}
        } else {
        }
      } else {
      }
    }
    %scan3A_32 = arith.constant 391 : i32
    %gt3A_33 = arith.constant 0 : i32
    %gt3A_34 = arith.cmpi sgt, %add3A_20, %gt3A_33 : i32
    %sub3A = arith.constant 1 : i32
    %sub3A_35 = arith.subi %add3A_20, %sub3A : i32
    %jit3A_36 = arith.constant 2 : i32
    %eq3A_37 = arith.constant 0 : i32
    %eq3A_38 = arith.cmpi eq, %jit3A_36, %eq3A_37 : i32
    %jit3A_39 = arith.constant 1 : i32
    %select_n3A_40 = arith.select %eq3A_38, %jit3A_39, %jit3A_36 : i32
    %rem3A = arith.remsi %sub3A_35, %select_n3A_40 : i32
    %ne3A = arith.constant 0 : i32
    %ne3A_41 = arith.cmpi ne, %rem3A, %ne3A : i32
    %lt3A_42 = arith.constant 0 : i32
    %lt3A_43 = arith.cmpi slt, %rem3A, %lt3A_42 : i32
    %lt3A_44 = arith.constant 0 : i32
    %lt3A_45 = arith.cmpi slt, %select_n3A_40, %lt3A_44 : i32
    %ne3A_46 = arith.xori %lt3A_43, %lt3A_45 : i1
    %and3A = arith.andi %ne3A_46, %ne3A_41 : i1
    %add3A_47 = arith.addi %rem3A, %select_n3A_40 : i32
    %select_n3A_48 = arith.select %and3A, %add3A_47, %rem3A : i32
    %eq3A_49 = arith.constant 0 : i32
    %eq3A_50 = arith.cmpi eq, %select_n3A_48, %eq3A_49 : i32
    %and3A_51 = arith.andi %gt3A_34, %eq3A_50 : i1
    %convert_element_type3A_52 = arith.extui %and3A_51 : i1 to i32
    %cond3A_53 = arith.constant 0 : i32
    %cond3A_54 = arith.cmpi ne, %convert_element_type3A_52, %cond3A_53 : i32
    scf.if %cond3A_54 {
      %dma_wait3A = arith.constant 0 : i32
      %dma_wait3A_92 = arith.constant 0 : i32
      %dma_wait3A_93 = tpu.memref_slice %arg26[%dma_wait3A, %dma_wait3A_92] : memref<50000x32xf32, #tpu.memory_space<vmem_shared>> -> memref<50000x32xf32, #tpu.memory_space<vmem_shared>>
      tpu.wait_indirect_dma semaphore(%arg31 : memref<!tpu.dma_semaphore, #tpu.memory_space<semaphore_mem>>) src(%arg14 : memref<128x32xf32, #tpu.memory_space<vmem>>) dst(%dma_wait3A_93 : memref<50000x32xf32, #tpu.memory_space<vmem_shared>>)
    } else {
    }
    %gt3A_55 = arith.constant 0 : i32
    %gt3A_56 = arith.cmpi sgt, %add3A_20, %gt3A_55 : i32
    %sub3A_57 = arith.constant 1 : i32
    %sub3A_58 = arith.subi %add3A_20, %sub3A_57 : i32
    %jit3A_59 = arith.constant 2 : i32
    %eq3A_60 = arith.constant 0 : i32
    %eq3A_61 = arith.cmpi eq, %jit3A_59, %eq3A_60 : i32
    %jit3A_62 = arith.constant 1 : i32
    %select_n3A_63 = arith.select %eq3A_61, %jit3A_62, %jit3A_59 : i32
    %rem3A_64 = arith.remsi %sub3A_58, %select_n3A_63 : i32
    %ne3A_65 = arith.constant 0 : i32
    %ne3A_66 = arith.cmpi ne, %rem3A_64, %ne3A_65 : i32
    %lt3A_67 = arith.constant 0 : i32
    %lt3A_68 = arith.cmpi slt, %rem3A_64, %lt3A_67 : i32
    %lt3A_69 = arith.constant 0 : i32
    %lt3A_70 = arith.cmpi slt, %select_n3A_63, %lt3A_69 : i32
    %ne3A_71 = arith.xori %lt3A_68, %lt3A_70 : i1
    %and3A_72 = arith.andi %ne3A_71, %ne3A_66 : i1
    %add3A_73 = arith.addi %rem3A_64, %select_n3A_63 : i32
    %select_n3A_74 = arith.select %and3A_72, %add3A_73, %rem3A_64 : i32
    %eq3A_75 = arith.constant 1 : i32
    %eq3A_76 = arith.cmpi eq, %select_n3A_74, %eq3A_75 : i32
    %and3A_77 = arith.andi %gt3A_56, %eq3A_76 : i1
    %convert_element_type3A_78 = arith.extui %and3A_77 : i1 to i32
    %cond3A_79 = arith.constant 0 : i32
    %cond3A_80 = arith.cmpi ne, %convert_element_type3A_78, %cond3A_79 : i32
    scf.if %cond3A_80 {
      %dma_wait3A = arith.constant 0 : i32
      %dma_wait3A_92 = arith.constant 0 : i32
      %dma_wait3A_93 = tpu.memref_slice %arg26[%dma_wait3A, %dma_wait3A_92] : memref<50000x32xf32, #tpu.memory_space<vmem_shared>> -> memref<50000x32xf32, #tpu.memory_space<vmem_shared>>
      tpu.wait_indirect_dma semaphore(%arg32 : memref<!tpu.dma_semaphore, #tpu.memory_space<semaphore_mem>>) src(%arg21 : memref<128x32xf32, #tpu.memory_space<vmem>>) dst(%dma_wait3A_93 : memref<50000x32xf32, #tpu.memory_space<vmem_shared>>)
    } else {
    }
    %barrier3A_81 = arith.constant 0 : index
    tpu.barrier barrier_id(%barrier3A_81)
    %lt3A_82 = arith.constant 15 : i32
    %lt3A_83 = arith.cmpi slt, %arg1, %lt3A_82 : i32
    %convert_element_type3A_84 = arith.extui %lt3A_83 : i1 to i32
    %cond3A_85 = arith.constant 0 : i32
    %cond3A_86 = arith.cmpi ne, %convert_element_type3A_84, %cond3A_85 : i32
    scf.if %cond3A_86 {
      %mul3A_92 = arith.constant 3128 : i32
      %mul3A_93 = arith.muli %arg1, %mul3A_92 : i32
      %mul3A_94 = arith.constant 50000 : i32
      %mul3A_95 = arith.muli %arg0, %mul3A_94 : i32
      %add3A_96 = arith.addi %mul3A_95, %mul3A_93 : i32
      %scan3A_97 = arith.constant 0 : i32
      %scan3A_98 = arith.constant 26 : i32
      %scan3A_99 = arith.addi %scan3A_97, %scan3A_98 : i32
      %scan3A_100 = arith.constant 1 : i32
      scf.for %scan3A_106 = %scan3A_97 to %scan3A_99 step %scan3A_100  : i32 {
        %mul3A_107 = arith.constant 120 : i32
        %mul3A_108 = arith.muli %scan3A_106, %mul3A_107 : i32
        %add3A_109 = arith.addi %mul3A_93, %mul3A_108 : i32
        "tpu.region"() ({
          %run_scoped3A = tpu.sem_alloc : memref<!tpu.dma_semaphore, #tpu.memory_space<semaphore_mem>>
          %dma_start3A = arith.constant 0 : i32
          %dma_start3A_113 = tpu.memref_slice %arg26[%add3A_109, %dma_start3A] : memref<50000x32xf32, #tpu.memory_space<vmem_shared>> -> memref<120x32xf32, #tpu.memory_space<vmem_shared>>
          %dma_start3A_114 = arith.constant 0 : i32
          %dma_start3A_115 = tpu.memref_slice %arg26[%add3A_109, %dma_start3A_114] : memref<50000x32xf32, #tpu.memory_space<vmem_shared>> -> memref<120x32xf32, #tpu.memory_space<vmem_shared>>
          tpu.enqueue_dma source(%dma_start3A_115 : memref<120x32xf32, #tpu.memory_space<vmem_shared>>) target(%arg25 : memref<120x32xf32, #tpu.memory_space<vmem>>) target_semaphore(%run_scoped3A : memref<!tpu.dma_semaphore, #tpu.memory_space<semaphore_mem>>)
          %dma_wait3A = arith.constant 0 : i32
          %dma_wait3A_116 = tpu.memref_slice %arg26[%add3A_109, %dma_wait3A] : memref<50000x32xf32, #tpu.memory_space<vmem_shared>> -> memref<120x32xf32, #tpu.memory_space<vmem_shared>>
          %dma_wait3A_117 = arith.constant 0 : i32
          %dma_wait3A_118 = tpu.memref_slice %arg26[%add3A_109, %dma_wait3A_117] : memref<50000x32xf32, #tpu.memory_space<vmem_shared>> -> memref<120x32xf32, #tpu.memory_space<vmem_shared>>
          tpu.wait_dma2 semaphore(%run_scoped3A : memref<!tpu.dma_semaphore, #tpu.memory_space<semaphore_mem>>) src(%dma_wait3A_118 : memref<120x32xf32, #tpu.memory_space<vmem_shared>>) dst(%arg25 : memref<120x32xf32, #tpu.memory_space<vmem>>)
          tpu.yield
        }) : () -> ()
        %mul3A_110 = arith.constant 120 : i32
        %mul3A_111 = arith.muli %scan3A_106, %mul3A_110 : i32
        %add3A_112 = arith.addi %add3A_96, %mul3A_111 : i32
        "tpu.region"() ({
          %run_scoped3A = tpu.sem_alloc : memref<!tpu.dma_semaphore, #tpu.memory_space<semaphore_mem>>
          %dma_start3A = arith.constant 0 : i32
          %dma_start3A_113 = tpu.memref_slice %arg8[%add3A_112, %dma_start3A] : memref<100000x32xf32, #tpu.memory_space<hbm>> -> memref<120x32xf32, #tpu.memory_space<hbm>>
          %dma_start3A_114 = arith.constant 0 : i32
          %dma_start3A_115 = tpu.memref_slice %arg8[%add3A_112, %dma_start3A_114] : memref<100000x32xf32, #tpu.memory_space<hbm>> -> memref<120x32xf32, #tpu.memory_space<hbm>>
          tpu.enqueue_dma source(%arg25 : memref<120x32xf32, #tpu.memory_space<vmem>>) target(%dma_start3A_115 : memref<120x32xf32, #tpu.memory_space<hbm>>) target_semaphore(%run_scoped3A : memref<!tpu.dma_semaphore, #tpu.memory_space<semaphore_mem>>)
          %dma_wait3A = arith.constant 0 : i32
          %dma_wait3A_116 = tpu.memref_slice %arg8[%add3A_112, %dma_wait3A] : memref<100000x32xf32, #tpu.memory_space<hbm>> -> memref<120x32xf32, #tpu.memory_space<hbm>>
          %dma_wait3A_117 = arith.constant 0 : i32
          %dma_wait3A_118 = tpu.memref_slice %arg8[%add3A_112, %dma_wait3A_117] : memref<100000x32xf32, #tpu.memory_space<hbm>> -> memref<120x32xf32, #tpu.memory_space<hbm>>
          tpu.wait_dma2 semaphore(%run_scoped3A : memref<!tpu.dma_semaphore, #tpu.memory_space<semaphore_mem>>) src(%arg25 : memref<120x32xf32, #tpu.memory_space<vmem>>) dst(%dma_wait3A_118 : memref<120x32xf32, #tpu.memory_space<hbm>>)
          tpu.yield
        }) : () -> ()
      }
      %scan3A_101 = arith.constant 26 : i32
      %add3A_102 = arith.constant 3120 : i32
      %add3A_103 = arith.addi %mul3A_93, %add3A_102 : i32
      "tpu.region"() ({
        %run_scoped3A = tpu.sem_alloc : memref<!tpu.dma_semaphore, #tpu.memory_space<semaphore_mem>>
        %dma_start3A = arith.constant 0 : i32
        %dma_start3A_106 = arith.constant 0 : i32
        %dma_start3A_107 = tpu.memref_slice %arg25[%dma_start3A, %dma_start3A_106] : memref<120x32xf32, #tpu.memory_space<vmem>> -> memref<8x32xf32, #tpu.memory_space<vmem>>
        %dma_start3A_108 = arith.constant 0 : i32
        %dma_start3A_109 = tpu.memref_slice %arg26[%add3A_103, %dma_start3A_108] : memref<50000x32xf32, #tpu.memory_space<vmem_shared>> -> memref<8x32xf32, #tpu.memory_space<vmem_shared>>
        %dma_start3A_110 = arith.constant 0 : i32
        %dma_start3A_111 = arith.constant 0 : i32
        %dma_start3A_112 = tpu.memref_slice %arg25[%dma_start3A_110, %dma_start3A_111] : memref<120x32xf32, #tpu.memory_space<vmem>> -> memref<8x32xf32, #tpu.memory_space<vmem>>
        %dma_start3A_113 = arith.constant 0 : i32
        %dma_start3A_114 = tpu.memref_slice %arg26[%add3A_103, %dma_start3A_113] : memref<50000x32xf32, #tpu.memory_space<vmem_shared>> -> memref<8x32xf32, #tpu.memory_space<vmem_shared>>
        tpu.enqueue_dma source(%dma_start3A_114 : memref<8x32xf32, #tpu.memory_space<vmem_shared>>) target(%dma_start3A_112 : memref<8x32xf32, #tpu.memory_space<vmem>>) target_semaphore(%run_scoped3A : memref<!tpu.dma_semaphore, #tpu.memory_space<semaphore_mem>>)
        %dma_wait3A = arith.constant 0 : i32
        %dma_wait3A_115 = arith.constant 0 : i32
        %dma_wait3A_116 = tpu.memref_slice %arg25[%dma_wait3A, %dma_wait3A_115] : memref<120x32xf32, #tpu.memory_space<vmem>> -> memref<8x32xf32, #tpu.memory_space<vmem>>
        %dma_wait3A_117 = arith.constant 0 : i32
        %dma_wait3A_118 = tpu.memref_slice %arg26[%add3A_103, %dma_wait3A_117] : memref<50000x32xf32, #tpu.memory_space<vmem_shared>> -> memref<8x32xf32, #tpu.memory_space<vmem_shared>>
        %dma_wait3A_119 = arith.constant 0 : i32
        %dma_wait3A_120 = arith.constant 0 : i32
        %dma_wait3A_121 = tpu.memref_slice %arg25[%dma_wait3A_119, %dma_wait3A_120] : memref<120x32xf32, #tpu.memory_space<vmem>> -> memref<8x32xf32, #tpu.memory_space<vmem>>
        %dma_wait3A_122 = arith.constant 0 : i32
        %dma_wait3A_123 = tpu.memref_slice %arg26[%add3A_103, %dma_wait3A_122] : memref<50000x32xf32, #tpu.memory_space<vmem_shared>> -> memref<8x32xf32, #tpu.memory_space<vmem_shared>>
        tpu.wait_dma2 semaphore(%run_scoped3A : memref<!tpu.dma_semaphore, #tpu.memory_space<semaphore_mem>>) src(%dma_wait3A_123 : memref<8x32xf32, #tpu.memory_space<vmem_shared>>) dst(%dma_wait3A_121 : memref<8x32xf32, #tpu.memory_space<vmem>>)
        tpu.yield
      }) : () -> ()
      %add3A_104 = arith.constant 3120 : i32
      %add3A_105 = arith.addi %add3A_96, %add3A_104 : i32
      "tpu.region"() ({
        %run_scoped3A = tpu.sem_alloc : memref<!tpu.dma_semaphore, #tpu.memory_space<semaphore_mem>>
        %dma_start3A = arith.constant 0 : i32
        %dma_start3A_106 = arith.constant 0 : i32
        %dma_start3A_107 = tpu.memref_slice %arg25[%dma_start3A, %dma_start3A_106] : memref<120x32xf32, #tpu.memory_space<vmem>> -> memref<8x32xf32, #tpu.memory_space<vmem>>
        %dma_start3A_108 = arith.constant 0 : i32
        %dma_start3A_109 = tpu.memref_slice %arg8[%add3A_105, %dma_start3A_108] : memref<100000x32xf32, #tpu.memory_space<hbm>> -> memref<8x32xf32, #tpu.memory_space<hbm>>
        %dma_start3A_110 = arith.constant 0 : i32
        %dma_start3A_111 = tpu.memref_slice %arg8[%add3A_105, %dma_start3A_110] : memref<100000x32xf32, #tpu.memory_space<hbm>> -> memref<8x32xf32, #tpu.memory_space<hbm>>
        %dma_start3A_112 = arith.constant 0 : i32
        %dma_start3A_113 = arith.constant 0 : i32
        %dma_start3A_114 = tpu.memref_slice %arg25[%dma_start3A_112, %dma_start3A_113] : memref<120x32xf32, #tpu.memory_space<vmem>> -> memref<8x32xf32, #tpu.memory_space<vmem>>
        tpu.enqueue_dma source(%dma_start3A_114 : memref<8x32xf32, #tpu.memory_space<vmem>>) target(%dma_start3A_111 : memref<8x32xf32, #tpu.memory_space<hbm>>) target_semaphore(%run_scoped3A : memref<!tpu.dma_semaphore, #tpu.memory_space<semaphore_mem>>)
        %dma_wait3A = arith.constant 0 : i32
        %dma_wait3A_115 = arith.constant 0 : i32
        %dma_wait3A_116 = tpu.memref_slice %arg25[%dma_wait3A, %dma_wait3A_115] : memref<120x32xf32, #tpu.memory_space<vmem>> -> memref<8x32xf32, #tpu.memory_space<vmem>>
        %dma_wait3A_117 = arith.constant 0 : i32
        %dma_wait3A_118 = tpu.memref_slice %arg8[%add3A_105, %dma_wait3A_117] : memref<100000x32xf32, #tpu.memory_space<hbm>> -> memref<8x32xf32, #tpu.memory_space<hbm>>
        %dma_wait3A_119 = arith.constant 0 : i32
        %dma_wait3A_120 = tpu.memref_slice %arg8[%add3A_105, %dma_wait3A_119] : memref<100000x32xf32, #tpu.memory_space<hbm>> -> memref<8x32xf32, #tpu.memory_space<hbm>>
        %dma_wait3A_121 = arith.constant 0 : i32
        %dma_wait3A_122 = arith.constant 0 : i32
        %dma_wait3A_123 = tpu.memref_slice %arg25[%dma_wait3A_121, %dma_wait3A_122] : memref<120x32xf32, #tpu.memory_space<vmem>> -> memref<8x32xf32, #tpu.memory_space<vmem>>
        tpu.wait_dma2 semaphore(%run_scoped3A : memref<!tpu.dma_semaphore, #tpu.memory_space<semaphore_mem>>) src(%dma_wait3A_123 : memref<8x32xf32, #tpu.memory_space<vmem>>) dst(%dma_wait3A_120 : memref<8x32xf32, #tpu.memory_space<hbm>>)
        tpu.yield
      }) : () -> ()
    } else {
    }
    %eq3A_87 = arith.constant 15 : i32
    %eq3A_88 = arith.cmpi eq, %arg1, %eq3A_87 : i32
    %convert_element_type3A_89 = arith.extui %eq3A_88 : i1 to i32
    %cond3A_90 = arith.constant 0 : i32
    %cond3A_91 = arith.cmpi ne, %convert_element_type3A_89, %cond3A_90 : i32
    scf.if %cond3A_91 {
      %mul3A_92 = arith.constant 50000 : i32
      %mul3A_93 = arith.muli %arg0, %mul3A_92 : i32
      %add3A_94 = arith.constant 46920 : i32
      %add3A_95 = arith.addi %mul3A_93, %add3A_94 : i32
      %scan3A_96 = arith.constant 0 : i32
      %scan3A_97 = arith.constant 25 : i32
      %scan3A_98 = arith.addi %scan3A_96, %scan3A_97 : i32
      %scan3A_99 = arith.constant 1 : i32
      scf.for %scan3A_103 = %scan3A_96 to %scan3A_98 step %scan3A_99  : i32 {
        %mul3A_104 = arith.constant 120 : i32
        %mul3A_105 = arith.muli %scan3A_103, %mul3A_104 : i32
        %add3A_106 = arith.constant 46920 : i32
        %add3A_107 = arith.addi %add3A_106, %mul3A_105 : i32
        "tpu.region"() ({
          %run_scoped3A = tpu.sem_alloc : memref<!tpu.dma_semaphore, #tpu.memory_space<semaphore_mem>>
          %dma_start3A = arith.constant 0 : i32
          %dma_start3A_111 = tpu.memref_slice %arg26[%add3A_107, %dma_start3A] : memref<50000x32xf32, #tpu.memory_space<vmem_shared>> -> memref<120x32xf32, #tpu.memory_space<vmem_shared>>
          %dma_start3A_112 = arith.constant 0 : i32
          %dma_start3A_113 = tpu.memref_slice %arg26[%add3A_107, %dma_start3A_112] : memref<50000x32xf32, #tpu.memory_space<vmem_shared>> -> memref<120x32xf32, #tpu.memory_space<vmem_shared>>
          tpu.enqueue_dma source(%dma_start3A_113 : memref<120x32xf32, #tpu.memory_space<vmem_shared>>) target(%arg25 : memref<120x32xf32, #tpu.memory_space<vmem>>) target_semaphore(%run_scoped3A : memref<!tpu.dma_semaphore, #tpu.memory_space<semaphore_mem>>)
          %dma_wait3A = arith.constant 0 : i32
          %dma_wait3A_114 = tpu.memref_slice %arg26[%add3A_107, %dma_wait3A] : memref<50000x32xf32, #tpu.memory_space<vmem_shared>> -> memref<120x32xf32, #tpu.memory_space<vmem_shared>>
          %dma_wait3A_115 = arith.constant 0 : i32
          %dma_wait3A_116 = tpu.memref_slice %arg26[%add3A_107, %dma_wait3A_115] : memref<50000x32xf32, #tpu.memory_space<vmem_shared>> -> memref<120x32xf32, #tpu.memory_space<vmem_shared>>
          tpu.wait_dma2 semaphore(%run_scoped3A : memref<!tpu.dma_semaphore, #tpu.memory_space<semaphore_mem>>) src(%dma_wait3A_116 : memref<120x32xf32, #tpu.memory_space<vmem_shared>>) dst(%arg25 : memref<120x32xf32, #tpu.memory_space<vmem>>)
          tpu.yield
        }) : () -> ()
        %mul3A_108 = arith.constant 120 : i32
        %mul3A_109 = arith.muli %scan3A_103, %mul3A_108 : i32
        %add3A_110 = arith.addi %add3A_95, %mul3A_109 : i32
        "tpu.region"() ({
          %run_scoped3A = tpu.sem_alloc : memref<!tpu.dma_semaphore, #tpu.memory_space<semaphore_mem>>
          %dma_start3A = arith.constant 0 : i32
          %dma_start3A_111 = tpu.memref_slice %arg8[%add3A_110, %dma_start3A] : memref<100000x32xf32, #tpu.memory_space<hbm>> -> memref<120x32xf32, #tpu.memory_space<hbm>>
          %dma_start3A_112 = arith.constant 0 : i32
          %dma_start3A_113 = tpu.memref_slice %arg8[%add3A_110, %dma_start3A_112] : memref<100000x32xf32, #tpu.memory_space<hbm>> -> memref<120x32xf32, #tpu.memory_space<hbm>>
          tpu.enqueue_dma source(%arg25 : memref<120x32xf32, #tpu.memory_space<vmem>>) target(%dma_start3A_113 : memref<120x32xf32, #tpu.memory_space<hbm>>) target_semaphore(%run_scoped3A : memref<!tpu.dma_semaphore, #tpu.memory_space<semaphore_mem>>)
          %dma_wait3A = arith.constant 0 : i32
          %dma_wait3A_114 = tpu.memref_slice %arg8[%add3A_110, %dma_wait3A] : memref<100000x32xf32, #tpu.memory_space<hbm>> -> memref<120x32xf32, #tpu.memory_space<hbm>>
          %dma_wait3A_115 = arith.constant 0 : i32
          %dma_wait3A_116 = tpu.memref_slice %arg8[%add3A_110, %dma_wait3A_115] : memref<100000x32xf32, #tpu.memory_space<hbm>> -> memref<120x32xf32, #tpu.memory_space<hbm>>
          tpu.wait_dma2 semaphore(%run_scoped3A : memref<!tpu.dma_semaphore, #tpu.memory_space<semaphore_mem>>) src(%arg25 : memref<120x32xf32, #tpu.memory_space<vmem>>) dst(%dma_wait3A_116 : memref<120x32xf32, #tpu.memory_space<hbm>>)
          tpu.yield
        }) : () -> ()
      }
      %scan3A_100 = arith.constant 25 : i32
      "tpu.region"() ({
        %run_scoped3A = tpu.sem_alloc : memref<!tpu.dma_semaphore, #tpu.memory_space<semaphore_mem>>
        %dma_start3A = arith.constant 0 : i32
        %dma_start3A_103 = arith.constant 0 : i32
        %dma_start3A_104 = tpu.memref_slice %arg25[%dma_start3A, %dma_start3A_103] : memref<120x32xf32, #tpu.memory_space<vmem>> -> memref<80x32xf32, #tpu.memory_space<vmem>>
        %dma_start3A_105 = arith.constant 49920 : i32
        %dma_start3A_106 = arith.constant 0 : i32
        %dma_start3A_107 = tpu.memref_slice %arg26[%dma_start3A_105, %dma_start3A_106] : memref<50000x32xf32, #tpu.memory_space<vmem_shared>> -> memref<80x32xf32, #tpu.memory_space<vmem_shared>>
        %dma_start3A_108 = arith.constant 0 : i32
        %dma_start3A_109 = arith.constant 0 : i32
        %dma_start3A_110 = tpu.memref_slice %arg25[%dma_start3A_108, %dma_start3A_109] : memref<120x32xf32, #tpu.memory_space<vmem>> -> memref<80x32xf32, #tpu.memory_space<vmem>>
        %dma_start3A_111 = arith.constant 49920 : i32
        %dma_start3A_112 = arith.constant 0 : i32
        %dma_start3A_113 = tpu.memref_slice %arg26[%dma_start3A_111, %dma_start3A_112] : memref<50000x32xf32, #tpu.memory_space<vmem_shared>> -> memref<80x32xf32, #tpu.memory_space<vmem_shared>>
        tpu.enqueue_dma source(%dma_start3A_113 : memref<80x32xf32, #tpu.memory_space<vmem_shared>>) target(%dma_start3A_110 : memref<80x32xf32, #tpu.memory_space<vmem>>) target_semaphore(%run_scoped3A : memref<!tpu.dma_semaphore, #tpu.memory_space<semaphore_mem>>)
        %dma_wait3A = arith.constant 0 : i32
        %dma_wait3A_114 = arith.constant 0 : i32
        %dma_wait3A_115 = tpu.memref_slice %arg25[%dma_wait3A, %dma_wait3A_114] : memref<120x32xf32, #tpu.memory_space<vmem>> -> memref<80x32xf32, #tpu.memory_space<vmem>>
        %dma_wait3A_116 = arith.constant 49920 : i32
        %dma_wait3A_117 = arith.constant 0 : i32
        %dma_wait3A_118 = tpu.memref_slice %arg26[%dma_wait3A_116, %dma_wait3A_117] : memref<50000x32xf32, #tpu.memory_space<vmem_shared>> -> memref<80x32xf32, #tpu.memory_space<vmem_shared>>
        %dma_wait3A_119 = arith.constant 0 : i32
        %dma_wait3A_120 = arith.constant 0 : i32
        %dma_wait3A_121 = tpu.memref_slice %arg25[%dma_wait3A_119, %dma_wait3A_120] : memref<120x32xf32, #tpu.memory_space<vmem>> -> memref<80x32xf32, #tpu.memory_space<vmem>>
        %dma_wait3A_122 = arith.constant 49920 : i32
        %dma_wait3A_123 = arith.constant 0 : i32
        %dma_wait3A_124 = tpu.memref_slice %arg26[%dma_wait3A_122, %dma_wait3A_123] : memref<50000x32xf32, #tpu.memory_space<vmem_shared>> -> memref<80x32xf32, #tpu.memory_space<vmem_shared>>
        tpu.wait_dma2 semaphore(%run_scoped3A : memref<!tpu.dma_semaphore, #tpu.memory_space<semaphore_mem>>) src(%dma_wait3A_124 : memref<80x32xf32, #tpu.memory_space<vmem_shared>>) dst(%dma_wait3A_121 : memref<80x32xf32, #tpu.memory_space<vmem>>)
        tpu.yield
      }) : () -> ()
      %add3A_101 = arith.constant 3000 : i32
      %add3A_102 = arith.addi %add3A_95, %add3A_101 : i32
      "tpu.region"() ({
        %run_scoped3A = tpu.sem_alloc : memref<!tpu.dma_semaphore, #tpu.memory_space<semaphore_mem>>
        %dma_start3A = arith.constant 0 : i32
        %dma_start3A_103 = arith.constant 0 : i32
        %dma_start3A_104 = tpu.memref_slice %arg25[%dma_start3A, %dma_start3A_103] : memref<120x32xf32, #tpu.memory_space<vmem>> -> memref<80x32xf32, #tpu.memory_space<vmem>>
        %dma_start3A_105 = arith.constant 0 : i32
        %dma_start3A_106 = tpu.memref_slice %arg8[%add3A_102, %dma_start3A_105] : memref<100000x32xf32, #tpu.memory_space<hbm>> -> memref<80x32xf32, #tpu.memory_space<hbm>>
        %dma_start3A_107 = arith.constant 0 : i32
        %dma_start3A_108 = tpu.memref_slice %arg8[%add3A_102, %dma_start3A_107] : memref<100000x32xf32, #tpu.memory_space<hbm>> -> memref<80x32xf32, #tpu.memory_space<hbm>>
        %dma_start3A_109 = arith.constant 0 : i32
        %dma_start3A_110 = arith.constant 0 : i32
        %dma_start3A_111 = tpu.memref_slice %arg25[%dma_start3A_109, %dma_start3A_110] : memref<120x32xf32, #tpu.memory_space<vmem>> -> memref<80x32xf32, #tpu.memory_space<vmem>>
        tpu.enqueue_dma source(%dma_start3A_111 : memref<80x32xf32, #tpu.memory_space<vmem>>) target(%dma_start3A_108 : memref<80x32xf32, #tpu.memory_space<hbm>>) target_semaphore(%run_scoped3A : memref<!tpu.dma_semaphore, #tpu.memory_space<semaphore_mem>>)
        %dma_wait3A = arith.constant 0 : i32
        %dma_wait3A_112 = arith.constant 0 : i32
        %dma_wait3A_113 = tpu.memref_slice %arg25[%dma_wait3A, %dma_wait3A_112] : memref<120x32xf32, #tpu.memory_space<vmem>> -> memref<80x32xf32, #tpu.memory_space<vmem>>
        %dma_wait3A_114 = arith.constant 0 : i32
        %dma_wait3A_115 = tpu.memref_slice %arg8[%add3A_102, %dma_wait3A_114] : memref<100000x32xf32, #tpu.memory_space<hbm>> -> memref<80x32xf32, #tpu.memory_space<hbm>>
        %dma_wait3A_116 = arith.constant 0 : i32
        %dma_wait3A_117 = tpu.memref_slice %arg8[%add3A_102, %dma_wait3A_116] : memref<100000x32xf32, #tpu.memory_space<hbm>> -> memref<80x32xf32, #tpu.memory_space<hbm>>
        %dma_wait3A_118 = arith.constant 0 : i32
        %dma_wait3A_119 = arith.constant 0 : i32
        %dma_wait3A_120 = tpu.memref_slice %arg25[%dma_wait3A_118, %dma_wait3A_119] : memref<120x32xf32, #tpu.memory_space<vmem>> -> memref<80x32xf32, #tpu.memory_space<vmem>>
        tpu.wait_dma2 semaphore(%run_scoped3A : memref<!tpu.dma_semaphore, #tpu.memory_space<semaphore_mem>>) src(%dma_wait3A_120 : memref<80x32xf32, #tpu.memory_space<vmem>>) dst(%dma_wait3A_117 : memref<80x32xf32, #tpu.memory_space<hbm>>)
        tpu.yield
      }) : () -> ()
    } else {
    }
    return
  }
}

#map = affine_map<(d0, d1) -> (0, 0)>
#map1 = affine_map<(d0, d1) -> (0)>
module attributes {stable_mosaic.version = 14 : i64} {
  func.func @_sc_edge_body(%arg0: i32, %arg1: i32, %arg2: memref<100000x32xf32, #tpu.memory_space<hbm>>, %arg3: memref<100000x32xf32, #tpu.memory_space<hbm>>, %arg4: memref<64xf32, #tpu.memory_space<hbm>>, %arg5: memref<800000xi32, #tpu.memory_space<hbm>>, %arg6: memref<800000xi32, #tpu.memory_space<hbm>>, %arg7: memref<800000xf32, #tpu.memory_space<hbm>>, %arg8: memref<100000x32xf32, #tpu.memory_space<hbm>>, %arg9: memref<128xi32, #tpu.memory_space<vmem>>, %arg10: memref<128xi32, #tpu.memory_space<vmem>>, %arg11: memref<128xi32, #tpu.memory_space<vmem>>, %arg12: memref<128xi32, #tpu.memory_space<vmem>>, %arg13: memref<144xf32, #tpu.memory_space<vmem>>, %arg14: memref<128x32xf32, #tpu.memory_space<vmem>>, %arg15: memref<128x32xf32, #tpu.memory_space<vmem>>, %arg16: memref<128xi32, #tpu.memory_space<vmem>>, %arg17: memref<128xi32, #tpu.memory_space<vmem>>, %arg18: memref<128xi32, #tpu.memory_space<vmem>>, %arg19: memref<128xi32, #tpu.memory_space<vmem>>, %arg20: memref<144xf32, #tpu.memory_space<vmem>>, %arg21: memref<128x32xf32, #tpu.memory_space<vmem>>, %arg22: memref<128x32xf32, #tpu.memory_space<vmem>>, %arg23: memref<32xf32, #tpu.memory_space<vmem>>, %arg24: memref<64x32xf32, #tpu.memory_space<vmem>>, %arg25: memref<120x32xf32, #tpu.memory_space<vmem>>, %arg26: memref<50000x32xf32, #tpu.memory_space<vmem_shared>>, %arg27: memref<!tpu.dma_semaphore, #tpu.memory_space<semaphore_mem>>, %arg28: memref<!tpu.dma_semaphore, #tpu.memory_space<semaphore_mem>>, %arg29: memref<!tpu.dma_semaphore, #tpu.memory_space<semaphore_mem>>, %arg30: memref<!tpu.dma_semaphore, #tpu.memory_space<semaphore_mem>>, %arg31: memref<!tpu.dma_semaphore, #tpu.memory_space<semaphore_mem>>, %arg32: memref<!tpu.dma_semaphore, #tpu.memory_space<semaphore_mem>>) attributes {dimension_semantics = [#tpu.dimension_semantics<core_parallel>, #tpu.dimension_semantics<subcore_parallel>], iteration_bounds = array<i64: 2, 16>, scalar_prefetch = 0 : i64, scratch_operands = 24 : i64, tpu.core_type = #tpu.core_type<sc_vector_subcore>, window_params = [{transform_indices = #map}, {transform_indices = #map}, {transform_indices = #map1}, {transform_indices = #map1}, {transform_indices = #map1}, {transform_indices = #map1}, {transform_indices = #map}]} {
    %mul3A = arith.constant 50000 : i32
    %mul3A_0 = arith.muli %arg0, %mul3A : i32
    %scan3A = arith.constant 0 : i32
    %scan3A_1 = arith.constant 64 : i32
    %scan3A_2 = arith.addi %scan3A, %scan3A_1 : i32
    %scan3A_3 = arith.constant 1 : i32
    scf.for %scan3A_92 = %scan3A to %scan3A_2 step %scan3A_3  : i32 {
      %broadcast_in_dim3A = arith.constant 0.000000e+00 : f32
      %broadcast_in_dim3A_93 = vector.broadcast %broadcast_in_dim3A : f32 to vector<16xf32>
      %swap3A = arith.index_cast %scan3A_92 : i32 to index
      %swap3A_94 = arith.constant 0 : index
      %swap3A_95 = tpu.vector_load %arg24[%swap3A, %swap3A_94] {strides = array<i32>} : memref<64x32xf32, #tpu.memory_space<vmem>>, vector<16xf32>,
      tpu.vector_store %arg24[%swap3A, %swap3A_94], %broadcast_in_dim3A_93 {strides = array<i32>} : memref<64x32xf32, #tpu.memory_space<vmem>>, vector<16xf32>,
      %broadcast_in_dim3A_96 = arith.constant 0.000000e+00 : f32
      %broadcast_in_dim3A_97 = vector.broadcast %broadcast_in_dim3A_96 : f32 to vector<16xf32>
      %swap3A_98 = arith.index_cast %scan3A_92 : i32 to index
      %swap3A_99 = arith.constant 16 : index
      %swap3A_100 = tpu.vector_load %arg24[%swap3A_98, %swap3A_99] {strides = array<i32>} : memref<64x32xf32, #tpu.memory_space<vmem>>, vector<16xf32>,
      tpu.vector_store %arg24[%swap3A_98, %swap3A_99], %broadcast_in_dim3A_97 {strides = array<i32>} : memref<64x32xf32, #tpu.memory_space<vmem>>, vector<16xf32>,
    }
    %scan3A_4 = arith.constant 64 : i32
    %lt3A = arith.constant 15 : i32
    %lt3A_5 = arith.cmpi slt, %arg1, %lt3A : i32
    %convert_element_type3A = arith.extui %lt3A_5 : i1 to i32
    %cond3A = arith.constant 0 : i32
    %cond3A_6 = arith.cmpi ne, %convert_element_type3A, %cond3A : i32
    scf.if %cond3A_6 {
      %mul3A_92 = arith.constant 3128 : i32
      %mul3A_93 = arith.muli %arg1, %mul3A_92 : i32
      %scan3A_94 = arith.constant 0 : i32
      %scan3A_95 = arith.constant 48 : i32
      %scan3A_96 = arith.addi %scan3A_94, %scan3A_95 : i32
      %scan3A_97 = arith.constant 1 : i32
      scf.for %scan3A_101 = %scan3A_94 to %scan3A_96 step %scan3A_97  : i32 {
        %mul3A_102 = arith.constant 64 : i32
        %mul3A_103 = arith.muli %scan3A_101, %mul3A_102 : i32
        %add3A_104 = arith.addi %mul3A_93, %mul3A_103 : i32
        "tpu.region"() ({
          %run_scoped3A = tpu.sem_alloc : memref<!tpu.dma_semaphore, #tpu.memory_space<semaphore_mem>>
          %dma_start3A = arith.constant 0 : i32
          %dma_start3A_105 = tpu.memref_slice %arg26[%add3A_104, %dma_start3A] : memref<50000x32xf32, #tpu.memory_space<vmem_shared>> -> memref<64x32xf32, #tpu.memory_space<vmem_shared>>
          %dma_start3A_106 = arith.constant 0 : i32
          %dma_start3A_107 = tpu.memref_slice %arg26[%add3A_104, %dma_start3A_106] : memref<50000x32xf32, #tpu.memory_space<vmem_shared>> -> memref<64x32xf32, #tpu.memory_space<vmem_shared>>
          tpu.enqueue_dma source(%arg24 : memref<64x32xf32, #tpu.memory_space<vmem>>) target(%dma_start3A_107 : memref<64x32xf32, #tpu.memory_space<vmem_shared>>) target_semaphore(%run_scoped3A : memref<!tpu.dma_semaphore, #tpu.memory_space<semaphore_mem>>)
          %dma_wait3A = arith.constant 0 : i32
          %dma_wait3A_108 = tpu.memref_slice %arg26[%add3A_104, %dma_wait3A] : memref<50000x32xf32, #tpu.memory_space<vmem_shared>> -> memref<64x32xf32, #tpu.memory_space<vmem_shared>>
          %dma_wait3A_109 = arith.constant 0 : i32
          %dma_wait3A_110 = tpu.memref_slice %arg26[%add3A_104, %dma_wait3A_109] : memref<50000x32xf32, #tpu.memory_space<vmem_shared>> -> memref<64x32xf32, #tpu.memory_space<vmem_shared>>
          tpu.wait_dma2 semaphore(%run_scoped3A : memref<!tpu.dma_semaphore, #tpu.memory_space<semaphore_mem>>) src(%arg24 : memref<64x32xf32, #tpu.memory_space<vmem>>) dst(%dma_wait3A_110 : memref<64x32xf32, #tpu.memory_space<vmem_shared>>)
          tpu.yield
        }) : () -> ()
      }
      %scan3A_98 = arith.constant 48 : i32
      %add3A_99 = arith.constant 3072 : i32
      %add3A_100 = arith.addi %mul3A_93, %add3A_99 : i32
      "tpu.region"() ({
        %run_scoped3A = tpu.sem_alloc : memref<!tpu.dma_semaphore, #tpu.memory_space<semaphore_mem>>
        %dma_start3A = arith.constant 0 : i32
        %dma_start3A_101 = arith.constant 0 : i32
        %dma_start3A_102 = tpu.memref_slice %arg24[%dma_start3A, %dma_start3A_101] : memref<64x32xf32, #tpu.memory_space<vmem>> -> memref<56x32xf32, #tpu.memory_space<vmem>>
        %dma_start3A_103 = arith.constant 0 : i32
        %dma_start3A_104 = tpu.memref_slice %arg26[%add3A_100, %dma_start3A_103] : memref<50000x32xf32, #tpu.memory_space<vmem_shared>> -> memref<56x32xf32, #tpu.memory_space<vmem_shared>>
        %dma_start3A_105 = arith.constant 0 : i32
        %dma_start3A_106 = tpu.memref_slice %arg26[%add3A_100, %dma_start3A_105] : memref<50000x32xf32, #tpu.memory_space<vmem_shared>> -> memref<56x32xf32, #tpu.memory_space<vmem_shared>>
        %dma_start3A_107 = arith.constant 0 : i32
        %dma_start3A_108 = arith.constant 0 : i32
        %dma_start3A_109 = tpu.memref_slice %arg24[%dma_start3A_107, %dma_start3A_108] : memref<64x32xf32, #tpu.memory_space<vmem>> -> memref<56x32xf32, #tpu.memory_space<vmem>>
        tpu.enqueue_dma source(%dma_start3A_109 : memref<56x32xf32, #tpu.memory_space<vmem>>) target(%dma_start3A_106 : memref<56x32xf32, #tpu.memory_space<vmem_shared>>) target_semaphore(%run_scoped3A : memref<!tpu.dma_semaphore, #tpu.memory_space<semaphore_mem>>)
        %dma_wait3A = arith.constant 0 : i32
        %dma_wait3A_110 = arith.constant 0 : i32
        %dma_wait3A_111 = tpu.memref_slice %arg24[%dma_wait3A, %dma_wait3A_110] : memref<64x32xf32, #tpu.memory_space<vmem>> -> memref<56x32xf32, #tpu.memory_space<vmem>>
        %dma_wait3A_112 = arith.constant 0 : i32
        %dma_wait3A_113 = tpu.memref_slice %arg26[%add3A_100, %dma_wait3A_112] : memref<50000x32xf32, #tpu.memory_space<vmem_shared>> -> memref<56x32xf32, #tpu.memory_space<vmem_shared>>
        %dma_wait3A_114 = arith.constant 0 : i32
        %dma_wait3A_115 = tpu.memref_slice %arg26[%add3A_100, %dma_wait3A_114] : memref<50000x32xf32, #tpu.memory_space<vmem_shared>> -> memref<56x32xf32, #tpu.memory_space<vmem_shared>>
        %dma_wait3A_116 = arith.constant 0 : i32
        %dma_wait3A_117 = arith.constant 0 : i32
        %dma_wait3A_118 = tpu.memref_slice %arg24[%dma_wait3A_116, %dma_wait3A_117] : memref<64x32xf32, #tpu.memory_space<vmem>> -> memref<56x32xf32, #tpu.memory_space<vmem>>
        tpu.wait_dma2 semaphore(%run_scoped3A : memref<!tpu.dma_semaphore, #tpu.memory_space<semaphore_mem>>) src(%dma_wait3A_118 : memref<56x32xf32, #tpu.memory_space<vmem>>) dst(%dma_wait3A_115 : memref<56x32xf32, #tpu.memory_space<vmem_shared>>)
        tpu.yield
      }) : () -> ()
    } else {
    }
    %eq3A = arith.constant 15 : i32
    %eq3A_7 = arith.cmpi eq, %arg1, %eq3A : i32
    %convert_element_type3A_8 = arith.extui %eq3A_7 : i1 to i32
    %cond3A_9 = arith.constant 0 : i32
    %cond3A_10 = arith.cmpi ne, %convert_element_type3A_8, %cond3A_9 : i32
    scf.if %cond3A_10 {
      %scan3A_92 = arith.constant 0 : i32
      %scan3A_93 = arith.constant 48 : i32
      %scan3A_94 = arith.addi %scan3A_92, %scan3A_93 : i32
      %scan3A_95 = arith.constant 1 : i32
      scf.for %scan3A_97 = %scan3A_92 to %scan3A_94 step %scan3A_95  : i32 {
        %mul3A_98 = arith.constant 64 : i32
        %mul3A_99 = arith.muli %scan3A_97, %mul3A_98 : i32
        %add3A_100 = arith.constant 46920 : i32
        %add3A_101 = arith.addi %add3A_100, %mul3A_99 : i32
        "tpu.region"() ({
          %run_scoped3A = tpu.sem_alloc : memref<!tpu.dma_semaphore, #tpu.memory_space<semaphore_mem>>
          %dma_start3A = arith.constant 0 : i32
          %dma_start3A_102 = tpu.memref_slice %arg26[%add3A_101, %dma_start3A] : memref<50000x32xf32, #tpu.memory_space<vmem_shared>> -> memref<64x32xf32, #tpu.memory_space<vmem_shared>>
          %dma_start3A_103 = arith.constant 0 : i32
          %dma_start3A_104 = tpu.memref_slice %arg26[%add3A_101, %dma_start3A_103] : memref<50000x32xf32, #tpu.memory_space<vmem_shared>> -> memref<64x32xf32, #tpu.memory_space<vmem_shared>>
          tpu.enqueue_dma source(%arg24 : memref<64x32xf32, #tpu.memory_space<vmem>>) target(%dma_start3A_104 : memref<64x32xf32, #tpu.memory_space<vmem_shared>>) target_semaphore(%run_scoped3A : memref<!tpu.dma_semaphore, #tpu.memory_space<semaphore_mem>>)
          %dma_wait3A = arith.constant 0 : i32
          %dma_wait3A_105 = tpu.memref_slice %arg26[%add3A_101, %dma_wait3A] : memref<50000x32xf32, #tpu.memory_space<vmem_shared>> -> memref<64x32xf32, #tpu.memory_space<vmem_shared>>
          %dma_wait3A_106 = arith.constant 0 : i32
          %dma_wait3A_107 = tpu.memref_slice %arg26[%add3A_101, %dma_wait3A_106] : memref<50000x32xf32, #tpu.memory_space<vmem_shared>> -> memref<64x32xf32, #tpu.memory_space<vmem_shared>>
          tpu.wait_dma2 semaphore(%run_scoped3A : memref<!tpu.dma_semaphore, #tpu.memory_space<semaphore_mem>>) src(%arg24 : memref<64x32xf32, #tpu.memory_space<vmem>>) dst(%dma_wait3A_107 : memref<64x32xf32, #tpu.memory_space<vmem_shared>>)
          tpu.yield
        }) : () -> ()
      }
      %scan3A_96 = arith.constant 48 : i32
      "tpu.region"() ({
        %run_scoped3A = tpu.sem_alloc : memref<!tpu.dma_semaphore, #tpu.memory_space<semaphore_mem>>
        %dma_start3A = arith.constant 0 : i32
        %dma_start3A_97 = arith.constant 0 : i32
        %dma_start3A_98 = tpu.memref_slice %arg24[%dma_start3A, %dma_start3A_97] : memref<64x32xf32, #tpu.memory_space<vmem>> -> memref<8x32xf32, #tpu.memory_space<vmem>>
        %dma_start3A_99 = arith.constant 49992 : i32
        %dma_start3A_100 = arith.constant 0 : i32
        %dma_start3A_101 = tpu.memref_slice %arg26[%dma_start3A_99, %dma_start3A_100] : memref<50000x32xf32, #tpu.memory_space<vmem_shared>> -> memref<8x32xf32, #tpu.memory_space<vmem_shared>>
        %dma_start3A_102 = arith.constant 49992 : i32
        %dma_start3A_103 = arith.constant 0 : i32
        %dma_start3A_104 = tpu.memref_slice %arg26[%dma_start3A_102, %dma_start3A_103] : memref<50000x32xf32, #tpu.memory_space<vmem_shared>> -> memref<8x32xf32, #tpu.memory_space<vmem_shared>>
        %dma_start3A_105 = arith.constant 0 : i32
        %dma_start3A_106 = arith.constant 0 : i32
        %dma_start3A_107 = tpu.memref_slice %arg24[%dma_start3A_105, %dma_start3A_106] : memref<64x32xf32, #tpu.memory_space<vmem>> -> memref<8x32xf32, #tpu.memory_space<vmem>>
        tpu.enqueue_dma source(%dma_start3A_107 : memref<8x32xf32, #tpu.memory_space<vmem>>) target(%dma_start3A_104 : memref<8x32xf32, #tpu.memory_space<vmem_shared>>) target_semaphore(%run_scoped3A : memref<!tpu.dma_semaphore, #tpu.memory_space<semaphore_mem>>)
        %dma_wait3A = arith.constant 0 : i32
        %dma_wait3A_108 = arith.constant 0 : i32
        %dma_wait3A_109 = tpu.memref_slice %arg24[%dma_wait3A, %dma_wait3A_108] : memref<64x32xf32, #tpu.memory_space<vmem>> -> memref<8x32xf32, #tpu.memory_space<vmem>>
        %dma_wait3A_110 = arith.constant 49992 : i32
        %dma_wait3A_111 = arith.constant 0 : i32
        %dma_wait3A_112 = tpu.memref_slice %arg26[%dma_wait3A_110, %dma_wait3A_111] : memref<50000x32xf32, #tpu.memory_space<vmem_shared>> -> memref<8x32xf32, #tpu.memory_space<vmem_shared>>
        %dma_wait3A_113 = arith.constant 49992 : i32
        %dma_wait3A_114 = arith.constant 0 : i32
        %dma_wait3A_115 = tpu.memref_slice %arg26[%dma_wait3A_113, %dma_wait3A_114] : memref<50000x32xf32, #tpu.memory_space<vmem_shared>> -> memref<8x32xf32, #tpu.memory_space<vmem_shared>>
        %dma_wait3A_116 = arith.constant 0 : i32
        %dma_wait3A_117 = arith.constant 0 : i32
        %dma_wait3A_118 = tpu.memref_slice %arg24[%dma_wait3A_116, %dma_wait3A_117] : memref<64x32xf32, #tpu.memory_space<vmem>> -> memref<8x32xf32, #tpu.memory_space<vmem>>
        tpu.wait_dma2 semaphore(%run_scoped3A : memref<!tpu.dma_semaphore, #tpu.memory_space<semaphore_mem>>) src(%dma_wait3A_118 : memref<8x32xf32, #tpu.memory_space<vmem>>) dst(%dma_wait3A_115 : memref<8x32xf32, #tpu.memory_space<vmem_shared>>)
        tpu.yield
      }) : () -> ()
    } else {
    }
    %mul3A_11 = arith.constant 32 : i32
    %mul3A_12 = arith.muli %arg0, %mul3A_11 : i32
    "tpu.region"() ({
      %run_scoped3A = tpu.sem_alloc : memref<!tpu.dma_semaphore, #tpu.memory_space<semaphore_mem>>
      %dma_start3A = tpu.memref_slice %arg4[%mul3A_12] : memref<64xf32, #tpu.memory_space<hbm>> -> memref<32xf32, #tpu.memory_space<hbm>>
      %dma_start3A_92 = tpu.memref_slice %arg4[%mul3A_12] : memref<64xf32, #tpu.memory_space<hbm>> -> memref<32xf32, #tpu.memory_space<hbm>>
      tpu.enqueue_dma source(%dma_start3A_92 : memref<32xf32, #tpu.memory_space<hbm>>) target(%arg23 : memref<32xf32, #tpu.memory_space<vmem>>) target_semaphore(%run_scoped3A : memref<!tpu.dma_semaphore, #tpu.memory_space<semaphore_mem>>)
      %dma_wait3A = tpu.memref_slice %arg4[%mul3A_12] : memref<64xf32, #tpu.memory_space<hbm>> -> memref<32xf32, #tpu.memory_space<hbm>>
      %dma_wait3A_93 = tpu.memref_slice %arg4[%mul3A_12] : memref<64xf32, #tpu.memory_space<hbm>> -> memref<32xf32, #tpu.memory_space<hbm>>
      tpu.wait_dma2 semaphore(%run_scoped3A : memref<!tpu.dma_semaphore, #tpu.memory_space<semaphore_mem>>) src(%dma_wait3A_93 : memref<32xf32, #tpu.memory_space<hbm>>) dst(%arg23 : memref<32xf32, #tpu.memory_space<vmem>>)
      tpu.yield
    }) : () -> ()
    %barrier3A = arith.constant 0 : index
    tpu.barrier barrier_id(%barrier3A)
    %mul3A_13 = arith.constant 390 : i32
    %mul3A_14 = arith.muli %arg1, %mul3A_13 : i32
    %min3A = arith.constant 10 : i32
    %min3A_15 = arith.minsi %arg1, %min3A : i32
    %add3A = arith.addi %mul3A_14, %min3A_15 : i32
    %lt3A_16 = arith.constant 10 : i32
    %lt3A_17 = arith.cmpi slt, %arg1, %lt3A_16 : i32
    %jit3A = arith.constant 1 : i32
    %jit3A_18 = arith.constant 0 : i32
    %select_n3A = arith.select %lt3A_17, %jit3A, %jit3A_18 : i32
    %add3A_19 = arith.constant 390 : i32
    %add3A_20 = arith.addi %add3A_19, %select_n3A : i32
    %get3A = arith.constant 0 : index
    %get3A_21 = tpu.vector_load %arg23[%get3A] {strides = array<i32>} : memref<32xf32, #tpu.memory_space<vmem>>, vector<16xf32>,
    %get3A_22 = arith.constant 16 : index
    %get3A_23 = tpu.vector_load %arg23[%get3A_22] {strides = array<i32>} : memref<32xf32, #tpu.memory_space<vmem>>, vector<16xf32>,
    %gt3A = arith.constant 0 : i32
    %gt3A_24 = arith.cmpi sgt, %add3A_20, %gt3A : i32
    %convert_element_type3A_25 = arith.extui %gt3A_24 : i1 to i32
    %cond3A_26 = arith.constant 0 : i32
    %cond3A_27 = arith.cmpi ne, %convert_element_type3A_25, %cond3A_26 : i32
    scf.if %cond3A_27 {
      %mul3A_92 = arith.constant 128 : i32
      %mul3A_93 = arith.muli %add3A, %mul3A_92 : i32
      "tpu.region"() ({
        %run_scoped3A = tpu.sem_alloc : memref<!tpu.dma_semaphore, #tpu.memory_space<semaphore_mem>>
        %dma_start3A_108 = tpu.memref_slice %arg5[%mul3A_93] : memref<800000xi32, #tpu.memory_space<hbm>> -> memref<128xi32, #tpu.memory_space<hbm>>
        %dma_start3A_109 = tpu.memref_slice %arg5[%mul3A_93] : memref<800000xi32, #tpu.memory_space<hbm>> -> memref<128xi32, #tpu.memory_space<hbm>>
        tpu.enqueue_dma source(%dma_start3A_109 : memref<128xi32, #tpu.memory_space<hbm>>) target(%arg9 : memref<128xi32, #tpu.memory_space<vmem>>) target_semaphore(%run_scoped3A : memref<!tpu.dma_semaphore, #tpu.memory_space<semaphore_mem>>)
        %dma_wait3A = tpu.memref_slice %arg5[%mul3A_93] : memref<800000xi32, #tpu.memory_space<hbm>> -> memref<128xi32, #tpu.memory_space<hbm>>
        %dma_wait3A_110 = tpu.memref_slice %arg5[%mul3A_93] : memref<800000xi32, #tpu.memory_space<hbm>> -> memref<128xi32, #tpu.memory_space<hbm>>
        tpu.wait_dma2 semaphore(%run_scoped3A : memref<!tpu.dma_semaphore, #tpu.memory_space<semaphore_mem>>) src(%dma_wait3A_110 : memref<128xi32, #tpu.memory_space<hbm>>) dst(%arg9 : memref<128xi32, #tpu.memory_space<vmem>>)
        tpu.yield
      }) : () -> ()
      %mul3A_94 = arith.constant 128 : i32
      %mul3A_95 = arith.muli %add3A, %mul3A_94 : i32
      "tpu.region"() ({
        %run_scoped3A = tpu.sem_alloc : memref<!tpu.dma_semaphore, #tpu.memory_space<semaphore_mem>>
        %dma_start3A_108 = tpu.memref_slice %arg6[%mul3A_95] : memref<800000xi32, #tpu.memory_space<hbm>> -> memref<128xi32, #tpu.memory_space<hbm>>
        %dma_start3A_109 = tpu.memref_slice %arg6[%mul3A_95] : memref<800000xi32, #tpu.memory_space<hbm>> -> memref<128xi32, #tpu.memory_space<hbm>>
        tpu.enqueue_dma source(%dma_start3A_109 : memref<128xi32, #tpu.memory_space<hbm>>) target(%arg10 : memref<128xi32, #tpu.memory_space<vmem>>) target_semaphore(%run_scoped3A : memref<!tpu.dma_semaphore, #tpu.memory_space<semaphore_mem>>)
        %dma_wait3A = tpu.memref_slice %arg6[%mul3A_95] : memref<800000xi32, #tpu.memory_space<hbm>> -> memref<128xi32, #tpu.memory_space<hbm>>
        %dma_wait3A_110 = tpu.memref_slice %arg6[%mul3A_95] : memref<800000xi32, #tpu.memory_space<hbm>> -> memref<128xi32, #tpu.memory_space<hbm>>
        tpu.wait_dma2 semaphore(%run_scoped3A : memref<!tpu.dma_semaphore, #tpu.memory_space<semaphore_mem>>) src(%dma_wait3A_110 : memref<128xi32, #tpu.memory_space<hbm>>) dst(%arg10 : memref<128xi32, #tpu.memory_space<vmem>>)
        tpu.yield
      }) : () -> ()
      %mul3A_96 = arith.constant 128 : i32
      %mul3A_97 = arith.muli %add3A, %mul3A_96 : i32
      "tpu.region"() ({
        %run_scoped3A = tpu.sem_alloc : memref<!tpu.dma_semaphore, #tpu.memory_space<semaphore_mem>>
        %dma_start3A_108 = arith.constant 0 : i32
        %dma_start3A_109 = tpu.memref_slice %arg13[%dma_start3A_108] : memref<144xf32, #tpu.memory_space<vmem>> -> memref<128xf32, #tpu.memory_space<vmem>>
        %dma_start3A_110 = tpu.memref_slice %arg7[%mul3A_97] : memref<800000xf32, #tpu.memory_space<hbm>> -> memref<128xf32, #tpu.memory_space<hbm>>
        %dma_start3A_111 = arith.constant 0 : i32
        %dma_start3A_112 = tpu.memref_slice %arg13[%dma_start3A_111] : memref<144xf32, #tpu.memory_space<vmem>> -> memref<128xf32, #tpu.memory_space<vmem>>
        %dma_start3A_113 = tpu.memref_slice %arg7[%mul3A_97] : memref<800000xf32, #tpu.memory_space<hbm>> -> memref<128xf32, #tpu.memory_space<hbm>>
        tpu.enqueue_dma source(%dma_start3A_113 : memref<128xf32, #tpu.memory_space<hbm>>) target(%dma_start3A_112 : memref<128xf32, #tpu.memory_space<vmem>>) target_semaphore(%run_scoped3A : memref<!tpu.dma_semaphore, #tpu.memory_space<semaphore_mem>>)
        %dma_wait3A = arith.constant 0 : i32
        %dma_wait3A_114 = tpu.memref_slice %arg13[%dma_wait3A] : memref<144xf32, #tpu.memory_space<vmem>> -> memref<128xf32, #tpu.memory_space<vmem>>
        %dma_wait3A_115 = tpu.memref_slice %arg7[%mul3A_97] : memref<800000xf32, #tpu.memory_space<hbm>> -> memref<128xf32, #tpu.memory_space<hbm>>
        %dma_wait3A_116 = arith.constant 0 : i32
        %dma_wait3A_117 = tpu.memref_slice %arg13[%dma_wait3A_116] : memref<144xf32, #tpu.memory_space<vmem>> -> memref<128xf32, #tpu.memory_space<vmem>>
        %dma_wait3A_118 = tpu.memref_slice %arg7[%mul3A_97] : memref<800000xf32, #tpu.memory_space<hbm>> -> memref<128xf32, #tpu.memory_space<hbm>>
        tpu.wait_dma2 semaphore(%run_scoped3A : memref<!tpu.dma_semaphore, #tpu.memory_space<semaphore_mem>>) src(%dma_wait3A_118 : memref<128xf32, #tpu.memory_space<hbm>>) dst(%dma_wait3A_117 : memref<128xf32, #tpu.memory_space<vmem>>)
        tpu.yield
      }) : () -> ()
      %scan3A_98 = arith.constant 0 : i32
      %scan3A_99 = arith.constant 8 : i32
      %scan3A_100 = arith.addi %scan3A_98, %scan3A_99 : i32
      %scan3A_101 = arith.constant 1 : i32
      scf.for %scan3A_108 = %scan3A_98 to %scan3A_100 step %scan3A_101  : i32 {
        %mul3A_109 = arith.constant 16 : i32
        %mul3A_110 = arith.muli %scan3A_108, %mul3A_109 : i32
        %get3A_111 = arith.index_cast %mul3A_110 : i32 to index
        %get3A_112 = tpu.vector_load %arg9[%get3A_111] {strides = array<i32>} : memref<128xi32, #tpu.memory_space<vmem>>, vector<16xi32>,
        %add3A_113 = vector.broadcast %mul3A_0 : i32 to vector<16xi32>
        %add3A_114 = arith.addi %get3A_112, %add3A_113 : vector<16xi32>
        %swap3A = arith.index_cast %mul3A_110 : i32 to index
        %swap3A_115 = tpu.vector_load %arg11[%swap3A] {strides = array<i32>} : memref<128xi32, #tpu.memory_space<vmem>>, vector<16xi32>,
        tpu.vector_store %arg11[%swap3A], %add3A_114 {strides = array<i32>} : memref<128xi32, #tpu.memory_space<vmem>>, vector<16xi32>,
        %get3A_116 = arith.index_cast %mul3A_110 : i32 to index
        %get3A_117 = tpu.vector_load %arg10[%get3A_116] {strides = array<i32>} : memref<128xi32, #tpu.memory_space<vmem>>, vector<16xi32>,
        %add3A_118 = vector.broadcast %mul3A_0 : i32 to vector<16xi32>
        %add3A_119 = arith.addi %get3A_117, %add3A_118 : vector<16xi32>
        %swap3A_120 = arith.index_cast %mul3A_110 : i32 to index
        %swap3A_121 = tpu.vector_load %arg12[%swap3A_120] {strides = array<i32>} : memref<128xi32, #tpu.memory_space<vmem>>, vector<16xi32>,
        tpu.vector_store %arg12[%swap3A_120], %add3A_119 {strides = array<i32>} : memref<128xi32, #tpu.memory_space<vmem>>, vector<16xi32>,
      }
      %scan3A_102 = arith.constant 8 : i32
      %dma_start3A = arith.constant 0 : i32
      %dma_start3A_103 = arith.constant 0 : i32
      %dma_start3A_104 = tpu.memref_slice %arg2[%dma_start3A, %dma_start3A_103] : memref<100000x32xf32, #tpu.memory_space<hbm>> -> memref<100000x32xf32, #tpu.memory_space<hbm>>
      tpu.enqueue_indirect_dma source(%dma_start3A_104 : memref<100000x32xf32, #tpu.memory_space<hbm>>) target(%arg14 : memref<128x32xf32, #tpu.memory_space<vmem>>) offsets(%arg11 : memref<128xi32, #tpu.memory_space<vmem>>) semaphore(%arg29 : memref<!tpu.dma_semaphore, #tpu.memory_space<semaphore_mem>>)
      %dma_start3A_105 = arith.constant 0 : i32
      %dma_start3A_106 = arith.constant 0 : i32
      %dma_start3A_107 = tpu.memref_slice %arg3[%dma_start3A_105, %dma_start3A_106] : memref<100000x32xf32, #tpu.memory_space<hbm>> -> memref<100000x32xf32, #tpu.memory_space<hbm>>
      tpu.enqueue_indirect_dma source(%dma_start3A_107 : memref<100000x32xf32, #tpu.memory_space<hbm>>) target(%arg15 : memref<128x32xf32, #tpu.memory_space<vmem>>) offsets(%arg12 : memref<128xi32, #tpu.memory_space<vmem>>) semaphore(%arg29 : memref<!tpu.dma_semaphore, #tpu.memory_space<semaphore_mem>>)
    } else {
    }
    %scan3A_28 = arith.constant 0 : i32
    %scan3A_29 = arith.constant 391 : i32
    %scan3A_30 = arith.addi %scan3A_28, %scan3A_29 : i32
    %scan3A_31 = arith.constant 1 : i32
    scf.for %scan3A_92 = %scan3A_28 to %scan3A_30 step %scan3A_31  : i32 {
      %lt3A_93 = arith.cmpi slt, %scan3A_92, %add3A_20 : i32
      %convert_element_type3A_94 = arith.extui %lt3A_93 : i1 to i32
      %cond3A_95 = arith.constant 0 : i32
      %cond3A_96 = arith.cmpi ne, %convert_element_type3A_94, %cond3A_95 : i32
      scf.if %cond3A_96 {
        %jit3A_97 = arith.constant 2 : i32
        %eq3A_98 = arith.constant 0 : i32
        %eq3A_99 = arith.cmpi eq, %jit3A_97, %eq3A_98 : i32
        %jit3A_100 = arith.constant 1 : i32
        %select_n3A_101 = arith.select %eq3A_99, %jit3A_100, %jit3A_97 : i32
        %rem3A_102 = arith.remsi %scan3A_92, %select_n3A_101 : i32
        %ne3A_103 = arith.constant 0 : i32
        %ne3A_104 = arith.cmpi ne, %rem3A_102, %ne3A_103 : i32
        %lt3A_105 = arith.constant 0 : i32
        %lt3A_106 = arith.cmpi slt, %rem3A_102, %lt3A_105 : i32
        %lt3A_107 = arith.constant 0 : i32
        %lt3A_108 = arith.cmpi slt, %select_n3A_101, %lt3A_107 : i32
        %ne3A_109 = arith.xori %lt3A_106, %lt3A_108 : i1
        %and3A_110 = arith.andi %ne3A_109, %ne3A_104 : i1
        %add3A_111 = arith.addi %rem3A_102, %select_n3A_101 : i32
        %select_n3A_112 = arith.select %and3A_110, %add3A_111, %rem3A_102 : i32
        %eq3A_113 = arith.constant 0 : i32
        %eq3A_114 = arith.cmpi eq, %select_n3A_112, %eq3A_113 : i32
        %convert_element_type3A_115 = arith.extui %eq3A_114 : i1 to i32
        %cond3A_116 = arith.constant 0 : i32
        %cond3A_117 = arith.cmpi ne, %convert_element_type3A_115, %cond3A_116 : i32
        scf.if %cond3A_117 {
          %add3A_139 = arith.addi %add3A, %scan3A_92 : i32
          %ge3A = arith.constant 1 : i32
          %ge3A_140 = arith.cmpi sge, %scan3A_92, %ge3A : i32
          %convert_element_type3A_141 = arith.extui %ge3A_140 : i1 to i32
          %cond3A_142 = arith.constant 0 : i32
          %cond3A_143 = arith.cmpi ne, %convert_element_type3A_141, %cond3A_142 : i32
          scf.if %cond3A_143 {
            %dma_wait3A_168 = arith.constant 0 : i32
            %dma_wait3A_169 = arith.constant 0 : i32
            %dma_wait3A_170 = tpu.memref_slice %arg26[%dma_wait3A_168, %dma_wait3A_169] : memref<50000x32xf32, #tpu.memory_space<vmem_shared>> -> memref<50000x32xf32, #tpu.memory_space<vmem_shared>>
            tpu.wait_indirect_dma semaphore(%arg32 : memref<!tpu.dma_semaphore, #tpu.memory_space<semaphore_mem>>) src(%arg21 : memref<128x32xf32, #tpu.memory_space<vmem>>) dst(%dma_wait3A_170 : memref<50000x32xf32, #tpu.memory_space<vmem_shared>>)
          } else {
          }
          %add3A_144 = arith.constant 1 : i32
          %add3A_145 = arith.addi %scan3A_92, %add3A_144 : i32
          %lt3A_146 = arith.cmpi slt, %add3A_145, %add3A_20 : i32
          %convert_element_type3A_147 = arith.extui %lt3A_146 : i1 to i32
          %cond3A_148 = arith.constant 0 : i32
          %cond3A_149 = arith.cmpi ne, %convert_element_type3A_147, %cond3A_148 : i32
          scf.if %cond3A_149 {
            %add3A_168 = arith.constant 1 : i32
            %add3A_169 = arith.addi %add3A_139, %add3A_168 : i32
            %mul3A_170 = arith.constant 128 : i32
            %mul3A_171 = arith.muli %add3A_169, %mul3A_170 : i32
            %dma_start3A_172 = tpu.memref_slice %arg5[%mul3A_171] : memref<800000xi32, #tpu.memory_space<hbm>> -> memref<128xi32, #tpu.memory_space<hbm>>
            %dma_start3A_173 = tpu.memref_slice %arg5[%mul3A_171] : memref<800000xi32, #tpu.memory_space<hbm>> -> memref<128xi32, #tpu.memory_space<hbm>>
            tpu.enqueue_dma source(%dma_start3A_173 : memref<128xi32, #tpu.memory_space<hbm>>) target(%arg16 : memref<128xi32, #tpu.memory_space<vmem>>) target_semaphore(%arg28 : memref<!tpu.dma_semaphore, #tpu.memory_space<semaphore_mem>>)
            %mul3A_174 = arith.constant 128 : i32
            %mul3A_175 = arith.muli %add3A_169, %mul3A_174 : i32
            %dma_start3A_176 = tpu.memref_slice %arg6[%mul3A_175] : memref<800000xi32, #tpu.memory_space<hbm>> -> memref<128xi32, #tpu.memory_space<hbm>>
            %dma_start3A_177 = tpu.memref_slice %arg6[%mul3A_175] : memref<800000xi32, #tpu.memory_space<hbm>> -> memref<128xi32, #tpu.memory_space<hbm>>
            tpu.enqueue_dma source(%dma_start3A_177 : memref<128xi32, #tpu.memory_space<hbm>>) target(%arg17 : memref<128xi32, #tpu.memory_space<vmem>>) target_semaphore(%arg28 : memref<!tpu.dma_semaphore, #tpu.memory_space<semaphore_mem>>)
            %mul3A_178 = arith.constant 128 : i32
            %mul3A_179 = arith.muli %add3A_169, %mul3A_178 : i32
            %dma_start3A_180 = arith.constant 0 : i32
            %dma_start3A_181 = tpu.memref_slice %arg20[%dma_start3A_180] : memref<144xf32, #tpu.memory_space<vmem>> -> memref<128xf32, #tpu.memory_space<vmem>>
            %dma_start3A_182 = tpu.memref_slice %arg7[%mul3A_179] : memref<800000xf32, #tpu.memory_space<hbm>> -> memref<128xf32, #tpu.memory_space<hbm>>
            %dma_start3A_183 = arith.constant 0 : i32
            %dma_start3A_184 = tpu.memref_slice %arg20[%dma_start3A_183] : memref<144xf32, #tpu.memory_space<vmem>> -> memref<128xf32, #tpu.memory_space<vmem>>
            %dma_start3A_185 = tpu.memref_slice %arg7[%mul3A_179] : memref<800000xf32, #tpu.memory_space<hbm>> -> memref<128xf32, #tpu.memory_space<hbm>>
            tpu.enqueue_dma source(%dma_start3A_185 : memref<128xf32, #tpu.memory_space<hbm>>) target(%dma_start3A_184 : memref<128xf32, #tpu.memory_space<vmem>>) target_semaphore(%arg28 : memref<!tpu.dma_semaphore, #tpu.memory_space<semaphore_mem>>)
          } else {
          }
          %dma_wait3A = arith.constant 0 : i32
          %dma_wait3A_150 = arith.constant 0 : i32
          %dma_wait3A_151 = tpu.memref_slice %arg2[%dma_wait3A, %dma_wait3A_150] : memref<100000x32xf32, #tpu.memory_space<hbm>> -> memref<100000x32xf32, #tpu.memory_space<hbm>>
          tpu.wait_indirect_dma semaphore(%arg29 : memref<!tpu.dma_semaphore, #tpu.memory_space<semaphore_mem>>) src(%dma_wait3A_151 : memref<100000x32xf32, #tpu.memory_space<hbm>>) dst(%arg14 : memref<128x32xf32, #tpu.memory_space<vmem>>)
          %dma_wait3A_152 = arith.constant 0 : i32
          %dma_wait3A_153 = arith.constant 0 : i32
          %dma_wait3A_154 = tpu.memref_slice %arg3[%dma_wait3A_152, %dma_wait3A_153] : memref<100000x32xf32, #tpu.memory_space<hbm>> -> memref<100000x32xf32, #tpu.memory_space<hbm>>
          tpu.wait_indirect_dma semaphore(%arg29 : memref<!tpu.dma_semaphore, #tpu.memory_space<semaphore_mem>>) src(%dma_wait3A_154 : memref<100000x32xf32, #tpu.memory_space<hbm>>) dst(%arg15 : memref<128x32xf32, #tpu.memory_space<vmem>>)
          %scan3A_155 = arith.constant 0 : i32
          %scan3A_156 = arith.constant 128 : i32
          %scan3A_157 = arith.addi %scan3A_155, %scan3A_156 : i32
          %scan3A_158 = arith.constant 1 : i32
          scf.for %scan3A_168 = %scan3A_155 to %scan3A_157 step %scan3A_158  : i32 {
            %get3A_169 = arith.index_cast %scan3A_168 : i32 to index
            %get3A_170 = tpu.vector_load %arg13[%get3A_169] {strides = array<i32>} : memref<144xf32, #tpu.memory_space<vmem>>, vector<16xf32>,
            %slice3A = vector.extract_strided_slice %get3A_170 {offsets = [0], sizes = [1], strides = [1]} : vector<16xf32> to vector<1xf32>
            %squeeze3A = vector.extract %slice3A[0] : f32 from vector<1xf32>
            %get3A_171 = arith.index_cast %scan3A_168 : i32 to index
            %get3A_172 = arith.constant 0 : index
            %get3A_173 = tpu.vector_load %arg14[%get3A_171, %get3A_172] {strides = array<i32>} : memref<128x32xf32, #tpu.memory_space<vmem>>, vector<16xf32>,
            %get3A_174 = arith.index_cast %scan3A_168 : i32 to index
            %get3A_175 = arith.constant 0 : index
            %get3A_176 = tpu.vector_load %arg15[%get3A_174, %get3A_175] {strides = array<i32>} : memref<128x32xf32, #tpu.memory_space<vmem>>, vector<16xf32>,
            %add3A_177 = arith.addf %get3A_173, %get3A_176 : vector<16xf32>
            %mul3A_178 = vector.broadcast %squeeze3A : f32 to vector<16xf32>
            %mul3A_179 = arith.mulf %mul3A_178, %get3A_21 : vector<16xf32>
            %add3A_180 = arith.addf %add3A_177, %mul3A_179 : vector<16xf32>
            %max3A = arith.constant 0.000000e+00 : f32
            %max3A_181 = vector.broadcast %max3A : f32 to vector<16xf32>
            %max3A_182 = arith.maximumf %add3A_180, %max3A_181 : vector<16xf32>
            %get3A_183 = arith.index_cast %scan3A_168 : i32 to index
            %get3A_184 = arith.constant 16 : index
            %get3A_185 = tpu.vector_load %arg14[%get3A_183, %get3A_184] {strides = array<i32>} : memref<128x32xf32, #tpu.memory_space<vmem>>, vector<16xf32>,
            %get3A_186 = arith.index_cast %scan3A_168 : i32 to index
            %get3A_187 = arith.constant 16 : index
            %get3A_188 = tpu.vector_load %arg15[%get3A_186, %get3A_187] {strides = array<i32>} : memref<128x32xf32, #tpu.memory_space<vmem>>, vector<16xf32>,
            %add3A_189 = arith.addf %get3A_185, %get3A_188 : vector<16xf32>
            %mul3A_190 = vector.broadcast %squeeze3A : f32 to vector<16xf32>
            %mul3A_191 = arith.mulf %mul3A_190, %get3A_23 : vector<16xf32>
            %add3A_192 = arith.addf %add3A_189, %mul3A_191 : vector<16xf32>
            %max3A_193 = arith.constant 0.000000e+00 : f32
            %max3A_194 = vector.broadcast %max3A_193 : f32 to vector<16xf32>
            %max3A_195 = arith.maximumf %add3A_192, %max3A_194 : vector<16xf32>
            %swap3A = arith.index_cast %scan3A_168 : i32 to index
            %swap3A_196 = arith.constant 0 : index
            %swap3A_197 = tpu.vector_load %arg14[%swap3A, %swap3A_196] {strides = array<i32>} : memref<128x32xf32, #tpu.memory_space<vmem>>, vector<16xf32>,
            tpu.vector_store %arg14[%swap3A, %swap3A_196], %max3A_182 {strides = array<i32>} : memref<128x32xf32, #tpu.memory_space<vmem>>, vector<16xf32>,
            %swap3A_198 = arith.index_cast %scan3A_168 : i32 to index
            %swap3A_199 = arith.constant 16 : index
            %swap3A_200 = tpu.vector_load %arg14[%swap3A_198, %swap3A_199] {strides = array<i32>} : memref<128x32xf32, #tpu.memory_space<vmem>>, vector<16xf32>,
            tpu.vector_store %arg14[%swap3A_198, %swap3A_199], %max3A_195 {strides = array<i32>} : memref<128x32xf32, #tpu.memory_space<vmem>>, vector<16xf32>,
          }
          %scan3A_159 = arith.constant 128 : i32
          %add3A_160 = arith.constant 1 : i32
          %add3A_161 = arith.addi %scan3A_92, %add3A_160 : i32
          %lt3A_162 = arith.cmpi slt, %add3A_161, %add3A_20 : i32
          %convert_element_type3A_163 = arith.extui %lt3A_162 : i1 to i32
          %cond3A_164 = arith.constant 0 : i32
          %cond3A_165 = arith.cmpi ne, %convert_element_type3A_163, %cond3A_164 : i32
          scf.if %cond3A_165 {
            %add3A_168 = arith.constant 1 : i32
            %add3A_169 = arith.addi %add3A_139, %add3A_168 : i32
            %mul3A_170 = arith.constant 128 : i32
            %mul3A_171 = arith.muli %add3A_169, %mul3A_170 : i32
            %dma_wait3A_172 = tpu.memref_slice %arg5[%mul3A_171] : memref<800000xi32, #tpu.memory_space<hbm>> -> memref<128xi32, #tpu.memory_space<hbm>>
            %dma_wait3A_173 = tpu.memref_slice %arg5[%mul3A_171] : memref<800000xi32, #tpu.memory_space<hbm>> -> memref<128xi32, #tpu.memory_space<hbm>>
            tpu.wait_dma2 semaphore(%arg28 : memref<!tpu.dma_semaphore, #tpu.memory_space<semaphore_mem>>) src(%dma_wait3A_173 : memref<128xi32, #tpu.memory_space<hbm>>) dst(%arg16 : memref<128xi32, #tpu.memory_space<vmem>>)
            %mul3A_174 = arith.constant 128 : i32
            %mul3A_175 = arith.muli %add3A_169, %mul3A_174 : i32
            %dma_wait3A_176 = tpu.memref_slice %arg6[%mul3A_175] : memref<800000xi32, #tpu.memory_space<hbm>> -> memref<128xi32, #tpu.memory_space<hbm>>
            %dma_wait3A_177 = tpu.memref_slice %arg6[%mul3A_175] : memref<800000xi32, #tpu.memory_space<hbm>> -> memref<128xi32, #tpu.memory_space<hbm>>
            tpu.wait_dma2 semaphore(%arg28 : memref<!tpu.dma_semaphore, #tpu.memory_space<semaphore_mem>>) src(%dma_wait3A_177 : memref<128xi32, #tpu.memory_space<hbm>>) dst(%arg17 : memref<128xi32, #tpu.memory_space<vmem>>)
            %mul3A_178 = arith.constant 128 : i32
            %mul3A_179 = arith.muli %add3A_169, %mul3A_178 : i32
            %dma_wait3A_180 = arith.constant 0 : i32
            %dma_wait3A_181 = tpu.memref_slice %arg20[%dma_wait3A_180] : memref<144xf32, #tpu.memory_space<vmem>> -> memref<128xf32, #tpu.memory_space<vmem>>
            %dma_wait3A_182 = tpu.memref_slice %arg7[%mul3A_179] : memref<800000xf32, #tpu.memory_space<hbm>> -> memref<128xf32, #tpu.memory_space<hbm>>
            %dma_wait3A_183 = arith.constant 0 : i32
            %dma_wait3A_184 = tpu.memref_slice %arg20[%dma_wait3A_183] : memref<144xf32, #tpu.memory_space<vmem>> -> memref<128xf32, #tpu.memory_space<vmem>>
            %dma_wait3A_185 = tpu.memref_slice %arg7[%mul3A_179] : memref<800000xf32, #tpu.memory_space<hbm>> -> memref<128xf32, #tpu.memory_space<hbm>>
            tpu.wait_dma2 semaphore(%arg28 : memref<!tpu.dma_semaphore, #tpu.memory_space<semaphore_mem>>) src(%dma_wait3A_185 : memref<128xf32, #tpu.memory_space<hbm>>) dst(%dma_wait3A_184 : memref<128xf32, #tpu.memory_space<vmem>>)
            %scan3A_186 = arith.constant 0 : i32
            %scan3A_187 = arith.constant 8 : i32
            %scan3A_188 = arith.addi %scan3A_186, %scan3A_187 : i32
            %scan3A_189 = arith.constant 1 : i32
            scf.for %scan3A_197 = %scan3A_186 to %scan3A_188 step %scan3A_189  : i32 {
              %mul3A_198 = arith.constant 16 : i32
              %mul3A_199 = arith.muli %scan3A_197, %mul3A_198 : i32
              %get3A_200 = arith.index_cast %mul3A_199 : i32 to index
              %get3A_201 = tpu.vector_load %arg16[%get3A_200] {strides = array<i32>} : memref<128xi32, #tpu.memory_space<vmem>>, vector<16xi32>,
              %add3A_202 = vector.broadcast %mul3A_0 : i32 to vector<16xi32>
              %add3A_203 = arith.addi %get3A_201, %add3A_202 : vector<16xi32>
              %swap3A = arith.index_cast %mul3A_199 : i32 to index
              %swap3A_204 = tpu.vector_load %arg18[%swap3A] {strides = array<i32>} : memref<128xi32, #tpu.memory_space<vmem>>, vector<16xi32>,
              tpu.vector_store %arg18[%swap3A], %add3A_203 {strides = array<i32>} : memref<128xi32, #tpu.memory_space<vmem>>, vector<16xi32>,
              %get3A_205 = arith.index_cast %mul3A_199 : i32 to index
              %get3A_206 = tpu.vector_load %arg17[%get3A_205] {strides = array<i32>} : memref<128xi32, #tpu.memory_space<vmem>>, vector<16xi32>,
              %add3A_207 = vector.broadcast %mul3A_0 : i32 to vector<16xi32>
              %add3A_208 = arith.addi %get3A_206, %add3A_207 : vector<16xi32>
              %swap3A_209 = arith.index_cast %mul3A_199 : i32 to index
              %swap3A_210 = tpu.vector_load %arg19[%swap3A_209] {strides = array<i32>} : memref<128xi32, #tpu.memory_space<vmem>>, vector<16xi32>,
              tpu.vector_store %arg19[%swap3A_209], %add3A_208 {strides = array<i32>} : memref<128xi32, #tpu.memory_space<vmem>>, vector<16xi32>,
            }
            %scan3A_190 = arith.constant 8 : i32
            %dma_start3A_191 = arith.constant 0 : i32
            %dma_start3A_192 = arith.constant 0 : i32
            %dma_start3A_193 = tpu.memref_slice %arg2[%dma_start3A_191, %dma_start3A_192] : memref<100000x32xf32, #tpu.memory_space<hbm>> -> memref<100000x32xf32, #tpu.memory_space<hbm>>
            tpu.enqueue_indirect_dma source(%dma_start3A_193 : memref<100000x32xf32, #tpu.memory_space<hbm>>) target(%arg21 : memref<128x32xf32, #tpu.memory_space<vmem>>) offsets(%arg18 : memref<128xi32, #tpu.memory_space<vmem>>) semaphore(%arg30 : memref<!tpu.dma_semaphore, #tpu.memory_space<semaphore_mem>>)
            %dma_start3A_194 = arith.constant 0 : i32
            %dma_start3A_195 = arith.constant 0 : i32
            %dma_start3A_196 = tpu.memref_slice %arg3[%dma_start3A_194, %dma_start3A_195] : memref<100000x32xf32, #tpu.memory_space<hbm>> -> memref<100000x32xf32, #tpu.memory_space<hbm>>
            tpu.enqueue_indirect_dma source(%dma_start3A_196 : memref<100000x32xf32, #tpu.memory_space<hbm>>) target(%arg22 : memref<128x32xf32, #tpu.memory_space<vmem>>) offsets(%arg19 : memref<128xi32, #tpu.memory_space<vmem>>) semaphore(%arg30 : memref<!tpu.dma_semaphore, #tpu.memory_space<semaphore_mem>>)
          } else {
          }
          %dma_start3A = arith.constant 0 : i32
          %dma_start3A_166 = arith.constant 0 : i32
          %dma_start3A_167 = tpu.memref_slice %arg26[%dma_start3A, %dma_start3A_166] : memref<50000x32xf32, #tpu.memory_space<vmem_shared>> -> memref<50000x32xf32, #tpu.memory_space<vmem_shared>>
          tpu.enqueue_indirect_dma source(%arg14 : memref<128x32xf32, #tpu.memory_space<vmem>>) target(%dma_start3A_167 : memref<50000x32xf32, #tpu.memory_space<vmem_shared>>) offsets(%arg9 : memref<128xi32, #tpu.memory_space<vmem>>) semaphore(%arg31 : memref<!tpu.dma_semaphore, #tpu.memory_space<semaphore_mem>>) {add = true}
        } else {
        }
        %jit3A_118 = arith.constant 2 : i32
        %eq3A_119 = arith.constant 0 : i32
        %eq3A_120 = arith.cmpi eq, %jit3A_118, %eq3A_119 : i32
        %jit3A_121 = arith.constant 1 : i32
        %select_n3A_122 = arith.select %eq3A_120, %jit3A_121, %jit3A_118 : i32
        %rem3A_123 = arith.remsi %scan3A_92, %select_n3A_122 : i32
        %ne3A_124 = arith.constant 0 : i32
        %ne3A_125 = arith.cmpi ne, %rem3A_123, %ne3A_124 : i32
        %lt3A_126 = arith.constant 0 : i32
        %lt3A_127 = arith.cmpi slt, %rem3A_123, %lt3A_126 : i32
        %lt3A_128 = arith.constant 0 : i32
        %lt3A_129 = arith.cmpi slt, %select_n3A_122, %lt3A_128 : i32
        %ne3A_130 = arith.xori %lt3A_127, %lt3A_129 : i1
        %and3A_131 = arith.andi %ne3A_130, %ne3A_125 : i1
        %add3A_132 = arith.addi %rem3A_123, %select_n3A_122 : i32
        %select_n3A_133 = arith.select %and3A_131, %add3A_132, %rem3A_123 : i32
        %eq3A_134 = arith.constant 1 : i32
        %eq3A_135 = arith.cmpi eq, %select_n3A_133, %eq3A_134 : i32
        %convert_element_type3A_136 = arith.extui %eq3A_135 : i1 to i32
        %cond3A_137 = arith.constant 0 : i32
        %cond3A_138 = arith.cmpi ne, %convert_element_type3A_136, %cond3A_137 : i32
        scf.if %cond3A_138 {
          %add3A_139 = arith.addi %add3A, %scan3A_92 : i32
          %ge3A = arith.constant 1 : i32
          %ge3A_140 = arith.cmpi sge, %scan3A_92, %ge3A : i32
          %convert_element_type3A_141 = arith.extui %ge3A_140 : i1 to i32
          %cond3A_142 = arith.constant 0 : i32
          %cond3A_143 = arith.cmpi ne, %convert_element_type3A_141, %cond3A_142 : i32
          scf.if %cond3A_143 {
            %dma_wait3A_168 = arith.constant 0 : i32
            %dma_wait3A_169 = arith.constant 0 : i32
            %dma_wait3A_170 = tpu.memref_slice %arg26[%dma_wait3A_168, %dma_wait3A_169] : memref<50000x32xf32, #tpu.memory_space<vmem_shared>> -> memref<50000x32xf32, #tpu.memory_space<vmem_shared>>
            tpu.wait_indirect_dma semaphore(%arg31 : memref<!tpu.dma_semaphore, #tpu.memory_space<semaphore_mem>>) src(%arg14 : memref<128x32xf32, #tpu.memory_space<vmem>>) dst(%dma_wait3A_170 : memref<50000x32xf32, #tpu.memory_space<vmem_shared>>)
          } else {
          }
          %add3A_144 = arith.constant 1 : i32
          %add3A_145 = arith.addi %scan3A_92, %add3A_144 : i32
          %lt3A_146 = arith.cmpi slt, %add3A_145, %add3A_20 : i32
          %convert_element_type3A_147 = arith.extui %lt3A_146 : i1 to i32
          %cond3A_148 = arith.constant 0 : i32
          %cond3A_149 = arith.cmpi ne, %convert_element_type3A_147, %cond3A_148 : i32
          scf.if %cond3A_149 {
            %add3A_168 = arith.constant 1 : i32
            %add3A_169 = arith.addi %add3A_139, %add3A_168 : i32
            %mul3A_170 = arith.constant 128 : i32
            %mul3A_171 = arith.muli %add3A_169, %mul3A_170 : i32
            %dma_start3A_172 = tpu.memref_slice %arg5[%mul3A_171] : memref<800000xi32, #tpu.memory_space<hbm>> -> memref<128xi32, #tpu.memory_space<hbm>>
            %dma_start3A_173 = tpu.memref_slice %arg5[%mul3A_171] : memref<800000xi32, #tpu.memory_space<hbm>> -> memref<128xi32, #tpu.memory_space<hbm>>
            tpu.enqueue_dma source(%dma_start3A_173 : memref<128xi32, #tpu.memory_space<hbm>>) target(%arg9 : memref<128xi32, #tpu.memory_space<vmem>>) target_semaphore(%arg27 : memref<!tpu.dma_semaphore, #tpu.memory_space<semaphore_mem>>)
            %mul3A_174 = arith.constant 128 : i32
            %mul3A_175 = arith.muli %add3A_169, %mul3A_174 : i32
            %dma_start3A_176 = tpu.memref_slice %arg6[%mul3A_175] : memref<800000xi32, #tpu.memory_space<hbm>> -> memref<128xi32, #tpu.memory_space<hbm>>
            %dma_start3A_177 = tpu.memref_slice %arg6[%mul3A_175] : memref<800000xi32, #tpu.memory_space<hbm>> -> memref<128xi32, #tpu.memory_space<hbm>>
            tpu.enqueue_dma source(%dma_start3A_177 : memref<128xi32, #tpu.memory_space<hbm>>) target(%arg10 : memref<128xi32, #tpu.memory_space<vmem>>) target_semaphore(%arg27 : memref<!tpu.dma_semaphore, #tpu.memory_space<semaphore_mem>>)
            %mul3A_178 = arith.constant 128 : i32
            %mul3A_179 = arith.muli %add3A_169, %mul3A_178 : i32
            %dma_start3A_180 = arith.constant 0 : i32
            %dma_start3A_181 = tpu.memref_slice %arg13[%dma_start3A_180] : memref<144xf32, #tpu.memory_space<vmem>> -> memref<128xf32, #tpu.memory_space<vmem>>
            %dma_start3A_182 = tpu.memref_slice %arg7[%mul3A_179] : memref<800000xf32, #tpu.memory_space<hbm>> -> memref<128xf32, #tpu.memory_space<hbm>>
            %dma_start3A_183 = arith.constant 0 : i32
            %dma_start3A_184 = tpu.memref_slice %arg13[%dma_start3A_183] : memref<144xf32, #tpu.memory_space<vmem>> -> memref<128xf32, #tpu.memory_space<vmem>>
            %dma_start3A_185 = tpu.memref_slice %arg7[%mul3A_179] : memref<800000xf32, #tpu.memory_space<hbm>> -> memref<128xf32, #tpu.memory_space<hbm>>
            tpu.enqueue_dma source(%dma_start3A_185 : memref<128xf32, #tpu.memory_space<hbm>>) target(%dma_start3A_184 : memref<128xf32, #tpu.memory_space<vmem>>) target_semaphore(%arg27 : memref<!tpu.dma_semaphore, #tpu.memory_space<semaphore_mem>>)
          } else {
          }
          %dma_wait3A = arith.constant 0 : i32
          %dma_wait3A_150 = arith.constant 0 : i32
          %dma_wait3A_151 = tpu.memref_slice %arg2[%dma_wait3A, %dma_wait3A_150] : memref<100000x32xf32, #tpu.memory_space<hbm>> -> memref<100000x32xf32, #tpu.memory_space<hbm>>
          tpu.wait_indirect_dma semaphore(%arg30 : memref<!tpu.dma_semaphore, #tpu.memory_space<semaphore_mem>>) src(%dma_wait3A_151 : memref<100000x32xf32, #tpu.memory_space<hbm>>) dst(%arg21 : memref<128x32xf32, #tpu.memory_space<vmem>>)
          %dma_wait3A_152 = arith.constant 0 : i32
          %dma_wait3A_153 = arith.constant 0 : i32
          %dma_wait3A_154 = tpu.memref_slice %arg3[%dma_wait3A_152, %dma_wait3A_153] : memref<100000x32xf32, #tpu.memory_space<hbm>> -> memref<100000x32xf32, #tpu.memory_space<hbm>>
          tpu.wait_indirect_dma semaphore(%arg30 : memref<!tpu.dma_semaphore, #tpu.memory_space<semaphore_mem>>) src(%dma_wait3A_154 : memref<100000x32xf32, #tpu.memory_space<hbm>>) dst(%arg22 : memref<128x32xf32, #tpu.memory_space<vmem>>)
          %scan3A_155 = arith.constant 0 : i32
          %scan3A_156 = arith.constant 128 : i32
          %scan3A_157 = arith.addi %scan3A_155, %scan3A_156 : i32
          %scan3A_158 = arith.constant 1 : i32
          scf.for %scan3A_168 = %scan3A_155 to %scan3A_157 step %scan3A_158  : i32 {
            %get3A_169 = arith.index_cast %scan3A_168 : i32 to index
            %get3A_170 = tpu.vector_load %arg20[%get3A_169] {strides = array<i32>} : memref<144xf32, #tpu.memory_space<vmem>>, vector<16xf32>,
            %slice3A = vector.extract_strided_slice %get3A_170 {offsets = [0], sizes = [1], strides = [1]} : vector<16xf32> to vector<1xf32>
            %squeeze3A = vector.extract %slice3A[0] : f32 from vector<1xf32>
            %get3A_171 = arith.index_cast %scan3A_168 : i32 to index
            %get3A_172 = arith.constant 0 : index
            %get3A_173 = tpu.vector_load %arg21[%get3A_171, %get3A_172] {strides = array<i32>} : memref<128x32xf32, #tpu.memory_space<vmem>>, vector<16xf32>,
            %get3A_174 = arith.index_cast %scan3A_168 : i32 to index
            %get3A_175 = arith.constant 0 : index
            %get3A_176 = tpu.vector_load %arg22[%get3A_174, %get3A_175] {strides = array<i32>} : memref<128x32xf32, #tpu.memory_space<vmem>>, vector<16xf32>,
            %add3A_177 = arith.addf %get3A_173, %get3A_176 : vector<16xf32>
            %mul3A_178 = vector.broadcast %squeeze3A : f32 to vector<16xf32>
            %mul3A_179 = arith.mulf %mul3A_178, %get3A_21 : vector<16xf32>
            %add3A_180 = arith.addf %add3A_177, %mul3A_179 : vector<16xf32>
            %max3A = arith.constant 0.000000e+00 : f32
            %max3A_181 = vector.broadcast %max3A : f32 to vector<16xf32>
            %max3A_182 = arith.maximumf %add3A_180, %max3A_181 : vector<16xf32>
            %get3A_183 = arith.index_cast %scan3A_168 : i32 to index
            %get3A_184 = arith.constant 16 : index
            %get3A_185 = tpu.vector_load %arg21[%get3A_183, %get3A_184] {strides = array<i32>} : memref<128x32xf32, #tpu.memory_space<vmem>>, vector<16xf32>,
            %get3A_186 = arith.index_cast %scan3A_168 : i32 to index
            %get3A_187 = arith.constant 16 : index
            %get3A_188 = tpu.vector_load %arg22[%get3A_186, %get3A_187] {strides = array<i32>} : memref<128x32xf32, #tpu.memory_space<vmem>>, vector<16xf32>,
            %add3A_189 = arith.addf %get3A_185, %get3A_188 : vector<16xf32>
            %mul3A_190 = vector.broadcast %squeeze3A : f32 to vector<16xf32>
            %mul3A_191 = arith.mulf %mul3A_190, %get3A_23 : vector<16xf32>
            %add3A_192 = arith.addf %add3A_189, %mul3A_191 : vector<16xf32>
            %max3A_193 = arith.constant 0.000000e+00 : f32
            %max3A_194 = vector.broadcast %max3A_193 : f32 to vector<16xf32>
            %max3A_195 = arith.maximumf %add3A_192, %max3A_194 : vector<16xf32>
            %swap3A = arith.index_cast %scan3A_168 : i32 to index
            %swap3A_196 = arith.constant 0 : index
            %swap3A_197 = tpu.vector_load %arg21[%swap3A, %swap3A_196] {strides = array<i32>} : memref<128x32xf32, #tpu.memory_space<vmem>>, vector<16xf32>,
            tpu.vector_store %arg21[%swap3A, %swap3A_196], %max3A_182 {strides = array<i32>} : memref<128x32xf32, #tpu.memory_space<vmem>>, vector<16xf32>,
            %swap3A_198 = arith.index_cast %scan3A_168 : i32 to index
            %swap3A_199 = arith.constant 16 : index
            %swap3A_200 = tpu.vector_load %arg21[%swap3A_198, %swap3A_199] {strides = array<i32>} : memref<128x32xf32, #tpu.memory_space<vmem>>, vector<16xf32>,
            tpu.vector_store %arg21[%swap3A_198, %swap3A_199], %max3A_195 {strides = array<i32>} : memref<128x32xf32, #tpu.memory_space<vmem>>, vector<16xf32>,
          }
          %scan3A_159 = arith.constant 128 : i32
          %add3A_160 = arith.constant 1 : i32
          %add3A_161 = arith.addi %scan3A_92, %add3A_160 : i32
          %lt3A_162 = arith.cmpi slt, %add3A_161, %add3A_20 : i32
          %convert_element_type3A_163 = arith.extui %lt3A_162 : i1 to i32
          %cond3A_164 = arith.constant 0 : i32
          %cond3A_165 = arith.cmpi ne, %convert_element_type3A_163, %cond3A_164 : i32
          scf.if %cond3A_165 {
            %add3A_168 = arith.constant 1 : i32
            %add3A_169 = arith.addi %add3A_139, %add3A_168 : i32
            %mul3A_170 = arith.constant 128 : i32
            %mul3A_171 = arith.muli %add3A_169, %mul3A_170 : i32
            %dma_wait3A_172 = tpu.memref_slice %arg5[%mul3A_171] : memref<800000xi32, #tpu.memory_space<hbm>> -> memref<128xi32, #tpu.memory_space<hbm>>
            %dma_wait3A_173 = tpu.memref_slice %arg5[%mul3A_171] : memref<800000xi32, #tpu.memory_space<hbm>> -> memref<128xi32, #tpu.memory_space<hbm>>
            tpu.wait_dma2 semaphore(%arg27 : memref<!tpu.dma_semaphore, #tpu.memory_space<semaphore_mem>>) src(%dma_wait3A_173 : memref<128xi32, #tpu.memory_space<hbm>>) dst(%arg9 : memref<128xi32, #tpu.memory_space<vmem>>)
            %mul3A_174 = arith.constant 128 : i32
            %mul3A_175 = arith.muli %add3A_169, %mul3A_174 : i32
            %dma_wait3A_176 = tpu.memref_slice %arg6[%mul3A_175] : memref<800000xi32, #tpu.memory_space<hbm>> -> memref<128xi32, #tpu.memory_space<hbm>>
            %dma_wait3A_177 = tpu.memref_slice %arg6[%mul3A_175] : memref<800000xi32, #tpu.memory_space<hbm>> -> memref<128xi32, #tpu.memory_space<hbm>>
            tpu.wait_dma2 semaphore(%arg27 : memref<!tpu.dma_semaphore, #tpu.memory_space<semaphore_mem>>) src(%dma_wait3A_177 : memref<128xi32, #tpu.memory_space<hbm>>) dst(%arg10 : memref<128xi32, #tpu.memory_space<vmem>>)
            %mul3A_178 = arith.constant 128 : i32
            %mul3A_179 = arith.muli %add3A_169, %mul3A_178 : i32
            %dma_wait3A_180 = arith.constant 0 : i32
            %dma_wait3A_181 = tpu.memref_slice %arg13[%dma_wait3A_180] : memref<144xf32, #tpu.memory_space<vmem>> -> memref<128xf32, #tpu.memory_space<vmem>>
            %dma_wait3A_182 = tpu.memref_slice %arg7[%mul3A_179] : memref<800000xf32, #tpu.memory_space<hbm>> -> memref<128xf32, #tpu.memory_space<hbm>>
            %dma_wait3A_183 = arith.constant 0 : i32
            %dma_wait3A_184 = tpu.memref_slice %arg13[%dma_wait3A_183] : memref<144xf32, #tpu.memory_space<vmem>> -> memref<128xf32, #tpu.memory_space<vmem>>
            %dma_wait3A_185 = tpu.memref_slice %arg7[%mul3A_179] : memref<800000xf32, #tpu.memory_space<hbm>> -> memref<128xf32, #tpu.memory_space<hbm>>
            tpu.wait_dma2 semaphore(%arg27 : memref<!tpu.dma_semaphore, #tpu.memory_space<semaphore_mem>>) src(%dma_wait3A_185 : memref<128xf32, #tpu.memory_space<hbm>>) dst(%dma_wait3A_184 : memref<128xf32, #tpu.memory_space<vmem>>)
            %scan3A_186 = arith.constant 0 : i32
            %scan3A_187 = arith.constant 8 : i32
            %scan3A_188 = arith.addi %scan3A_186, %scan3A_187 : i32
            %scan3A_189 = arith.constant 1 : i32
            scf.for %scan3A_197 = %scan3A_186 to %scan3A_188 step %scan3A_189  : i32 {
              %mul3A_198 = arith.constant 16 : i32
              %mul3A_199 = arith.muli %scan3A_197, %mul3A_198 : i32
              %get3A_200 = arith.index_cast %mul3A_199 : i32 to index
              %get3A_201 = tpu.vector_load %arg9[%get3A_200] {strides = array<i32>} : memref<128xi32, #tpu.memory_space<vmem>>, vector<16xi32>,
              %add3A_202 = vector.broadcast %mul3A_0 : i32 to vector<16xi32>
              %add3A_203 = arith.addi %get3A_201, %add3A_202 : vector<16xi32>
              %swap3A = arith.index_cast %mul3A_199 : i32 to index
              %swap3A_204 = tpu.vector_load %arg11[%swap3A] {strides = array<i32>} : memref<128xi32, #tpu.memory_space<vmem>>, vector<16xi32>,
              tpu.vector_store %arg11[%swap3A], %add3A_203 {strides = array<i32>} : memref<128xi32, #tpu.memory_space<vmem>>, vector<16xi32>,
              %get3A_205 = arith.index_cast %mul3A_199 : i32 to index
              %get3A_206 = tpu.vector_load %arg10[%get3A_205] {strides = array<i32>} : memref<128xi32, #tpu.memory_space<vmem>>, vector<16xi32>,
              %add3A_207 = vector.broadcast %mul3A_0 : i32 to vector<16xi32>
              %add3A_208 = arith.addi %get3A_206, %add3A_207 : vector<16xi32>
              %swap3A_209 = arith.index_cast %mul3A_199 : i32 to index
              %swap3A_210 = tpu.vector_load %arg12[%swap3A_209] {strides = array<i32>} : memref<128xi32, #tpu.memory_space<vmem>>, vector<16xi32>,
              tpu.vector_store %arg12[%swap3A_209], %add3A_208 {strides = array<i32>} : memref<128xi32, #tpu.memory_space<vmem>>, vector<16xi32>,
            }
            %scan3A_190 = arith.constant 8 : i32
            %dma_start3A_191 = arith.constant 0 : i32
            %dma_start3A_192 = arith.constant 0 : i32
            %dma_start3A_193 = tpu.memref_slice %arg2[%dma_start3A_191, %dma_start3A_192] : memref<100000x32xf32, #tpu.memory_space<hbm>> -> memref<100000x32xf32, #tpu.memory_space<hbm>>
            tpu.enqueue_indirect_dma source(%dma_start3A_193 : memref<100000x32xf32, #tpu.memory_space<hbm>>) target(%arg14 : memref<128x32xf32, #tpu.memory_space<vmem>>) offsets(%arg11 : memref<128xi32, #tpu.memory_space<vmem>>) semaphore(%arg29 : memref<!tpu.dma_semaphore, #tpu.memory_space<semaphore_mem>>)
            %dma_start3A_194 = arith.constant 0 : i32
            %dma_start3A_195 = arith.constant 0 : i32
            %dma_start3A_196 = tpu.memref_slice %arg3[%dma_start3A_194, %dma_start3A_195] : memref<100000x32xf32, #tpu.memory_space<hbm>> -> memref<100000x32xf32, #tpu.memory_space<hbm>>
            tpu.enqueue_indirect_dma source(%dma_start3A_196 : memref<100000x32xf32, #tpu.memory_space<hbm>>) target(%arg15 : memref<128x32xf32, #tpu.memory_space<vmem>>) offsets(%arg12 : memref<128xi32, #tpu.memory_space<vmem>>) semaphore(%arg29 : memref<!tpu.dma_semaphore, #tpu.memory_space<semaphore_mem>>)
          } else {
          }
          %dma_start3A = arith.constant 0 : i32
          %dma_start3A_166 = arith.constant 0 : i32
          %dma_start3A_167 = tpu.memref_slice %arg26[%dma_start3A, %dma_start3A_166] : memref<50000x32xf32, #tpu.memory_space<vmem_shared>> -> memref<50000x32xf32, #tpu.memory_space<vmem_shared>>
          tpu.enqueue_indirect_dma source(%arg21 : memref<128x32xf32, #tpu.memory_space<vmem>>) target(%dma_start3A_167 : memref<50000x32xf32, #tpu.memory_space<vmem_shared>>) offsets(%arg16 : memref<128xi32, #tpu.memory_space<vmem>>) semaphore(%arg32 : memref<!tpu.dma_semaphore, #tpu.memory_space<semaphore_mem>>) {add = true}
        } else {
        }
      } else {
      }
    }
    %scan3A_32 = arith.constant 391 : i32
    %gt3A_33 = arith.constant 0 : i32
    %gt3A_34 = arith.cmpi sgt, %add3A_20, %gt3A_33 : i32
    %sub3A = arith.constant 1 : i32
    %sub3A_35 = arith.subi %add3A_20, %sub3A : i32
    %jit3A_36 = arith.constant 2 : i32
    %eq3A_37 = arith.constant 0 : i32
    %eq3A_38 = arith.cmpi eq, %jit3A_36, %eq3A_37 : i32
    %jit3A_39 = arith.constant 1 : i32
    %select_n3A_40 = arith.select %eq3A_38, %jit3A_39, %jit3A_36 : i32
    %rem3A = arith.remsi %sub3A_35, %select_n3A_40 : i32
    %ne3A = arith.constant 0 : i32
    %ne3A_41 = arith.cmpi ne, %rem3A, %ne3A : i32
    %lt3A_42 = arith.constant 0 : i32
    %lt3A_43 = arith.cmpi slt, %rem3A, %lt3A_42 : i32
    %lt3A_44 = arith.constant 0 : i32
    %lt3A_45 = arith.cmpi slt, %select_n3A_40, %lt3A_44 : i32
    %ne3A_46 = arith.xori %lt3A_43, %lt3A_45 : i1
    %and3A = arith.andi %ne3A_46, %ne3A_41 : i1
    %add3A_47 = arith.addi %rem3A, %select_n3A_40 : i32
    %select_n3A_48 = arith.select %and3A, %add3A_47, %rem3A : i32
    %eq3A_49 = arith.constant 0 : i32
    %eq3A_50 = arith.cmpi eq, %select_n3A_48, %eq3A_49 : i32
    %and3A_51 = arith.andi %gt3A_34, %eq3A_50 : i1
    %convert_element_type3A_52 = arith.extui %and3A_51 : i1 to i32
    %cond3A_53 = arith.constant 0 : i32
    %cond3A_54 = arith.cmpi ne, %convert_element_type3A_52, %cond3A_53 : i32
    scf.if %cond3A_54 {
      %dma_wait3A = arith.constant 0 : i32
      %dma_wait3A_92 = arith.constant 0 : i32
      %dma_wait3A_93 = tpu.memref_slice %arg26[%dma_wait3A, %dma_wait3A_92] : memref<50000x32xf32, #tpu.memory_space<vmem_shared>> -> memref<50000x32xf32, #tpu.memory_space<vmem_shared>>
      tpu.wait_indirect_dma semaphore(%arg31 : memref<!tpu.dma_semaphore, #tpu.memory_space<semaphore_mem>>) src(%arg14 : memref<128x32xf32, #tpu.memory_space<vmem>>) dst(%dma_wait3A_93 : memref<50000x32xf32, #tpu.memory_space<vmem_shared>>)
    } else {
    }
    %gt3A_55 = arith.constant 0 : i32
    %gt3A_56 = arith.cmpi sgt, %add3A_20, %gt3A_55 : i32
    %sub3A_57 = arith.constant 1 : i32
    %sub3A_58 = arith.subi %add3A_20, %sub3A_57 : i32
    %jit3A_59 = arith.constant 2 : i32
    %eq3A_60 = arith.constant 0 : i32
    %eq3A_61 = arith.cmpi eq, %jit3A_59, %eq3A_60 : i32
    %jit3A_62 = arith.constant 1 : i32
    %select_n3A_63 = arith.select %eq3A_61, %jit3A_62, %jit3A_59 : i32
    %rem3A_64 = arith.remsi %sub3A_58, %select_n3A_63 : i32
    %ne3A_65 = arith.constant 0 : i32
    %ne3A_66 = arith.cmpi ne, %rem3A_64, %ne3A_65 : i32
    %lt3A_67 = arith.constant 0 : i32
    %lt3A_68 = arith.cmpi slt, %rem3A_64, %lt3A_67 : i32
    %lt3A_69 = arith.constant 0 : i32
    %lt3A_70 = arith.cmpi slt, %select_n3A_63, %lt3A_69 : i32
    %ne3A_71 = arith.xori %lt3A_68, %lt3A_70 : i1
    %and3A_72 = arith.andi %ne3A_71, %ne3A_66 : i1
    %add3A_73 = arith.addi %rem3A_64, %select_n3A_63 : i32
    %select_n3A_74 = arith.select %and3A_72, %add3A_73, %rem3A_64 : i32
    %eq3A_75 = arith.constant 1 : i32
    %eq3A_76 = arith.cmpi eq, %select_n3A_74, %eq3A_75 : i32
    %and3A_77 = arith.andi %gt3A_56, %eq3A_76 : i1
    %convert_element_type3A_78 = arith.extui %and3A_77 : i1 to i32
    %cond3A_79 = arith.constant 0 : i32
    %cond3A_80 = arith.cmpi ne, %convert_element_type3A_78, %cond3A_79 : i32
    scf.if %cond3A_80 {
      %dma_wait3A = arith.constant 0 : i32
      %dma_wait3A_92 = arith.constant 0 : i32
      %dma_wait3A_93 = tpu.memref_slice %arg26[%dma_wait3A, %dma_wait3A_92] : memref<50000x32xf32, #tpu.memory_space<vmem_shared>> -> memref<50000x32xf32, #tpu.memory_space<vmem_shared>>
      tpu.wait_indirect_dma semaphore(%arg32 : memref<!tpu.dma_semaphore, #tpu.memory_space<semaphore_mem>>) src(%arg21 : memref<128x32xf32, #tpu.memory_space<vmem>>) dst(%dma_wait3A_93 : memref<50000x32xf32, #tpu.memory_space<vmem_shared>>)
    } else {
    }
    %barrier3A_81 = arith.constant 0 : index
    tpu.barrier barrier_id(%barrier3A_81)
    %lt3A_82 = arith.constant 15 : i32
    %lt3A_83 = arith.cmpi slt, %arg1, %lt3A_82 : i32
    %convert_element_type3A_84 = arith.extui %lt3A_83 : i1 to i32
    %cond3A_85 = arith.constant 0 : i32
    %cond3A_86 = arith.cmpi ne, %convert_element_type3A_84, %cond3A_85 : i32
    scf.if %cond3A_86 {
      %mul3A_92 = arith.constant 3128 : i32
      %mul3A_93 = arith.muli %arg1, %mul3A_92 : i32
      %mul3A_94 = arith.constant 50000 : i32
      %mul3A_95 = arith.muli %arg0, %mul3A_94 : i32
      %add3A_96 = arith.addi %mul3A_95, %mul3A_93 : i32
      %scan3A_97 = arith.constant 0 : i32
      %scan3A_98 = arith.constant 26 : i32
      %scan3A_99 = arith.addi %scan3A_97, %scan3A_98 : i32
      %scan3A_100 = arith.constant 1 : i32
      scf.for %scan3A_106 = %scan3A_97 to %scan3A_99 step %scan3A_100  : i32 {
        %mul3A_107 = arith.constant 120 : i32
        %mul3A_108 = arith.muli %scan3A_106, %mul3A_107 : i32
        %add3A_109 = arith.addi %mul3A_93, %mul3A_108 : i32
        "tpu.region"() ({
          %run_scoped3A = tpu.sem_alloc : memref<!tpu.dma_semaphore, #tpu.memory_space<semaphore_mem>>
          %dma_start3A = arith.constant 0 : i32
          %dma_start3A_113 = tpu.memref_slice %arg26[%add3A_109, %dma_start3A] : memref<50000x32xf32, #tpu.memory_space<vmem_shared>> -> memref<120x32xf32, #tpu.memory_space<vmem_shared>>
          %dma_start3A_114 = arith.constant 0 : i32
          %dma_start3A_115 = tpu.memref_slice %arg26[%add3A_109, %dma_start3A_114] : memref<50000x32xf32, #tpu.memory_space<vmem_shared>> -> memref<120x32xf32, #tpu.memory_space<vmem_shared>>
          tpu.enqueue_dma source(%dma_start3A_115 : memref<120x32xf32, #tpu.memory_space<vmem_shared>>) target(%arg25 : memref<120x32xf32, #tpu.memory_space<vmem>>) target_semaphore(%run_scoped3A : memref<!tpu.dma_semaphore, #tpu.memory_space<semaphore_mem>>)
          %dma_wait3A = arith.constant 0 : i32
          %dma_wait3A_116 = tpu.memref_slice %arg26[%add3A_109, %dma_wait3A] : memref<50000x32xf32, #tpu.memory_space<vmem_shared>> -> memref<120x32xf32, #tpu.memory_space<vmem_shared>>
          %dma_wait3A_117 = arith.constant 0 : i32
          %dma_wait3A_118 = tpu.memref_slice %arg26[%add3A_109, %dma_wait3A_117] : memref<50000x32xf32, #tpu.memory_space<vmem_shared>> -> memref<120x32xf32, #tpu.memory_space<vmem_shared>>
          tpu.wait_dma2 semaphore(%run_scoped3A : memref<!tpu.dma_semaphore, #tpu.memory_space<semaphore_mem>>) src(%dma_wait3A_118 : memref<120x32xf32, #tpu.memory_space<vmem_shared>>) dst(%arg25 : memref<120x32xf32, #tpu.memory_space<vmem>>)
          tpu.yield
        }) : () -> ()
        %mul3A_110 = arith.constant 120 : i32
        %mul3A_111 = arith.muli %scan3A_106, %mul3A_110 : i32
        %add3A_112 = arith.addi %add3A_96, %mul3A_111 : i32
        "tpu.region"() ({
          %run_scoped3A = tpu.sem_alloc : memref<!tpu.dma_semaphore, #tpu.memory_space<semaphore_mem>>
          %dma_start3A = arith.constant 0 : i32
          %dma_start3A_113 = tpu.memref_slice %arg8[%add3A_112, %dma_start3A] : memref<100000x32xf32, #tpu.memory_space<hbm>> -> memref<120x32xf32, #tpu.memory_space<hbm>>
          %dma_start3A_114 = arith.constant 0 : i32
          %dma_start3A_115 = tpu.memref_slice %arg8[%add3A_112, %dma_start3A_114] : memref<100000x32xf32, #tpu.memory_space<hbm>> -> memref<120x32xf32, #tpu.memory_space<hbm>>
          tpu.enqueue_dma source(%arg25 : memref<120x32xf32, #tpu.memory_space<vmem>>) target(%dma_start3A_115 : memref<120x32xf32, #tpu.memory_space<hbm>>) target_semaphore(%run_scoped3A : memref<!tpu.dma_semaphore, #tpu.memory_space<semaphore_mem>>)
          %dma_wait3A = arith.constant 0 : i32
          %dma_wait3A_116 = tpu.memref_slice %arg8[%add3A_112, %dma_wait3A] : memref<100000x32xf32, #tpu.memory_space<hbm>> -> memref<120x32xf32, #tpu.memory_space<hbm>>
          %dma_wait3A_117 = arith.constant 0 : i32
          %dma_wait3A_118 = tpu.memref_slice %arg8[%add3A_112, %dma_wait3A_117] : memref<100000x32xf32, #tpu.memory_space<hbm>> -> memref<120x32xf32, #tpu.memory_space<hbm>>
          tpu.wait_dma2 semaphore(%run_scoped3A : memref<!tpu.dma_semaphore, #tpu.memory_space<semaphore_mem>>) src(%arg25 : memref<120x32xf32, #tpu.memory_space<vmem>>) dst(%dma_wait3A_118 : memref<120x32xf32, #tpu.memory_space<hbm>>)
          tpu.yield
        }) : () -> ()
      }
      %scan3A_101 = arith.constant 26 : i32
      %add3A_102 = arith.constant 3120 : i32
      %add3A_103 = arith.addi %mul3A_93, %add3A_102 : i32
      "tpu.region"() ({
        %run_scoped3A = tpu.sem_alloc : memref<!tpu.dma_semaphore, #tpu.memory_space<semaphore_mem>>
        %dma_start3A = arith.constant 0 : i32
        %dma_start3A_106 = arith.constant 0 : i32
        %dma_start3A_107 = tpu.memref_slice %arg25[%dma_start3A, %dma_start3A_106] : memref<120x32xf32, #tpu.memory_space<vmem>> -> memref<8x32xf32, #tpu.memory_space<vmem>>
        %dma_start3A_108 = arith.constant 0 : i32
        %dma_start3A_109 = tpu.memref_slice %arg26[%add3A_103, %dma_start3A_108] : memref<50000x32xf32, #tpu.memory_space<vmem_shared>> -> memref<8x32xf32, #tpu.memory_space<vmem_shared>>
        %dma_start3A_110 = arith.constant 0 : i32
        %dma_start3A_111 = arith.constant 0 : i32
        %dma_start3A_112 = tpu.memref_slice %arg25[%dma_start3A_110, %dma_start3A_111] : memref<120x32xf32, #tpu.memory_space<vmem>> -> memref<8x32xf32, #tpu.memory_space<vmem>>
        %dma_start3A_113 = arith.constant 0 : i32
        %dma_start3A_114 = tpu.memref_slice %arg26[%add3A_103, %dma_start3A_113] : memref<50000x32xf32, #tpu.memory_space<vmem_shared>> -> memref<8x32xf32, #tpu.memory_space<vmem_shared>>
        tpu.enqueue_dma source(%dma_start3A_114 : memref<8x32xf32, #tpu.memory_space<vmem_shared>>) target(%dma_start3A_112 : memref<8x32xf32, #tpu.memory_space<vmem>>) target_semaphore(%run_scoped3A : memref<!tpu.dma_semaphore, #tpu.memory_space<semaphore_mem>>)
        %dma_wait3A = arith.constant 0 : i32
        %dma_wait3A_115 = arith.constant 0 : i32
        %dma_wait3A_116 = tpu.memref_slice %arg25[%dma_wait3A, %dma_wait3A_115] : memref<120x32xf32, #tpu.memory_space<vmem>> -> memref<8x32xf32, #tpu.memory_space<vmem>>
        %dma_wait3A_117 = arith.constant 0 : i32
        %dma_wait3A_118 = tpu.memref_slice %arg26[%add3A_103, %dma_wait3A_117] : memref<50000x32xf32, #tpu.memory_space<vmem_shared>> -> memref<8x32xf32, #tpu.memory_space<vmem_shared>>
        %dma_wait3A_119 = arith.constant 0 : i32
        %dma_wait3A_120 = arith.constant 0 : i32
        %dma_wait3A_121 = tpu.memref_slice %arg25[%dma_wait3A_119, %dma_wait3A_120] : memref<120x32xf32, #tpu.memory_space<vmem>> -> memref<8x32xf32, #tpu.memory_space<vmem>>
        %dma_wait3A_122 = arith.constant 0 : i32
        %dma_wait3A_123 = tpu.memref_slice %arg26[%add3A_103, %dma_wait3A_122] : memref<50000x32xf32, #tpu.memory_space<vmem_shared>> -> memref<8x32xf32, #tpu.memory_space<vmem_shared>>
        tpu.wait_dma2 semaphore(%run_scoped3A : memref<!tpu.dma_semaphore, #tpu.memory_space<semaphore_mem>>) src(%dma_wait3A_123 : memref<8x32xf32, #tpu.memory_space<vmem_shared>>) dst(%dma_wait3A_121 : memref<8x32xf32, #tpu.memory_space<vmem>>)
        tpu.yield
      }) : () -> ()
      %add3A_104 = arith.constant 3120 : i32
      %add3A_105 = arith.addi %add3A_96, %add3A_104 : i32
      "tpu.region"() ({
        %run_scoped3A = tpu.sem_alloc : memref<!tpu.dma_semaphore, #tpu.memory_space<semaphore_mem>>
        %dma_start3A = arith.constant 0 : i32
        %dma_start3A_106 = arith.constant 0 : i32
        %dma_start3A_107 = tpu.memref_slice %arg25[%dma_start3A, %dma_start3A_106] : memref<120x32xf32, #tpu.memory_space<vmem>> -> memref<8x32xf32, #tpu.memory_space<vmem>>
        %dma_start3A_108 = arith.constant 0 : i32
        %dma_start3A_109 = tpu.memref_slice %arg8[%add3A_105, %dma_start3A_108] : memref<100000x32xf32, #tpu.memory_space<hbm>> -> memref<8x32xf32, #tpu.memory_space<hbm>>
        %dma_start3A_110 = arith.constant 0 : i32
        %dma_start3A_111 = tpu.memref_slice %arg8[%add3A_105, %dma_start3A_110] : memref<100000x32xf32, #tpu.memory_space<hbm>> -> memref<8x32xf32, #tpu.memory_space<hbm>>
        %dma_start3A_112 = arith.constant 0 : i32
        %dma_start3A_113 = arith.constant 0 : i32
        %dma_start3A_114 = tpu.memref_slice %arg25[%dma_start3A_112, %dma_start3A_113] : memref<120x32xf32, #tpu.memory_space<vmem>> -> memref<8x32xf32, #tpu.memory_space<vmem>>
        tpu.enqueue_dma source(%dma_start3A_114 : memref<8x32xf32, #tpu.memory_space<vmem>>) target(%dma_start3A_111 : memref<8x32xf32, #tpu.memory_space<hbm>>) target_semaphore(%run_scoped3A : memref<!tpu.dma_semaphore, #tpu.memory_space<semaphore_mem>>)
        %dma_wait3A = arith.constant 0 : i32
        %dma_wait3A_115 = arith.constant 0 : i32
        %dma_wait3A_116 = tpu.memref_slice %arg25[%dma_wait3A, %dma_wait3A_115] : memref<120x32xf32, #tpu.memory_space<vmem>> -> memref<8x32xf32, #tpu.memory_space<vmem>>
        %dma_wait3A_117 = arith.constant 0 : i32
        %dma_wait3A_118 = tpu.memref_slice %arg8[%add3A_105, %dma_wait3A_117] : memref<100000x32xf32, #tpu.memory_space<hbm>> -> memref<8x32xf32, #tpu.memory_space<hbm>>
        %dma_wait3A_119 = arith.constant 0 : i32
        %dma_wait3A_120 = tpu.memref_slice %arg8[%add3A_105, %dma_wait3A_119] : memref<100000x32xf32, #tpu.memory_space<hbm>> -> memref<8x32xf32, #tpu.memory_space<hbm>>
        %dma_wait3A_121 = arith.constant 0 : i32
        %dma_wait3A_122 = arith.constant 0 : i32
        %dma_wait3A_123 = tpu.memref_slice %arg25[%dma_wait3A_121, %dma_wait3A_122] : memref<120x32xf32, #tpu.memory_space<vmem>> -> memref<8x32xf32, #tpu.memory_space<vmem>>
        tpu.wait_dma2 semaphore(%run_scoped3A : memref<!tpu.dma_semaphore, #tpu.memory_space<semaphore_mem>>) src(%dma_wait3A_123 : memref<8x32xf32, #tpu.memory_space<vmem>>) dst(%dma_wait3A_120 : memref<8x32xf32, #tpu.memory_space<hbm>>)
        tpu.yield
      }) : () -> ()
    } else {
    }
    %eq3A_87 = arith.constant 15 : i32
    %eq3A_88 = arith.cmpi eq, %arg1, %eq3A_87 : i32
    %convert_element_type3A_89 = arith.extui %eq3A_88 : i1 to i32
    %cond3A_90 = arith.constant 0 : i32
    %cond3A_91 = arith.cmpi ne, %convert_element_type3A_89, %cond3A_90 : i32
    scf.if %cond3A_91 {
      %mul3A_92 = arith.constant 50000 : i32
      %mul3A_93 = arith.muli %arg0, %mul3A_92 : i32
      %add3A_94 = arith.constant 46920 : i32
      %add3A_95 = arith.addi %mul3A_93, %add3A_94 : i32
      %scan3A_96 = arith.constant 0 : i32
      %scan3A_97 = arith.constant 25 : i32
      %scan3A_98 = arith.addi %scan3A_96, %scan3A_97 : i32
      %scan3A_99 = arith.constant 1 : i32
      scf.for %scan3A_103 = %scan3A_96 to %scan3A_98 step %scan3A_99  : i32 {
        %mul3A_104 = arith.constant 120 : i32
        %mul3A_105 = arith.muli %scan3A_103, %mul3A_104 : i32
        %add3A_106 = arith.constant 46920 : i32
        %add3A_107 = arith.addi %add3A_106, %mul3A_105 : i32
        "tpu.region"() ({
          %run_scoped3A = tpu.sem_alloc : memref<!tpu.dma_semaphore, #tpu.memory_space<semaphore_mem>>
          %dma_start3A = arith.constant 0 : i32
          %dma_start3A_111 = tpu.memref_slice %arg26[%add3A_107, %dma_start3A] : memref<50000x32xf32, #tpu.memory_space<vmem_shared>> -> memref<120x32xf32, #tpu.memory_space<vmem_shared>>
          %dma_start3A_112 = arith.constant 0 : i32
          %dma_start3A_113 = tpu.memref_slice %arg26[%add3A_107, %dma_start3A_112] : memref<50000x32xf32, #tpu.memory_space<vmem_shared>> -> memref<120x32xf32, #tpu.memory_space<vmem_shared>>
          tpu.enqueue_dma source(%dma_start3A_113 : memref<120x32xf32, #tpu.memory_space<vmem_shared>>) target(%arg25 : memref<120x32xf32, #tpu.memory_space<vmem>>) target_semaphore(%run_scoped3A : memref<!tpu.dma_semaphore, #tpu.memory_space<semaphore_mem>>)
          %dma_wait3A = arith.constant 0 : i32
          %dma_wait3A_114 = tpu.memref_slice %arg26[%add3A_107, %dma_wait3A] : memref<50000x32xf32, #tpu.memory_space<vmem_shared>> -> memref<120x32xf32, #tpu.memory_space<vmem_shared>>
          %dma_wait3A_115 = arith.constant 0 : i32
          %dma_wait3A_116 = tpu.memref_slice %arg26[%add3A_107, %dma_wait3A_115] : memref<50000x32xf32, #tpu.memory_space<vmem_shared>> -> memref<120x32xf32, #tpu.memory_space<vmem_shared>>
          tpu.wait_dma2 semaphore(%run_scoped3A : memref<!tpu.dma_semaphore, #tpu.memory_space<semaphore_mem>>) src(%dma_wait3A_116 : memref<120x32xf32, #tpu.memory_space<vmem_shared>>) dst(%arg25 : memref<120x32xf32, #tpu.memory_space<vmem>>)
          tpu.yield
        }) : () -> ()
        %mul3A_108 = arith.constant 120 : i32
        %mul3A_109 = arith.muli %scan3A_103, %mul3A_108 : i32
        %add3A_110 = arith.addi %add3A_95, %mul3A_109 : i32
        "tpu.region"() ({
          %run_scoped3A = tpu.sem_alloc : memref<!tpu.dma_semaphore, #tpu.memory_space<semaphore_mem>>
          %dma_start3A = arith.constant 0 : i32
          %dma_start3A_111 = tpu.memref_slice %arg8[%add3A_110, %dma_start3A] : memref<100000x32xf32, #tpu.memory_space<hbm>> -> memref<120x32xf32, #tpu.memory_space<hbm>>
          %dma_start3A_112 = arith.constant 0 : i32
          %dma_start3A_113 = tpu.memref_slice %arg8[%add3A_110, %dma_start3A_112] : memref<100000x32xf32, #tpu.memory_space<hbm>> -> memref<120x32xf32, #tpu.memory_space<hbm>>
          tpu.enqueue_dma source(%arg25 : memref<120x32xf32, #tpu.memory_space<vmem>>) target(%dma_start3A_113 : memref<120x32xf32, #tpu.memory_space<hbm>>) target_semaphore(%run_scoped3A : memref<!tpu.dma_semaphore, #tpu.memory_space<semaphore_mem>>)
          %dma_wait3A = arith.constant 0 : i32
          %dma_wait3A_114 = tpu.memref_slice %arg8[%add3A_110, %dma_wait3A] : memref<100000x32xf32, #tpu.memory_space<hbm>> -> memref<120x32xf32, #tpu.memory_space<hbm>>
          %dma_wait3A_115 = arith.constant 0 : i32
          %dma_wait3A_116 = tpu.memref_slice %arg8[%add3A_110, %dma_wait3A_115] : memref<100000x32xf32, #tpu.memory_space<hbm>> -> memref<120x32xf32, #tpu.memory_space<hbm>>
          tpu.wait_dma2 semaphore(%run_scoped3A : memref<!tpu.dma_semaphore, #tpu.memory_space<semaphore_mem>>) src(%arg25 : memref<120x32xf32, #tpu.memory_space<vmem>>) dst(%dma_wait3A_116 : memref<120x32xf32, #tpu.memory_space<hbm>>)
          tpu.yield
        }) : () -> ()
      }
      %scan3A_100 = arith.constant 25 : i32
      "tpu.region"() ({
        %run_scoped3A = tpu.sem_alloc : memref<!tpu.dma_semaphore, #tpu.memory_space<semaphore_mem>>
        %dma_start3A = arith.constant 0 : i32
        %dma_start3A_103 = arith.constant 0 : i32
        %dma_start3A_104 = tpu.memref_slice %arg25[%dma_start3A, %dma_start3A_103] : memref<120x32xf32, #tpu.memory_space<vmem>> -> memref<80x32xf32, #tpu.memory_space<vmem>>
        %dma_start3A_105 = arith.constant 49920 : i32
        %dma_start3A_106 = arith.constant 0 : i32
        %dma_start3A_107 = tpu.memref_slice %arg26[%dma_start3A_105, %dma_start3A_106] : memref<50000x32xf32, #tpu.memory_space<vmem_shared>> -> memref<80x32xf32, #tpu.memory_space<vmem_shared>>
        %dma_start3A_108 = arith.constant 0 : i32
        %dma_start3A_109 = arith.constant 0 : i32
        %dma_start3A_110 = tpu.memref_slice %arg25[%dma_start3A_108, %dma_start3A_109] : memref<120x32xf32, #tpu.memory_space<vmem>> -> memref<80x32xf32, #tpu.memory_space<vmem>>
        %dma_start3A_111 = arith.constant 49920 : i32
        %dma_start3A_112 = arith.constant 0 : i32
        %dma_start3A_113 = tpu.memref_slice %arg26[%dma_start3A_111, %dma_start3A_112] : memref<50000x32xf32, #tpu.memory_space<vmem_shared>> -> memref<80x32xf32, #tpu.memory_space<vmem_shared>>
        tpu.enqueue_dma source(%dma_start3A_113 : memref<80x32xf32, #tpu.memory_space<vmem_shared>>) target(%dma_start3A_110 : memref<80x32xf32, #tpu.memory_space<vmem>>) target_semaphore(%run_scoped3A : memref<!tpu.dma_semaphore, #tpu.memory_space<semaphore_mem>>)
        %dma_wait3A = arith.constant 0 : i32
        %dma_wait3A_114 = arith.constant 0 : i32
        %dma_wait3A_115 = tpu.memref_slice %arg25[%dma_wait3A, %dma_wait3A_114] : memref<120x32xf32, #tpu.memory_space<vmem>> -> memref<80x32xf32, #tpu.memory_space<vmem>>
        %dma_wait3A_116 = arith.constant 49920 : i32
        %dma_wait3A_117 = arith.constant 0 : i32
        %dma_wait3A_118 = tpu.memref_slice %arg26[%dma_wait3A_116, %dma_wait3A_117] : memref<50000x32xf32, #tpu.memory_space<vmem_shared>> -> memref<80x32xf32, #tpu.memory_space<vmem_shared>>
        %dma_wait3A_119 = arith.constant 0 : i32
        %dma_wait3A_120 = arith.constant 0 : i32
        %dma_wait3A_121 = tpu.memref_slice %arg25[%dma_wait3A_119, %dma_wait3A_120] : memref<120x32xf32, #tpu.memory_space<vmem>> -> memref<80x32xf32, #tpu.memory_space<vmem>>
        %dma_wait3A_122 = arith.constant 49920 : i32
        %dma_wait3A_123 = arith.constant 0 : i32
        %dma_wait3A_124 = tpu.memref_slice %arg26[%dma_wait3A_122, %dma_wait3A_123] : memref<50000x32xf32, #tpu.memory_space<vmem_shared>> -> memref<80x32xf32, #tpu.memory_space<vmem_shared>>
        tpu.wait_dma2 semaphore(%run_scoped3A : memref<!tpu.dma_semaphore, #tpu.memory_space<semaphore_mem>>) src(%dma_wait3A_124 : memref<80x32xf32, #tpu.memory_space<vmem_shared>>) dst(%dma_wait3A_121 : memref<80x32xf32, #tpu.memory_space<vmem>>)
        tpu.yield
      }) : () -> ()
      %add3A_101 = arith.constant 3000 : i32
      %add3A_102 = arith.addi %add3A_95, %add3A_101 : i32
      "tpu.region"() ({
        %run_scoped3A = tpu.sem_alloc : memref<!tpu.dma_semaphore, #tpu.memory_space<semaphore_mem>>
        %dma_start3A = arith.constant 0 : i32
        %dma_start3A_103 = arith.constant 0 : i32
        %dma_start3A_104 = tpu.memref_slice %arg25[%dma_start3A, %dma_start3A_103] : memref<120x32xf32, #tpu.memory_space<vmem>> -> memref<80x32xf32, #tpu.memory_space<vmem>>
        %dma_start3A_105 = arith.constant 0 : i32
        %dma_start3A_106 = tpu.memref_slice %arg8[%add3A_102, %dma_start3A_105] : memref<100000x32xf32, #tpu.memory_space<hbm>> -> memref<80x32xf32, #tpu.memory_space<hbm>>
        %dma_start3A_107 = arith.constant 0 : i32
        %dma_start3A_108 = tpu.memref_slice %arg8[%add3A_102, %dma_start3A_107] : memref<100000x32xf32, #tpu.memory_space<hbm>> -> memref<80x32xf32, #tpu.memory_space<hbm>>
        %dma_start3A_109 = arith.constant 0 : i32
        %dma_start3A_110 = arith.constant 0 : i32
        %dma_start3A_111 = tpu.memref_slice %arg25[%dma_start3A_109, %dma_start3A_110] : memref<120x32xf32, #tpu.memory_space<vmem>> -> memref<80x32xf32, #tpu.memory_space<vmem>>
        tpu.enqueue_dma source(%dma_start3A_111 : memref<80x32xf32, #tpu.memory_space<vmem>>) target(%dma_start3A_108 : memref<80x32xf32, #tpu.memory_space<hbm>>) target_semaphore(%run_scoped3A : memref<!tpu.dma_semaphore, #tpu.memory_space<semaphore_mem>>)
        %dma_wait3A = arith.constant 0 : i32
        %dma_wait3A_112 = arith.constant 0 : i32
        %dma_wait3A_113 = tpu.memref_slice %arg25[%dma_wait3A, %dma_wait3A_112] : memref<120x32xf32, #tpu.memory_space<vmem>> -> memref<80x32xf32, #tpu.memory_space<vmem>>
        %dma_wait3A_114 = arith.constant 0 : i32
        %dma_wait3A_115 = tpu.memref_slice %arg8[%add3A_102, %dma_wait3A_114] : memref<100000x32xf32, #tpu.memory_space<hbm>> -> memref<80x32xf32, #tpu.memory_space<hbm>>
        %dma_wait3A_116 = arith.constant 0 : i32
        %dma_wait3A_117 = tpu.memref_slice %arg8[%add3A_102, %dma_wait3A_116] : memref<100000x32xf32, #tpu.memory_space<hbm>> -> memref<80x32xf32, #tpu.memory_space<hbm>>
        %dma_wait3A_118 = arith.constant 0 : i32
        %dma_wait3A_119 = arith.constant 0 : i32
        %dma_wait3A_120 = tpu.memref_slice %arg25[%dma_wait3A_118, %dma_wait3A_119] : memref<120x32xf32, #tpu.memory_space<vmem>> -> memref<80x32xf32, #tpu.memory_space<vmem>>
        tpu.wait_dma2 semaphore(%run_scoped3A : memref<!tpu.dma_semaphore, #tpu.memory_space<semaphore_mem>>) src(%dma_wait3A_120 : memref<80x32xf32, #tpu.memory_space<vmem>>) dst(%dma_wait3A_117 : memref<80x32xf32, #tpu.memory_space<hbm>>)
        tpu.yield
      }) : () -> ()
    } else {
    }
    return
  }
}

#map = affine_map<(d0, d1) -> (0, 0)>
#map1 = affine_map<(d0, d1) -> (0)>
module attributes {stable_mosaic.version = 14 : i64} {
  func.func @_sc_edge_body(%arg0: i32, %arg1: i32, %arg2: memref<100000x32xf32, #tpu.memory_space<hbm>>, %arg3: memref<100000x32xf32, #tpu.memory_space<hbm>>, %arg4: memref<64xf32, #tpu.memory_space<hbm>>, %arg5: memref<800000xi32, #tpu.memory_space<hbm>>, %arg6: memref<800000xi32, #tpu.memory_space<hbm>>, %arg7: memref<800000xf32, #tpu.memory_space<hbm>>, %arg8: memref<100000x32xf32, #tpu.memory_space<hbm>>, %arg9: memref<128xi32, #tpu.memory_space<vmem>>, %arg10: memref<128xi32, #tpu.memory_space<vmem>>, %arg11: memref<128xi32, #tpu.memory_space<vmem>>, %arg12: memref<128xi32, #tpu.memory_space<vmem>>, %arg13: memref<144xf32, #tpu.memory_space<vmem>>, %arg14: memref<128x32xf32, #tpu.memory_space<vmem>>, %arg15: memref<128x32xf32, #tpu.memory_space<vmem>>, %arg16: memref<128xi32, #tpu.memory_space<vmem>>, %arg17: memref<128xi32, #tpu.memory_space<vmem>>, %arg18: memref<128xi32, #tpu.memory_space<vmem>>, %arg19: memref<128xi32, #tpu.memory_space<vmem>>, %arg20: memref<144xf32, #tpu.memory_space<vmem>>, %arg21: memref<128x32xf32, #tpu.memory_space<vmem>>, %arg22: memref<128x32xf32, #tpu.memory_space<vmem>>, %arg23: memref<32xf32, #tpu.memory_space<vmem>>, %arg24: memref<64x32xf32, #tpu.memory_space<vmem>>, %arg25: memref<120x32xf32, #tpu.memory_space<vmem>>, %arg26: memref<50000x32xf32, #tpu.memory_space<vmem_shared>>, %arg27: memref<!tpu.dma_semaphore, #tpu.memory_space<semaphore_mem>>, %arg28: memref<!tpu.dma_semaphore, #tpu.memory_space<semaphore_mem>>, %arg29: memref<!tpu.dma_semaphore, #tpu.memory_space<semaphore_mem>>, %arg30: memref<!tpu.dma_semaphore, #tpu.memory_space<semaphore_mem>>, %arg31: memref<!tpu.dma_semaphore, #tpu.memory_space<semaphore_mem>>, %arg32: memref<!tpu.dma_semaphore, #tpu.memory_space<semaphore_mem>>) attributes {dimension_semantics = [#tpu.dimension_semantics<core_parallel>, #tpu.dimension_semantics<subcore_parallel>], iteration_bounds = array<i64: 2, 16>, scalar_prefetch = 0 : i64, scratch_operands = 24 : i64, tpu.core_type = #tpu.core_type<sc_vector_subcore>, window_params = [{transform_indices = #map}, {transform_indices = #map}, {transform_indices = #map1}, {transform_indices = #map1}, {transform_indices = #map1}, {transform_indices = #map1}, {transform_indices = #map}]} {
    %mul3A = arith.constant 50000 : i32
    %mul3A_0 = arith.muli %arg0, %mul3A : i32
    %scan3A = arith.constant 0 : i32
    %scan3A_1 = arith.constant 64 : i32
    %scan3A_2 = arith.addi %scan3A, %scan3A_1 : i32
    %scan3A_3 = arith.constant 1 : i32
    scf.for %scan3A_92 = %scan3A to %scan3A_2 step %scan3A_3  : i32 {
      %broadcast_in_dim3A = arith.constant 0.000000e+00 : f32
      %broadcast_in_dim3A_93 = vector.broadcast %broadcast_in_dim3A : f32 to vector<16xf32>
      %swap3A = arith.index_cast %scan3A_92 : i32 to index
      %swap3A_94 = arith.constant 0 : index
      %swap3A_95 = tpu.vector_load %arg24[%swap3A, %swap3A_94] {strides = array<i32>} : memref<64x32xf32, #tpu.memory_space<vmem>>, vector<16xf32>,
      tpu.vector_store %arg24[%swap3A, %swap3A_94], %broadcast_in_dim3A_93 {strides = array<i32>} : memref<64x32xf32, #tpu.memory_space<vmem>>, vector<16xf32>,
      %broadcast_in_dim3A_96 = arith.constant 0.000000e+00 : f32
      %broadcast_in_dim3A_97 = vector.broadcast %broadcast_in_dim3A_96 : f32 to vector<16xf32>
      %swap3A_98 = arith.index_cast %scan3A_92 : i32 to index
      %swap3A_99 = arith.constant 16 : index
      %swap3A_100 = tpu.vector_load %arg24[%swap3A_98, %swap3A_99] {strides = array<i32>} : memref<64x32xf32, #tpu.memory_space<vmem>>, vector<16xf32>,
      tpu.vector_store %arg24[%swap3A_98, %swap3A_99], %broadcast_in_dim3A_97 {strides = array<i32>} : memref<64x32xf32, #tpu.memory_space<vmem>>, vector<16xf32>,
    }
    %scan3A_4 = arith.constant 64 : i32
    %lt3A = arith.constant 15 : i32
    %lt3A_5 = arith.cmpi slt, %arg1, %lt3A : i32
    %convert_element_type3A = arith.extui %lt3A_5 : i1 to i32
    %cond3A = arith.constant 0 : i32
    %cond3A_6 = arith.cmpi ne, %convert_element_type3A, %cond3A : i32
    scf.if %cond3A_6 {
      %mul3A_92 = arith.constant 3128 : i32
      %mul3A_93 = arith.muli %arg1, %mul3A_92 : i32
      %scan3A_94 = arith.constant 0 : i32
      %scan3A_95 = arith.constant 48 : i32
      %scan3A_96 = arith.addi %scan3A_94, %scan3A_95 : i32
      %scan3A_97 = arith.constant 1 : i32
      scf.for %scan3A_101 = %scan3A_94 to %scan3A_96 step %scan3A_97  : i32 {
        %mul3A_102 = arith.constant 64 : i32
        %mul3A_103 = arith.muli %scan3A_101, %mul3A_102 : i32
        %add3A_104 = arith.addi %mul3A_93, %mul3A_103 : i32
        "tpu.region"() ({
          %run_scoped3A = tpu.sem_alloc : memref<!tpu.dma_semaphore, #tpu.memory_space<semaphore_mem>>
          %dma_start3A = arith.constant 0 : i32
          %dma_start3A_105 = tpu.memref_slice %arg26[%add3A_104, %dma_start3A] : memref<50000x32xf32, #tpu.memory_space<vmem_shared>> -> memref<64x32xf32, #tpu.memory_space<vmem_shared>>
          %dma_start3A_106 = arith.constant 0 : i32
          %dma_start3A_107 = tpu.memref_slice %arg26[%add3A_104, %dma_start3A_106] : memref<50000x32xf32, #tpu.memory_space<vmem_shared>> -> memref<64x32xf32, #tpu.memory_space<vmem_shared>>
          tpu.enqueue_dma source(%arg24 : memref<64x32xf32, #tpu.memory_space<vmem>>) target(%dma_start3A_107 : memref<64x32xf32, #tpu.memory_space<vmem_shared>>) target_semaphore(%run_scoped3A : memref<!tpu.dma_semaphore, #tpu.memory_space<semaphore_mem>>)
          %dma_wait3A = arith.constant 0 : i32
          %dma_wait3A_108 = tpu.memref_slice %arg26[%add3A_104, %dma_wait3A] : memref<50000x32xf32, #tpu.memory_space<vmem_shared>> -> memref<64x32xf32, #tpu.memory_space<vmem_shared>>
          %dma_wait3A_109 = arith.constant 0 : i32
          %dma_wait3A_110 = tpu.memref_slice %arg26[%add3A_104, %dma_wait3A_109] : memref<50000x32xf32, #tpu.memory_space<vmem_shared>> -> memref<64x32xf32, #tpu.memory_space<vmem_shared>>
          tpu.wait_dma2 semaphore(%run_scoped3A : memref<!tpu.dma_semaphore, #tpu.memory_space<semaphore_mem>>) src(%arg24 : memref<64x32xf32, #tpu.memory_space<vmem>>) dst(%dma_wait3A_110 : memref<64x32xf32, #tpu.memory_space<vmem_shared>>)
          tpu.yield
        }) : () -> ()
      }
      %scan3A_98 = arith.constant 48 : i32
      %add3A_99 = arith.constant 3072 : i32
      %add3A_100 = arith.addi %mul3A_93, %add3A_99 : i32
      "tpu.region"() ({
        %run_scoped3A = tpu.sem_alloc : memref<!tpu.dma_semaphore, #tpu.memory_space<semaphore_mem>>
        %dma_start3A = arith.constant 0 : i32
        %dma_start3A_101 = arith.constant 0 : i32
        %dma_start3A_102 = tpu.memref_slice %arg24[%dma_start3A, %dma_start3A_101] : memref<64x32xf32, #tpu.memory_space<vmem>> -> memref<56x32xf32, #tpu.memory_space<vmem>>
        %dma_start3A_103 = arith.constant 0 : i32
        %dma_start3A_104 = tpu.memref_slice %arg26[%add3A_100, %dma_start3A_103] : memref<50000x32xf32, #tpu.memory_space<vmem_shared>> -> memref<56x32xf32, #tpu.memory_space<vmem_shared>>
        %dma_start3A_105 = arith.constant 0 : i32
        %dma_start3A_106 = tpu.memref_slice %arg26[%add3A_100, %dma_start3A_105] : memref<50000x32xf32, #tpu.memory_space<vmem_shared>> -> memref<56x32xf32, #tpu.memory_space<vmem_shared>>
        %dma_start3A_107 = arith.constant 0 : i32
        %dma_start3A_108 = arith.constant 0 : i32
        %dma_start3A_109 = tpu.memref_slice %arg24[%dma_start3A_107, %dma_start3A_108] : memref<64x32xf32, #tpu.memory_space<vmem>> -> memref<56x32xf32, #tpu.memory_space<vmem>>
        tpu.enqueue_dma source(%dma_start3A_109 : memref<56x32xf32, #tpu.memory_space<vmem>>) target(%dma_start3A_106 : memref<56x32xf32, #tpu.memory_space<vmem_shared>>) target_semaphore(%run_scoped3A : memref<!tpu.dma_semaphore, #tpu.memory_space<semaphore_mem>>)
        %dma_wait3A = arith.constant 0 : i32
        %dma_wait3A_110 = arith.constant 0 : i32
        %dma_wait3A_111 = tpu.memref_slice %arg24[%dma_wait3A, %dma_wait3A_110] : memref<64x32xf32, #tpu.memory_space<vmem>> -> memref<56x32xf32, #tpu.memory_space<vmem>>
        %dma_wait3A_112 = arith.constant 0 : i32
        %dma_wait3A_113 = tpu.memref_slice %arg26[%add3A_100, %dma_wait3A_112] : memref<50000x32xf32, #tpu.memory_space<vmem_shared>> -> memref<56x32xf32, #tpu.memory_space<vmem_shared>>
        %dma_wait3A_114 = arith.constant 0 : i32
        %dma_wait3A_115 = tpu.memref_slice %arg26[%add3A_100, %dma_wait3A_114] : memref<50000x32xf32, #tpu.memory_space<vmem_shared>> -> memref<56x32xf32, #tpu.memory_space<vmem_shared>>
        %dma_wait3A_116 = arith.constant 0 : i32
        %dma_wait3A_117 = arith.constant 0 : i32
        %dma_wait3A_118 = tpu.memref_slice %arg24[%dma_wait3A_116, %dma_wait3A_117] : memref<64x32xf32, #tpu.memory_space<vmem>> -> memref<56x32xf32, #tpu.memory_space<vmem>>
        tpu.wait_dma2 semaphore(%run_scoped3A : memref<!tpu.dma_semaphore, #tpu.memory_space<semaphore_mem>>) src(%dma_wait3A_118 : memref<56x32xf32, #tpu.memory_space<vmem>>) dst(%dma_wait3A_115 : memref<56x32xf32, #tpu.memory_space<vmem_shared>>)
        tpu.yield
      }) : () -> ()
    } else {
    }
    %eq3A = arith.constant 15 : i32
    %eq3A_7 = arith.cmpi eq, %arg1, %eq3A : i32
    %convert_element_type3A_8 = arith.extui %eq3A_7 : i1 to i32
    %cond3A_9 = arith.constant 0 : i32
    %cond3A_10 = arith.cmpi ne, %convert_element_type3A_8, %cond3A_9 : i32
    scf.if %cond3A_10 {
      %scan3A_92 = arith.constant 0 : i32
      %scan3A_93 = arith.constant 48 : i32
      %scan3A_94 = arith.addi %scan3A_92, %scan3A_93 : i32
      %scan3A_95 = arith.constant 1 : i32
      scf.for %scan3A_97 = %scan3A_92 to %scan3A_94 step %scan3A_95  : i32 {
        %mul3A_98 = arith.constant 64 : i32
        %mul3A_99 = arith.muli %scan3A_97, %mul3A_98 : i32
        %add3A_100 = arith.constant 46920 : i32
        %add3A_101 = arith.addi %add3A_100, %mul3A_99 : i32
        "tpu.region"() ({
          %run_scoped3A = tpu.sem_alloc : memref<!tpu.dma_semaphore, #tpu.memory_space<semaphore_mem>>
          %dma_start3A = arith.constant 0 : i32
          %dma_start3A_102 = tpu.memref_slice %arg26[%add3A_101, %dma_start3A] : memref<50000x32xf32, #tpu.memory_space<vmem_shared>> -> memref<64x32xf32, #tpu.memory_space<vmem_shared>>
          %dma_start3A_103 = arith.constant 0 : i32
          %dma_start3A_104 = tpu.memref_slice %arg26[%add3A_101, %dma_start3A_103] : memref<50000x32xf32, #tpu.memory_space<vmem_shared>> -> memref<64x32xf32, #tpu.memory_space<vmem_shared>>
          tpu.enqueue_dma source(%arg24 : memref<64x32xf32, #tpu.memory_space<vmem>>) target(%dma_start3A_104 : memref<64x32xf32, #tpu.memory_space<vmem_shared>>) target_semaphore(%run_scoped3A : memref<!tpu.dma_semaphore, #tpu.memory_space<semaphore_mem>>)
          %dma_wait3A = arith.constant 0 : i32
          %dma_wait3A_105 = tpu.memref_slice %arg26[%add3A_101, %dma_wait3A] : memref<50000x32xf32, #tpu.memory_space<vmem_shared>> -> memref<64x32xf32, #tpu.memory_space<vmem_shared>>
          %dma_wait3A_106 = arith.constant 0 : i32
          %dma_wait3A_107 = tpu.memref_slice %arg26[%add3A_101, %dma_wait3A_106] : memref<50000x32xf32, #tpu.memory_space<vmem_shared>> -> memref<64x32xf32, #tpu.memory_space<vmem_shared>>
          tpu.wait_dma2 semaphore(%run_scoped3A : memref<!tpu.dma_semaphore, #tpu.memory_space<semaphore_mem>>) src(%arg24 : memref<64x32xf32, #tpu.memory_space<vmem>>) dst(%dma_wait3A_107 : memref<64x32xf32, #tpu.memory_space<vmem_shared>>)
          tpu.yield
        }) : () -> ()
      }
      %scan3A_96 = arith.constant 48 : i32
      "tpu.region"() ({
        %run_scoped3A = tpu.sem_alloc : memref<!tpu.dma_semaphore, #tpu.memory_space<semaphore_mem>>
        %dma_start3A = arith.constant 0 : i32
        %dma_start3A_97 = arith.constant 0 : i32
        %dma_start3A_98 = tpu.memref_slice %arg24[%dma_start3A, %dma_start3A_97] : memref<64x32xf32, #tpu.memory_space<vmem>> -> memref<8x32xf32, #tpu.memory_space<vmem>>
        %dma_start3A_99 = arith.constant 49992 : i32
        %dma_start3A_100 = arith.constant 0 : i32
        %dma_start3A_101 = tpu.memref_slice %arg26[%dma_start3A_99, %dma_start3A_100] : memref<50000x32xf32, #tpu.memory_space<vmem_shared>> -> memref<8x32xf32, #tpu.memory_space<vmem_shared>>
        %dma_start3A_102 = arith.constant 49992 : i32
        %dma_start3A_103 = arith.constant 0 : i32
        %dma_start3A_104 = tpu.memref_slice %arg26[%dma_start3A_102, %dma_start3A_103] : memref<50000x32xf32, #tpu.memory_space<vmem_shared>> -> memref<8x32xf32, #tpu.memory_space<vmem_shared>>
        %dma_start3A_105 = arith.constant 0 : i32
        %dma_start3A_106 = arith.constant 0 : i32
        %dma_start3A_107 = tpu.memref_slice %arg24[%dma_start3A_105, %dma_start3A_106] : memref<64x32xf32, #tpu.memory_space<vmem>> -> memref<8x32xf32, #tpu.memory_space<vmem>>
        tpu.enqueue_dma source(%dma_start3A_107 : memref<8x32xf32, #tpu.memory_space<vmem>>) target(%dma_start3A_104 : memref<8x32xf32, #tpu.memory_space<vmem_shared>>) target_semaphore(%run_scoped3A : memref<!tpu.dma_semaphore, #tpu.memory_space<semaphore_mem>>)
        %dma_wait3A = arith.constant 0 : i32
        %dma_wait3A_108 = arith.constant 0 : i32
        %dma_wait3A_109 = tpu.memref_slice %arg24[%dma_wait3A, %dma_wait3A_108] : memref<64x32xf32, #tpu.memory_space<vmem>> -> memref<8x32xf32, #tpu.memory_space<vmem>>
        %dma_wait3A_110 = arith.constant 49992 : i32
        %dma_wait3A_111 = arith.constant 0 : i32
        %dma_wait3A_112 = tpu.memref_slice %arg26[%dma_wait3A_110, %dma_wait3A_111] : memref<50000x32xf32, #tpu.memory_space<vmem_shared>> -> memref<8x32xf32, #tpu.memory_space<vmem_shared>>
        %dma_wait3A_113 = arith.constant 49992 : i32
        %dma_wait3A_114 = arith.constant 0 : i32
        %dma_wait3A_115 = tpu.memref_slice %arg26[%dma_wait3A_113, %dma_wait3A_114] : memref<50000x32xf32, #tpu.memory_space<vmem_shared>> -> memref<8x32xf32, #tpu.memory_space<vmem_shared>>
        %dma_wait3A_116 = arith.constant 0 : i32
        %dma_wait3A_117 = arith.constant 0 : i32
        %dma_wait3A_118 = tpu.memref_slice %arg24[%dma_wait3A_116, %dma_wait3A_117] : memref<64x32xf32, #tpu.memory_space<vmem>> -> memref<8x32xf32, #tpu.memory_space<vmem>>
        tpu.wait_dma2 semaphore(%run_scoped3A : memref<!tpu.dma_semaphore, #tpu.memory_space<semaphore_mem>>) src(%dma_wait3A_118 : memref<8x32xf32, #tpu.memory_space<vmem>>) dst(%dma_wait3A_115 : memref<8x32xf32, #tpu.memory_space<vmem_shared>>)
        tpu.yield
      }) : () -> ()
    } else {
    }
    %mul3A_11 = arith.constant 32 : i32
    %mul3A_12 = arith.muli %arg0, %mul3A_11 : i32
    "tpu.region"() ({
      %run_scoped3A = tpu.sem_alloc : memref<!tpu.dma_semaphore, #tpu.memory_space<semaphore_mem>>
      %dma_start3A = tpu.memref_slice %arg4[%mul3A_12] : memref<64xf32, #tpu.memory_space<hbm>> -> memref<32xf32, #tpu.memory_space<hbm>>
      %dma_start3A_92 = tpu.memref_slice %arg4[%mul3A_12] : memref<64xf32, #tpu.memory_space<hbm>> -> memref<32xf32, #tpu.memory_space<hbm>>
      tpu.enqueue_dma source(%dma_start3A_92 : memref<32xf32, #tpu.memory_space<hbm>>) target(%arg23 : memref<32xf32, #tpu.memory_space<vmem>>) target_semaphore(%run_scoped3A : memref<!tpu.dma_semaphore, #tpu.memory_space<semaphore_mem>>)
      %dma_wait3A = tpu.memref_slice %arg4[%mul3A_12] : memref<64xf32, #tpu.memory_space<hbm>> -> memref<32xf32, #tpu.memory_space<hbm>>
      %dma_wait3A_93 = tpu.memref_slice %arg4[%mul3A_12] : memref<64xf32, #tpu.memory_space<hbm>> -> memref<32xf32, #tpu.memory_space<hbm>>
      tpu.wait_dma2 semaphore(%run_scoped3A : memref<!tpu.dma_semaphore, #tpu.memory_space<semaphore_mem>>) src(%dma_wait3A_93 : memref<32xf32, #tpu.memory_space<hbm>>) dst(%arg23 : memref<32xf32, #tpu.memory_space<vmem>>)
      tpu.yield
    }) : () -> ()
    %barrier3A = arith.constant 0 : index
    tpu.barrier barrier_id(%barrier3A)
    %mul3A_13 = arith.constant 390 : i32
    %mul3A_14 = arith.muli %arg1, %mul3A_13 : i32
    %min3A = arith.constant 10 : i32
    %min3A_15 = arith.minsi %arg1, %min3A : i32
    %add3A = arith.addi %mul3A_14, %min3A_15 : i32
    %lt3A_16 = arith.constant 10 : i32
    %lt3A_17 = arith.cmpi slt, %arg1, %lt3A_16 : i32
    %jit3A = arith.constant 1 : i32
    %jit3A_18 = arith.constant 0 : i32
    %select_n3A = arith.select %lt3A_17, %jit3A, %jit3A_18 : i32
    %add3A_19 = arith.constant 390 : i32
    %add3A_20 = arith.addi %add3A_19, %select_n3A : i32
    %get3A = arith.constant 0 : index
    %get3A_21 = tpu.vector_load %arg23[%get3A] {strides = array<i32>} : memref<32xf32, #tpu.memory_space<vmem>>, vector<16xf32>,
    %get3A_22 = arith.constant 16 : index
    %get3A_23 = tpu.vector_load %arg23[%get3A_22] {strides = array<i32>} : memref<32xf32, #tpu.memory_space<vmem>>, vector<16xf32>,
    %gt3A = arith.constant 0 : i32
    %gt3A_24 = arith.cmpi sgt, %add3A_20, %gt3A : i32
    %convert_element_type3A_25 = arith.extui %gt3A_24 : i1 to i32
    %cond3A_26 = arith.constant 0 : i32
    %cond3A_27 = arith.cmpi ne, %convert_element_type3A_25, %cond3A_26 : i32
    scf.if %cond3A_27 {
      %mul3A_92 = arith.constant 128 : i32
      %mul3A_93 = arith.muli %add3A, %mul3A_92 : i32
      "tpu.region"() ({
        %run_scoped3A = tpu.sem_alloc : memref<!tpu.dma_semaphore, #tpu.memory_space<semaphore_mem>>
        %dma_start3A_108 = tpu.memref_slice %arg5[%mul3A_93] : memref<800000xi32, #tpu.memory_space<hbm>> -> memref<128xi32, #tpu.memory_space<hbm>>
        %dma_start3A_109 = tpu.memref_slice %arg5[%mul3A_93] : memref<800000xi32, #tpu.memory_space<hbm>> -> memref<128xi32, #tpu.memory_space<hbm>>
        tpu.enqueue_dma source(%dma_start3A_109 : memref<128xi32, #tpu.memory_space<hbm>>) target(%arg9 : memref<128xi32, #tpu.memory_space<vmem>>) target_semaphore(%run_scoped3A : memref<!tpu.dma_semaphore, #tpu.memory_space<semaphore_mem>>)
        %dma_wait3A = tpu.memref_slice %arg5[%mul3A_93] : memref<800000xi32, #tpu.memory_space<hbm>> -> memref<128xi32, #tpu.memory_space<hbm>>
        %dma_wait3A_110 = tpu.memref_slice %arg5[%mul3A_93] : memref<800000xi32, #tpu.memory_space<hbm>> -> memref<128xi32, #tpu.memory_space<hbm>>
        tpu.wait_dma2 semaphore(%run_scoped3A : memref<!tpu.dma_semaphore, #tpu.memory_space<semaphore_mem>>) src(%dma_wait3A_110 : memref<128xi32, #tpu.memory_space<hbm>>) dst(%arg9 : memref<128xi32, #tpu.memory_space<vmem>>)
        tpu.yield
      }) : () -> ()
      %mul3A_94 = arith.constant 128 : i32
      %mul3A_95 = arith.muli %add3A, %mul3A_94 : i32
      "tpu.region"() ({
        %run_scoped3A = tpu.sem_alloc : memref<!tpu.dma_semaphore, #tpu.memory_space<semaphore_mem>>
        %dma_start3A_108 = tpu.memref_slice %arg6[%mul3A_95] : memref<800000xi32, #tpu.memory_space<hbm>> -> memref<128xi32, #tpu.memory_space<hbm>>
        %dma_start3A_109 = tpu.memref_slice %arg6[%mul3A_95] : memref<800000xi32, #tpu.memory_space<hbm>> -> memref<128xi32, #tpu.memory_space<hbm>>
        tpu.enqueue_dma source(%dma_start3A_109 : memref<128xi32, #tpu.memory_space<hbm>>) target(%arg10 : memref<128xi32, #tpu.memory_space<vmem>>) target_semaphore(%run_scoped3A : memref<!tpu.dma_semaphore, #tpu.memory_space<semaphore_mem>>)
        %dma_wait3A = tpu.memref_slice %arg6[%mul3A_95] : memref<800000xi32, #tpu.memory_space<hbm>> -> memref<128xi32, #tpu.memory_space<hbm>>
        %dma_wait3A_110 = tpu.memref_slice %arg6[%mul3A_95] : memref<800000xi32, #tpu.memory_space<hbm>> -> memref<128xi32, #tpu.memory_space<hbm>>
        tpu.wait_dma2 semaphore(%run_scoped3A : memref<!tpu.dma_semaphore, #tpu.memory_space<semaphore_mem>>) src(%dma_wait3A_110 : memref<128xi32, #tpu.memory_space<hbm>>) dst(%arg10 : memref<128xi32, #tpu.memory_space<vmem>>)
        tpu.yield
      }) : () -> ()
      %mul3A_96 = arith.constant 128 : i32
      %mul3A_97 = arith.muli %add3A, %mul3A_96 : i32
      "tpu.region"() ({
        %run_scoped3A = tpu.sem_alloc : memref<!tpu.dma_semaphore, #tpu.memory_space<semaphore_mem>>
        %dma_start3A_108 = arith.constant 0 : i32
        %dma_start3A_109 = tpu.memref_slice %arg13[%dma_start3A_108] : memref<144xf32, #tpu.memory_space<vmem>> -> memref<128xf32, #tpu.memory_space<vmem>>
        %dma_start3A_110 = tpu.memref_slice %arg7[%mul3A_97] : memref<800000xf32, #tpu.memory_space<hbm>> -> memref<128xf32, #tpu.memory_space<hbm>>
        %dma_start3A_111 = arith.constant 0 : i32
        %dma_start3A_112 = tpu.memref_slice %arg13[%dma_start3A_111] : memref<144xf32, #tpu.memory_space<vmem>> -> memref<128xf32, #tpu.memory_space<vmem>>
        %dma_start3A_113 = tpu.memref_slice %arg7[%mul3A_97] : memref<800000xf32, #tpu.memory_space<hbm>> -> memref<128xf32, #tpu.memory_space<hbm>>
        tpu.enqueue_dma source(%dma_start3A_113 : memref<128xf32, #tpu.memory_space<hbm>>) target(%dma_start3A_112 : memref<128xf32, #tpu.memory_space<vmem>>) target_semaphore(%run_scoped3A : memref<!tpu.dma_semaphore, #tpu.memory_space<semaphore_mem>>)
        %dma_wait3A = arith.constant 0 : i32
        %dma_wait3A_114 = tpu.memref_slice %arg13[%dma_wait3A] : memref<144xf32, #tpu.memory_space<vmem>> -> memref<128xf32, #tpu.memory_space<vmem>>
        %dma_wait3A_115 = tpu.memref_slice %arg7[%mul3A_97] : memref<800000xf32, #tpu.memory_space<hbm>> -> memref<128xf32, #tpu.memory_space<hbm>>
        %dma_wait3A_116 = arith.constant 0 : i32
        %dma_wait3A_117 = tpu.memref_slice %arg13[%dma_wait3A_116] : memref<144xf32, #tpu.memory_space<vmem>> -> memref<128xf32, #tpu.memory_space<vmem>>
        %dma_wait3A_118 = tpu.memref_slice %arg7[%mul3A_97] : memref<800000xf32, #tpu.memory_space<hbm>> -> memref<128xf32, #tpu.memory_space<hbm>>
        tpu.wait_dma2 semaphore(%run_scoped3A : memref<!tpu.dma_semaphore, #tpu.memory_space<semaphore_mem>>) src(%dma_wait3A_118 : memref<128xf32, #tpu.memory_space<hbm>>) dst(%dma_wait3A_117 : memref<128xf32, #tpu.memory_space<vmem>>)
        tpu.yield
      }) : () -> ()
      %scan3A_98 = arith.constant 0 : i32
      %scan3A_99 = arith.constant 8 : i32
      %scan3A_100 = arith.addi %scan3A_98, %scan3A_99 : i32
      %scan3A_101 = arith.constant 1 : i32
      scf.for %scan3A_108 = %scan3A_98 to %scan3A_100 step %scan3A_101  : i32 {
        %mul3A_109 = arith.constant 16 : i32
        %mul3A_110 = arith.muli %scan3A_108, %mul3A_109 : i32
        %get3A_111 = arith.index_cast %mul3A_110 : i32 to index
        %get3A_112 = tpu.vector_load %arg9[%get3A_111] {strides = array<i32>} : memref<128xi32, #tpu.memory_space<vmem>>, vector<16xi32>,
        %add3A_113 = vector.broadcast %mul3A_0 : i32 to vector<16xi32>
        %add3A_114 = arith.addi %get3A_112, %add3A_113 : vector<16xi32>
        %swap3A = arith.index_cast %mul3A_110 : i32 to index
        %swap3A_115 = tpu.vector_load %arg11[%swap3A] {strides = array<i32>} : memref<128xi32, #tpu.memory_space<vmem>>, vector<16xi32>,
        tpu.vector_store %arg11[%swap3A], %add3A_114 {strides = array<i32>} : memref<128xi32, #tpu.memory_space<vmem>>, vector<16xi32>,
        %get3A_116 = arith.index_cast %mul3A_110 : i32 to index
        %get3A_117 = tpu.vector_load %arg10[%get3A_116] {strides = array<i32>} : memref<128xi32, #tpu.memory_space<vmem>>, vector<16xi32>,
        %add3A_118 = vector.broadcast %mul3A_0 : i32 to vector<16xi32>
        %add3A_119 = arith.addi %get3A_117, %add3A_118 : vector<16xi32>
        %swap3A_120 = arith.index_cast %mul3A_110 : i32 to index
        %swap3A_121 = tpu.vector_load %arg12[%swap3A_120] {strides = array<i32>} : memref<128xi32, #tpu.memory_space<vmem>>, vector<16xi32>,
        tpu.vector_store %arg12[%swap3A_120], %add3A_119 {strides = array<i32>} : memref<128xi32, #tpu.memory_space<vmem>>, vector<16xi32>,
      }
      %scan3A_102 = arith.constant 8 : i32
      %dma_start3A = arith.constant 0 : i32
      %dma_start3A_103 = arith.constant 0 : i32
      %dma_start3A_104 = tpu.memref_slice %arg2[%dma_start3A, %dma_start3A_103] : memref<100000x32xf32, #tpu.memory_space<hbm>> -> memref<100000x32xf32, #tpu.memory_space<hbm>>
      tpu.enqueue_indirect_dma source(%dma_start3A_104 : memref<100000x32xf32, #tpu.memory_space<hbm>>) target(%arg14 : memref<128x32xf32, #tpu.memory_space<vmem>>) offsets(%arg11 : memref<128xi32, #tpu.memory_space<vmem>>) semaphore(%arg29 : memref<!tpu.dma_semaphore, #tpu.memory_space<semaphore_mem>>)
      %dma_start3A_105 = arith.constant 0 : i32
      %dma_start3A_106 = arith.constant 0 : i32
      %dma_start3A_107 = tpu.memref_slice %arg3[%dma_start3A_105, %dma_start3A_106] : memref<100000x32xf32, #tpu.memory_space<hbm>> -> memref<100000x32xf32, #tpu.memory_space<hbm>>
      tpu.enqueue_indirect_dma source(%dma_start3A_107 : memref<100000x32xf32, #tpu.memory_space<hbm>>) target(%arg15 : memref<128x32xf32, #tpu.memory_space<vmem>>) offsets(%arg12 : memref<128xi32, #tpu.memory_space<vmem>>) semaphore(%arg29 : memref<!tpu.dma_semaphore, #tpu.memory_space<semaphore_mem>>)
    } else {
    }
    %scan3A_28 = arith.constant 0 : i32
    %scan3A_29 = arith.constant 391 : i32
    %scan3A_30 = arith.addi %scan3A_28, %scan3A_29 : i32
    %scan3A_31 = arith.constant 1 : i32
    scf.for %scan3A_92 = %scan3A_28 to %scan3A_30 step %scan3A_31  : i32 {
      %lt3A_93 = arith.cmpi slt, %scan3A_92, %add3A_20 : i32
      %convert_element_type3A_94 = arith.extui %lt3A_93 : i1 to i32
      %cond3A_95 = arith.constant 0 : i32
      %cond3A_96 = arith.cmpi ne, %convert_element_type3A_94, %cond3A_95 : i32
      scf.if %cond3A_96 {
        %jit3A_97 = arith.constant 2 : i32
        %eq3A_98 = arith.constant 0 : i32
        %eq3A_99 = arith.cmpi eq, %jit3A_97, %eq3A_98 : i32
        %jit3A_100 = arith.constant 1 : i32
        %select_n3A_101 = arith.select %eq3A_99, %jit3A_100, %jit3A_97 : i32
        %rem3A_102 = arith.remsi %scan3A_92, %select_n3A_101 : i32
        %ne3A_103 = arith.constant 0 : i32
        %ne3A_104 = arith.cmpi ne, %rem3A_102, %ne3A_103 : i32
        %lt3A_105 = arith.constant 0 : i32
        %lt3A_106 = arith.cmpi slt, %rem3A_102, %lt3A_105 : i32
        %lt3A_107 = arith.constant 0 : i32
        %lt3A_108 = arith.cmpi slt, %select_n3A_101, %lt3A_107 : i32
        %ne3A_109 = arith.xori %lt3A_106, %lt3A_108 : i1
        %and3A_110 = arith.andi %ne3A_109, %ne3A_104 : i1
        %add3A_111 = arith.addi %rem3A_102, %select_n3A_101 : i32
        %select_n3A_112 = arith.select %and3A_110, %add3A_111, %rem3A_102 : i32
        %eq3A_113 = arith.constant 0 : i32
        %eq3A_114 = arith.cmpi eq, %select_n3A_112, %eq3A_113 : i32
        %convert_element_type3A_115 = arith.extui %eq3A_114 : i1 to i32
        %cond3A_116 = arith.constant 0 : i32
        %cond3A_117 = arith.cmpi ne, %convert_element_type3A_115, %cond3A_116 : i32
        scf.if %cond3A_117 {
          %add3A_139 = arith.addi %add3A, %scan3A_92 : i32
          %ge3A = arith.constant 1 : i32
          %ge3A_140 = arith.cmpi sge, %scan3A_92, %ge3A : i32
          %convert_element_type3A_141 = arith.extui %ge3A_140 : i1 to i32
          %cond3A_142 = arith.constant 0 : i32
          %cond3A_143 = arith.cmpi ne, %convert_element_type3A_141, %cond3A_142 : i32
          scf.if %cond3A_143 {
            %dma_wait3A_168 = arith.constant 0 : i32
            %dma_wait3A_169 = arith.constant 0 : i32
            %dma_wait3A_170 = tpu.memref_slice %arg26[%dma_wait3A_168, %dma_wait3A_169] : memref<50000x32xf32, #tpu.memory_space<vmem_shared>> -> memref<50000x32xf32, #tpu.memory_space<vmem_shared>>
            tpu.wait_indirect_dma semaphore(%arg32 : memref<!tpu.dma_semaphore, #tpu.memory_space<semaphore_mem>>) src(%arg21 : memref<128x32xf32, #tpu.memory_space<vmem>>) dst(%dma_wait3A_170 : memref<50000x32xf32, #tpu.memory_space<vmem_shared>>)
          } else {
          }
          %add3A_144 = arith.constant 1 : i32
          %add3A_145 = arith.addi %scan3A_92, %add3A_144 : i32
          %lt3A_146 = arith.cmpi slt, %add3A_145, %add3A_20 : i32
          %convert_element_type3A_147 = arith.extui %lt3A_146 : i1 to i32
          %cond3A_148 = arith.constant 0 : i32
          %cond3A_149 = arith.cmpi ne, %convert_element_type3A_147, %cond3A_148 : i32
          scf.if %cond3A_149 {
            %add3A_168 = arith.constant 1 : i32
            %add3A_169 = arith.addi %add3A_139, %add3A_168 : i32
            %mul3A_170 = arith.constant 128 : i32
            %mul3A_171 = arith.muli %add3A_169, %mul3A_170 : i32
            %dma_start3A_172 = tpu.memref_slice %arg5[%mul3A_171] : memref<800000xi32, #tpu.memory_space<hbm>> -> memref<128xi32, #tpu.memory_space<hbm>>
            %dma_start3A_173 = tpu.memref_slice %arg5[%mul3A_171] : memref<800000xi32, #tpu.memory_space<hbm>> -> memref<128xi32, #tpu.memory_space<hbm>>
            tpu.enqueue_dma source(%dma_start3A_173 : memref<128xi32, #tpu.memory_space<hbm>>) target(%arg16 : memref<128xi32, #tpu.memory_space<vmem>>) target_semaphore(%arg28 : memref<!tpu.dma_semaphore, #tpu.memory_space<semaphore_mem>>)
            %mul3A_174 = arith.constant 128 : i32
            %mul3A_175 = arith.muli %add3A_169, %mul3A_174 : i32
            %dma_start3A_176 = tpu.memref_slice %arg6[%mul3A_175] : memref<800000xi32, #tpu.memory_space<hbm>> -> memref<128xi32, #tpu.memory_space<hbm>>
            %dma_start3A_177 = tpu.memref_slice %arg6[%mul3A_175] : memref<800000xi32, #tpu.memory_space<hbm>> -> memref<128xi32, #tpu.memory_space<hbm>>
            tpu.enqueue_dma source(%dma_start3A_177 : memref<128xi32, #tpu.memory_space<hbm>>) target(%arg17 : memref<128xi32, #tpu.memory_space<vmem>>) target_semaphore(%arg28 : memref<!tpu.dma_semaphore, #tpu.memory_space<semaphore_mem>>)
            %mul3A_178 = arith.constant 128 : i32
            %mul3A_179 = arith.muli %add3A_169, %mul3A_178 : i32
            %dma_start3A_180 = arith.constant 0 : i32
            %dma_start3A_181 = tpu.memref_slice %arg20[%dma_start3A_180] : memref<144xf32, #tpu.memory_space<vmem>> -> memref<128xf32, #tpu.memory_space<vmem>>
            %dma_start3A_182 = tpu.memref_slice %arg7[%mul3A_179] : memref<800000xf32, #tpu.memory_space<hbm>> -> memref<128xf32, #tpu.memory_space<hbm>>
            %dma_start3A_183 = arith.constant 0 : i32
            %dma_start3A_184 = tpu.memref_slice %arg20[%dma_start3A_183] : memref<144xf32, #tpu.memory_space<vmem>> -> memref<128xf32, #tpu.memory_space<vmem>>
            %dma_start3A_185 = tpu.memref_slice %arg7[%mul3A_179] : memref<800000xf32, #tpu.memory_space<hbm>> -> memref<128xf32, #tpu.memory_space<hbm>>
            tpu.enqueue_dma source(%dma_start3A_185 : memref<128xf32, #tpu.memory_space<hbm>>) target(%dma_start3A_184 : memref<128xf32, #tpu.memory_space<vmem>>) target_semaphore(%arg28 : memref<!tpu.dma_semaphore, #tpu.memory_space<semaphore_mem>>)
          } else {
          }
          %dma_wait3A = arith.constant 0 : i32
          %dma_wait3A_150 = arith.constant 0 : i32
          %dma_wait3A_151 = tpu.memref_slice %arg2[%dma_wait3A, %dma_wait3A_150] : memref<100000x32xf32, #tpu.memory_space<hbm>> -> memref<100000x32xf32, #tpu.memory_space<hbm>>
          tpu.wait_indirect_dma semaphore(%arg29 : memref<!tpu.dma_semaphore, #tpu.memory_space<semaphore_mem>>) src(%dma_wait3A_151 : memref<100000x32xf32, #tpu.memory_space<hbm>>) dst(%arg14 : memref<128x32xf32, #tpu.memory_space<vmem>>)
          %dma_wait3A_152 = arith.constant 0 : i32
          %dma_wait3A_153 = arith.constant 0 : i32
          %dma_wait3A_154 = tpu.memref_slice %arg3[%dma_wait3A_152, %dma_wait3A_153] : memref<100000x32xf32, #tpu.memory_space<hbm>> -> memref<100000x32xf32, #tpu.memory_space<hbm>>
          tpu.wait_indirect_dma semaphore(%arg29 : memref<!tpu.dma_semaphore, #tpu.memory_space<semaphore_mem>>) src(%dma_wait3A_154 : memref<100000x32xf32, #tpu.memory_space<hbm>>) dst(%arg15 : memref<128x32xf32, #tpu.memory_space<vmem>>)
          %scan3A_155 = arith.constant 0 : i32
          %scan3A_156 = arith.constant 128 : i32
          %scan3A_157 = arith.addi %scan3A_155, %scan3A_156 : i32
          %scan3A_158 = arith.constant 1 : i32
          scf.for %scan3A_168 = %scan3A_155 to %scan3A_157 step %scan3A_158  : i32 {
            %get3A_169 = arith.index_cast %scan3A_168 : i32 to index
            %get3A_170 = tpu.vector_load %arg13[%get3A_169] {strides = array<i32>} : memref<144xf32, #tpu.memory_space<vmem>>, vector<16xf32>,
            %slice3A = vector.extract_strided_slice %get3A_170 {offsets = [0], sizes = [1], strides = [1]} : vector<16xf32> to vector<1xf32>
            %squeeze3A = vector.extract %slice3A[0] : f32 from vector<1xf32>
            %get3A_171 = arith.index_cast %scan3A_168 : i32 to index
            %get3A_172 = arith.constant 0 : index
            %get3A_173 = tpu.vector_load %arg14[%get3A_171, %get3A_172] {strides = array<i32>} : memref<128x32xf32, #tpu.memory_space<vmem>>, vector<16xf32>,
            %get3A_174 = arith.index_cast %scan3A_168 : i32 to index
            %get3A_175 = arith.constant 0 : index
            %get3A_176 = tpu.vector_load %arg15[%get3A_174, %get3A_175] {strides = array<i32>} : memref<128x32xf32, #tpu.memory_space<vmem>>, vector<16xf32>,
            %add3A_177 = arith.addf %get3A_173, %get3A_176 : vector<16xf32>
            %mul3A_178 = vector.broadcast %squeeze3A : f32 to vector<16xf32>
            %mul3A_179 = arith.mulf %mul3A_178, %get3A_21 : vector<16xf32>
            %add3A_180 = arith.addf %add3A_177, %mul3A_179 : vector<16xf32>
            %max3A = arith.constant 0.000000e+00 : f32
            %max3A_181 = vector.broadcast %max3A : f32 to vector<16xf32>
            %max3A_182 = arith.maximumf %add3A_180, %max3A_181 : vector<16xf32>
            %get3A_183 = arith.index_cast %scan3A_168 : i32 to index
            %get3A_184 = arith.constant 16 : index
            %get3A_185 = tpu.vector_load %arg14[%get3A_183, %get3A_184] {strides = array<i32>} : memref<128x32xf32, #tpu.memory_space<vmem>>, vector<16xf32>,
            %get3A_186 = arith.index_cast %scan3A_168 : i32 to index
            %get3A_187 = arith.constant 16 : index
            %get3A_188 = tpu.vector_load %arg15[%get3A_186, %get3A_187] {strides = array<i32>} : memref<128x32xf32, #tpu.memory_space<vmem>>, vector<16xf32>,
            %add3A_189 = arith.addf %get3A_185, %get3A_188 : vector<16xf32>
            %mul3A_190 = vector.broadcast %squeeze3A : f32 to vector<16xf32>
            %mul3A_191 = arith.mulf %mul3A_190, %get3A_23 : vector<16xf32>
            %add3A_192 = arith.addf %add3A_189, %mul3A_191 : vector<16xf32>
            %max3A_193 = arith.constant 0.000000e+00 : f32
            %max3A_194 = vector.broadcast %max3A_193 : f32 to vector<16xf32>
            %max3A_195 = arith.maximumf %add3A_192, %max3A_194 : vector<16xf32>
            %swap3A = arith.index_cast %scan3A_168 : i32 to index
            %swap3A_196 = arith.constant 0 : index
            %swap3A_197 = tpu.vector_load %arg14[%swap3A, %swap3A_196] {strides = array<i32>} : memref<128x32xf32, #tpu.memory_space<vmem>>, vector<16xf32>,
            tpu.vector_store %arg14[%swap3A, %swap3A_196], %max3A_182 {strides = array<i32>} : memref<128x32xf32, #tpu.memory_space<vmem>>, vector<16xf32>,
            %swap3A_198 = arith.index_cast %scan3A_168 : i32 to index
            %swap3A_199 = arith.constant 16 : index
            %swap3A_200 = tpu.vector_load %arg14[%swap3A_198, %swap3A_199] {strides = array<i32>} : memref<128x32xf32, #tpu.memory_space<vmem>>, vector<16xf32>,
            tpu.vector_store %arg14[%swap3A_198, %swap3A_199], %max3A_195 {strides = array<i32>} : memref<128x32xf32, #tpu.memory_space<vmem>>, vector<16xf32>,
          }
          %scan3A_159 = arith.constant 128 : i32
          %add3A_160 = arith.constant 1 : i32
          %add3A_161 = arith.addi %scan3A_92, %add3A_160 : i32
          %lt3A_162 = arith.cmpi slt, %add3A_161, %add3A_20 : i32
          %convert_element_type3A_163 = arith.extui %lt3A_162 : i1 to i32
          %cond3A_164 = arith.constant 0 : i32
          %cond3A_165 = arith.cmpi ne, %convert_element_type3A_163, %cond3A_164 : i32
          scf.if %cond3A_165 {
            %add3A_168 = arith.constant 1 : i32
            %add3A_169 = arith.addi %add3A_139, %add3A_168 : i32
            %mul3A_170 = arith.constant 128 : i32
            %mul3A_171 = arith.muli %add3A_169, %mul3A_170 : i32
            %dma_wait3A_172 = tpu.memref_slice %arg5[%mul3A_171] : memref<800000xi32, #tpu.memory_space<hbm>> -> memref<128xi32, #tpu.memory_space<hbm>>
            %dma_wait3A_173 = tpu.memref_slice %arg5[%mul3A_171] : memref<800000xi32, #tpu.memory_space<hbm>> -> memref<128xi32, #tpu.memory_space<hbm>>
            tpu.wait_dma2 semaphore(%arg28 : memref<!tpu.dma_semaphore, #tpu.memory_space<semaphore_mem>>) src(%dma_wait3A_173 : memref<128xi32, #tpu.memory_space<hbm>>) dst(%arg16 : memref<128xi32, #tpu.memory_space<vmem>>)
            %mul3A_174 = arith.constant 128 : i32
            %mul3A_175 = arith.muli %add3A_169, %mul3A_174 : i32
            %dma_wait3A_176 = tpu.memref_slice %arg6[%mul3A_175] : memref<800000xi32, #tpu.memory_space<hbm>> -> memref<128xi32, #tpu.memory_space<hbm>>
            %dma_wait3A_177 = tpu.memref_slice %arg6[%mul3A_175] : memref<800000xi32, #tpu.memory_space<hbm>> -> memref<128xi32, #tpu.memory_space<hbm>>
            tpu.wait_dma2 semaphore(%arg28 : memref<!tpu.dma_semaphore, #tpu.memory_space<semaphore_mem>>) src(%dma_wait3A_177 : memref<128xi32, #tpu.memory_space<hbm>>) dst(%arg17 : memref<128xi32, #tpu.memory_space<vmem>>)
            %mul3A_178 = arith.constant 128 : i32
            %mul3A_179 = arith.muli %add3A_169, %mul3A_178 : i32
            %dma_wait3A_180 = arith.constant 0 : i32
            %dma_wait3A_181 = tpu.memref_slice %arg20[%dma_wait3A_180] : memref<144xf32, #tpu.memory_space<vmem>> -> memref<128xf32, #tpu.memory_space<vmem>>
            %dma_wait3A_182 = tpu.memref_slice %arg7[%mul3A_179] : memref<800000xf32, #tpu.memory_space<hbm>> -> memref<128xf32, #tpu.memory_space<hbm>>
            %dma_wait3A_183 = arith.constant 0 : i32
            %dma_wait3A_184 = tpu.memref_slice %arg20[%dma_wait3A_183] : memref<144xf32, #tpu.memory_space<vmem>> -> memref<128xf32, #tpu.memory_space<vmem>>
            %dma_wait3A_185 = tpu.memref_slice %arg7[%mul3A_179] : memref<800000xf32, #tpu.memory_space<hbm>> -> memref<128xf32, #tpu.memory_space<hbm>>
            tpu.wait_dma2 semaphore(%arg28 : memref<!tpu.dma_semaphore, #tpu.memory_space<semaphore_mem>>) src(%dma_wait3A_185 : memref<128xf32, #tpu.memory_space<hbm>>) dst(%dma_wait3A_184 : memref<128xf32, #tpu.memory_space<vmem>>)
            %scan3A_186 = arith.constant 0 : i32
            %scan3A_187 = arith.constant 8 : i32
            %scan3A_188 = arith.addi %scan3A_186, %scan3A_187 : i32
            %scan3A_189 = arith.constant 1 : i32
            scf.for %scan3A_197 = %scan3A_186 to %scan3A_188 step %scan3A_189  : i32 {
              %mul3A_198 = arith.constant 16 : i32
              %mul3A_199 = arith.muli %scan3A_197, %mul3A_198 : i32
              %get3A_200 = arith.index_cast %mul3A_199 : i32 to index
              %get3A_201 = tpu.vector_load %arg16[%get3A_200] {strides = array<i32>} : memref<128xi32, #tpu.memory_space<vmem>>, vector<16xi32>,
              %add3A_202 = vector.broadcast %mul3A_0 : i32 to vector<16xi32>
              %add3A_203 = arith.addi %get3A_201, %add3A_202 : vector<16xi32>
              %swap3A = arith.index_cast %mul3A_199 : i32 to index
              %swap3A_204 = tpu.vector_load %arg18[%swap3A] {strides = array<i32>} : memref<128xi32, #tpu.memory_space<vmem>>, vector<16xi32>,
              tpu.vector_store %arg18[%swap3A], %add3A_203 {strides = array<i32>} : memref<128xi32, #tpu.memory_space<vmem>>, vector<16xi32>,
              %get3A_205 = arith.index_cast %mul3A_199 : i32 to index
              %get3A_206 = tpu.vector_load %arg17[%get3A_205] {strides = array<i32>} : memref<128xi32, #tpu.memory_space<vmem>>, vector<16xi32>,
              %add3A_207 = vector.broadcast %mul3A_0 : i32 to vector<16xi32>
              %add3A_208 = arith.addi %get3A_206, %add3A_207 : vector<16xi32>
              %swap3A_209 = arith.index_cast %mul3A_199 : i32 to index
              %swap3A_210 = tpu.vector_load %arg19[%swap3A_209] {strides = array<i32>} : memref<128xi32, #tpu.memory_space<vmem>>, vector<16xi32>,
              tpu.vector_store %arg19[%swap3A_209], %add3A_208 {strides = array<i32>} : memref<128xi32, #tpu.memory_space<vmem>>, vector<16xi32>,
            }
            %scan3A_190 = arith.constant 8 : i32
            %dma_start3A_191 = arith.constant 0 : i32
            %dma_start3A_192 = arith.constant 0 : i32
            %dma_start3A_193 = tpu.memref_slice %arg2[%dma_start3A_191, %dma_start3A_192] : memref<100000x32xf32, #tpu.memory_space<hbm>> -> memref<100000x32xf32, #tpu.memory_space<hbm>>
            tpu.enqueue_indirect_dma source(%dma_start3A_193 : memref<100000x32xf32, #tpu.memory_space<hbm>>) target(%arg21 : memref<128x32xf32, #tpu.memory_space<vmem>>) offsets(%arg18 : memref<128xi32, #tpu.memory_space<vmem>>) semaphore(%arg30 : memref<!tpu.dma_semaphore, #tpu.memory_space<semaphore_mem>>)
            %dma_start3A_194 = arith.constant 0 : i32
            %dma_start3A_195 = arith.constant 0 : i32
            %dma_start3A_196 = tpu.memref_slice %arg3[%dma_start3A_194, %dma_start3A_195] : memref<100000x32xf32, #tpu.memory_space<hbm>> -> memref<100000x32xf32, #tpu.memory_space<hbm>>
            tpu.enqueue_indirect_dma source(%dma_start3A_196 : memref<100000x32xf32, #tpu.memory_space<hbm>>) target(%arg22 : memref<128x32xf32, #tpu.memory_space<vmem>>) offsets(%arg19 : memref<128xi32, #tpu.memory_space<vmem>>) semaphore(%arg30 : memref<!tpu.dma_semaphore, #tpu.memory_space<semaphore_mem>>)
          } else {
          }
          %dma_start3A = arith.constant 0 : i32
          %dma_start3A_166 = arith.constant 0 : i32
          %dma_start3A_167 = tpu.memref_slice %arg26[%dma_start3A, %dma_start3A_166] : memref<50000x32xf32, #tpu.memory_space<vmem_shared>> -> memref<50000x32xf32, #tpu.memory_space<vmem_shared>>
          tpu.enqueue_indirect_dma source(%arg14 : memref<128x32xf32, #tpu.memory_space<vmem>>) target(%dma_start3A_167 : memref<50000x32xf32, #tpu.memory_space<vmem_shared>>) offsets(%arg9 : memref<128xi32, #tpu.memory_space<vmem>>) semaphore(%arg31 : memref<!tpu.dma_semaphore, #tpu.memory_space<semaphore_mem>>) {add = true}
        } else {
        }
        %jit3A_118 = arith.constant 2 : i32
        %eq3A_119 = arith.constant 0 : i32
        %eq3A_120 = arith.cmpi eq, %jit3A_118, %eq3A_119 : i32
        %jit3A_121 = arith.constant 1 : i32
        %select_n3A_122 = arith.select %eq3A_120, %jit3A_121, %jit3A_118 : i32
        %rem3A_123 = arith.remsi %scan3A_92, %select_n3A_122 : i32
        %ne3A_124 = arith.constant 0 : i32
        %ne3A_125 = arith.cmpi ne, %rem3A_123, %ne3A_124 : i32
        %lt3A_126 = arith.constant 0 : i32
        %lt3A_127 = arith.cmpi slt, %rem3A_123, %lt3A_126 : i32
        %lt3A_128 = arith.constant 0 : i32
        %lt3A_129 = arith.cmpi slt, %select_n3A_122, %lt3A_128 : i32
        %ne3A_130 = arith.xori %lt3A_127, %lt3A_129 : i1
        %and3A_131 = arith.andi %ne3A_130, %ne3A_125 : i1
        %add3A_132 = arith.addi %rem3A_123, %select_n3A_122 : i32
        %select_n3A_133 = arith.select %and3A_131, %add3A_132, %rem3A_123 : i32
        %eq3A_134 = arith.constant 1 : i32
        %eq3A_135 = arith.cmpi eq, %select_n3A_133, %eq3A_134 : i32
        %convert_element_type3A_136 = arith.extui %eq3A_135 : i1 to i32
        %cond3A_137 = arith.constant 0 : i32
        %cond3A_138 = arith.cmpi ne, %convert_element_type3A_136, %cond3A_137 : i32
        scf.if %cond3A_138 {
          %add3A_139 = arith.addi %add3A, %scan3A_92 : i32
          %ge3A = arith.constant 1 : i32
          %ge3A_140 = arith.cmpi sge, %scan3A_92, %ge3A : i32
          %convert_element_type3A_141 = arith.extui %ge3A_140 : i1 to i32
          %cond3A_142 = arith.constant 0 : i32
          %cond3A_143 = arith.cmpi ne, %convert_element_type3A_141, %cond3A_142 : i32
          scf.if %cond3A_143 {
            %dma_wait3A_168 = arith.constant 0 : i32
            %dma_wait3A_169 = arith.constant 0 : i32
            %dma_wait3A_170 = tpu.memref_slice %arg26[%dma_wait3A_168, %dma_wait3A_169] : memref<50000x32xf32, #tpu.memory_space<vmem_shared>> -> memref<50000x32xf32, #tpu.memory_space<vmem_shared>>
            tpu.wait_indirect_dma semaphore(%arg31 : memref<!tpu.dma_semaphore, #tpu.memory_space<semaphore_mem>>) src(%arg14 : memref<128x32xf32, #tpu.memory_space<vmem>>) dst(%dma_wait3A_170 : memref<50000x32xf32, #tpu.memory_space<vmem_shared>>)
          } else {
          }
          %add3A_144 = arith.constant 1 : i32
          %add3A_145 = arith.addi %scan3A_92, %add3A_144 : i32
          %lt3A_146 = arith.cmpi slt, %add3A_145, %add3A_20 : i32
          %convert_element_type3A_147 = arith.extui %lt3A_146 : i1 to i32
          %cond3A_148 = arith.constant 0 : i32
          %cond3A_149 = arith.cmpi ne, %convert_element_type3A_147, %cond3A_148 : i32
          scf.if %cond3A_149 {
            %add3A_168 = arith.constant 1 : i32
            %add3A_169 = arith.addi %add3A_139, %add3A_168 : i32
            %mul3A_170 = arith.constant 128 : i32
            %mul3A_171 = arith.muli %add3A_169, %mul3A_170 : i32
            %dma_start3A_172 = tpu.memref_slice %arg5[%mul3A_171] : memref<800000xi32, #tpu.memory_space<hbm>> -> memref<128xi32, #tpu.memory_space<hbm>>
            %dma_start3A_173 = tpu.memref_slice %arg5[%mul3A_171] : memref<800000xi32, #tpu.memory_space<hbm>> -> memref<128xi32, #tpu.memory_space<hbm>>
            tpu.enqueue_dma source(%dma_start3A_173 : memref<128xi32, #tpu.memory_space<hbm>>) target(%arg9 : memref<128xi32, #tpu.memory_space<vmem>>) target_semaphore(%arg27 : memref<!tpu.dma_semaphore, #tpu.memory_space<semaphore_mem>>)
            %mul3A_174 = arith.constant 128 : i32
            %mul3A_175 = arith.muli %add3A_169, %mul3A_174 : i32
            %dma_start3A_176 = tpu.memref_slice %arg6[%mul3A_175] : memref<800000xi32, #tpu.memory_space<hbm>> -> memref<128xi32, #tpu.memory_space<hbm>>
            %dma_start3A_177 = tpu.memref_slice %arg6[%mul3A_175] : memref<800000xi32, #tpu.memory_space<hbm>> -> memref<128xi32, #tpu.memory_space<hbm>>
            tpu.enqueue_dma source(%dma_start3A_177 : memref<128xi32, #tpu.memory_space<hbm>>) target(%arg10 : memref<128xi32, #tpu.memory_space<vmem>>) target_semaphore(%arg27 : memref<!tpu.dma_semaphore, #tpu.memory_space<semaphore_mem>>)
            %mul3A_178 = arith.constant 128 : i32
            %mul3A_179 = arith.muli %add3A_169, %mul3A_178 : i32
            %dma_start3A_180 = arith.constant 0 : i32
            %dma_start3A_181 = tpu.memref_slice %arg13[%dma_start3A_180] : memref<144xf32, #tpu.memory_space<vmem>> -> memref<128xf32, #tpu.memory_space<vmem>>
            %dma_start3A_182 = tpu.memref_slice %arg7[%mul3A_179] : memref<800000xf32, #tpu.memory_space<hbm>> -> memref<128xf32, #tpu.memory_space<hbm>>
            %dma_start3A_183 = arith.constant 0 : i32
            %dma_start3A_184 = tpu.memref_slice %arg13[%dma_start3A_183] : memref<144xf32, #tpu.memory_space<vmem>> -> memref<128xf32, #tpu.memory_space<vmem>>
            %dma_start3A_185 = tpu.memref_slice %arg7[%mul3A_179] : memref<800000xf32, #tpu.memory_space<hbm>> -> memref<128xf32, #tpu.memory_space<hbm>>
            tpu.enqueue_dma source(%dma_start3A_185 : memref<128xf32, #tpu.memory_space<hbm>>) target(%dma_start3A_184 : memref<128xf32, #tpu.memory_space<vmem>>) target_semaphore(%arg27 : memref<!tpu.dma_semaphore, #tpu.memory_space<semaphore_mem>>)
          } else {
          }
          %dma_wait3A = arith.constant 0 : i32
          %dma_wait3A_150 = arith.constant 0 : i32
          %dma_wait3A_151 = tpu.memref_slice %arg2[%dma_wait3A, %dma_wait3A_150] : memref<100000x32xf32, #tpu.memory_space<hbm>> -> memref<100000x32xf32, #tpu.memory_space<hbm>>
          tpu.wait_indirect_dma semaphore(%arg30 : memref<!tpu.dma_semaphore, #tpu.memory_space<semaphore_mem>>) src(%dma_wait3A_151 : memref<100000x32xf32, #tpu.memory_space<hbm>>) dst(%arg21 : memref<128x32xf32, #tpu.memory_space<vmem>>)
          %dma_wait3A_152 = arith.constant 0 : i32
          %dma_wait3A_153 = arith.constant 0 : i32
          %dma_wait3A_154 = tpu.memref_slice %arg3[%dma_wait3A_152, %dma_wait3A_153] : memref<100000x32xf32, #tpu.memory_space<hbm>> -> memref<100000x32xf32, #tpu.memory_space<hbm>>
          tpu.wait_indirect_dma semaphore(%arg30 : memref<!tpu.dma_semaphore, #tpu.memory_space<semaphore_mem>>) src(%dma_wait3A_154 : memref<100000x32xf32, #tpu.memory_space<hbm>>) dst(%arg22 : memref<128x32xf32, #tpu.memory_space<vmem>>)
          %scan3A_155 = arith.constant 0 : i32
          %scan3A_156 = arith.constant 128 : i32
          %scan3A_157 = arith.addi %scan3A_155, %scan3A_156 : i32
          %scan3A_158 = arith.constant 1 : i32
          scf.for %scan3A_168 = %scan3A_155 to %scan3A_157 step %scan3A_158  : i32 {
            %get3A_169 = arith.index_cast %scan3A_168 : i32 to index
            %get3A_170 = tpu.vector_load %arg20[%get3A_169] {strides = array<i32>} : memref<144xf32, #tpu.memory_space<vmem>>, vector<16xf32>,
            %slice3A = vector.extract_strided_slice %get3A_170 {offsets = [0], sizes = [1], strides = [1]} : vector<16xf32> to vector<1xf32>
            %squeeze3A = vector.extract %slice3A[0] : f32 from vector<1xf32>
            %get3A_171 = arith.index_cast %scan3A_168 : i32 to index
            %get3A_172 = arith.constant 0 : index
            %get3A_173 = tpu.vector_load %arg21[%get3A_171, %get3A_172] {strides = array<i32>} : memref<128x32xf32, #tpu.memory_space<vmem>>, vector<16xf32>,
            %get3A_174 = arith.index_cast %scan3A_168 : i32 to index
            %get3A_175 = arith.constant 0 : index
            %get3A_176 = tpu.vector_load %arg22[%get3A_174, %get3A_175] {strides = array<i32>} : memref<128x32xf32, #tpu.memory_space<vmem>>, vector<16xf32>,
            %add3A_177 = arith.addf %get3A_173, %get3A_176 : vector<16xf32>
            %mul3A_178 = vector.broadcast %squeeze3A : f32 to vector<16xf32>
            %mul3A_179 = arith.mulf %mul3A_178, %get3A_21 : vector<16xf32>
            %add3A_180 = arith.addf %add3A_177, %mul3A_179 : vector<16xf32>
            %max3A = arith.constant 0.000000e+00 : f32
            %max3A_181 = vector.broadcast %max3A : f32 to vector<16xf32>
            %max3A_182 = arith.maximumf %add3A_180, %max3A_181 : vector<16xf32>
            %get3A_183 = arith.index_cast %scan3A_168 : i32 to index
            %get3A_184 = arith.constant 16 : index
            %get3A_185 = tpu.vector_load %arg21[%get3A_183, %get3A_184] {strides = array<i32>} : memref<128x32xf32, #tpu.memory_space<vmem>>, vector<16xf32>,
            %get3A_186 = arith.index_cast %scan3A_168 : i32 to index
            %get3A_187 = arith.constant 16 : index
            %get3A_188 = tpu.vector_load %arg22[%get3A_186, %get3A_187] {strides = array<i32>} : memref<128x32xf32, #tpu.memory_space<vmem>>, vector<16xf32>,
            %add3A_189 = arith.addf %get3A_185, %get3A_188 : vector<16xf32>
            %mul3A_190 = vector.broadcast %squeeze3A : f32 to vector<16xf32>
            %mul3A_191 = arith.mulf %mul3A_190, %get3A_23 : vector<16xf32>
            %add3A_192 = arith.addf %add3A_189, %mul3A_191 : vector<16xf32>
            %max3A_193 = arith.constant 0.000000e+00 : f32
            %max3A_194 = vector.broadcast %max3A_193 : f32 to vector<16xf32>
            %max3A_195 = arith.maximumf %add3A_192, %max3A_194 : vector<16xf32>
            %swap3A = arith.index_cast %scan3A_168 : i32 to index
            %swap3A_196 = arith.constant 0 : index
            %swap3A_197 = tpu.vector_load %arg21[%swap3A, %swap3A_196] {strides = array<i32>} : memref<128x32xf32, #tpu.memory_space<vmem>>, vector<16xf32>,
            tpu.vector_store %arg21[%swap3A, %swap3A_196], %max3A_182 {strides = array<i32>} : memref<128x32xf32, #tpu.memory_space<vmem>>, vector<16xf32>,
            %swap3A_198 = arith.index_cast %scan3A_168 : i32 to index
            %swap3A_199 = arith.constant 16 : index
            %swap3A_200 = tpu.vector_load %arg21[%swap3A_198, %swap3A_199] {strides = array<i32>} : memref<128x32xf32, #tpu.memory_space<vmem>>, vector<16xf32>,
            tpu.vector_store %arg21[%swap3A_198, %swap3A_199], %max3A_195 {strides = array<i32>} : memref<128x32xf32, #tpu.memory_space<vmem>>, vector<16xf32>,
          }
          %scan3A_159 = arith.constant 128 : i32
          %add3A_160 = arith.constant 1 : i32
          %add3A_161 = arith.addi %scan3A_92, %add3A_160 : i32
          %lt3A_162 = arith.cmpi slt, %add3A_161, %add3A_20 : i32
          %convert_element_type3A_163 = arith.extui %lt3A_162 : i1 to i32
          %cond3A_164 = arith.constant 0 : i32
          %cond3A_165 = arith.cmpi ne, %convert_element_type3A_163, %cond3A_164 : i32
          scf.if %cond3A_165 {
            %add3A_168 = arith.constant 1 : i32
            %add3A_169 = arith.addi %add3A_139, %add3A_168 : i32
            %mul3A_170 = arith.constant 128 : i32
            %mul3A_171 = arith.muli %add3A_169, %mul3A_170 : i32
            %dma_wait3A_172 = tpu.memref_slice %arg5[%mul3A_171] : memref<800000xi32, #tpu.memory_space<hbm>> -> memref<128xi32, #tpu.memory_space<hbm>>
            %dma_wait3A_173 = tpu.memref_slice %arg5[%mul3A_171] : memref<800000xi32, #tpu.memory_space<hbm>> -> memref<128xi32, #tpu.memory_space<hbm>>
            tpu.wait_dma2 semaphore(%arg27 : memref<!tpu.dma_semaphore, #tpu.memory_space<semaphore_mem>>) src(%dma_wait3A_173 : memref<128xi32, #tpu.memory_space<hbm>>) dst(%arg9 : memref<128xi32, #tpu.memory_space<vmem>>)
            %mul3A_174 = arith.constant 128 : i32
            %mul3A_175 = arith.muli %add3A_169, %mul3A_174 : i32
            %dma_wait3A_176 = tpu.memref_slice %arg6[%mul3A_175] : memref<800000xi32, #tpu.memory_space<hbm>> -> memref<128xi32, #tpu.memory_space<hbm>>
            %dma_wait3A_177 = tpu.memref_slice %arg6[%mul3A_175] : memref<800000xi32, #tpu.memory_space<hbm>> -> memref<128xi32, #tpu.memory_space<hbm>>
            tpu.wait_dma2 semaphore(%arg27 : memref<!tpu.dma_semaphore, #tpu.memory_space<semaphore_mem>>) src(%dma_wait3A_177 : memref<128xi32, #tpu.memory_space<hbm>>) dst(%arg10 : memref<128xi32, #tpu.memory_space<vmem>>)
            %mul3A_178 = arith.constant 128 : i32
            %mul3A_179 = arith.muli %add3A_169, %mul3A_178 : i32
            %dma_wait3A_180 = arith.constant 0 : i32
            %dma_wait3A_181 = tpu.memref_slice %arg13[%dma_wait3A_180] : memref<144xf32, #tpu.memory_space<vmem>> -> memref<128xf32, #tpu.memory_space<vmem>>
            %dma_wait3A_182 = tpu.memref_slice %arg7[%mul3A_179] : memref<800000xf32, #tpu.memory_space<hbm>> -> memref<128xf32, #tpu.memory_space<hbm>>
            %dma_wait3A_183 = arith.constant 0 : i32
            %dma_wait3A_184 = tpu.memref_slice %arg13[%dma_wait3A_183] : memref<144xf32, #tpu.memory_space<vmem>> -> memref<128xf32, #tpu.memory_space<vmem>>
            %dma_wait3A_185 = tpu.memref_slice %arg7[%mul3A_179] : memref<800000xf32, #tpu.memory_space<hbm>> -> memref<128xf32, #tpu.memory_space<hbm>>
            tpu.wait_dma2 semaphore(%arg27 : memref<!tpu.dma_semaphore, #tpu.memory_space<semaphore_mem>>) src(%dma_wait3A_185 : memref<128xf32, #tpu.memory_space<hbm>>) dst(%dma_wait3A_184 : memref<128xf32, #tpu.memory_space<vmem>>)
            %scan3A_186 = arith.constant 0 : i32
            %scan3A_187 = arith.constant 8 : i32
            %scan3A_188 = arith.addi %scan3A_186, %scan3A_187 : i32
            %scan3A_189 = arith.constant 1 : i32
            scf.for %scan3A_197 = %scan3A_186 to %scan3A_188 step %scan3A_189  : i32 {
              %mul3A_198 = arith.constant 16 : i32
              %mul3A_199 = arith.muli %scan3A_197, %mul3A_198 : i32
              %get3A_200 = arith.index_cast %mul3A_199 : i32 to index
              %get3A_201 = tpu.vector_load %arg9[%get3A_200] {strides = array<i32>} : memref<128xi32, #tpu.memory_space<vmem>>, vector<16xi32>,
              %add3A_202 = vector.broadcast %mul3A_0 : i32 to vector<16xi32>
              %add3A_203 = arith.addi %get3A_201, %add3A_202 : vector<16xi32>
              %swap3A = arith.index_cast %mul3A_199 : i32 to index
              %swap3A_204 = tpu.vector_load %arg11[%swap3A] {strides = array<i32>} : memref<128xi32, #tpu.memory_space<vmem>>, vector<16xi32>,
              tpu.vector_store %arg11[%swap3A], %add3A_203 {strides = array<i32>} : memref<128xi32, #tpu.memory_space<vmem>>, vector<16xi32>,
              %get3A_205 = arith.index_cast %mul3A_199 : i32 to index
              %get3A_206 = tpu.vector_load %arg10[%get3A_205] {strides = array<i32>} : memref<128xi32, #tpu.memory_space<vmem>>, vector<16xi32>,
              %add3A_207 = vector.broadcast %mul3A_0 : i32 to vector<16xi32>
              %add3A_208 = arith.addi %get3A_206, %add3A_207 : vector<16xi32>
              %swap3A_209 = arith.index_cast %mul3A_199 : i32 to index
              %swap3A_210 = tpu.vector_load %arg12[%swap3A_209] {strides = array<i32>} : memref<128xi32, #tpu.memory_space<vmem>>, vector<16xi32>,
              tpu.vector_store %arg12[%swap3A_209], %add3A_208 {strides = array<i32>} : memref<128xi32, #tpu.memory_space<vmem>>, vector<16xi32>,
            }
            %scan3A_190 = arith.constant 8 : i32
            %dma_start3A_191 = arith.constant 0 : i32
            %dma_start3A_192 = arith.constant 0 : i32
            %dma_start3A_193 = tpu.memref_slice %arg2[%dma_start3A_191, %dma_start3A_192] : memref<100000x32xf32, #tpu.memory_space<hbm>> -> memref<100000x32xf32, #tpu.memory_space<hbm>>
            tpu.enqueue_indirect_dma source(%dma_start3A_193 : memref<100000x32xf32, #tpu.memory_space<hbm>>) target(%arg14 : memref<128x32xf32, #tpu.memory_space<vmem>>) offsets(%arg11 : memref<128xi32, #tpu.memory_space<vmem>>) semaphore(%arg29 : memref<!tpu.dma_semaphore, #tpu.memory_space<semaphore_mem>>)
            %dma_start3A_194 = arith.constant 0 : i32
            %dma_start3A_195 = arith.constant 0 : i32
            %dma_start3A_196 = tpu.memref_slice %arg3[%dma_start3A_194, %dma_start3A_195] : memref<100000x32xf32, #tpu.memory_space<hbm>> -> memref<100000x32xf32, #tpu.memory_space<hbm>>
            tpu.enqueue_indirect_dma source(%dma_start3A_196 : memref<100000x32xf32, #tpu.memory_space<hbm>>) target(%arg15 : memref<128x32xf32, #tpu.memory_space<vmem>>) offsets(%arg12 : memref<128xi32, #tpu.memory_space<vmem>>) semaphore(%arg29 : memref<!tpu.dma_semaphore, #tpu.memory_space<semaphore_mem>>)
          } else {
          }
          %dma_start3A = arith.constant 0 : i32
          %dma_start3A_166 = arith.constant 0 : i32
          %dma_start3A_167 = tpu.memref_slice %arg26[%dma_start3A, %dma_start3A_166] : memref<50000x32xf32, #tpu.memory_space<vmem_shared>> -> memref<50000x32xf32, #tpu.memory_space<vmem_shared>>
          tpu.enqueue_indirect_dma source(%arg21 : memref<128x32xf32, #tpu.memory_space<vmem>>) target(%dma_start3A_167 : memref<50000x32xf32, #tpu.memory_space<vmem_shared>>) offsets(%arg16 : memref<128xi32, #tpu.memory_space<vmem>>) semaphore(%arg32 : memref<!tpu.dma_semaphore, #tpu.memory_space<semaphore_mem>>) {add = true}
        } else {
        }
      } else {
      }
    }
    %scan3A_32 = arith.constant 391 : i32
    %gt3A_33 = arith.constant 0 : i32
    %gt3A_34 = arith.cmpi sgt, %add3A_20, %gt3A_33 : i32
    %sub3A = arith.constant 1 : i32
    %sub3A_35 = arith.subi %add3A_20, %sub3A : i32
    %jit3A_36 = arith.constant 2 : i32
    %eq3A_37 = arith.constant 0 : i32
    %eq3A_38 = arith.cmpi eq, %jit3A_36, %eq3A_37 : i32
    %jit3A_39 = arith.constant 1 : i32
    %select_n3A_40 = arith.select %eq3A_38, %jit3A_39, %jit3A_36 : i32
    %rem3A = arith.remsi %sub3A_35, %select_n3A_40 : i32
    %ne3A = arith.constant 0 : i32
    %ne3A_41 = arith.cmpi ne, %rem3A, %ne3A : i32
    %lt3A_42 = arith.constant 0 : i32
    %lt3A_43 = arith.cmpi slt, %rem3A, %lt3A_42 : i32
    %lt3A_44 = arith.constant 0 : i32
    %lt3A_45 = arith.cmpi slt, %select_n3A_40, %lt3A_44 : i32
    %ne3A_46 = arith.xori %lt3A_43, %lt3A_45 : i1
    %and3A = arith.andi %ne3A_46, %ne3A_41 : i1
    %add3A_47 = arith.addi %rem3A, %select_n3A_40 : i32
    %select_n3A_48 = arith.select %and3A, %add3A_47, %rem3A : i32
    %eq3A_49 = arith.constant 0 : i32
    %eq3A_50 = arith.cmpi eq, %select_n3A_48, %eq3A_49 : i32
    %and3A_51 = arith.andi %gt3A_34, %eq3A_50 : i1
    %convert_element_type3A_52 = arith.extui %and3A_51 : i1 to i32
    %cond3A_53 = arith.constant 0 : i32
    %cond3A_54 = arith.cmpi ne, %convert_element_type3A_52, %cond3A_53 : i32
    scf.if %cond3A_54 {
      %dma_wait3A = arith.constant 0 : i32
      %dma_wait3A_92 = arith.constant 0 : i32
      %dma_wait3A_93 = tpu.memref_slice %arg26[%dma_wait3A, %dma_wait3A_92] : memref<50000x32xf32, #tpu.memory_space<vmem_shared>> -> memref<50000x32xf32, #tpu.memory_space<vmem_shared>>
      tpu.wait_indirect_dma semaphore(%arg31 : memref<!tpu.dma_semaphore, #tpu.memory_space<semaphore_mem>>) src(%arg14 : memref<128x32xf32, #tpu.memory_space<vmem>>) dst(%dma_wait3A_93 : memref<50000x32xf32, #tpu.memory_space<vmem_shared>>)
    } else {
    }
    %gt3A_55 = arith.constant 0 : i32
    %gt3A_56 = arith.cmpi sgt, %add3A_20, %gt3A_55 : i32
    %sub3A_57 = arith.constant 1 : i32
    %sub3A_58 = arith.subi %add3A_20, %sub3A_57 : i32
    %jit3A_59 = arith.constant 2 : i32
    %eq3A_60 = arith.constant 0 : i32
    %eq3A_61 = arith.cmpi eq, %jit3A_59, %eq3A_60 : i32
    %jit3A_62 = arith.constant 1 : i32
    %select_n3A_63 = arith.select %eq3A_61, %jit3A_62, %jit3A_59 : i32
    %rem3A_64 = arith.remsi %sub3A_58, %select_n3A_63 : i32
    %ne3A_65 = arith.constant 0 : i32
    %ne3A_66 = arith.cmpi ne, %rem3A_64, %ne3A_65 : i32
    %lt3A_67 = arith.constant 0 : i32
    %lt3A_68 = arith.cmpi slt, %rem3A_64, %lt3A_67 : i32
    %lt3A_69 = arith.constant 0 : i32
    %lt3A_70 = arith.cmpi slt, %select_n3A_63, %lt3A_69 : i32
    %ne3A_71 = arith.xori %lt3A_68, %lt3A_70 : i1
    %and3A_72 = arith.andi %ne3A_71, %ne3A_66 : i1
    %add3A_73 = arith.addi %rem3A_64, %select_n3A_63 : i32
    %select_n3A_74 = arith.select %and3A_72, %add3A_73, %rem3A_64 : i32
    %eq3A_75 = arith.constant 1 : i32
    %eq3A_76 = arith.cmpi eq, %select_n3A_74, %eq3A_75 : i32
    %and3A_77 = arith.andi %gt3A_56, %eq3A_76 : i1
    %convert_element_type3A_78 = arith.extui %and3A_77 : i1 to i32
    %cond3A_79 = arith.constant 0 : i32
    %cond3A_80 = arith.cmpi ne, %convert_element_type3A_78, %cond3A_79 : i32
    scf.if %cond3A_80 {
      %dma_wait3A = arith.constant 0 : i32
      %dma_wait3A_92 = arith.constant 0 : i32
      %dma_wait3A_93 = tpu.memref_slice %arg26[%dma_wait3A, %dma_wait3A_92] : memref<50000x32xf32, #tpu.memory_space<vmem_shared>> -> memref<50000x32xf32, #tpu.memory_space<vmem_shared>>
      tpu.wait_indirect_dma semaphore(%arg32 : memref<!tpu.dma_semaphore, #tpu.memory_space<semaphore_mem>>) src(%arg21 : memref<128x32xf32, #tpu.memory_space<vmem>>) dst(%dma_wait3A_93 : memref<50000x32xf32, #tpu.memory_space<vmem_shared>>)
    } else {
    }
    %barrier3A_81 = arith.constant 0 : index
    tpu.barrier barrier_id(%barrier3A_81)
    %lt3A_82 = arith.constant 15 : i32
    %lt3A_83 = arith.cmpi slt, %arg1, %lt3A_82 : i32
    %convert_element_type3A_84 = arith.extui %lt3A_83 : i1 to i32
    %cond3A_85 = arith.constant 0 : i32
    %cond3A_86 = arith.cmpi ne, %convert_element_type3A_84, %cond3A_85 : i32
    scf.if %cond3A_86 {
      %mul3A_92 = arith.constant 3128 : i32
      %mul3A_93 = arith.muli %arg1, %mul3A_92 : i32
      %mul3A_94 = arith.constant 50000 : i32
      %mul3A_95 = arith.muli %arg0, %mul3A_94 : i32
      %add3A_96 = arith.addi %mul3A_95, %mul3A_93 : i32
      %scan3A_97 = arith.constant 0 : i32
      %scan3A_98 = arith.constant 26 : i32
      %scan3A_99 = arith.addi %scan3A_97, %scan3A_98 : i32
      %scan3A_100 = arith.constant 1 : i32
      scf.for %scan3A_106 = %scan3A_97 to %scan3A_99 step %scan3A_100  : i32 {
        %mul3A_107 = arith.constant 120 : i32
        %mul3A_108 = arith.muli %scan3A_106, %mul3A_107 : i32
        %add3A_109 = arith.addi %mul3A_93, %mul3A_108 : i32
        "tpu.region"() ({
          %run_scoped3A = tpu.sem_alloc : memref<!tpu.dma_semaphore, #tpu.memory_space<semaphore_mem>>
          %dma_start3A = arith.constant 0 : i32
          %dma_start3A_113 = tpu.memref_slice %arg26[%add3A_109, %dma_start3A] : memref<50000x32xf32, #tpu.memory_space<vmem_shared>> -> memref<120x32xf32, #tpu.memory_space<vmem_shared>>
          %dma_start3A_114 = arith.constant 0 : i32
          %dma_start3A_115 = tpu.memref_slice %arg26[%add3A_109, %dma_start3A_114] : memref<50000x32xf32, #tpu.memory_space<vmem_shared>> -> memref<120x32xf32, #tpu.memory_space<vmem_shared>>
          tpu.enqueue_dma source(%dma_start3A_115 : memref<120x32xf32, #tpu.memory_space<vmem_shared>>) target(%arg25 : memref<120x32xf32, #tpu.memory_space<vmem>>) target_semaphore(%run_scoped3A : memref<!tpu.dma_semaphore, #tpu.memory_space<semaphore_mem>>)
          %dma_wait3A = arith.constant 0 : i32
          %dma_wait3A_116 = tpu.memref_slice %arg26[%add3A_109, %dma_wait3A] : memref<50000x32xf32, #tpu.memory_space<vmem_shared>> -> memref<120x32xf32, #tpu.memory_space<vmem_shared>>
          %dma_wait3A_117 = arith.constant 0 : i32
          %dma_wait3A_118 = tpu.memref_slice %arg26[%add3A_109, %dma_wait3A_117] : memref<50000x32xf32, #tpu.memory_space<vmem_shared>> -> memref<120x32xf32, #tpu.memory_space<vmem_shared>>
          tpu.wait_dma2 semaphore(%run_scoped3A : memref<!tpu.dma_semaphore, #tpu.memory_space<semaphore_mem>>) src(%dma_wait3A_118 : memref<120x32xf32, #tpu.memory_space<vmem_shared>>) dst(%arg25 : memref<120x32xf32, #tpu.memory_space<vmem>>)
          tpu.yield
        }) : () -> ()
        %mul3A_110 = arith.constant 120 : i32
        %mul3A_111 = arith.muli %scan3A_106, %mul3A_110 : i32
        %add3A_112 = arith.addi %add3A_96, %mul3A_111 : i32
        "tpu.region"() ({
          %run_scoped3A = tpu.sem_alloc : memref<!tpu.dma_semaphore, #tpu.memory_space<semaphore_mem>>
          %dma_start3A = arith.constant 0 : i32
          %dma_start3A_113 = tpu.memref_slice %arg8[%add3A_112, %dma_start3A] : memref<100000x32xf32, #tpu.memory_space<hbm>> -> memref<120x32xf32, #tpu.memory_space<hbm>>
          %dma_start3A_114 = arith.constant 0 : i32
          %dma_start3A_115 = tpu.memref_slice %arg8[%add3A_112, %dma_start3A_114] : memref<100000x32xf32, #tpu.memory_space<hbm>> -> memref<120x32xf32, #tpu.memory_space<hbm>>
          tpu.enqueue_dma source(%arg25 : memref<120x32xf32, #tpu.memory_space<vmem>>) target(%dma_start3A_115 : memref<120x32xf32, #tpu.memory_space<hbm>>) target_semaphore(%run_scoped3A : memref<!tpu.dma_semaphore, #tpu.memory_space<semaphore_mem>>)
          %dma_wait3A = arith.constant 0 : i32
          %dma_wait3A_116 = tpu.memref_slice %arg8[%add3A_112, %dma_wait3A] : memref<100000x32xf32, #tpu.memory_space<hbm>> -> memref<120x32xf32, #tpu.memory_space<hbm>>
          %dma_wait3A_117 = arith.constant 0 : i32
          %dma_wait3A_118 = tpu.memref_slice %arg8[%add3A_112, %dma_wait3A_117] : memref<100000x32xf32, #tpu.memory_space<hbm>> -> memref<120x32xf32, #tpu.memory_space<hbm>>
          tpu.wait_dma2 semaphore(%run_scoped3A : memref<!tpu.dma_semaphore, #tpu.memory_space<semaphore_mem>>) src(%arg25 : memref<120x32xf32, #tpu.memory_space<vmem>>) dst(%dma_wait3A_118 : memref<120x32xf32, #tpu.memory_space<hbm>>)
          tpu.yield
        }) : () -> ()
      }
      %scan3A_101 = arith.constant 26 : i32
      %add3A_102 = arith.constant 3120 : i32
      %add3A_103 = arith.addi %mul3A_93, %add3A_102 : i32
      "tpu.region"() ({
        %run_scoped3A = tpu.sem_alloc : memref<!tpu.dma_semaphore, #tpu.memory_space<semaphore_mem>>
        %dma_start3A = arith.constant 0 : i32
        %dma_start3A_106 = arith.constant 0 : i32
        %dma_start3A_107 = tpu.memref_slice %arg25[%dma_start3A, %dma_start3A_106] : memref<120x32xf32, #tpu.memory_space<vmem>> -> memref<8x32xf32, #tpu.memory_space<vmem>>
        %dma_start3A_108 = arith.constant 0 : i32
        %dma_start3A_109 = tpu.memref_slice %arg26[%add3A_103, %dma_start3A_108] : memref<50000x32xf32, #tpu.memory_space<vmem_shared>> -> memref<8x32xf32, #tpu.memory_space<vmem_shared>>
        %dma_start3A_110 = arith.constant 0 : i32
        %dma_start3A_111 = arith.constant 0 : i32
        %dma_start3A_112 = tpu.memref_slice %arg25[%dma_start3A_110, %dma_start3A_111] : memref<120x32xf32, #tpu.memory_space<vmem>> -> memref<8x32xf32, #tpu.memory_space<vmem>>
        %dma_start3A_113 = arith.constant 0 : i32
        %dma_start3A_114 = tpu.memref_slice %arg26[%add3A_103, %dma_start3A_113] : memref<50000x32xf32, #tpu.memory_space<vmem_shared>> -> memref<8x32xf32, #tpu.memory_space<vmem_shared>>
        tpu.enqueue_dma source(%dma_start3A_114 : memref<8x32xf32, #tpu.memory_space<vmem_shared>>) target(%dma_start3A_112 : memref<8x32xf32, #tpu.memory_space<vmem>>) target_semaphore(%run_scoped3A : memref<!tpu.dma_semaphore, #tpu.memory_space<semaphore_mem>>)
        %dma_wait3A = arith.constant 0 : i32
        %dma_wait3A_115 = arith.constant 0 : i32
        %dma_wait3A_116 = tpu.memref_slice %arg25[%dma_wait3A, %dma_wait3A_115] : memref<120x32xf32, #tpu.memory_space<vmem>> -> memref<8x32xf32, #tpu.memory_space<vmem>>
        %dma_wait3A_117 = arith.constant 0 : i32
        %dma_wait3A_118 = tpu.memref_slice %arg26[%add3A_103, %dma_wait3A_117] : memref<50000x32xf32, #tpu.memory_space<vmem_shared>> -> memref<8x32xf32, #tpu.memory_space<vmem_shared>>
        %dma_wait3A_119 = arith.constant 0 : i32
        %dma_wait3A_120 = arith.constant 0 : i32
        %dma_wait3A_121 = tpu.memref_slice %arg25[%dma_wait3A_119, %dma_wait3A_120] : memref<120x32xf32, #tpu.memory_space<vmem>> -> memref<8x32xf32, #tpu.memory_space<vmem>>
        %dma_wait3A_122 = arith.constant 0 : i32
        %dma_wait3A_123 = tpu.memref_slice %arg26[%add3A_103, %dma_wait3A_122] : memref<50000x32xf32, #tpu.memory_space<vmem_shared>> -> memref<8x32xf32, #tpu.memory_space<vmem_shared>>
        tpu.wait_dma2 semaphore(%run_scoped3A : memref<!tpu.dma_semaphore, #tpu.memory_space<semaphore_mem>>) src(%dma_wait3A_123 : memref<8x32xf32, #tpu.memory_space<vmem_shared>>) dst(%dma_wait3A_121 : memref<8x32xf32, #tpu.memory_space<vmem>>)
        tpu.yield
      }) : () -> ()
      %add3A_104 = arith.constant 3120 : i32
      %add3A_105 = arith.addi %add3A_96, %add3A_104 : i32
      "tpu.region"() ({
        %run_scoped3A = tpu.sem_alloc : memref<!tpu.dma_semaphore, #tpu.memory_space<semaphore_mem>>
        %dma_start3A = arith.constant 0 : i32
        %dma_start3A_106 = arith.constant 0 : i32
        %dma_start3A_107 = tpu.memref_slice %arg25[%dma_start3A, %dma_start3A_106] : memref<120x32xf32, #tpu.memory_space<vmem>> -> memref<8x32xf32, #tpu.memory_space<vmem>>
        %dma_start3A_108 = arith.constant 0 : i32
        %dma_start3A_109 = tpu.memref_slice %arg8[%add3A_105, %dma_start3A_108] : memref<100000x32xf32, #tpu.memory_space<hbm>> -> memref<8x32xf32, #tpu.memory_space<hbm>>
        %dma_start3A_110 = arith.constant 0 : i32
        %dma_start3A_111 = tpu.memref_slice %arg8[%add3A_105, %dma_start3A_110] : memref<100000x32xf32, #tpu.memory_space<hbm>> -> memref<8x32xf32, #tpu.memory_space<hbm>>
        %dma_start3A_112 = arith.constant 0 : i32
        %dma_start3A_113 = arith.constant 0 : i32
        %dma_start3A_114 = tpu.memref_slice %arg25[%dma_start3A_112, %dma_start3A_113] : memref<120x32xf32, #tpu.memory_space<vmem>> -> memref<8x32xf32, #tpu.memory_space<vmem>>
        tpu.enqueue_dma source(%dma_start3A_114 : memref<8x32xf32, #tpu.memory_space<vmem>>) target(%dma_start3A_111 : memref<8x32xf32, #tpu.memory_space<hbm>>) target_semaphore(%run_scoped3A : memref<!tpu.dma_semaphore, #tpu.memory_space<semaphore_mem>>)
        %dma_wait3A = arith.constant 0 : i32
        %dma_wait3A_115 = arith.constant 0 : i32
        %dma_wait3A_116 = tpu.memref_slice %arg25[%dma_wait3A, %dma_wait3A_115] : memref<120x32xf32, #tpu.memory_space<vmem>> -> memref<8x32xf32, #tpu.memory_space<vmem>>
        %dma_wait3A_117 = arith.constant 0 : i32
        %dma_wait3A_118 = tpu.memref_slice %arg8[%add3A_105, %dma_wait3A_117] : memref<100000x32xf32, #tpu.memory_space<hbm>> -> memref<8x32xf32, #tpu.memory_space<hbm>>
        %dma_wait3A_119 = arith.constant 0 : i32
        %dma_wait3A_120 = tpu.memref_slice %arg8[%add3A_105, %dma_wait3A_119] : memref<100000x32xf32, #tpu.memory_space<hbm>> -> memref<8x32xf32, #tpu.memory_space<hbm>>
        %dma_wait3A_121 = arith.constant 0 : i32
        %dma_wait3A_122 = arith.constant 0 : i32
        %dma_wait3A_123 = tpu.memref_slice %arg25[%dma_wait3A_121, %dma_wait3A_122] : memref<120x32xf32, #tpu.memory_space<vmem>> -> memref<8x32xf32, #tpu.memory_space<vmem>>
        tpu.wait_dma2 semaphore(%run_scoped3A : memref<!tpu.dma_semaphore, #tpu.memory_space<semaphore_mem>>) src(%dma_wait3A_123 : memref<8x32xf32, #tpu.memory_space<vmem>>) dst(%dma_wait3A_120 : memref<8x32xf32, #tpu.memory_space<hbm>>)
        tpu.yield
      }) : () -> ()
    } else {
    }
    %eq3A_87 = arith.constant 15 : i32
    %eq3A_88 = arith.cmpi eq, %arg1, %eq3A_87 : i32
    %convert_element_type3A_89 = arith.extui %eq3A_88 : i1 to i32
    %cond3A_90 = arith.constant 0 : i32
    %cond3A_91 = arith.cmpi ne, %convert_element_type3A_89, %cond3A_90 : i32
    scf.if %cond3A_91 {
      %mul3A_92 = arith.constant 50000 : i32
      %mul3A_93 = arith.muli %arg0, %mul3A_92 : i32
      %add3A_94 = arith.constant 46920 : i32
      %add3A_95 = arith.addi %mul3A_93, %add3A_94 : i32
      %scan3A_96 = arith.constant 0 : i32
      %scan3A_97 = arith.constant 25 : i32
      %scan3A_98 = arith.addi %scan3A_96, %scan3A_97 : i32
      %scan3A_99 = arith.constant 1 : i32
      scf.for %scan3A_103 = %scan3A_96 to %scan3A_98 step %scan3A_99  : i32 {
        %mul3A_104 = arith.constant 120 : i32
        %mul3A_105 = arith.muli %scan3A_103, %mul3A_104 : i32
        %add3A_106 = arith.constant 46920 : i32
        %add3A_107 = arith.addi %add3A_106, %mul3A_105 : i32
        "tpu.region"() ({
          %run_scoped3A = tpu.sem_alloc : memref<!tpu.dma_semaphore, #tpu.memory_space<semaphore_mem>>
          %dma_start3A = arith.constant 0 : i32
          %dma_start3A_111 = tpu.memref_slice %arg26[%add3A_107, %dma_start3A] : memref<50000x32xf32, #tpu.memory_space<vmem_shared>> -> memref<120x32xf32, #tpu.memory_space<vmem_shared>>
          %dma_start3A_112 = arith.constant 0 : i32
          %dma_start3A_113 = tpu.memref_slice %arg26[%add3A_107, %dma_start3A_112] : memref<50000x32xf32, #tpu.memory_space<vmem_shared>> -> memref<120x32xf32, #tpu.memory_space<vmem_shared>>
          tpu.enqueue_dma source(%dma_start3A_113 : memref<120x32xf32, #tpu.memory_space<vmem_shared>>) target(%arg25 : memref<120x32xf32, #tpu.memory_space<vmem>>) target_semaphore(%run_scoped3A : memref<!tpu.dma_semaphore, #tpu.memory_space<semaphore_mem>>)
          %dma_wait3A = arith.constant 0 : i32
          %dma_wait3A_114 = tpu.memref_slice %arg26[%add3A_107, %dma_wait3A] : memref<50000x32xf32, #tpu.memory_space<vmem_shared>> -> memref<120x32xf32, #tpu.memory_space<vmem_shared>>
          %dma_wait3A_115 = arith.constant 0 : i32
          %dma_wait3A_116 = tpu.memref_slice %arg26[%add3A_107, %dma_wait3A_115] : memref<50000x32xf32, #tpu.memory_space<vmem_shared>> -> memref<120x32xf32, #tpu.memory_space<vmem_shared>>
          tpu.wait_dma2 semaphore(%run_scoped3A : memref<!tpu.dma_semaphore, #tpu.memory_space<semaphore_mem>>) src(%dma_wait3A_116 : memref<120x32xf32, #tpu.memory_space<vmem_shared>>) dst(%arg25 : memref<120x32xf32, #tpu.memory_space<vmem>>)
          tpu.yield
        }) : () -> ()
        %mul3A_108 = arith.constant 120 : i32
        %mul3A_109 = arith.muli %scan3A_103, %mul3A_108 : i32
        %add3A_110 = arith.addi %add3A_95, %mul3A_109 : i32
        "tpu.region"() ({
          %run_scoped3A = tpu.sem_alloc : memref<!tpu.dma_semaphore, #tpu.memory_space<semaphore_mem>>
          %dma_start3A = arith.constant 0 : i32
          %dma_start3A_111 = tpu.memref_slice %arg8[%add3A_110, %dma_start3A] : memref<100000x32xf32, #tpu.memory_space<hbm>> -> memref<120x32xf32, #tpu.memory_space<hbm>>
          %dma_start3A_112 = arith.constant 0 : i32
          %dma_start3A_113 = tpu.memref_slice %arg8[%add3A_110, %dma_start3A_112] : memref<100000x32xf32, #tpu.memory_space<hbm>> -> memref<120x32xf32, #tpu.memory_space<hbm>>
          tpu.enqueue_dma source(%arg25 : memref<120x32xf32, #tpu.memory_space<vmem>>) target(%dma_start3A_113 : memref<120x32xf32, #tpu.memory_space<hbm>>) target_semaphore(%run_scoped3A : memref<!tpu.dma_semaphore, #tpu.memory_space<semaphore_mem>>)
          %dma_wait3A = arith.constant 0 : i32
          %dma_wait3A_114 = tpu.memref_slice %arg8[%add3A_110, %dma_wait3A] : memref<100000x32xf32, #tpu.memory_space<hbm>> -> memref<120x32xf32, #tpu.memory_space<hbm>>
          %dma_wait3A_115 = arith.constant 0 : i32
          %dma_wait3A_116 = tpu.memref_slice %arg8[%add3A_110, %dma_wait3A_115] : memref<100000x32xf32, #tpu.memory_space<hbm>> -> memref<120x32xf32, #tpu.memory_space<hbm>>
          tpu.wait_dma2 semaphore(%run_scoped3A : memref<!tpu.dma_semaphore, #tpu.memory_space<semaphore_mem>>) src(%arg25 : memref<120x32xf32, #tpu.memory_space<vmem>>) dst(%dma_wait3A_116 : memref<120x32xf32, #tpu.memory_space<hbm>>)
          tpu.yield
        }) : () -> ()
      }
      %scan3A_100 = arith.constant 25 : i32
      "tpu.region"() ({
        %run_scoped3A = tpu.sem_alloc : memref<!tpu.dma_semaphore, #tpu.memory_space<semaphore_mem>>
        %dma_start3A = arith.constant 0 : i32
        %dma_start3A_103 = arith.constant 0 : i32
        %dma_start3A_104 = tpu.memref_slice %arg25[%dma_start3A, %dma_start3A_103] : memref<120x32xf32, #tpu.memory_space<vmem>> -> memref<80x32xf32, #tpu.memory_space<vmem>>
        %dma_start3A_105 = arith.constant 49920 : i32
        %dma_start3A_106 = arith.constant 0 : i32
        %dma_start3A_107 = tpu.memref_slice %arg26[%dma_start3A_105, %dma_start3A_106] : memref<50000x32xf32, #tpu.memory_space<vmem_shared>> -> memref<80x32xf32, #tpu.memory_space<vmem_shared>>
        %dma_start3A_108 = arith.constant 0 : i32
        %dma_start3A_109 = arith.constant 0 : i32
        %dma_start3A_110 = tpu.memref_slice %arg25[%dma_start3A_108, %dma_start3A_109] : memref<120x32xf32, #tpu.memory_space<vmem>> -> memref<80x32xf32, #tpu.memory_space<vmem>>
        %dma_start3A_111 = arith.constant 49920 : i32
        %dma_start3A_112 = arith.constant 0 : i32
        %dma_start3A_113 = tpu.memref_slice %arg26[%dma_start3A_111, %dma_start3A_112] : memref<50000x32xf32, #tpu.memory_space<vmem_shared>> -> memref<80x32xf32, #tpu.memory_space<vmem_shared>>
        tpu.enqueue_dma source(%dma_start3A_113 : memref<80x32xf32, #tpu.memory_space<vmem_shared>>) target(%dma_start3A_110 : memref<80x32xf32, #tpu.memory_space<vmem>>) target_semaphore(%run_scoped3A : memref<!tpu.dma_semaphore, #tpu.memory_space<semaphore_mem>>)
        %dma_wait3A = arith.constant 0 : i32
        %dma_wait3A_114 = arith.constant 0 : i32
        %dma_wait3A_115 = tpu.memref_slice %arg25[%dma_wait3A, %dma_wait3A_114] : memref<120x32xf32, #tpu.memory_space<vmem>> -> memref<80x32xf32, #tpu.memory_space<vmem>>
        %dma_wait3A_116 = arith.constant 49920 : i32
        %dma_wait3A_117 = arith.constant 0 : i32
        %dma_wait3A_118 = tpu.memref_slice %arg26[%dma_wait3A_116, %dma_wait3A_117] : memref<50000x32xf32, #tpu.memory_space<vmem_shared>> -> memref<80x32xf32, #tpu.memory_space<vmem_shared>>
        %dma_wait3A_119 = arith.constant 0 : i32
        %dma_wait3A_120 = arith.constant 0 : i32
        %dma_wait3A_121 = tpu.memref_slice %arg25[%dma_wait3A_119, %dma_wait3A_120] : memref<120x32xf32, #tpu.memory_space<vmem>> -> memref<80x32xf32, #tpu.memory_space<vmem>>
        %dma_wait3A_122 = arith.constant 49920 : i32
        %dma_wait3A_123 = arith.constant 0 : i32
        %dma_wait3A_124 = tpu.memref_slice %arg26[%dma_wait3A_122, %dma_wait3A_123] : memref<50000x32xf32, #tpu.memory_space<vmem_shared>> -> memref<80x32xf32, #tpu.memory_space<vmem_shared>>
        tpu.wait_dma2 semaphore(%run_scoped3A : memref<!tpu.dma_semaphore, #tpu.memory_space<semaphore_mem>>) src(%dma_wait3A_124 : memref<80x32xf32, #tpu.memory_space<vmem_shared>>) dst(%dma_wait3A_121 : memref<80x32xf32, #tpu.memory_space<vmem>>)
        tpu.yield
      }) : () -> ()
      %add3A_101 = arith.constant 3000 : i32
      %add3A_102 = arith.addi %add3A_95, %add3A_101 : i32
      "tpu.region"() ({
        %run_scoped3A = tpu.sem_alloc : memref<!tpu.dma_semaphore, #tpu.memory_space<semaphore_mem>>
        %dma_start3A = arith.constant 0 : i32
        %dma_start3A_103 = arith.constant 0 : i32
        %dma_start3A_104 = tpu.memref_slice %arg25[%dma_start3A, %dma_start3A_103] : memref<120x32xf32, #tpu.memory_space<vmem>> -> memref<80x32xf32, #tpu.memory_space<vmem>>
        %dma_start3A_105 = arith.constant 0 : i32
        %dma_start3A_106 = tpu.memref_slice %arg8[%add3A_102, %dma_start3A_105] : memref<100000x32xf32, #tpu.memory_space<hbm>> -> memref<80x32xf32, #tpu.memory_space<hbm>>
        %dma_start3A_107 = arith.constant 0 : i32
        %dma_start3A_108 = tpu.memref_slice %arg8[%add3A_102, %dma_start3A_107] : memref<100000x32xf32, #tpu.memory_space<hbm>> -> memref<80x32xf32, #tpu.memory_space<hbm>>
        %dma_start3A_109 = arith.constant 0 : i32
        %dma_start3A_110 = arith.constant 0 : i32
        %dma_start3A_111 = tpu.memref_slice %arg25[%dma_start3A_109, %dma_start3A_110] : memref<120x32xf32, #tpu.memory_space<vmem>> -> memref<80x32xf32, #tpu.memory_space<vmem>>
        tpu.enqueue_dma source(%dma_start3A_111 : memref<80x32xf32, #tpu.memory_space<vmem>>) target(%dma_start3A_108 : memref<80x32xf32, #tpu.memory_space<hbm>>) target_semaphore(%run_scoped3A : memref<!tpu.dma_semaphore, #tpu.memory_space<semaphore_mem>>)
        %dma_wait3A = arith.constant 0 : i32
        %dma_wait3A_112 = arith.constant 0 : i32
        %dma_wait3A_113 = tpu.memref_slice %arg25[%dma_wait3A, %dma_wait3A_112] : memref<120x32xf32, #tpu.memory_space<vmem>> -> memref<80x32xf32, #tpu.memory_space<vmem>>
        %dma_wait3A_114 = arith.constant 0 : i32
        %dma_wait3A_115 = tpu.memref_slice %arg8[%add3A_102, %dma_wait3A_114] : memref<100000x32xf32, #tpu.memory_space<hbm>> -> memref<80x32xf32, #tpu.memory_space<hbm>>
        %dma_wait3A_116 = arith.constant 0 : i32
        %dma_wait3A_117 = tpu.memref_slice %arg8[%add3A_102, %dma_wait3A_116] : memref<100000x32xf32, #tpu.memory_space<hbm>> -> memref<80x32xf32, #tpu.memory_space<hbm>>
        %dma_wait3A_118 = arith.constant 0 : i32
        %dma_wait3A_119 = arith.constant 0 : i32
        %dma_wait3A_120 = tpu.memref_slice %arg25[%dma_wait3A_118, %dma_wait3A_119] : memref<120x32xf32, #tpu.memory_space<vmem>> -> memref<80x32xf32, #tpu.memory_space<vmem>>
        tpu.wait_dma2 semaphore(%run_scoped3A : memref<!tpu.dma_semaphore, #tpu.memory_space<semaphore_mem>>) src(%dma_wait3A_120 : memref<80x32xf32, #tpu.memory_space<vmem>>) dst(%dma_wait3A_117 : memref<80x32xf32, #tpu.memory_space<hbm>>)
        tpu.yield
      }) : () -> ()
    } else {
    }
    return
  }
}

module attributes {stable_mosaic.version = 14 : i64} {
  func.func @_tc_embed_body(%arg0: i32, %arg1: i32, %arg2: memref<1000x128xf32, #tpu.memory_space<vmem>>, %arg3: memref<128x64xf32, #tpu.memory_space<vmem>>, %arg4: memref<1x64xf32, #tpu.memory_space<vmem>>, %arg5: memref<1x64x32xf32, #tpu.memory_space<vmem>>, %arg6: memref<1x64x32xf32, #tpu.memory_space<vmem>>, %arg7: memref<1x1x32xf32, #tpu.memory_space<vmem>>, %arg8: memref<1000x64xf32, #tpu.memory_space<vmem>>, %arg9: memref<1000x32xf32, #tpu.memory_space<vmem>>, %arg10: memref<1000x32xf32, #tpu.memory_space<vmem>>) attributes {dimension_semantics = [#tpu.dimension_semantics<arbitrary>, #tpu.dimension_semantics<arbitrary>], iteration_bounds = array<i64: 2, 50>, scalar_prefetch = 0 : i64, scratch_operands = 0 : i64, tpu.core_type = #tpu.core_type<tc>, window_params = [{transform_indices = @transform_0, window_bounds = array<i64: 1000, 128>}, {pipeline_mode = #tpu.pipeline_mode<synchronous>, transform_indices = @transform_1, window_bounds = array<i64: 128, 64>}, {pipeline_mode = #tpu.pipeline_mode<synchronous>, transform_indices = @transform_2, window_bounds = array<i64: 1, 64>}, {transform_indices = @transform_3, window_bounds = array<i64: 1, 64, 32>}, {transform_indices = @transform_4, window_bounds = array<i64: 1, 64, 32>}, {transform_indices = @transform_5, window_bounds = array<i64: 1, 1, 32>}, {transform_indices = @transform_6, window_bounds = array<i64: 1000, 64>}, {transform_indices = @transform_7, window_bounds = array<i64: 1000, 32>}, {transform_indices = @transform_8, window_bounds = array<i64: 1000, 32>}]} {
    %get3A = arith.constant 0 : index
    %get3A_0 = arith.constant 0 : index
    %get3A_1 = vector.load %arg2[%get3A, %get3A_0] : memref<1000x128xf32, #tpu.memory_space<vmem>>, vector<1000x128xf32>
    %get3A_2 = arith.constant 0 : index
    %get3A_3 = arith.constant 0 : index
    %get3A_4 = vector.load %arg3[%get3A_2, %get3A_3] : memref<128x64xf32, #tpu.memory_space<vmem>>, vector<128x64xf32>
    %dot_general3A = arith.constant dense<0.000000e+00> : vector<1000x64xf32>
    %dot_general3A_5 = tpu.matmul %get3A_1, %get3A_4, %dot_general3A {dimension_numbers = #tpu.dot_dimension_numbers<[1], [0], [0], [1], [0, 0, 1, 1], [], []>, transpose_lhs_hint = false} : vector<1000x128xf32>, vector<128x64xf32>, vector<1000x64xf32> -> vector<1000x64xf32>
    %get3A_6 = arith.constant 0 : index
    %get3A_7 = arith.constant 0 : index
    %get3A_8 = vector.load %arg4[%get3A_6, %get3A_7] : memref<1x64xf32, #tpu.memory_space<vmem>>, vector<1x64xf32>
    %add3A = vector.broadcast %get3A_8 : vector<1x64xf32> to vector<1000x64xf32>
    %add3A_9 = arith.addf %dot_general3A_5, %add3A : vector<1000x64xf32>
    %swap3A = arith.constant 0 : index
    %swap3A_10 = arith.constant 0 : index
    %swap3A_11 = vector.load %arg8[%swap3A, %swap3A_10] : memref<1000x64xf32, #tpu.memory_space<vmem>>, vector<1000x64xf32>
    tpu.vector_store %arg8[%swap3A, %swap3A_10], %add3A_9 {strides = array<i32>} : memref<1000x64xf32, #tpu.memory_space<vmem>>, vector<1000x64xf32>,
    %get3A_12 = arith.constant 0 : index
    %get3A_13 = arith.constant 0 : index
    %get3A_14 = arith.constant 0 : index
    %get3A_15 = vector.load %arg5[%get3A_12, %get3A_13, %get3A_14] : memref<1x64x32xf32, #tpu.memory_space<vmem>>, vector<1x64x32xf32>
    %get3A_16 = vector.shape_cast %get3A_15 : vector<1x64x32xf32> to vector<64x32xf32>
    %dot_general3A_17 = arith.constant dense<0.000000e+00> : vector<1000x32xf32>
    %dot_general3A_18 = tpu.matmul %add3A_9, %get3A_16, %dot_general3A_17 {dimension_numbers = #tpu.dot_dimension_numbers<[1], [0], [0], [1], [0, 0, 1, 1], [], []>, transpose_lhs_hint = false} : vector<1000x64xf32>, vector<64x32xf32>, vector<1000x32xf32> -> vector<1000x32xf32>
    %get3A_19 = arith.constant 0 : index
    %get3A_20 = arith.constant 0 : index
    %get3A_21 = arith.constant 0 : index
    %get3A_22 = vector.load %arg7[%get3A_19, %get3A_20, %get3A_21] : memref<1x1x32xf32, #tpu.memory_space<vmem>>, vector<1x1x32xf32>
    %get3A_23 = vector.shape_cast %get3A_22 : vector<1x1x32xf32> to vector<1x32xf32>
    %add3A_24 = vector.broadcast %get3A_23 : vector<1x32xf32> to vector<1000x32xf32>
    %add3A_25 = arith.addf %dot_general3A_18, %add3A_24 : vector<1000x32xf32>
    %swap3A_26 = arith.constant 0 : index
    %swap3A_27 = arith.constant 0 : index
    %swap3A_28 = vector.load %arg9[%swap3A_26, %swap3A_27] : memref<1000x32xf32, #tpu.memory_space<vmem>>, vector<1000x32xf32>
    tpu.vector_store %arg9[%swap3A_26, %swap3A_27], %add3A_25 {strides = array<i32>} : memref<1000x32xf32, #tpu.memory_space<vmem>>, vector<1000x32xf32>,
    %get3A_29 = arith.constant 0 : index
    %get3A_30 = arith.constant 0 : index
    %get3A_31 = arith.constant 0 : index
    %get3A_32 = vector.load %arg6[%get3A_29, %get3A_30, %get3A_31] : memref<1x64x32xf32, #tpu.memory_space<vmem>>, vector<1x64x32xf32>
    %get3A_33 = vector.shape_cast %get3A_32 : vector<1x64x32xf32> to vector<64x32xf32>
    %dot_general3A_34 = arith.constant dense<0.000000e+00> : vector<1000x32xf32>
    %dot_general3A_35 = tpu.matmul %add3A_9, %get3A_33, %dot_general3A_34 {dimension_numbers = #tpu.dot_dimension_numbers<[1], [0], [0], [1], [0, 0, 1, 1], [], []>, transpose_lhs_hint = false} : vector<1000x64xf32>, vector<64x32xf32>, vector<1000x32xf32> -> vector<1000x32xf32>
    %swap3A_36 = arith.constant 0 : index
    %swap3A_37 = arith.constant 0 : index
    %swap3A_38 = vector.load %arg10[%swap3A_36, %swap3A_37] : memref<1000x32xf32, #tpu.memory_space<vmem>>, vector<1000x32xf32>
    tpu.vector_store %arg10[%swap3A_36, %swap3A_37], %dot_general3A_35 {strides = array<i32>} : memref<1000x32xf32, #tpu.memory_space<vmem>>, vector<1000x32xf32>,
    return
  }
  func.func @transform_0(%arg0: i32, %arg1: i32) -> (i32, i32) {
    %c0_i32 = arith.constant 0 : i32
    %c0_i32_0 = arith.constant 0 : i32
    return %arg1, %c0_i32 : i32, i32
  }
  func.func @transform_1(%arg0: i32, %arg1: i32) -> (i32, i32) {
    %c0_i32 = arith.constant 0 : i32
    %c0_i32_0 = arith.constant 0 : i32
    %c0_i32_1 = arith.constant 0 : i32
    return %c0_i32, %c0_i32_0 : i32, i32
  }
  func.func @transform_2(%arg0: i32, %arg1: i32) -> (i32, i32) {
    %c0_i32 = arith.constant 0 : i32
    %c0_i32_0 = arith.constant 0 : i32
    %c0_i32_1 = arith.constant 0 : i32
    return %c0_i32, %c0_i32_0 : i32, i32
  }
  func.func @transform_3(%arg0: i32, %arg1: i32) -> (i32, i32, i32) {
    %c0_i32 = arith.constant 0 : i32
    %c0_i32_0 = arith.constant 0 : i32
    %c0_i32_1 = arith.constant 0 : i32
    return %arg0, %c0_i32, %c0_i32_0 : i32, i32, i32
  }
  func.func @transform_4(%arg0: i32, %arg1: i32) -> (i32, i32, i32) {
    %c0_i32 = arith.constant 0 : i32
    %c0_i32_0 = arith.constant 0 : i32
    %c0_i32_1 = arith.constant 0 : i32
    return %arg0, %c0_i32, %c0_i32_0 : i32, i32, i32
  }
  func.func @transform_5(%arg0: i32, %arg1: i32) -> (i32, i32, i32) {
    %c0_i32 = arith.constant 0 : i32
    %c0_i32_0 = arith.constant 0 : i32
    %c0_i32_1 = arith.constant 0 : i32
    return %arg0, %c0_i32, %c0_i32_0 : i32, i32, i32
  }
  func.func @transform_6(%arg0: i32, %arg1: i32) -> (i32, i32) {
    %c0_i32 = arith.constant 0 : i32
    %c0_i32_0 = arith.constant 0 : i32
    return %arg1, %c0_i32 : i32, i32
  }
  func.func @transform_7(%arg0: i32, %arg1: i32) -> (i32, i32) {
    %mul3A = arith.constant 50 : i32
    %mul3A_0 = arith.muli %arg0, %mul3A : i32
    %add3A = arith.addi %mul3A_0, %arg1 : i32
    %c0_i32 = arith.constant 0 : i32
    %c0_i32_1 = arith.constant 0 : i32
    return %add3A, %c0_i32 : i32, i32
  }
  func.func @transform_8(%arg0: i32, %arg1: i32) -> (i32, i32) {
    %mul3A = arith.constant 50 : i32
    %mul3A_0 = arith.muli %arg0, %mul3A : i32
    %add3A = arith.addi %mul3A_0, %arg1 : i32
    %c0_i32 = arith.constant 0 : i32
    %c0_i32_1 = arith.constant 0 : i32
    return %add3A, %c0_i32 : i32, i32
  }
}

module attributes {stable_mosaic.version = 14 : i64} {
  func.func @_tc_update_body(%arg0: i32, %arg1: i32, %arg2: memref<1000x64xf32, #tpu.memory_space<vmem>>, %arg3: memref<1000x32xf32, #tpu.memory_space<vmem>>, %arg4: memref<1000x32xf32, #tpu.memory_space<vmem>>, %arg5: memref<1000x1xf32, #tpu.memory_space<vmem>>, %arg6: memref<1000x1xf32, #tpu.memory_space<vmem>>, %arg7: memref<64x64xf32, #tpu.memory_space<vmem>>, %arg8: memref<1x64xf32, #tpu.memory_space<vmem>>, %arg9: memref<128x64xf32, #tpu.memory_space<vmem>>, %arg10: memref<1x64xf32, #tpu.memory_space<vmem>>, %arg11: memref<1x64xf32, #tpu.memory_space<vmem>>, %arg12: memref<1x64xf32, #tpu.memory_space<vmem>>, %arg13: memref<1x64x32xf32, #tpu.memory_space<vmem>>, %arg14: memref<1x64x32xf32, #tpu.memory_space<vmem>>, %arg15: memref<1x1x32xf32, #tpu.memory_space<vmem>>, %arg16: memref<1000x64xf32, #tpu.memory_space<vmem>>, %arg17: memref<1000x32xf32, #tpu.memory_space<vmem>>, %arg18: memref<1000x32xf32, #tpu.memory_space<vmem>>) attributes {dimension_semantics = [#tpu.dimension_semantics<arbitrary>, #tpu.dimension_semantics<arbitrary>], iteration_bounds = array<i64: 2, 50>, scalar_prefetch = 0 : i64, scratch_operands = 0 : i64, tpu.core_type = #tpu.core_type<tc>, window_params = [{transform_indices = @transform_0, window_bounds = array<i64: 1000, 64>}, {transform_indices = @transform_1, window_bounds = array<i64: 1000, 32>}, {transform_indices = @transform_2, window_bounds = array<i64: 1000, 32>}, {transform_indices = @transform_3, window_bounds = array<i64: 1000, 1>}, {transform_indices = @transform_4, window_bounds = array<i64: 1000, 1>}, {pipeline_mode = #tpu.pipeline_mode<synchronous>, transform_indices = @transform_5, window_bounds = array<i64: 64, 64>}, {pipeline_mode = #tpu.pipeline_mode<synchronous>, transform_indices = @transform_6, window_bounds = array<i64: 1, 64>}, {pipeline_mode = #tpu.pipeline_mode<synchronous>, transform_indices = @transform_7, window_bounds = array<i64: 128, 64>}, {pipeline_mode = #tpu.pipeline_mode<synchronous>, transform_indices = @transform_8, window_bounds = array<i64: 1, 64>}, {pipeline_mode = #tpu.pipeline_mode<synchronous>, transform_indices = @transform_9, window_bounds = array<i64: 1, 64>}, {pipeline_mode = #tpu.pipeline_mode<synchronous>, transform_indices = @transform_10, window_bounds = array<i64: 1, 64>}, {transform_indices = @transform_11, window_bounds = array<i64: 1, 64, 32>}, {transform_indices = @transform_12, window_bounds = array<i64: 1, 64, 32>}, {transform_indices = @transform_13, window_bounds = array<i64: 1, 1, 32>}, {transform_indices = @transform_14, window_bounds = array<i64: 1000, 64>}, {transform_indices = @transform_15, window_bounds = array<i64: 1000, 32>}, {transform_indices = @transform_16, window_bounds = array<i64: 1000, 32>}]} {
    %get3A = arith.constant 0 : index
    %get3A_0 = arith.constant 0 : index
    %get3A_1 = vector.load %arg5[%get3A, %get3A_0] : memref<1000x1xf32, #tpu.memory_space<vmem>>, vector<1000x1xf32>
    %get3A_2 = arith.constant 0 : index
    %get3A_3 = arith.constant 0 : index
    %get3A_4 = vector.load %arg6[%get3A_2, %get3A_3] : memref<1000x1xf32, #tpu.memory_space<vmem>>, vector<1000x1xf32>
    %add3A = arith.addf %get3A_1, %get3A_4 : vector<1000x1xf32>
    %get3A_5 = arith.constant 0 : index
    %get3A_6 = arith.constant 0 : index
    %get3A_7 = vector.load %arg3[%get3A_5, %get3A_6] : memref<1000x32xf32, #tpu.memory_space<vmem>>, vector<1000x32xf32>
    %get3A_8 = arith.constant 0 : index
    %get3A_9 = arith.constant 0 : index
    %get3A_10 = vector.load %arg7[%get3A_8, %get3A_9] : memref<64x64xf32, #tpu.memory_space<vmem>>, vector<32x64xf32>
    %dot_general3A = arith.constant dense<0.000000e+00> : vector<1000x64xf32>
    %dot_general3A_11 = tpu.matmul %get3A_7, %get3A_10, %dot_general3A {dimension_numbers = #tpu.dot_dimension_numbers<[1], [0], [0], [1], [0, 0, 1, 1], [], []>, transpose_lhs_hint = false} : vector<1000x32xf32>, vector<32x64xf32>, vector<1000x64xf32> -> vector<1000x64xf32>
    %get3A_12 = arith.constant 0 : index
    %get3A_13 = arith.constant 0 : index
    %get3A_14 = vector.load %arg4[%get3A_12, %get3A_13] : memref<1000x32xf32, #tpu.memory_space<vmem>>, vector<1000x32xf32>
    %get3A_15 = arith.constant 32 : index
    %get3A_16 = arith.constant 0 : index
    %get3A_17 = vector.load %arg7[%get3A_15, %get3A_16] : memref<64x64xf32, #tpu.memory_space<vmem>>, vector<32x64xf32>
    %dot_general3A_18 = arith.constant dense<0.000000e+00> : vector<1000x64xf32>
    %dot_general3A_19 = tpu.matmul %get3A_14, %get3A_17, %dot_general3A_18 {dimension_numbers = #tpu.dot_dimension_numbers<[1], [0], [0], [1], [0, 0, 1, 1], [], []>, transpose_lhs_hint = false} : vector<1000x32xf32>, vector<32x64xf32>, vector<1000x64xf32> -> vector<1000x64xf32>
    %add3A_20 = arith.addf %dot_general3A_11, %dot_general3A_19 : vector<1000x64xf32>
    %get3A_21 = arith.constant 0 : index
    %get3A_22 = arith.constant 0 : index
    %get3A_23 = vector.load %arg8[%get3A_21, %get3A_22] : memref<1x64xf32, #tpu.memory_space<vmem>>, vector<1x64xf32>
    %mul3A = vector.broadcast %add3A : vector<1000x1xf32> to vector<1000x64xf32>
    %mul3A_24 = vector.broadcast %get3A_23 : vector<1x64xf32> to vector<1000x64xf32>
    %mul3A_25 = arith.mulf %mul3A, %mul3A_24 : vector<1000x64xf32>
    %add3A_26 = arith.addf %add3A_20, %mul3A_25 : vector<1000x64xf32>
    %get3A_27 = arith.constant 0 : index
    %get3A_28 = arith.constant 0 : index
    %get3A_29 = vector.load %arg2[%get3A_27, %get3A_28] : memref<1000x64xf32, #tpu.memory_space<vmem>>, vector<1000x64xf32>
    %get3A_30 = arith.constant 0 : index
    %get3A_31 = arith.constant 0 : index
    %get3A_32 = vector.load %arg9[%get3A_30, %get3A_31] : memref<128x64xf32, #tpu.memory_space<vmem>>, vector<64x64xf32>
    %dot_general3A_33 = arith.constant dense<0.000000e+00> : vector<1000x64xf32>
    %dot_general3A_34 = tpu.matmul %get3A_29, %get3A_32, %dot_general3A_33 {dimension_numbers = #tpu.dot_dimension_numbers<[1], [0], [0], [1], [0, 0, 1, 1], [], []>, transpose_lhs_hint = false} : vector<1000x64xf32>, vector<64x64xf32>, vector<1000x64xf32> -> vector<1000x64xf32>
    %get3A_35 = arith.constant 64 : index
    %get3A_36 = arith.constant 0 : index
    %get3A_37 = vector.load %arg9[%get3A_35, %get3A_36] : memref<128x64xf32, #tpu.memory_space<vmem>>, vector<64x64xf32>
    %dot_general3A_38 = arith.constant dense<0.000000e+00> : vector<1000x64xf32>
    %dot_general3A_39 = tpu.matmul %add3A_26, %get3A_37, %dot_general3A_38 {dimension_numbers = #tpu.dot_dimension_numbers<[1], [0], [0], [1], [0, 0, 1, 1], [], []>, transpose_lhs_hint = false} : vector<1000x64xf32>, vector<64x64xf32>, vector<1000x64xf32> -> vector<1000x64xf32>
    %add3A_40 = arith.addf %dot_general3A_34, %dot_general3A_39 : vector<1000x64xf32>
    %get3A_41 = arith.constant 0 : index
    %get3A_42 = arith.constant 0 : index
    %get3A_43 = vector.load %arg10[%get3A_41, %get3A_42] : memref<1x64xf32, #tpu.memory_space<vmem>>, vector<1x64xf32>
    %add3A_44 = vector.broadcast %get3A_43 : vector<1x64xf32> to vector<1000x64xf32>
    %add3A_45 = arith.addf %add3A_40, %add3A_44 : vector<1000x64xf32>
    %reduce_sum3A = arith.constant dense<0.000000e+00> : vector<1000xf32>
    %reduce_sum3A_46 = vector.multi_reduction <add>, %add3A_45, %reduce_sum3A [1] : vector<1000x64xf32> to vector<1000xf32>
    %broadcast_in_dim3A = vector.shape_cast %reduce_sum3A_46 : vector<1000xf32> to vector<1000x1xf32>
    %div3A = arith.constant 6.400000e+01 : f32
    %div3A_47 = vector.broadcast %div3A : f32 to vector<1000x1xf32>
    %div3A_48 = arith.divf %broadcast_in_dim3A, %div3A_47 : vector<1000x1xf32>
    %sub3A = vector.broadcast %div3A_48 : vector<1000x1xf32> to vector<1000x64xf32>
    %sub3A_49 = arith.subf %add3A_45, %sub3A : vector<1000x64xf32>
    %integer_pow3A = arith.mulf %sub3A_49, %sub3A_49 : vector<1000x64xf32>
    %reduce_sum3A_50 = arith.constant dense<0.000000e+00> : vector<1000xf32>
    %reduce_sum3A_51 = vector.multi_reduction <add>, %integer_pow3A, %reduce_sum3A_50 [1] : vector<1000x64xf32> to vector<1000xf32>
    %broadcast_in_dim3A_52 = vector.shape_cast %reduce_sum3A_51 : vector<1000xf32> to vector<1000x1xf32>
    %div3A_53 = arith.constant 6.400000e+01 : f32
    %div3A_54 = vector.broadcast %div3A_53 : f32 to vector<1000x1xf32>
    %div3A_55 = arith.divf %broadcast_in_dim3A_52, %div3A_54 : vector<1000x1xf32>
    %add3A_56 = arith.constant 9.99999974E-6 : f32
    %add3A_57 = vector.broadcast %add3A_56 : f32 to vector<1000x1xf32>
    %add3A_58 = arith.addf %div3A_55, %add3A_57 : vector<1000x1xf32>
    %rsqrt3A = math.rsqrt %add3A_58 : vector<1000x1xf32>
    %mul3A_59 = arith.constant 5.000000e-01 : f32
    %mul3A_60 = vector.broadcast %mul3A_59 : f32 to vector<1000x1xf32>
    %mul3A_61 = arith.mulf %mul3A_60, %add3A_58 : vector<1000x1xf32>
    %mul3A_62 = arith.mulf %mul3A_61, %rsqrt3A : vector<1000x1xf32>
    %mul3A_63 = arith.mulf %mul3A_62, %rsqrt3A : vector<1000x1xf32>
    %sub3A_64 = arith.constant 1.500000e+00 : f32
    %sub3A_65 = vector.broadcast %sub3A_64 : f32 to vector<1000x1xf32>
    %sub3A_66 = arith.subf %sub3A_65, %mul3A_63 : vector<1000x1xf32>
    %mul3A_67 = arith.mulf %rsqrt3A, %sub3A_66 : vector<1000x1xf32>
    %sub3A_68 = vector.broadcast %div3A_48 : vector<1000x1xf32> to vector<1000x64xf32>
    %sub3A_69 = arith.subf %add3A_45, %sub3A_68 : vector<1000x64xf32>
    %mul3A_70 = vector.broadcast %mul3A_67 : vector<1000x1xf32> to vector<1000x64xf32>
    %mul3A_71 = arith.mulf %sub3A_69, %mul3A_70 : vector<1000x64xf32>
    %get3A_72 = arith.constant 0 : index
    %get3A_73 = arith.constant 0 : index
    %get3A_74 = vector.load %arg11[%get3A_72, %get3A_73] : memref<1x64xf32, #tpu.memory_space<vmem>>, vector<1x64xf32>
    %mul3A_75 = vector.broadcast %get3A_74 : vector<1x64xf32> to vector<1000x64xf32>
    %mul3A_76 = arith.mulf %mul3A_71, %mul3A_75 : vector<1000x64xf32>
    %get3A_77 = arith.constant 0 : index
    %get3A_78 = arith.constant 0 : index
    %get3A_79 = vector.load %arg12[%get3A_77, %get3A_78] : memref<1x64xf32, #tpu.memory_space<vmem>>, vector<1x64xf32>
    %add3A_80 = vector.broadcast %get3A_79 : vector<1x64xf32> to vector<1000x64xf32>
    %add3A_81 = arith.addf %mul3A_76, %add3A_80 : vector<1000x64xf32>
    %add3A_82 = arith.addf %get3A_29, %add3A_81 : vector<1000x64xf32>
    %max3A = arith.constant 0.000000e+00 : f32
    %max3A_83 = vector.broadcast %max3A : f32 to vector<1000x64xf32>
    %max3A_84 = arith.maximumf %add3A_82, %max3A_83 : vector<1000x64xf32>
    %swap3A = arith.constant 0 : index
    %swap3A_85 = arith.constant 0 : index
    %swap3A_86 = vector.load %arg16[%swap3A, %swap3A_85] : memref<1000x64xf32, #tpu.memory_space<vmem>>, vector<1000x64xf32>
    tpu.vector_store %arg16[%swap3A, %swap3A_85], %max3A_84 {strides = array<i32>} : memref<1000x64xf32, #tpu.memory_space<vmem>>, vector<1000x64xf32>,
    %get3A_87 = arith.constant 0 : index
    %get3A_88 = arith.constant 0 : index
    %get3A_89 = arith.constant 0 : index
    %get3A_90 = vector.load %arg13[%get3A_87, %get3A_88, %get3A_89] : memref<1x64x32xf32, #tpu.memory_space<vmem>>, vector<1x64x32xf32>
    %get3A_91 = vector.shape_cast %get3A_90 : vector<1x64x32xf32> to vector<64x32xf32>
    %dot_general3A_92 = arith.constant dense<0.000000e+00> : vector<1000x32xf32>
    %dot_general3A_93 = tpu.matmul %max3A_84, %get3A_91, %dot_general3A_92 {dimension_numbers = #tpu.dot_dimension_numbers<[1], [0], [0], [1], [0, 0, 1, 1], [], []>, transpose_lhs_hint = false} : vector<1000x64xf32>, vector<64x32xf32>, vector<1000x32xf32> -> vector<1000x32xf32>
    %get3A_94 = arith.constant 0 : index
    %get3A_95 = arith.constant 0 : index
    %get3A_96 = arith.constant 0 : index
    %get3A_97 = vector.load %arg15[%get3A_94, %get3A_95, %get3A_96] : memref<1x1x32xf32, #tpu.memory_space<vmem>>, vector<1x1x32xf32>
    %get3A_98 = vector.shape_cast %get3A_97 : vector<1x1x32xf32> to vector<1x32xf32>
    %add3A_99 = vector.broadcast %get3A_98 : vector<1x32xf32> to vector<1000x32xf32>
    %add3A_100 = arith.addf %dot_general3A_93, %add3A_99 : vector<1000x32xf32>
    %swap3A_101 = arith.constant 0 : index
    %swap3A_102 = arith.constant 0 : index
    %swap3A_103 = vector.load %arg17[%swap3A_101, %swap3A_102] : memref<1000x32xf32, #tpu.memory_space<vmem>>, vector<1000x32xf32>
    tpu.vector_store %arg17[%swap3A_101, %swap3A_102], %add3A_100 {strides = array<i32>} : memref<1000x32xf32, #tpu.memory_space<vmem>>, vector<1000x32xf32>,
    %get3A_104 = arith.constant 0 : index
    %get3A_105 = arith.constant 0 : index
    %get3A_106 = arith.constant 0 : index
    %get3A_107 = vector.load %arg14[%get3A_104, %get3A_105, %get3A_106] : memref<1x64x32xf32, #tpu.memory_space<vmem>>, vector<1x64x32xf32>
    %get3A_108 = vector.shape_cast %get3A_107 : vector<1x64x32xf32> to vector<64x32xf32>
    %dot_general3A_109 = arith.constant dense<0.000000e+00> : vector<1000x32xf32>
    %dot_general3A_110 = tpu.matmul %max3A_84, %get3A_108, %dot_general3A_109 {dimension_numbers = #tpu.dot_dimension_numbers<[1], [0], [0], [1], [0, 0, 1, 1], [], []>, transpose_lhs_hint = false} : vector<1000x64xf32>, vector<64x32xf32>, vector<1000x32xf32> -> vector<1000x32xf32>
    %swap3A_111 = arith.constant 0 : index
    %swap3A_112 = arith.constant 0 : index
    %swap3A_113 = vector.load %arg18[%swap3A_111, %swap3A_112] : memref<1000x32xf32, #tpu.memory_space<vmem>>, vector<1000x32xf32>
    tpu.vector_store %arg18[%swap3A_111, %swap3A_112], %dot_general3A_110 {strides = array<i32>} : memref<1000x32xf32, #tpu.memory_space<vmem>>, vector<1000x32xf32>,
    return
  }
  func.func @transform_0(%arg0: i32, %arg1: i32) -> (i32, i32) {
    %c0_i32 = arith.constant 0 : i32
    %c0_i32_0 = arith.constant 0 : i32
    return %arg1, %c0_i32 : i32, i32
  }
  func.func @transform_1(%arg0: i32, %arg1: i32) -> (i32, i32) {
    %c0_i32 = arith.constant 0 : i32
    %c0_i32_0 = arith.constant 0 : i32
    return %arg1, %c0_i32 : i32, i32
  }
  func.func @transform_2(%arg0: i32, %arg1: i32) -> (i32, i32) {
    %add3A = arith.constant 50 : i32
    %add3A_0 = arith.addi %add3A, %arg1 : i32
    %c0_i32 = arith.constant 0 : i32
    %c0_i32_1 = arith.constant 0 : i32
    return %add3A_0, %c0_i32 : i32, i32
  }
  func.func @transform_3(%arg0: i32, %arg1: i32) -> (i32, i32) {
    %c0_i32 = arith.constant 0 : i32
    %c0_i32_0 = arith.constant 0 : i32
    return %arg1, %c0_i32 : i32, i32
  }
  func.func @transform_4(%arg0: i32, %arg1: i32) -> (i32, i32) {
    %add3A = arith.constant 50 : i32
    %add3A_0 = arith.addi %add3A, %arg1 : i32
    %c0_i32 = arith.constant 0 : i32
    %c0_i32_1 = arith.constant 0 : i32
    return %add3A_0, %c0_i32 : i32, i32
  }
  func.func @transform_5(%arg0: i32, %arg1: i32) -> (i32, i32) {
    %c0_i32 = arith.constant 0 : i32
    %c0_i32_0 = arith.constant 0 : i32
    %c0_i32_1 = arith.constant 0 : i32
    return %c0_i32, %c0_i32_0 : i32, i32
  }
  func.func @transform_6(%arg0: i32, %arg1: i32) -> (i32, i32) {
    %c0_i32 = arith.constant 0 : i32
    %c0_i32_0 = arith.constant 0 : i32
    %c0_i32_1 = arith.constant 0 : i32
    return %c0_i32, %c0_i32_0 : i32, i32
  }
  func.func @transform_7(%arg0: i32, %arg1: i32) -> (i32, i32) {
    %c0_i32 = arith.constant 0 : i32
    %c0_i32_0 = arith.constant 0 : i32
    %c0_i32_1 = arith.constant 0 : i32
    return %c0_i32, %c0_i32_0 : i32, i32
  }
  func.func @transform_8(%arg0: i32, %arg1: i32) -> (i32, i32) {
    %c0_i32 = arith.constant 0 : i32
    %c0_i32_0 = arith.constant 0 : i32
    %c0_i32_1 = arith.constant 0 : i32
    return %c0_i32, %c0_i32_0 : i32, i32
  }
  func.func @transform_9(%arg0: i32, %arg1: i32) -> (i32, i32) {
    %c0_i32 = arith.constant 0 : i32
    %c0_i32_0 = arith.constant 0 : i32
    %c0_i32_1 = arith.constant 0 : i32
    return %c0_i32, %c0_i32_0 : i32, i32
  }
  func.func @transform_10(%arg0: i32, %arg1: i32) -> (i32, i32) {
    %c0_i32 = arith.constant 0 : i32
    %c0_i32_0 = arith.constant 0 : i32
    %c0_i32_1 = arith.constant 0 : i32
    return %c0_i32, %c0_i32_0 : i32, i32
  }
  func.func @transform_11(%arg0: i32, %arg1: i32) -> (i32, i32, i32) {
    %c0_i32 = arith.constant 0 : i32
    %c0_i32_0 = arith.constant 0 : i32
    %c0_i32_1 = arith.constant 0 : i32
    return %arg0, %c0_i32, %c0_i32_0 : i32, i32, i32
  }
  func.func @transform_12(%arg0: i32, %arg1: i32) -> (i32, i32, i32) {
    %c0_i32 = arith.constant 0 : i32
    %c0_i32_0 = arith.constant 0 : i32
    %c0_i32_1 = arith.constant 0 : i32
    return %arg0, %c0_i32, %c0_i32_0 : i32, i32, i32
  }
  func.func @transform_13(%arg0: i32, %arg1: i32) -> (i32, i32, i32) {
    %c0_i32 = arith.constant 0 : i32
    %c0_i32_0 = arith.constant 0 : i32
    %c0_i32_1 = arith.constant 0 : i32
    return %arg0, %c0_i32, %c0_i32_0 : i32, i32, i32
  }
  func.func @transform_14(%arg0: i32, %arg1: i32) -> (i32, i32) {
    %c0_i32 = arith.constant 0 : i32
    %c0_i32_0 = arith.constant 0 : i32
    return %arg1, %c0_i32 : i32, i32
  }
  func.func @transform_15(%arg0: i32, %arg1: i32) -> (i32, i32) {
    %mul3A = arith.constant 50 : i32
    %mul3A_0 = arith.muli %arg0, %mul3A : i32
    %add3A = arith.addi %mul3A_0, %arg1 : i32
    %c0_i32 = arith.constant 0 : i32
    %c0_i32_1 = arith.constant 0 : i32
    return %add3A, %c0_i32 : i32, i32
  }
  func.func @transform_16(%arg0: i32, %arg1: i32) -> (i32, i32) {
    %mul3A = arith.constant 50 : i32
    %mul3A_0 = arith.muli %arg0, %mul3A : i32
    %add3A = arith.addi %mul3A_0, %arg1 : i32
    %c0_i32 = arith.constant 0 : i32
    %c0_i32_1 = arith.constant 0 : i32
    return %add3A, %c0_i32 : i32, i32
  }
}

module attributes {stable_mosaic.version = 14 : i64} {
  func.func @_tc_update_body(%arg0: i32, %arg1: i32, %arg2: memref<1000x64xf32, #tpu.memory_space<vmem>>, %arg3: memref<1000x32xf32, #tpu.memory_space<vmem>>, %arg4: memref<1000x32xf32, #tpu.memory_space<vmem>>, %arg5: memref<1000x1xf32, #tpu.memory_space<vmem>>, %arg6: memref<1000x1xf32, #tpu.memory_space<vmem>>, %arg7: memref<64x64xf32, #tpu.memory_space<vmem>>, %arg8: memref<1x64xf32, #tpu.memory_space<vmem>>, %arg9: memref<128x64xf32, #tpu.memory_space<vmem>>, %arg10: memref<1x64xf32, #tpu.memory_space<vmem>>, %arg11: memref<1x64xf32, #tpu.memory_space<vmem>>, %arg12: memref<1x64xf32, #tpu.memory_space<vmem>>, %arg13: memref<1x64x32xf32, #tpu.memory_space<vmem>>, %arg14: memref<1x64x32xf32, #tpu.memory_space<vmem>>, %arg15: memref<1x1x32xf32, #tpu.memory_space<vmem>>, %arg16: memref<1000x64xf32, #tpu.memory_space<vmem>>) attributes {dimension_semantics = [#tpu.dimension_semantics<arbitrary>, #tpu.dimension_semantics<arbitrary>], iteration_bounds = array<i64: 1, 50>, scalar_prefetch = 0 : i64, scratch_operands = 0 : i64, tpu.core_type = #tpu.core_type<tc>, window_params = [{transform_indices = @transform_0, window_bounds = array<i64: 1000, 64>}, {transform_indices = @transform_1, window_bounds = array<i64: 1000, 32>}, {transform_indices = @transform_2, window_bounds = array<i64: 1000, 32>}, {transform_indices = @transform_3, window_bounds = array<i64: 1000, 1>}, {transform_indices = @transform_4, window_bounds = array<i64: 1000, 1>}, {pipeline_mode = #tpu.pipeline_mode<synchronous>, transform_indices = @transform_5, window_bounds = array<i64: 64, 64>}, {pipeline_mode = #tpu.pipeline_mode<synchronous>, transform_indices = @transform_6, window_bounds = array<i64: 1, 64>}, {pipeline_mode = #tpu.pipeline_mode<synchronous>, transform_indices = @transform_7, window_bounds = array<i64: 128, 64>}, {pipeline_mode = #tpu.pipeline_mode<synchronous>, transform_indices = @transform_8, window_bounds = array<i64: 1, 64>}, {pipeline_mode = #tpu.pipeline_mode<synchronous>, transform_indices = @transform_9, window_bounds = array<i64: 1, 64>}, {pipeline_mode = #tpu.pipeline_mode<synchronous>, transform_indices = @transform_10, window_bounds = array<i64: 1, 64>}, {transform_indices = @transform_11, window_bounds = array<i64: 1, 64, 32>}, {transform_indices = @transform_12, window_bounds = array<i64: 1, 64, 32>}, {transform_indices = @transform_13, window_bounds = array<i64: 1, 1, 32>}, {transform_indices = @transform_14, window_bounds = array<i64: 1000, 64>}]} {
    %get3A = arith.constant 0 : index
    %get3A_0 = arith.constant 0 : index
    %get3A_1 = vector.load %arg5[%get3A, %get3A_0] : memref<1000x1xf32, #tpu.memory_space<vmem>>, vector<1000x1xf32>
    %get3A_2 = arith.constant 0 : index
    %get3A_3 = arith.constant 0 : index
    %get3A_4 = vector.load %arg6[%get3A_2, %get3A_3] : memref<1000x1xf32, #tpu.memory_space<vmem>>, vector<1000x1xf32>
    %add3A = arith.addf %get3A_1, %get3A_4 : vector<1000x1xf32>
    %get3A_5 = arith.constant 0 : index
    %get3A_6 = arith.constant 0 : index
    %get3A_7 = vector.load %arg3[%get3A_5, %get3A_6] : memref<1000x32xf32, #tpu.memory_space<vmem>>, vector<1000x32xf32>
    %get3A_8 = arith.constant 0 : index
    %get3A_9 = arith.constant 0 : index
    %get3A_10 = vector.load %arg7[%get3A_8, %get3A_9] : memref<64x64xf32, #tpu.memory_space<vmem>>, vector<32x64xf32>
    %dot_general3A = arith.constant dense<0.000000e+00> : vector<1000x64xf32>
    %dot_general3A_11 = tpu.matmul %get3A_7, %get3A_10, %dot_general3A {dimension_numbers = #tpu.dot_dimension_numbers<[1], [0], [0], [1], [0, 0, 1, 1], [], []>, transpose_lhs_hint = false} : vector<1000x32xf32>, vector<32x64xf32>, vector<1000x64xf32> -> vector<1000x64xf32>
    %get3A_12 = arith.constant 0 : index
    %get3A_13 = arith.constant 0 : index
    %get3A_14 = vector.load %arg4[%get3A_12, %get3A_13] : memref<1000x32xf32, #tpu.memory_space<vmem>>, vector<1000x32xf32>
    %get3A_15 = arith.constant 32 : index
    %get3A_16 = arith.constant 0 : index
    %get3A_17 = vector.load %arg7[%get3A_15, %get3A_16] : memref<64x64xf32, #tpu.memory_space<vmem>>, vector<32x64xf32>
    %dot_general3A_18 = arith.constant dense<0.000000e+00> : vector<1000x64xf32>
    %dot_general3A_19 = tpu.matmul %get3A_14, %get3A_17, %dot_general3A_18 {dimension_numbers = #tpu.dot_dimension_numbers<[1], [0], [0], [1], [0, 0, 1, 1], [], []>, transpose_lhs_hint = false} : vector<1000x32xf32>, vector<32x64xf32>, vector<1000x64xf32> -> vector<1000x64xf32>
    %add3A_20 = arith.addf %dot_general3A_11, %dot_general3A_19 : vector<1000x64xf32>
    %get3A_21 = arith.constant 0 : index
    %get3A_22 = arith.constant 0 : index
    %get3A_23 = vector.load %arg8[%get3A_21, %get3A_22] : memref<1x64xf32, #tpu.memory_space<vmem>>, vector<1x64xf32>
    %mul3A = vector.broadcast %add3A : vector<1000x1xf32> to vector<1000x64xf32>
    %mul3A_24 = vector.broadcast %get3A_23 : vector<1x64xf32> to vector<1000x64xf32>
    %mul3A_25 = arith.mulf %mul3A, %mul3A_24 : vector<1000x64xf32>
    %add3A_26 = arith.addf %add3A_20, %mul3A_25 : vector<1000x64xf32>
    %get3A_27 = arith.constant 0 : index
    %get3A_28 = arith.constant 0 : index
    %get3A_29 = vector.load %arg2[%get3A_27, %get3A_28] : memref<1000x64xf32, #tpu.memory_space<vmem>>, vector<1000x64xf32>
    %get3A_30 = arith.constant 0 : index
    %get3A_31 = arith.constant 0 : index
    %get3A_32 = vector.load %arg9[%get3A_30, %get3A_31] : memref<128x64xf32, #tpu.memory_space<vmem>>, vector<64x64xf32>
    %dot_general3A_33 = arith.constant dense<0.000000e+00> : vector<1000x64xf32>
    %dot_general3A_34 = tpu.matmul %get3A_29, %get3A_32, %dot_general3A_33 {dimension_numbers = #tpu.dot_dimension_numbers<[1], [0], [0], [1], [0, 0, 1, 1], [], []>, transpose_lhs_hint = false} : vector<1000x64xf32>, vector<64x64xf32>, vector<1000x64xf32> -> vector<1000x64xf32>
    %get3A_35 = arith.constant 64 : index
    %get3A_36 = arith.constant 0 : index
    %get3A_37 = vector.load %arg9[%get3A_35, %get3A_36] : memref<128x64xf32, #tpu.memory_space<vmem>>, vector<64x64xf32>
    %dot_general3A_38 = arith.constant dense<0.000000e+00> : vector<1000x64xf32>
    %dot_general3A_39 = tpu.matmul %add3A_26, %get3A_37, %dot_general3A_38 {dimension_numbers = #tpu.dot_dimension_numbers<[1], [0], [0], [1], [0, 0, 1, 1], [], []>, transpose_lhs_hint = false} : vector<1000x64xf32>, vector<64x64xf32>, vector<1000x64xf32> -> vector<1000x64xf32>
    %add3A_40 = arith.addf %dot_general3A_34, %dot_general3A_39 : vector<1000x64xf32>
    %get3A_41 = arith.constant 0 : index
    %get3A_42 = arith.constant 0 : index
    %get3A_43 = vector.load %arg10[%get3A_41, %get3A_42] : memref<1x64xf32, #tpu.memory_space<vmem>>, vector<1x64xf32>
    %add3A_44 = vector.broadcast %get3A_43 : vector<1x64xf32> to vector<1000x64xf32>
    %add3A_45 = arith.addf %add3A_40, %add3A_44 : vector<1000x64xf32>
    %reduce_sum3A = arith.constant dense<0.000000e+00> : vector<1000xf32>
    %reduce_sum3A_46 = vector.multi_reduction <add>, %add3A_45, %reduce_sum3A [1] : vector<1000x64xf32> to vector<1000xf32>
    %broadcast_in_dim3A = vector.shape_cast %reduce_sum3A_46 : vector<1000xf32> to vector<1000x1xf32>
    %div3A = arith.constant 6.400000e+01 : f32
    %div3A_47 = vector.broadcast %div3A : f32 to vector<1000x1xf32>
    %div3A_48 = arith.divf %broadcast_in_dim3A, %div3A_47 : vector<1000x1xf32>
    %sub3A = vector.broadcast %div3A_48 : vector<1000x1xf32> to vector<1000x64xf32>
    %sub3A_49 = arith.subf %add3A_45, %sub3A : vector<1000x64xf32>
    %integer_pow3A = arith.mulf %sub3A_49, %sub3A_49 : vector<1000x64xf32>
    %reduce_sum3A_50 = arith.constant dense<0.000000e+00> : vector<1000xf32>
    %reduce_sum3A_51 = vector.multi_reduction <add>, %integer_pow3A, %reduce_sum3A_50 [1] : vector<1000x64xf32> to vector<1000xf32>
    %broadcast_in_dim3A_52 = vector.shape_cast %reduce_sum3A_51 : vector<1000xf32> to vector<1000x1xf32>
    %div3A_53 = arith.constant 6.400000e+01 : f32
    %div3A_54 = vector.broadcast %div3A_53 : f32 to vector<1000x1xf32>
    %div3A_55 = arith.divf %broadcast_in_dim3A_52, %div3A_54 : vector<1000x1xf32>
    %add3A_56 = arith.constant 9.99999974E-6 : f32
    %add3A_57 = vector.broadcast %add3A_56 : f32 to vector<1000x1xf32>
    %add3A_58 = arith.addf %div3A_55, %add3A_57 : vector<1000x1xf32>
    %rsqrt3A = math.rsqrt %add3A_58 : vector<1000x1xf32>
    %mul3A_59 = arith.constant 5.000000e-01 : f32
    %mul3A_60 = vector.broadcast %mul3A_59 : f32 to vector<1000x1xf32>
    %mul3A_61 = arith.mulf %mul3A_60, %add3A_58 : vector<1000x1xf32>
    %mul3A_62 = arith.mulf %mul3A_61, %rsqrt3A : vector<1000x1xf32>
    %mul3A_63 = arith.mulf %mul3A_62, %rsqrt3A : vector<1000x1xf32>
    %sub3A_64 = arith.constant 1.500000e+00 : f32
    %sub3A_65 = vector.broadcast %sub3A_64 : f32 to vector<1000x1xf32>
    %sub3A_66 = arith.subf %sub3A_65, %mul3A_63 : vector<1000x1xf32>
    %mul3A_67 = arith.mulf %rsqrt3A, %sub3A_66 : vector<1000x1xf32>
    %sub3A_68 = vector.broadcast %div3A_48 : vector<1000x1xf32> to vector<1000x64xf32>
    %sub3A_69 = arith.subf %add3A_45, %sub3A_68 : vector<1000x64xf32>
    %mul3A_70 = vector.broadcast %mul3A_67 : vector<1000x1xf32> to vector<1000x64xf32>
    %mul3A_71 = arith.mulf %sub3A_69, %mul3A_70 : vector<1000x64xf32>
    %get3A_72 = arith.constant 0 : index
    %get3A_73 = arith.constant 0 : index
    %get3A_74 = vector.load %arg11[%get3A_72, %get3A_73] : memref<1x64xf32, #tpu.memory_space<vmem>>, vector<1x64xf32>
    %mul3A_75 = vector.broadcast %get3A_74 : vector<1x64xf32> to vector<1000x64xf32>
    %mul3A_76 = arith.mulf %mul3A_71, %mul3A_75 : vector<1000x64xf32>
    %get3A_77 = arith.constant 0 : index
    %get3A_78 = arith.constant 0 : index
    %get3A_79 = vector.load %arg12[%get3A_77, %get3A_78] : memref<1x64xf32, #tpu.memory_space<vmem>>, vector<1x64xf32>
    %add3A_80 = vector.broadcast %get3A_79 : vector<1x64xf32> to vector<1000x64xf32>
    %add3A_81 = arith.addf %mul3A_76, %add3A_80 : vector<1000x64xf32>
    %add3A_82 = arith.addf %get3A_29, %add3A_81 : vector<1000x64xf32>
    %max3A = arith.constant 0.000000e+00 : f32
    %max3A_83 = vector.broadcast %max3A : f32 to vector<1000x64xf32>
    %max3A_84 = arith.maximumf %add3A_82, %max3A_83 : vector<1000x64xf32>
    %swap3A = arith.constant 0 : index
    %swap3A_85 = arith.constant 0 : index
    %swap3A_86 = vector.load %arg16[%swap3A, %swap3A_85] : memref<1000x64xf32, #tpu.memory_space<vmem>>, vector<1000x64xf32>
    tpu.vector_store %arg16[%swap3A, %swap3A_85], %max3A_84 {strides = array<i32>} : memref<1000x64xf32, #tpu.memory_space<vmem>>, vector<1000x64xf32>,
    return
  }
  func.func @transform_0(%arg0: i32, %arg1: i32) -> (i32, i32) {
    %c0_i32 = arith.constant 0 : i32
    %c0_i32_0 = arith.constant 0 : i32
    return %arg1, %c0_i32 : i32, i32
  }
  func.func @transform_1(%arg0: i32, %arg1: i32) -> (i32, i32) {
    %c0_i32 = arith.constant 0 : i32
    %c0_i32_0 = arith.constant 0 : i32
    return %arg1, %c0_i32 : i32, i32
  }
  func.func @transform_2(%arg0: i32, %arg1: i32) -> (i32, i32) {
    %add3A = arith.constant 50 : i32
    %add3A_0 = arith.addi %add3A, %arg1 : i32
    %c0_i32 = arith.constant 0 : i32
    %c0_i32_1 = arith.constant 0 : i32
    return %add3A_0, %c0_i32 : i32, i32
  }
  func.func @transform_3(%arg0: i32, %arg1: i32) -> (i32, i32) {
    %c0_i32 = arith.constant 0 : i32
    %c0_i32_0 = arith.constant 0 : i32
    return %arg1, %c0_i32 : i32, i32
  }
  func.func @transform_4(%arg0: i32, %arg1: i32) -> (i32, i32) {
    %add3A = arith.constant 50 : i32
    %add3A_0 = arith.addi %add3A, %arg1 : i32
    %c0_i32 = arith.constant 0 : i32
    %c0_i32_1 = arith.constant 0 : i32
    return %add3A_0, %c0_i32 : i32, i32
  }
  func.func @transform_5(%arg0: i32, %arg1: i32) -> (i32, i32) {
    %c0_i32 = arith.constant 0 : i32
    %c0_i32_0 = arith.constant 0 : i32
    %c0_i32_1 = arith.constant 0 : i32
    return %c0_i32, %c0_i32_0 : i32, i32
  }
  func.func @transform_6(%arg0: i32, %arg1: i32) -> (i32, i32) {
    %c0_i32 = arith.constant 0 : i32
    %c0_i32_0 = arith.constant 0 : i32
    %c0_i32_1 = arith.constant 0 : i32
    return %c0_i32, %c0_i32_0 : i32, i32
  }
  func.func @transform_7(%arg0: i32, %arg1: i32) -> (i32, i32) {
    %c0_i32 = arith.constant 0 : i32
    %c0_i32_0 = arith.constant 0 : i32
    %c0_i32_1 = arith.constant 0 : i32
    return %c0_i32, %c0_i32_0 : i32, i32
  }
  func.func @transform_8(%arg0: i32, %arg1: i32) -> (i32, i32) {
    %c0_i32 = arith.constant 0 : i32
    %c0_i32_0 = arith.constant 0 : i32
    %c0_i32_1 = arith.constant 0 : i32
    return %c0_i32, %c0_i32_0 : i32, i32
  }
  func.func @transform_9(%arg0: i32, %arg1: i32) -> (i32, i32) {
    %c0_i32 = arith.constant 0 : i32
    %c0_i32_0 = arith.constant 0 : i32
    %c0_i32_1 = arith.constant 0 : i32
    return %c0_i32, %c0_i32_0 : i32, i32
  }
  func.func @transform_10(%arg0: i32, %arg1: i32) -> (i32, i32) {
    %c0_i32 = arith.constant 0 : i32
    %c0_i32_0 = arith.constant 0 : i32
    %c0_i32_1 = arith.constant 0 : i32
    return %c0_i32, %c0_i32_0 : i32, i32
  }
  func.func @transform_11(%arg0: i32, %arg1: i32) -> (i32, i32, i32) {
    %c0_i32 = arith.constant 0 : i32
    %c0_i32_0 = arith.constant 0 : i32
    %c0_i32_1 = arith.constant 0 : i32
    return %arg0, %c0_i32, %c0_i32_0 : i32, i32, i32
  }
  func.func @transform_12(%arg0: i32, %arg1: i32) -> (i32, i32, i32) {
    %c0_i32 = arith.constant 0 : i32
    %c0_i32_0 = arith.constant 0 : i32
    %c0_i32_1 = arith.constant 0 : i32
    return %arg0, %c0_i32, %c0_i32_0 : i32, i32, i32
  }
  func.func @transform_13(%arg0: i32, %arg1: i32) -> (i32, i32, i32) {
    %c0_i32 = arith.constant 0 : i32
    %c0_i32_0 = arith.constant 0 : i32
    %c0_i32_1 = arith.constant 0 : i32
    return %arg0, %c0_i32, %c0_i32_0 : i32, i32, i32
  }
  func.func @transform_14(%arg0: i32, %arg1: i32) -> (i32, i32) {
    %c0_i32 = arith.constant 0 : i32
    %c0_i32_0 = arith.constant 0 : i32
    return %arg1, %c0_i32 : i32, i32
  }
}

module attributes {stable_mosaic.version = 14 : i64} {
  func.func @_tc_pool_head_body(%arg0: i32, %arg1: memref<1000x1xi32, #tpu.memory_space<vmem>>, %arg2: memref<1000x64xf32, #tpu.memory_space<vmem>>, %arg3: memref<64x64xf32, #tpu.memory_space<vmem>>, %arg4: memref<1x64xf32, #tpu.memory_space<vmem>>, %arg5: memref<64x32xf32, #tpu.memory_space<vmem>>, %arg6: memref<1x32xf32, #tpu.memory_space<vmem>>, %arg7: memref<32x1xf32, #tpu.memory_space<vmem>>, %arg8: memref<1x1xf32, #tpu.memory_space<vmem>>, %arg9: memref<64x1xf32, #tpu.memory_space<vmem>>, %arg10: memref<64x64xf32, #tpu.memory_space<vmem>>, %arg11: memref<64x1xf32, #tpu.memory_space<vmem>>) attributes {dimension_semantics = [#tpu.dimension_semantics<arbitrary>], iteration_bounds = array<i64: 50>, scalar_prefetch = 0 : i64, scratch_operands = 2 : i64, tpu.core_type = #tpu.core_type<tc>, window_params = [{transform_indices = @transform_0, window_bounds = array<i64: 1000, 1>}, {transform_indices = @transform_1, window_bounds = array<i64: 1000, 64>}, {pipeline_mode = #tpu.pipeline_mode<synchronous>, transform_indices = @transform_2, window_bounds = array<i64: 64, 64>}, {pipeline_mode = #tpu.pipeline_mode<synchronous>, transform_indices = @transform_3, window_bounds = array<i64: 1, 64>}, {pipeline_mode = #tpu.pipeline_mode<synchronous>, transform_indices = @transform_4, window_bounds = array<i64: 64, 32>}, {pipeline_mode = #tpu.pipeline_mode<synchronous>, transform_indices = @transform_5, window_bounds = array<i64: 1, 32>}, {pipeline_mode = #tpu.pipeline_mode<synchronous>, transform_indices = @transform_6, window_bounds = array<i64: 32, 1>}, {pipeline_mode = #tpu.pipeline_mode<synchronous>, transform_indices = @transform_7, window_bounds = array<i64: 1, 1>}, {pipeline_mode = #tpu.pipeline_mode<synchronous>, transform_indices = @transform_8, window_bounds = array<i64: 64, 1>}]} {
    %get3A = arith.constant 0 : index
    %get3A_0 = arith.constant 0 : index
    %get3A_1 = vector.load %arg1[%get3A, %get3A_0] : memref<1000x1xi32, #tpu.memory_space<vmem>>, vector<1000x1xi32>
    %iota3A = tpu.iota {dimensions = array<i32: 1>} : vector<1000x64xi32>
    %eq3A = vector.broadcast %get3A_1 : vector<1000x1xi32> to vector<1000x64xi32>
    %eq3A_2 = arith.cmpi eq, %eq3A, %iota3A : vector<1000x64xi32>
    %convert_element_type3A = arith.extui %eq3A_2 : vector<1000x64xi1> to vector<1000x64xi32>
    %convert_element_type3A_3 = arith.sitofp %convert_element_type3A : vector<1000x64xi32> to vector<1000x64xf32>
    %get3A_4 = arith.constant 0 : index
    %get3A_5 = arith.constant 0 : index
    %get3A_6 = vector.load %arg2[%get3A_4, %get3A_5] : memref<1000x64xf32, #tpu.memory_space<vmem>>, vector<1000x64xf32>
    %dot_general3A = arith.constant dense<0.000000e+00> : vector<64x64xf32>
    %dot_general3A_7 = tpu.matmul %convert_element_type3A_3, %get3A_6, %dot_general3A {dimension_numbers = #tpu.dot_dimension_numbers<[0], [0], [1], [1], [0, 1, 1, 1], [], []>, precision = #tpu.contract_precision<fp32>, transpose_lhs_hint = false} : vector<1000x64xf32>, vector<1000x64xf32>, vector<64x64xf32> -> vector<64x64xf32>
    %broadcast_in_dim3A = arith.constant 1.000000e+00 : f32
    %broadcast_in_dim3A_8 = vector.broadcast %broadcast_in_dim3A : f32 to vector<1000x1xf32>
    %dot_general3A_9 = arith.constant dense<0.000000e+00> : vector<64x1xf32>
    %dot_general3A_10 = tpu.matmul %convert_element_type3A_3, %broadcast_in_dim3A_8, %dot_general3A_9 {dimension_numbers = #tpu.dot_dimension_numbers<[0], [0], [1], [1], [0, 1, 1, 1], [], []>, precision = #tpu.contract_precision<fp32>, transpose_lhs_hint = false} : vector<1000x64xf32>, vector<1000x1xf32>, vector<64x1xf32> -> vector<64x1xf32>
    %eq3A_11 = arith.constant 0 : i32
    %eq3A_12 = arith.cmpi eq, %arg0, %eq3A_11 : i32
    %convert_element_type3A_13 = arith.extui %eq3A_12 : i1 to i32
    %cond3A = arith.constant 0 : i32
    %cond3A_14 = arith.cmpi ne, %convert_element_type3A_13, %cond3A : i32
    scf.if %cond3A_14 {
      %swap3A = arith.constant 0 : index
      %swap3A_24 = arith.constant 0 : index
      %swap3A_25 = vector.load %arg10[%swap3A, %swap3A_24] : memref<64x64xf32, #tpu.memory_space<vmem>>, vector<64x64xf32>
      tpu.vector_store %arg10[%swap3A, %swap3A_24], %dot_general3A_7 {strides = array<i32>} : memref<64x64xf32, #tpu.memory_space<vmem>>, vector<64x64xf32>,
      %swap3A_26 = arith.constant 0 : index
      %swap3A_27 = arith.constant 0 : index
      %swap3A_28 = vector.load %arg11[%swap3A_26, %swap3A_27] : memref<64x1xf32, #tpu.memory_space<vmem>>, vector<64x1xf32>
      tpu.vector_store %arg11[%swap3A_26, %swap3A_27], %dot_general3A_10 {strides = array<i32>} : memref<64x1xf32, #tpu.memory_space<vmem>>, vector<64x1xf32>,
    } else {
    }
    %gt3A = arith.constant 0 : i32
    %gt3A_15 = arith.cmpi sgt, %arg0, %gt3A : i32
    %convert_element_type3A_16 = arith.extui %gt3A_15 : i1 to i32
    %cond3A_17 = arith.constant 0 : i32
    %cond3A_18 = arith.cmpi ne, %convert_element_type3A_16, %cond3A_17 : i32
    scf.if %cond3A_18 {
      %get3A_24 = arith.constant 0 : index
      %get3A_25 = arith.constant 0 : index
      %get3A_26 = vector.load %arg10[%get3A_24, %get3A_25] : memref<64x64xf32, #tpu.memory_space<vmem>>, vector<64x64xf32>
      %add3A = arith.addf %get3A_26, %dot_general3A_7 : vector<64x64xf32>
      %swap3A = arith.constant 0 : index
      %swap3A_27 = arith.constant 0 : index
      %swap3A_28 = vector.load %arg10[%swap3A, %swap3A_27] : memref<64x64xf32, #tpu.memory_space<vmem>>, vector<64x64xf32>
      tpu.vector_store %arg10[%swap3A, %swap3A_27], %add3A {strides = array<i32>} : memref<64x64xf32, #tpu.memory_space<vmem>>, vector<64x64xf32>,
      %get3A_29 = arith.constant 0 : index
      %get3A_30 = arith.constant 0 : index
      %get3A_31 = vector.load %arg11[%get3A_29, %get3A_30] : memref<64x1xf32, #tpu.memory_space<vmem>>, vector<64x1xf32>
      %add3A_32 = arith.addf %get3A_31, %dot_general3A_10 : vector<64x1xf32>
      %swap3A_33 = arith.constant 0 : index
      %swap3A_34 = arith.constant 0 : index
      %swap3A_35 = vector.load %arg11[%swap3A_33, %swap3A_34] : memref<64x1xf32, #tpu.memory_space<vmem>>, vector<64x1xf32>
      tpu.vector_store %arg11[%swap3A_33, %swap3A_34], %add3A_32 {strides = array<i32>} : memref<64x1xf32, #tpu.memory_space<vmem>>, vector<64x1xf32>,
    } else {
    }
    %eq3A_19 = arith.constant 49 : i32
    %eq3A_20 = arith.cmpi eq, %arg0, %eq3A_19 : i32
    %convert_element_type3A_21 = arith.extui %eq3A_20 : i1 to i32
    %cond3A_22 = arith.constant 0 : i32
    %cond3A_23 = arith.cmpi ne, %convert_element_type3A_21, %cond3A_22 : i32
    scf.if %cond3A_23 {
      %get3A_24 = arith.constant 0 : index
      %get3A_25 = arith.constant 0 : index
      %get3A_26 = vector.load %arg11[%get3A_24, %get3A_25] : memref<64x1xf32, #tpu.memory_space<vmem>>, vector<64x1xf32>
      %max3A = arith.constant 1.000000e+00 : f32
      %max3A_27 = vector.broadcast %max3A : f32 to vector<64x1xf32>
      %max3A_28 = arith.maximumf %get3A_26, %max3A_27 : vector<64x1xf32>
      %div3A = arith.constant 1.000000e+00 : f32
      %div3A_29 = vector.broadcast %div3A : f32 to vector<64x1xf32>
      %div3A_30 = arith.divf %div3A_29, %max3A_28 : vector<64x1xf32>
      %mul3A = arith.mulf %max3A_28, %div3A_30 : vector<64x1xf32>
      %sub3A = arith.constant 2.000000e+00 : f32
      %sub3A_31 = vector.broadcast %sub3A : f32 to vector<64x1xf32>
      %sub3A_32 = arith.subf %sub3A_31, %mul3A : vector<64x1xf32>
      %mul3A_33 = arith.mulf %div3A_30, %sub3A_32 : vector<64x1xf32>
      %get3A_34 = arith.constant 0 : index
      %get3A_35 = arith.constant 0 : index
      %get3A_36 = vector.load %arg10[%get3A_34, %get3A_35] : memref<64x64xf32, #tpu.memory_space<vmem>>, vector<64x64xf32>
      %mul3A_37 = vector.broadcast %mul3A_33 : vector<64x1xf32> to vector<64x64xf32>
      %mul3A_38 = arith.mulf %get3A_36, %mul3A_37 : vector<64x64xf32>
      %get3A_39 = arith.constant 0 : index
      %get3A_40 = arith.constant 0 : index
      %get3A_41 = vector.load %arg3[%get3A_39, %get3A_40] : memref<64x64xf32, #tpu.memory_space<vmem>>, vector<64x64xf32>
      %dot_general3A_42 = arith.constant dense<0.000000e+00> : vector<64x64xf32>
      %dot_general3A_43 = tpu.matmul %mul3A_38, %get3A_41, %dot_general3A_42 {dimension_numbers = #tpu.dot_dimension_numbers<[1], [0], [0], [1], [0, 0, 1, 1], [], []>, transpose_lhs_hint = false} : vector<64x64xf32>, vector<64x64xf32>, vector<64x64xf32> -> vector<64x64xf32>
      %get3A_44 = arith.constant 0 : index
      %get3A_45 = arith.constant 0 : index
      %get3A_46 = vector.load %arg4[%get3A_44, %get3A_45] : memref<1x64xf32, #tpu.memory_space<vmem>>, vector<1x64xf32>
      %add3A = vector.broadcast %get3A_46 : vector<1x64xf32> to vector<64x64xf32>
      %add3A_47 = arith.addf %dot_general3A_43, %add3A : vector<64x64xf32>
      %max3A_48 = arith.constant 0.000000e+00 : f32
      %max3A_49 = vector.broadcast %max3A_48 : f32 to vector<64x64xf32>
      %max3A_50 = arith.maximumf %add3A_47, %max3A_49 : vector<64x64xf32>
      %get3A_51 = arith.constant 0 : index
      %get3A_52 = arith.constant 0 : index
      %get3A_53 = vector.load %arg5[%get3A_51, %get3A_52] : memref<64x32xf32, #tpu.memory_space<vmem>>, vector<64x32xf32>
      %dot_general3A_54 = arith.constant dense<0.000000e+00> : vector<64x32xf32>
      %dot_general3A_55 = tpu.matmul %max3A_50, %get3A_53, %dot_general3A_54 {dimension_numbers = #tpu.dot_dimension_numbers<[1], [0], [0], [1], [0, 0, 1, 1], [], []>, transpose_lhs_hint = false} : vector<64x64xf32>, vector<64x32xf32>, vector<64x32xf32> -> vector<64x32xf32>
      %get3A_56 = arith.constant 0 : index
      %get3A_57 = arith.constant 0 : index
      %get3A_58 = vector.load %arg6[%get3A_56, %get3A_57] : memref<1x32xf32, #tpu.memory_space<vmem>>, vector<1x32xf32>
      %add3A_59 = vector.broadcast %get3A_58 : vector<1x32xf32> to vector<64x32xf32>
      %add3A_60 = arith.addf %dot_general3A_55, %add3A_59 : vector<64x32xf32>
      %max3A_61 = arith.constant 0.000000e+00 : f32
      %max3A_62 = vector.broadcast %max3A_61 : f32 to vector<64x32xf32>
      %max3A_63 = arith.maximumf %add3A_60, %max3A_62 : vector<64x32xf32>
      %get3A_64 = arith.constant 0 : index
      %get3A_65 = arith.constant 0 : index
      %get3A_66 = vector.load %arg7[%get3A_64, %get3A_65] : memref<32x1xf32, #tpu.memory_space<vmem>>, vector<32x1xf32>
      %dot_general3A_67 = arith.constant dense<0.000000e+00> : vector<64x1xf32>
      %dot_general3A_68 = tpu.matmul %max3A_63, %get3A_66, %dot_general3A_67 {dimension_numbers = #tpu.dot_dimension_numbers<[1], [0], [0], [1], [0, 0, 1, 1], [], []>, transpose_lhs_hint = false} : vector<64x32xf32>, vector<32x1xf32>, vector<64x1xf32> -> vector<64x1xf32>
      %get3A_69 = arith.constant 0 : index
      %get3A_70 = arith.constant 0 : index
      %get3A_71 = vector.load %arg8[%get3A_69, %get3A_70] : memref<1x1xf32, #tpu.memory_space<vmem>>, vector<1x1xf32>
      %add3A_72 = vector.broadcast %get3A_71 : vector<1x1xf32> to vector<64x1xf32>
      %add3A_73 = arith.addf %dot_general3A_68, %add3A_72 : vector<64x1xf32>
      %swap3A = arith.constant 0 : index
      %swap3A_74 = arith.constant 0 : index
      %swap3A_75 = vector.load %arg9[%swap3A, %swap3A_74] : memref<64x1xf32, #tpu.memory_space<vmem>>, vector<64x1xf32>
      tpu.vector_store %arg9[%swap3A, %swap3A_74], %add3A_73 {strides = array<i32>} : memref<64x1xf32, #tpu.memory_space<vmem>>, vector<64x1xf32>,
    } else {
    }
    return
  }
  func.func @transform_0(%arg0: i32) -> (i32, i32) {
    %c0_i32 = arith.constant 0 : i32
    %c0_i32_0 = arith.constant 0 : i32
    return %arg0, %c0_i32 : i32, i32
  }
  func.func @transform_1(%arg0: i32) -> (i32, i32) {
    %c0_i32 = arith.constant 0 : i32
    %c0_i32_0 = arith.constant 0 : i32
    return %arg0, %c0_i32 : i32, i32
  }
  func.func @transform_2(%arg0: i32) -> (i32, i32) {
    %c0_i32 = arith.constant 0 : i32
    %c0_i32_0 = arith.constant 0 : i32
    %c0_i32_1 = arith.constant 0 : i32
    return %c0_i32, %c0_i32_0 : i32, i32
  }
  func.func @transform_3(%arg0: i32) -> (i32, i32) {
    %c0_i32 = arith.constant 0 : i32
    %c0_i32_0 = arith.constant 0 : i32
    %c0_i32_1 = arith.constant 0 : i32
    return %c0_i32, %c0_i32_0 : i32, i32
  }
  func.func @transform_4(%arg0: i32) -> (i32, i32) {
    %c0_i32 = arith.constant 0 : i32
    %c0_i32_0 = arith.constant 0 : i32
    %c0_i32_1 = arith.constant 0 : i32
    return %c0_i32, %c0_i32_0 : i32, i32
  }
  func.func @transform_5(%arg0: i32) -> (i32, i32) {
    %c0_i32 = arith.constant 0 : i32
    %c0_i32_0 = arith.constant 0 : i32
    %c0_i32_1 = arith.constant 0 : i32
    return %c0_i32, %c0_i32_0 : i32, i32
  }
  func.func @transform_6(%arg0: i32) -> (i32, i32) {
    %c0_i32 = arith.constant 0 : i32
    %c0_i32_0 = arith.constant 0 : i32
    %c0_i32_1 = arith.constant 0 : i32
    return %c0_i32, %c0_i32_0 : i32, i32
  }
  func.func @transform_7(%arg0: i32) -> (i32, i32) {
    %c0_i32 = arith.constant 0 : i32
    %c0_i32_0 = arith.constant 0 : i32
    %c0_i32_1 = arith.constant 0 : i32
    return %c0_i32, %c0_i32_0 : i32, i32
  }
  func.func @transform_8(%arg0: i32) -> (i32, i32) {
    %c0_i32 = arith.constant 0 : i32
    %c0_i32_0 = arith.constant 0 : i32
    %c0_i32_1 = arith.constant 0 : i32
    return %c0_i32, %c0_i32_0 : i32, i32
  }
}

</mosaic_0001>

<sc_bundles>
// kernel: kernel.11.cloned.1.call-start
scs
__scs_entry_jumppad:
0x0: {  	(pc) =	sbr.rel $0x88, $3  }
0x1: {  	(tag) =	ssettag $0x0;
	lr =	simm.s32 $0x1  }
0x2: {  	[smem:$0x3F8D] =	sst lr;
	_ =	strace $0xD0000000  }
0x3: {  	_ = 	snop  }
0x4: {  	_ = 	snop  }
0x5: {  	_ = 	snop  }
0x6: {  	_ = 	snop  }
0x7: {  	_ = 	snop  }
__scs_overlays_trampoline_lowered:
0x8: {  	[smem:$0x3F9C] =	sst s0  }
0x9: {  	[smem:$0x3F9D] =	sst s1  }
0xa: {  	[smem:$0x3F9E] =	sst s2  }
0xb: {  	[smem:$0x3F9F] =	sst s3  }
0xc: {  	[smem:$0x3FA0] =	sst s4  }
0xd: {  	[smem:$0x3FA1] =	sst s5  }
0xe: {  	[smem:$0x3FA2] =	sst s6  }
0xf: {  	[smem:$0x3FA3] =	sst s7  }
0x10: {  	[smem:$0x3FA4] =	sst s8  }
0x11: {  	[smem:$0x3FA5] =	sst s9;
	s0 =	simm.s32 @!p0 $0x0  }
0x12: {  	s1 =	sld [smem:$0x3F8B];
	s0 =	simm.s32 @p0 $0x1  }
0x13: {  	[smem:$0x3FA6] =	sst s0;
	s0 =	simm.s32 @!p1 $0x0  }
0x14: {  	s2 =	sld [smem:$0x3F8A];
	s0 =	simm.s32 @p1 $0x1  }
0x15: {  	[smem:$0x3FA7] =	sst s0;
	s0 =	simm.s32 @!p2 $0x0  }
0x16: {  	s3 =	sld [smem:$0x3FDB];
	s0 =	simm.s32 @p2 $0x1  }
0x17: {  	s4 =	simm.s32 $0x1BF5;
	[smem:$0x3FA9] =	sst s0  }
0x18: {  	s0 =	sld [smem:$0x3F8C];
	_ =	swait.ge [sflag:s4], $0x0  }
0x19: {  	s7 =	sld [smem:$0x3F8D]  }
0x1a: {  	s8 =	sadd.s32 $0xFFFFE003, lr  }
0x1b: {  	s9 =	sadd.s32 $0xFFFFFEF7, lr;
	s5 =	simm.s32 $0xFFFFFFFF;
	p2 =	slt.u32 s8, $0xFFFFF086  }
0x1c: {  	p1 =	slt.u32 s9, $0xF7A;
	s5 =	simm.s32 @!p2 $0x0  }
0x1d: {  	s5 =	simm.s32 @p1 $0x1;
	p0 =	seq.s32 s7, s2  }
0x1e: {  	s7 =	smul.u32 @!p0 $0xF7A, s2;
	p2 =	seq.s32 @!p0 s5, $0x0  }
0x1f: {  	s9 =	smul.u32 $0xF7A, s1;
	s8 =	simm.s32 @!p0 $0x1BF5;
	p2 =	por !p2, p0  }
0x20: {  	[sflag:s8] =	ssyncset.s32 @!p0 $0xFFFFF086;
	s6 =	sadd.s32 @!p0 s3, s7;
	s7 =	simm.s32 @!p0 $0x108  }
0x21: {  	s3 =	sadd.s32 s3, s9;
	s6 =	sadd.s32 @!p0 $0x88, s6;
	s7 =	simm.s32 @p2 $0x1082  }
0x22: {  	[simem:s7], [sflag:s8] =	dma.local @!p0 [hbm:s6], $0xF7A  }
0x23: {  	s9 =	sor.u32 $0xD0000000, s2;
	s6 =	simm.s32 $0x108;
	_ =	swait.ge @!p0 [sflag:s8], $0x0  }
0x24: {  	s3 =	sadd.s32 $0x88, s3;
	s6 =	simm.s32 @!p1 $0x1082;
	[sflag:s4] =	ssyncset.s32 $0xFFFFF086  }
0x25: {  	[simem:s6], [sflag:s4] =	dma.local [hbm:s3], $0xF7A  }
0x26: {  	[smem:$0x3F8D] =	sst s1;
	(tag) =	ssettag s2;
	_ =	strace s9  }
0x27: {  	s1 =	sld [smem:$0x3F9D]  }
0x28: {  	s2 =	sld [smem:$0x3F9E]  }
0x29: {  	s4 =	sld [smem:$0x3FA0]  }
0x2a: {  	p0 =	seq.s32 s5, $0x0;
	s5 =	sld [smem:$0x3FA1]  }
0x2b: {  	s6 =	sld [smem:$0x3FA2]  }
0x2c: {  	s7 =	sld [smem:$0x3FA3]  }
0x2d: {  	s3 =	simm.s32 $0x108;
	s8 =	sld [smem:$0x3FA4]  }
0x2e: {  	s3 =	simm.s32 @!p0 $0x1082;
	s9 =	sld [smem:$0x3FA5]  }
0x2f: {  	lr =	sadd.s32 s0, s3;
	s0 =	sld [smem:$0x3F9C]  }
0x30: {  	s3 =	sld [smem:$0x3F9F]  }
0x31: {  	[smem:$0x3FA8] =	sst s10  }
0x32: {  	s10 =	sld [smem:$0x3FA6];
	_ =	sdelay $0x3  }
0x33: {  	p0 =	seq.s32 s10, $0x1;
	s10 =	sld [smem:$0x3FA8];
	_ =	sdelay $0x3  }
0x34: {  	[smem:$0x3FA8] =	sst s10  }
0x35: {  	s10 =	sld [smem:$0x3FA7];
	_ =	sdelay $0x3  }
0x36: {  	p1 =	seq.s32 s10, $0x1;
	s10 =	sld [smem:$0x3FA8];
	_ =	sdelay $0x3  }
0x37: {  	[smem:$0x3FA8] =	sst s10  }
0x38: {  	s10 =	sld [smem:$0x3FA9]  }
0x39: {  	_ = 	snop;
	(pc) =	sbr.ind lr, $3  }
0x3a: {  	_ = 	snop  }
0x3b: {  	_ = 	snop  }
0x3c: {  	p2 =	seq.s32 s10, $0x1;
	s10 =	sld [smem:$0x3FA8]  }
0x3d: {  	_ =	shalt  }
0x3e: {  	_ =	shalt  }
0x3f: {  	_ =	shalt  }
0x40: {  	_ =	shalt  }
0x41: {  	_ =	shalt  }
0x42: {  	_ =	shalt  }
0x43: {  	_ =	shalt  }
0x44: {  	_ =	shalt  }
0x45: {  	_ =	shalt  }
0x46: {  	_ =	shalt  }
0x47: {  	_ =	shalt  }
0x48: {  	_ =	shalt  }
0x49: {  	_ =	shalt  }
0x4a: {  	_ =	shalt  }
0x4b: {  	_ =	shalt  }
0x4c: {  	_ =	shalt  }
0x4d: {  	_ =	shalt  }
0x4e: {  	_ =	shalt  }
0x4f: {  	_ =	shalt  }
0x50: {  	_ =	shalt  }
0x51: {  	_ =	shalt  }
0x52: {  	_ =	shalt  }
0x53: {  	_ =	shalt  }
0x54: {  	_ =	shalt  }
0x55: {  	_ =	shalt  }
0x56: {  	_ =	shalt  }
0x57: {  	_ =	shalt  }
0x58: {  	_ =	shalt  }
0x59: {  	_ =	shalt  }
0x5a: {  	_ =	shalt  }
0x5b: {  	_ =	shalt  }
0x5c: {  	_ =	shalt  }
0x5d: {  	_ =	shalt  }
0x5e: {  	_ =	shalt  }
0x5f: {  	_ =	shalt  }
0x60: {  	_ =	shalt  }
0x61: {  	_ =	shalt  }
0x62: {  	_ =	shalt  }
0x63: {  	_ =	shalt  }
0x64: {  	_ =	shalt  }
0x65: {  	_ =	shalt  }
0x66: {  	_ =	shalt  }
0x67: {  	_ =	shalt  }
0x68: {  	_ =	shalt  }
0x69: {  	_ =	shalt  }
0x6a: {  	_ =	shalt  }
0x6b: {  	_ =	shalt  }
0x6c: {  	_ =	shalt  }
0x6d: {  	_ =	shalt  }
0x6e: {  	_ =	shalt  }
0x6f: {  	_ =	shalt  }
0x70: {  	_ =	shalt  }
0x71: {  	_ =	shalt  }
0x72: {  	_ =	shalt  }
0x73: {  	_ =	shalt  }
0x74: {  	_ =	shalt  }
0x75: {  	_ =	shalt  }
0x76: {  	_ =	shalt  }
0x77: {  	_ =	shalt  }
0x78: {  	_ =	shalt  }
0x79: {  	_ =	shalt  }
0x7a: {  	_ =	shalt  }
0x7b: {  	_ =	shalt  }
0x7c: {  	_ =	shalt  }
0x7d: {  	_ =	shalt  }
0x7e: {  	_ =	shalt  }
0x7f: {  	_ =	shalt  }
0x80: {  	_ =	shalt  }
0x81: {  	_ =	shalt  }
0x82: {  	_ =	shalt  }
0x83: {  	_ =	shalt  }
0x84: {  	_ =	shalt  }
0x85: {  	_ =	shalt  }
0x86: {  	_ =	shalt  }
0x87: {  	_ =	shalt  }
.Lfunc_end0:
.L_simem_size_0:
called_computation_lowered:
.L_overlay_start_0:
0x88: {  	s2 =	sld [smem:$0x3FD9]  }
0x89: {  	s3 =	sld [smem:$0x3FFE];
	_ =	sdelay $0x1  }
0x8a: {  	s1 =	srdreg.scid  }
0x8b: {  	s0 =	sand.u32 $0x1, s1  }
0x8c: {  	s16 =	sshll.u32 s0, $0xA;
	s2 =	sadd.s32 s3, s2  }
0x8d: {  	s2 =	sadd.s32 s2, s16  }
0x8e: {  	[smem:$0x3FB4] =	sst s2  }
0x8f: {  	_ = 	snop  }
0x90: {  	(tm) =	ssettm $0x1  }
0x91: {  	s17 =	sld [smem:$0x3FFB];
	_ =	sdelay $0x3  }
0x92: {  	_ =	strace s17  }
0x93: {  	s2 =	sld [smem:$0x3FFC];
	_ =	sdelay $0x3  }
0x94: {  	_ =	strace s2  }
0x95: {  	s2 =	sld [smem:$0x3FFD];
	_ =	sdelay $0x3  }
0x96: {  	_ =	strace s2  }
0x97: {  	_ =	strace $0x8FFFFFFF  }
0x98: {  	s18 =	sld [smem:$0x3FDB];
	_ =	sdelay $0x1  }
0x99: {  	s19 =	simm.s32 $_scs_section_size  }
0x9a: {  	s4 =	simm.s32 $_size__tile_overlayer_lowered;
	s5 =	simm.s32 $_tile_overlayer_lowered  }
0x9b: {  	s22 =	simm.s32 $0x1BFF;
	s21 =	sshll.u32 s5, $0x1;
	s2 =	sadd.s32 s19, s18  }
0x9c: {  	s6 =	simm.s32 $0x0;
	s20 =	sshll.u32 s4, $0x1;
	s4 =	sadd.s32 s21, s2  }
0x9d: {  	[timem:s6], [sflag:s22] =	dma.local [hbm:s4], s20  }
0x9e: {  	_ =	swait.ge [sflag:s22], s20  }
0x9f: {  	s3 =	ssub.s32 $0x0, s20;
	[sflag:s22] =	ssyncset.done $0x0  }
0xa0: {  	[sflag:s22] =	ssyncadd.s32 s3;
	_ =	sdelay $0x1  }
0xa1: {  	s23 =	simm.s32 $0x1B8B  }
0xa2: {  	_ =	swait.ge [sflag:s23], $0x1  }
0xa3: {  	[sflag:s23] =	ssyncset.done $0x0  }
0xa4: {  	s25 =	simm.s32 $0x1B8E;
	s24 =	sld [smem:$0x3FFE];
	[sflag:s23] =	ssyncadd.s32 $0xFFFFFFFF  }
0xa5: {  	s26 =	simm.s32 $execute0_lowered;
	[smem:$0x3FD2] =	sst s25  }
0xa6: {  	s4 =	sshll.u32 s26, $0x1;
	_ =	strace $0x80000046;
	[dreg:$0x1] =	wrdreg $0xFFFFFFFF  }
0xa7: {  	s28 =	simm.s32 $_size_execute0_lowered;
	s2 =	sadd.s32 s2, s4;
	[dreg:$0x0] =	wrdreg $0x0  }
0xa8: {  	s4 =	sshll.u32 s28, $0x1;
	[dreg:$0x2] =	wrdreg s2  }
0xa9: {  	[dreg:$0x3] =	wrdreg s4  }
0xaa: {  	[dreg:$0x4] =	wrdreg $0xC0  }
0xab: {  	_ =	task [dreg:s6], $0x5FFFF  }
0xac: {  	[dreg:$0x1] =	wrdreg $0xFFFFFFFF  }
0xad: {  	[dreg:$0x0] =	wrdreg $0x60  }
0xae: {  	[dreg:$0x2] =	wrdreg s24  }
0xaf: {  	[dreg:$0x3] =	wrdreg $0x133800  }
0xb0: {  	[dreg:$0x4] =	wrdreg $0x9  }
0xb1: {  	_ =	task.clear_ibuf [dreg:s6], $0x5FFFF;
	_ =	strace $0x90000046  }
0xb2: {  	s29 =	simm.s32 $0x9;
	_ =	strace $0x80000048  }
0xb3: {  	_ =	swait.ge [sflag:s29], $0x1  }
0xb4: {  	[sflag:s29] =	ssyncadd.s32 $0xFFFFFFFF  }
0xb5: {  	_ =	strace $0x90000048  }
0xb6: {  	_ =	sfence  }
0xb7: {  	s30 =	sld [smem:$0x0];
	_ =	sdelay $0x2  }
0xb8: {  	s31 =	sshll.u32 s1, $0xD;
	s1 =	sshrl.u32 s1, $0x2  }
0xb9: {  	s3 =	sand.u32 $0x4000, s31;
	s1 =	sadd.s32 s1, s30  }
0xba: {  	s0 =	sor.u32 s3, s0;
	s1 =	sshll.u32 s1, $0x11  }
0xbb: {  	s0 =	sor.u32 s1, s0  }
0xbc: {  	s0 =	sadd.s32 $0x8F2B, s0  }
0xbd: {  	[sflag:s0] =	ssyncadd.remote.s32 $0x1  }
0xbe: {  	_ =	sfence.sel $0xFFFF  }
0xbf: {  	[dreg:$0x0] =	wrdreg $0xFFFFFFFF;
	(pc) =	sbr.abs _section_cstart, $3  }
0xc0: {  	[dreg:$0x1] =	wrdreg $0xFFFFFFFF  }
0xc1: {  	_ =	task.clear_ibuf [dreg:s6], $0x2FFFF;
	_ =	strace $0x9FFFFFFF  }
0xc2: {  	(tm) =	ssettm $0x7FFFFFFF  }
0xc3: {  	_ =	shalt  }
tec
execute0_lowered:
.L_overlay_start_1:
0x0: {  	(tag) =	ssettag $0x1  }
0x1: {  	s7 =	rddreg [dreg:$0x0]  }
0x2: {  	s2 =	rddreg [dreg:$0x1]  }
0x3: {  	s0 =	srdreg.scid;
	s1 =	rddreg [dreg:$0x2]  }
0x4: {  	s3 =	simm.s32 $0x0;
	s17 =	simm.s32 $0x100;
	s18 =	simm.s32 $0x1  }
0x5: {  	s19 =	simm.s32 $0x2;
	s20 =	simm.s32 $0x80;
	s8 =	sand.u32 $0x1, s0  }
0x6: {  	s21 =	simm.s32 $0x12680;
	s0 =	stileid.u32;
	s4 =	smul.u32 $0xC30, s8  }
0x7: {  	s22 =	simm.s32 $0x0;
	[smem:$0x7FF] =	sst s3;
	s6 =	smul.u32 $0xC3, s0  }
0x8: {  	s12 =	sadd.s32 $0x39800, s7;
	s5 =	sshll.u32 s8, $0x4;
	s29 =	smul.u32 $0x30E0, s0  }
0x9: {  	_ =	strace $0x80000047;
	s30 =	ssub.s32 $0x2, s8;
	s11 =	smul.u32 $0xC38, s0  }
0xa: {  	s14 =	smul.u32 $0xC350, s8;
	s8 =	sadd.s32 $0xB748, s2;
	s9 =	sor.u32 s0, s5  }
0xb: {  	s13 =	sshrl.u32 s30, $0x1;
	s4 =	sadd.s32 s6, s4;
	s5 =	smin.u32 s9, $0xA  }
0xc: {  	s13 =	ssub.s32 s30, s13;
	p0 =	slt.u32 s9, $0xA;
	s9 =	simm.s32 $0xC4  }
0xd: {  	s31 =	sadd.s32 s11, s14;
	s14 =	sadd.s32 $0xB748, s14;
	s6 =	sadd.s32 s5, s4  }
0xe: {  	s4 =	sadd.s32 $0x37E00, s7;
	s5 =	sadd.s32 $0x36400, s7;
	s9 =	simm.s32 @!p0 $0xC3  }
0xf: {  	s15 =	sshrl.u32 s31, $0x3;
	s14 =	sshrl.u32 s14, $0x3;
	s10 =	sshll.u32 s6, $0x4  }
0x10: {  	s13 =	smax.u32 s13, $0x1;
	s16 =	sadd.s32 s10, s7;
	s10 =	sshrl.u32 s29, $0x2  }
0x11: {  	p0 =	seq.s32 s0, $0xF;
	s6 =	sadd.s32 $0x34A00, s7;
	s7 =	sadd.s32 s10, s2  }
0x12: {  	s10 =	sadd.s32 s11, s2;
	s11 =	sadd.s32 s12, s15;
	s12 =	sadd.s32 s12, s14  }
0x13: {  	v0 =	vimm.f32 $0.0e+00;
	v1 =	vimm.f32 $1.000000000e+00;
	s14 =	sadd.s32 $0x1C200, s16;
	s15 =	sadd.s32 $0x3A00, s16;
	s16 =	sadd.s32 $0x3CA00, s16  }
.LBB2_1:
0x14: {  	s23 =	simm.s32 $0x40;
	s24 =	simm.s32 $0x0  }
.LBB2_2:
0x15: {  	p1 =	sne.s32 s23, $0x30C0;
	[tilespmem:s24+$0x12700] =	vst v0;
	s24 =	smov.u32 s23;
	s23 =	sadd.s32 $0x40, s23  }
.Ltmp0:
0x16: {  	(pc) =	sbr.rel @p1 .LBB2_2-.Ltmp0, $2  }
0x17: {  	_ =	sdelay $0x2  }
0x18: {  	s24 =	sshra.s32 s24, $0x2  }
0x19: {  	[tilespmem:s24+$0x12700] =	vst v0  }
0x1a: {  	[tilespmem:$0x12680] =	vst v1  }
0x1b: {  	[tilespmem:$0x12690] =	vst v1  }
0x1c: {  	[tilespmem:$0x126A0] =	vst v1  }
0x1d: {  	[tilespmem:$0x126B0] =	vst v1  }
0x1e: {  	[tilespmem:$0x126C0] =	vst v1  }
0x1f: {  	[tilespmem:$0x126D0] =	vst v1  }
0x20: {  	[tilespmem:$0x126E0] =	vst v1  }
0x21: {  	s23 =	simm.s32 @p0 $0x12700;
	[tilespmem:$0x126F0] =	vst v1  }
0x22: {  	[spmem:s8] =	stream.linear.scatter @p0 [tilespmem:s23], [sflag:$0x1], $0xC08, $0x38;
	[tilespmem:$0x13FB8] =	vst v63  }
0x23: {  	s23 =	simm.s32 @p0 $0x1  }
0x24: {  	_ =	swait.ge @p0 [sflag:s23], $0xC08  }
0x25: {  	[sflag:s23] =	ssyncset.done @p0 $0x0  }
0x26: {  	[sflag:s23] =	ssyncadd.s32 @p0 $0xFFFFF3F8;
	s23 =	simm.s32 @!p0 $0x12700  }
0x27: {  	[spmem:s7] =	stream.linear.scatter @!p0 [tilespmem:s23], [sflag:$0x1], $0xC38, $0x38;
	[tilespmem:$0x13FB8] =	vst v63  }
0x28: {  	s23 =	simm.s32 @!p0 $0x1  }
0x29: {  	_ =	swait.ge @!p0 [sflag:s23], $0xC38  }
0x2a: {  	[sflag:s23] =	ssyncset.done @!p0 $0x0  }
0x2b: {  	[sflag:s23] =	ssyncadd.s32 @!p0 $0xFFFFF3C8  }
.Ltmp1:
0x2c: {  	s23 =	simm.s32 $0x0;
	[bflag:$0x0] =	sbarrier.arrive $0xFFFF;
	(pc) =	sbr.rel .LBB2_4-.Ltmp1, $4  }
0x2d: {  	[tilespmem:s17], [sflag:$0x1] =	stream.linear.gather [hbm4b:s4+s23], $0xC380, $0x38;
	[tilespmem:$0x13FB8] =	vst v63  }
0x2e: {  	_ =	swait.ge [sflag:s18], $0xC380  }
0x2f: {  	s24 =	simm.s32 $0xC4C0;
	[sflag:s18] =	ssyncset.done $0x0  }
0x30: {  	s25 =	smov.u32 s15;
	s26 =	smov.u32 s14;
	[sflag:s18] =	ssyncadd.s32 $0xFFFF3C80  }
.LBB2_6:
0x31: {  	s23 =	sadd.s32 $0x1, s23  }
0x32: {  	p1 =	sne.s32 s23, $0xC4  }
.Ltmp2:
0x33: {  	_ = 	snop;
	(pc) =	sbr.rel @!p1 .LBB2_7-.Ltmp2, $2  }
0x34: {  	_ =	sdelay $0x2  }
0x35: {  	s26 =	sadd.s32 $0x10, s26;
	s25 =	sadd.s32 $0x10, s25;
	s24 =	sadd.s32 $0x80, s24  }
.LBB2_4:
0x36: {  	p1 =	sge.u32 s23, s9  }
.Ltmp3:
0x37: {  	_ = 	snop;
	(pc) =	sbr.rel @p1 .LBB2_6-.Ltmp3, $1  }
0x38: {  	_ =	sdelay $0x3  }
0x39: {  	[tilespmem:s3], [sflag:$0x2] =	stream.linear.gather [hbm4b:s26+s3], $0x80, $0x38;
	[tilespmem:$0x13FB8] =	vst v63  }
0x3a: {  	_ =	swait.ge [sflag:s19], $0x80  }
0x3b: {  	[sflag:s19] =	ssyncset.done $0x0  }
0x3c: {  	[sflag:s19] =	ssyncadd.s32 $0xFFFFFF80  }
0x3d: {  	[tilespmem:s20], [sflag:$0x2] =	stream.linear.gather [hbm4b:s25+s3], $0x80, $0x38;
	[tilespmem:$0x13FB8] =	vst v63  }
0x3e: {  	_ =	swait.ge [sflag:s19], $0x80  }
0x3f: {  	[sflag:s19] =	ssyncset.done $0x0  }
0x40: {  	[sflag:s19] =	ssyncadd.s32 $0xFFFFFF80  }
0x41: {  	v2 =	vld [tilespmem:$0x80]  }
0x42: {  	v3 =	vld [tilespmem:$0x0];
	_ =	sdelay $0x6  }
0x43: {  	v2 =	vld.idx.msk [tilespmem:v2+s17+$0x0], $0xffff  }
0x44: {  	v3 =	vld.idx.msk [tilespmem:v3+s17+$0x0], $0xffff;
	_ =	sdelay $0x4  }
0x45: {  	v2 =	vsub.f32 v2, v3;
	_ =	sdelay $0x1  }
0x46: {  	v2 =	vmul.f32 v2, v2;
	_ =	sdelay $0x1  }
0x47: {  	[tilespmem:s24+$0xFFFFFFC0] =	vst v2  }
0x48: {  	v2 =	vld [tilespmem:$0x90]  }
0x49: {  	v3 =	vld [tilespmem:$0x10];
	_ =	sdelay $0x6  }
0x4a: {  	v2 =	vld.idx.msk [tilespmem:v2+s17+$0x0], $0xffff  }
0x4b: {  	v3 =	vld.idx.msk [tilespmem:v3+s17+$0x0], $0xffff;
	_ =	sdelay $0x4  }
0x4c: {  	v2 =	vsub.f32 v2, v3;
	_ =	sdelay $0x1  }
0x4d: {  	v2 =	vmul.f32 v2, v2;
	_ =	sdelay $0x1  }
0x4e: {  	[tilespmem:s24+$0xFFFFFFD0] =	vst v2  }
0x4f: {  	v2 =	vld [tilespmem:$0xA0]  }
0x50: {  	v3 =	vld [tilespmem:$0x20];
	_ =	sdelay $0x6  }
0x51: {  	v2 =	vld.idx.msk [tilespmem:v2+s17+$0x0], $0xffff  }
0x52: {  	v3 =	vld.idx.msk [tilespmem:v3+s17+$0x0], $0xffff;
	_ =	sdelay $0x4  }
0x53: {  	v2 =	vsub.f32 v2, v3;
	_ =	sdelay $0x1  }
0x54: {  	v2 =	vmul.f32 v2, v2;
	_ =	sdelay $0x1  }
0x55: {  	[tilespmem:s24+$0xFFFFFFE0] =	vst v2  }
0x56: {  	v2 =	vld [tilespmem:$0xB0]  }
0x57: {  	v3 =	vld [tilespmem:$0x30];
	_ =	sdelay $0x6  }
0x58: {  	v2 =	vld.idx.msk [tilespmem:v2+s17+$0x0], $0xffff  }
0x59: {  	v3 =	vld.idx.msk [tilespmem:v3+s17+$0x0], $0xffff;
	_ =	sdelay $0x4  }
0x5a: {  	v2 =	vsub.f32 v2, v3;
	_ =	sdelay $0x1  }
0x5b: {  	v2 =	vmul.f32 v2, v2;
	_ =	sdelay $0x1  }
0x5c: {  	[tilespmem:s24+$0xFFFFFFF0] =	vst v2  }
0x5d: {  	v2 =	vld [tilespmem:$0xC0]  }
0x5e: {  	v3 =	vld [tilespmem:$0x40];
	_ =	sdelay $0x6  }
0x5f: {  	v2 =	vld.idx.msk [tilespmem:v2+s17+$0x0], $0xffff  }
0x60: {  	v3 =	vld.idx.msk [tilespmem:v3+s17+$0x0], $0xffff;
	_ =	sdelay $0x4  }
0x61: {  	v2 =	vsub.f32 v2, v3;
	_ =	sdelay $0x1  }
0x62: {  	v2 =	vmul.f32 v2, v2;
	_ =	sdelay $0x1  }
0x63: {  	[tilespmem:s24+$0x0] =	vst v2  }
0x64: {  	v2 =	vld [tilespmem:$0xD0]  }
0x65: {  	v3 =	vld [tilespmem:$0x50];
	_ =	sdelay $0x6  }
0x66: {  	v2 =	vld.idx.msk [tilespmem:v2+s17+$0x0], $0xffff  }
0x67: {  	v3 =	vld.idx.msk [tilespmem:v3+s17+$0x0], $0xffff;
	_ =	sdelay $0x4  }
0x68: {  	v2 =	vsub.f32 v2, v3;
	_ =	sdelay $0x1  }
0x69: {  	v2 =	vmul.f32 v2, v2;
	_ =	sdelay $0x1  }
0x6a: {  	[tilespmem:s24+$0x10] =	vst v2  }
0x6b: {  	v2 =	vld [tilespmem:$0xE0]  }
0x6c: {  	v3 =	vld [tilespmem:$0x60];
	_ =	sdelay $0x6  }
0x6d: {  	v2 =	vld.idx.msk [tilespmem:v2+s17+$0x0], $0xffff  }
0x6e: {  	v3 =	vld.idx.msk [tilespmem:v3+s17+$0x0], $0xffff;
	_ =	sdelay $0x4  }
0x6f: {  	v2 =	vsub.f32 v2, v3;
	_ =	sdelay $0x1  }
0x70: {  	v2 =	vmul.f32 v2, v2;
	_ =	sdelay $0x1  }
0x71: {  	[tilespmem:s24+$0x20] =	vst v2  }
0x72: {  	v2 =	vld [tilespmem:$0xF0]  }
0x73: {  	v3 =	vld [tilespmem:$0x70];
	_ =	sdelay $0x6  }
0x74: {  	v2 =	vld.idx.msk [tilespmem:v2+s17+$0x0], $0xffff  }
0x75: {  	v3 =	vld.idx.msk [tilespmem:v3+s17+$0x0], $0xffff;
	_ =	sdelay $0x4  }
0x76: {  	v2 =	vsub.f32 v2, v3;
	_ =	sdelay $0x1  }
0x77: {  	v2 =	vmul.f32 v2, v2;
	_ =	sdelay $0x1  }
.Ltmp4:
0x78: {  	[tilespmem:s24+$0x30] =	vst v2;
	(pc) =	sbr.rel .LBB2_6-.Ltmp4, $4  }
0x79: {  	[spmem:s2] =	stream.indirect.scatter.add.f32 [tilespmem:s21], [sflag:$0x1], $0x1, s3, s20, $0xb8;
	[tilespmem:$0x13FB8] =	vst v63  }
0x7a: {  	_ =	swait.ge [sflag:s18], $0x80  }
0x7b: {  	[sflag:s18] =	ssyncset.done $0x0  }
0x7c: {  	[sflag:s18] =	ssyncadd.s32 $0xFFFFFF80  }
.LBB2_7:
.Ltmp5:
0x7d: {  	s23 =	simm.s32 $0x0;
	(pc) =	sbr.rel .LBB2_8-.Ltmp5, $4  }
0x7e: {  	[tilespmem:s17], [sflag:$0x1] =	stream.linear.gather [hbm4b:s5+s23], $0xC380, $0x38;
	[tilespmem:$0x13FB8] =	vst v63  }
0x7f: {  	_ =	swait.ge [sflag:s18], $0xC380  }
0x80: {  	s24 =	simm.s32 $0xC4C0;
	[sflag:s18] =	ssyncset.done $0x0  }
0x81: {  	s25 =	smov.u32 s15;
	s26 =	smov.u32 s14;
	[sflag:s18] =	ssyncadd.s32 $0xFFFF3C80  }
.LBB2_10:
0x82: {  	s23 =	sadd.s32 $0x1, s23  }
0x83: {  	p1 =	sne.s32 s23, $0xC4  }
.Ltmp6:
0x84: {  	_ = 	snop;
	(pc) =	sbr.rel @!p1 .LBB2_11-.Ltmp6, $2  }
0x85: {  	_ =	sdelay $0x2  }
0x86: {  	s26 =	sadd.s32 $0x10, s26;
	s25 =	sadd.s32 $0x10, s25;
	s24 =	sadd.s32 $0x80, s24  }
.LBB2_8:
0x87: {  	p1 =	sge.u32 s23, s9  }
.Ltmp7:
0x88: {  	_ = 	snop;
	(pc) =	sbr.rel @p1 .LBB2_10-.Ltmp7, $1  }
0x89: {  	_ =	sdelay $0x3  }
0x8a: {  	[tilespmem:s3], [sflag:$0x1] =	stream.linear.gather [hbm4b:s26+s3], $0x80, $0x38;
	[tilespmem:$0x13FB8] =	vst v63  }
0x8b: {  	_ =	swait.ge [sflag:s18], $0x80  }
0x8c: {  	[sflag:s18] =	ssyncset.done $0x0  }
0x8d: {  	[sflag:s18] =	ssyncadd.s32 $0xFFFFFF80  }
0x8e: {  	[tilespmem:s20], [sflag:$0x1] =	stream.linear.gather [hbm4b:s25+s3], $0x80, $0x38;
	[tilespmem:$0x13FB8] =	vst v63  }
0x8f: {  	_ =	swait.ge [sflag:s18], $0x80  }
0x90: {  	[sflag:s18] =	ssyncset.done $0x0  }
0x91: {  	[sflag:s18] =	ssyncadd.s32 $0xFFFFFF80  }
0x92: {  	v2 =	vld [tilespmem:$0x80]  }
0x93: {  	v3 =	vld [tilespmem:$0x0];
	_ =	sdelay $0x6  }
0x94: {  	v2 =	vld.idx.msk [tilespmem:v2+s17+$0x0], $0xffff  }
0x95: {  	v3 =	vld.idx.msk [tilespmem:v3+s17+$0x0], $0xffff;
	_ =	sdelay $0x3  }
0x96: {  	v4 =	vld [tilespmem:s24+$0xFFFFFFC0]  }
0x97: {  	v2 =	vsub.f32 v2, v3;
	_ =	sdelay $0x1  }
0x98: {  	v2 =	vmul.f32 v2, v2;
	_ =	sdelay $0x1  }
0x99: {  	v2 =	vadd.f32 v2, v4;
	_ =	sdelay $0x1  }
0x9a: {  	[tilespmem:s24+$0xFFFFFFC0] =	vst v2  }
0x9b: {  	v2 =	vld [tilespmem:$0x90]  }
0x9c: {  	v3 =	vld [tilespmem:$0x10];
	_ =	sdelay $0x6  }
0x9d: {  	v2 =	vld.idx.msk [tilespmem:v2+s17+$0x0], $0xffff  }
0x9e: {  	v3 =	vld.idx.msk [tilespmem:v3+s17+$0x0], $0xffff;
	_ =	sdelay $0x3  }
0x9f: {  	v57 =	vld [tilespmem:s24+$0xFFFFFFD0]  }
0xa0: {  	v2 =	vsub.f32 v2, v3;
	_ =	sdelay $0x1  }
0xa1: {  	v2 =	vmul.f32 v2, v2;
	_ =	sdelay $0x1  }
0xa2: {  	v2 =	vadd.f32 v2, v57;
	_ =	sdelay $0x1  }
0xa3: {  	[tilespmem:s24+$0xFFFFFFD0] =	vst v2  }
0xa4: {  	v2 =	vld [tilespmem:$0xA0]  }
0xa5: {  	v3 =	vld [tilespmem:$0x20];
	_ =	sdelay $0x6  }
0xa6: {  	v2 =	vld.idx.msk [tilespmem:v2+s17+$0x0], $0xffff  }
0xa7: {  	v3 =	vld.idx.msk [tilespmem:v3+s17+$0x0], $0xffff;
	_ =	sdelay $0x3  }
0xa8: {  	v58 =	vld [tilespmem:s24+$0xFFFFFFE0]  }
0xa9: {  	v2 =	vsub.f32 v2, v3;
	_ =	sdelay $0x1  }
0xaa: {  	v2 =	vmul.f32 v2, v2;
	_ =	sdelay $0x1  }
0xab: {  	v2 =	vadd.f32 v2, v58;
	_ =	sdelay $0x1  }
0xac: {  	[tilespmem:s24+$0xFFFFFFE0] =	vst v2  }
0xad: {  	v2 =	vld [tilespmem:$0xB0]  }
0xae: {  	v3 =	vld [tilespmem:$0x30];
	_ =	sdelay $0x6  }
0xaf: {  	v2 =	vld.idx.msk [tilespmem:v2+s17+$0x0], $0xffff  }
0xb0: {  	v3 =	vld.idx.msk [tilespmem:v3+s17+$0x0], $0xffff;
	_ =	sdelay $0x3  }
0xb1: {  	v59 =	vld [tilespmem:s24+$0xFFFFFFF0]  }
0xb2: {  	v2 =	vsub.f32 v2, v3;
	_ =	sdelay $0x1  }
0xb3: {  	v2 =	vmul.f32 v2, v2;
	_ =	sdelay $0x1  }
0xb4: {  	v2 =	vadd.f32 v2, v59;
	_ =	sdelay $0x1  }
0xb5: {  	[tilespmem:s24+$0xFFFFFFF0] =	vst v2  }
0xb6: {  	v2 =	vld [tilespmem:$0xC0]  }
0xb7: {  	v3 =	vld [tilespmem:$0x40];
	_ =	sdelay $0x6  }
0xb8: {  	v2 =	vld.idx.msk [tilespmem:v2+s17+$0x0], $0xffff  }
0xb9: {  	v3 =	vld.idx.msk [tilespmem:v3+s17+$0x0], $0xffff;
	_ =	sdelay $0x3  }
0xba: {  	v60 =	vld [tilespmem:s24+$0x0]  }
0xbb: {  	v2 =	vsub.f32 v2, v3;
	_ =	sdelay $0x1  }
0xbc: {  	v2 =	vmul.f32 v2, v2;
	_ =	sdelay $0x1  }
0xbd: {  	v2 =	vadd.f32 v2, v60;
	_ =	sdelay $0x1  }
0xbe: {  	[tilespmem:s24+$0x0] =	vst v2  }
0xbf: {  	v2 =	vld [tilespmem:$0xD0]  }
0xc0: {  	v3 =	vld [tilespmem:$0x50];
	_ =	sdelay $0x6  }
0xc1: {  	v2 =	vld.idx.msk [tilespmem:v2+s17+$0x0], $0xffff  }
0xc2: {  	v3 =	vld.idx.msk [tilespmem:v3+s17+$0x0], $0xffff;
	_ =	sdelay $0x3  }
0xc3: {  	v61 =	vld [tilespmem:s24+$0x10]  }
0xc4: {  	v2 =	vsub.f32 v2, v3;
	_ =	sdelay $0x1  }
0xc5: {  	v2 =	vmul.f32 v2, v2;
	_ =	sdelay $0x1  }
0xc6: {  	v2 =	vadd.f32 v2, v61;
	_ =	sdelay $0x1  }
0xc7: {  	[tilespmem:s24+$0x10] =	vst v2  }
0xc8: {  	v2 =	vld [tilespmem:$0xE0]  }
0xc9: {  	v3 =	vld [tilespmem:$0x60];
	_ =	sdelay $0x6  }
0xca: {  	v2 =	vld.idx.msk [tilespmem:v2+s17+$0x0], $0xffff  }
0xcb: {  	v3 =	vld.idx.msk [tilespmem:v3+s17+$0x0], $0xffff;
	_ =	sdelay $0x3  }
0xcc: {  	v62 =	vld [tilespmem:s24+$0x20]  }
0xcd: {  	v2 =	vsub.f32 v2, v3;
	_ =	sdelay $0x1  }
0xce: {  	v2 =	vmul.f32 v2, v2;
	_ =	sdelay $0x1  }
0xcf: {  	v2 =	vadd.f32 v2, v62;
	_ =	sdelay $0x1  }
0xd0: {  	[tilespmem:s24+$0x20] =	vst v2  }
0xd1: {  	v2 =	vld [tilespmem:$0xF0]  }
0xd2: {  	v3 =	vld [tilespmem:$0x70];
	_ =	sdelay $0x6  }
0xd3: {  	v2 =	vld.idx.msk [tilespmem:v2+s17+$0x0], $0xffff  }
0xd4: {  	v3 =	vld.idx.msk [tilespmem:v3+s17+$0x0], $0xffff;
	_ =	sdelay $0x3  }
0xd5: {  	v63 =	vld [tilespmem:s24+$0x30]  }
0xd6: {  	v2 =	vsub.f32 v2, v3;
	_ =	sdelay $0x1  }
.Ltmp8:
0xd7: {  	v2 =	vmul.f32 v2, v2;
	(pc) =	sbr.rel .LBB2_10-.Ltmp8, $3  }
0xd8: {  	_ = 	snop  }
0xd9: {  	v2 =	vadd.f32 v2, v63;
	_ =	sdelay $0x1  }
0xda: {  	[tilespmem:s24+$0x30] =	vst v2  }
.LBB2_11:
.Ltmp9:
0xdb: {  	s23 =	simm.s32 $0x0;
	(pc) =	sbr.rel .LBB2_12-.Ltmp9, $4  }
0xdc: {  	[tilespmem:s17], [sflag:$0x1] =	stream.linear.gather [hbm4b:s6+s23], $0xC380, $0x38;
	[tilespmem:$0x13FB8] =	vst v63  }
0xdd: {  	_ =	swait.ge [sflag:s18], $0xC380  }
0xde: {  	s24 =	simm.s32 $0xC4C0;
	[sflag:s18] =	ssyncset.done $0x0  }
0xdf: {  	s25 =	smov.u32 s15;
	s26 =	smov.u32 s14;
	[sflag:s18] =	ssyncadd.s32 $0xFFFF3C80  }
.LBB2_14:
0xe0: {  	s23 =	sadd.s32 $0x1, s23  }
0xe1: {  	p1 =	sne.s32 s23, $0xC4  }
.Ltmp10:
0xe2: {  	_ = 	snop;
	(pc) =	sbr.rel @!p1 .LBB2_15-.Ltmp10, $2  }
0xe3: {  	_ =	sdelay $0x2  }
0xe4: {  	s26 =	sadd.s32 $0x10, s26;
	s25 =	sadd.s32 $0x10, s25;
	s24 =	sadd.s32 $0x80, s24  }
.LBB2_12:
0xe5: {  	p1 =	sge.u32 s23, s9  }
.Ltmp11:
0xe6: {  	_ = 	snop;
	(pc) =	sbr.rel @p1 .LBB2_14-.Ltmp11, $1  }
0xe7: {  	_ =	sdelay $0x3  }
0xe8: {  	[tilespmem:s3], [sflag:$0x1] =	stream.linear.gather [hbm4b:s26+s3], $0x80, $0x38;
	[tilespmem:$0x13FB8] =	vst v63  }
0xe9: {  	_ =	swait.ge [sflag:s18], $0x80  }
0xea: {  	[sflag:s18] =	ssyncset.done $0x0  }
0xeb: {  	[sflag:s18] =	ssyncadd.s32 $0xFFFFFF80  }
0xec: {  	[tilespmem:s20], [sflag:$0x1] =	stream.linear.gather [hbm4b:s25+s3], $0x80, $0x38;
	[tilespmem:$0x13FB8] =	vst v63  }
0xed: {  	_ =	swait.ge [sflag:s18], $0x80  }
0xee: {  	[sflag:s18] =	ssyncset.done $0x0  }
0xef: {  	[sflag:s18] =	ssyncadd.s32 $0xFFFFFF80  }
0xf0: {  	v2 =	vld [tilespmem:$0x80]  }
0xf1: {  	v3 =	vld [tilespmem:$0x0];
	_ =	sdelay $0x6  }
0xf2: {  	v2 =	vld.idx.msk [tilespmem:v2+s17+$0x0], $0xffff  }
0xf3: {  	v3 =	vld.idx.msk [tilespmem:v3+s17+$0x0], $0xffff;
	_ =	sdelay $0x3  }
0xf4: {  	v4 =	vld [tilespmem:s24+$0xFFFFFFC0]  }
0xf5: {  	v2 =	vsub.f32 v2, v3;
	_ =	sdelay $0x1  }
0xf6: {  	v2 =	vmul.f32 v2, v2;
	_ =	sdelay $0x1  }
0xf7: {  	v2 =	vadd.f32 v2, v4;
	_ =	sdelay $0x1  }
0xf8: {  	[tilespmem:s24+$0xFFFFFFC0] =	vst v2  }
0xf9: {  	v2 =	vld [tilespmem:$0x90]  }
0xfa: {  	v3 =	vld [tilespmem:$0x10];
	_ =	sdelay $0x6  }
0xfb: {  	v2 =	vld.idx.msk [tilespmem:v2+s17+$0x0], $0xffff  }
0xfc: {  	v3 =	vld.idx.msk [tilespmem:v3+s17+$0x0], $0xffff;
	_ =	sdelay $0x3  }
0xfd: {  	v57 =	vld [tilespmem:s24+$0xFFFFFFD0]  }
0xfe: {  	v2 =	vsub.f32 v2, v3;
	_ =	sdelay $0x1  }
0xff: {  	v2 =	vmul.f32 v2, v2;
	_ =	sdelay $0x1  }
0x100: {  	v2 =	vadd.f32 v2, v57;
	_ =	sdelay $0x1  }
0x101: {  	[tilespmem:s24+$0xFFFFFFD0] =	vst v2  }
0x102: {  	v2 =	vld [tilespmem:$0xA0]  }
0x103: {  	v3 =	vld [tilespmem:$0x20];
	_ =	sdelay $0x6  }
0x104: {  	v2 =	vld.idx.msk [tilespmem:v2+s17+$0x0], $0xffff  }
0x105: {  	v3 =	vld.idx.msk [tilespmem:v3+s17+$0x0], $0xffff;
	_ =	sdelay $0x3  }
0x106: {  	v58 =	vld [tilespmem:s24+$0xFFFFFFE0]  }
0x107: {  	v2 =	vsub.f32 v2, v3;
	_ =	sdelay $0x1  }
0x108: {  	v2 =	vmul.f32 v2, v2;
	_ =	sdelay $0x1  }
0x109: {  	v2 =	vadd.f32 v2, v58;
	_ =	sdelay $0x1  }
0x10a: {  	[tilespmem:s24+$0xFFFFFFE0] =	vst v2  }
0x10b: {  	v2 =	vld [tilespmem:$0xB0]  }
0x10c: {  	v3 =	vld [tilespmem:$0x30];
	_ =	sdelay $0x6  }
0x10d: {  	v2 =	vld.idx.msk [tilespmem:v2+s17+$0x0], $0xffff  }
0x10e: {  	v3 =	vld.idx.msk [tilespmem:v3+s17+$0x0], $0xffff;
	_ =	sdelay $0x3  }
0x10f: {  	v59 =	vld [tilespmem:s24+$0xFFFFFFF0]  }
0x110: {  	v2 =	vsub.f32 v2, v3;
	_ =	sdelay $0x1  }
0x111: {  	v2 =	vmul.f32 v2, v2;
	_ =	sdelay $0x1  }
0x112: {  	v2 =	vadd.f32 v2, v59;
	_ =	sdelay $0x1  }
0x113: {  	[tilespmem:s24+$0xFFFFFFF0] =	vst v2  }
0x114: {  	v2 =	vld [tilespmem:$0xC0]  }
0x115: {  	v3 =	vld [tilespmem:$0x40];
	_ =	sdelay $0x6  }
0x116: {  	v2 =	vld.idx.msk [tilespmem:v2+s17+$0x0], $0xffff  }
0x117: {  	v3 =	vld.idx.msk [tilespmem:v3+s17+$0x0], $0xffff;
	_ =	sdelay $0x3  }
0x118: {  	v60 =	vld [tilespmem:s24+$0x0]  }
0x119: {  	v2 =	vsub.f32 v2, v3;
	_ =	sdelay $0x1  }
0x11a: {  	v2 =	vmul.f32 v2, v2;
	_ =	sdelay $0x1  }
0x11b: {  	v2 =	vadd.f32 v2, v60;
	_ =	sdelay $0x1  }
0x11c: {  	[tilespmem:s24+$0x0] =	vst v2  }
0x11d: {  	v2 =	vld [tilespmem:$0xD0]  }
0x11e: {  	v3 =	vld [tilespmem:$0x50];
	_ =	sdelay $0x6  }
0x11f: {  	v2 =	vld.idx.msk [tilespmem:v2+s17+$0x0], $0xffff  }
0x120: {  	v3 =	vld.idx.msk [tilespmem:v3+s17+$0x0], $0xffff;
	_ =	sdelay $0x3  }
0x121: {  	v61 =	vld [tilespmem:s24+$0x10]  }
0x122: {  	v2 =	vsub.f32 v2, v3;
	_ =	sdelay $0x1  }
0x123: {  	v2 =	vmul.f32 v2, v2;
	_ =	sdelay $0x1  }
0x124: {  	v2 =	vadd.f32 v2, v61;
	_ =	sdelay $0x1  }
0x125: {  	[tilespmem:s24+$0x10] =	vst v2  }
0x126: {  	v2 =	vld [tilespmem:$0xE0]  }
0x127: {  	v3 =	vld [tilespmem:$0x60];
	_ =	sdelay $0x6  }
0x128: {  	v2 =	vld.idx.msk [tilespmem:v2+s17+$0x0], $0xffff  }
0x129: {  	v3 =	vld.idx.msk [tilespmem:v3+s17+$0x0], $0xffff;
	_ =	sdelay $0x3  }
0x12a: {  	v62 =	vld [tilespmem:s24+$0x20]  }
0x12b: {  	v2 =	vsub.f32 v2, v3;
	_ =	sdelay $0x1  }
0x12c: {  	v2 =	vmul.f32 v2, v2;
	_ =	sdelay $0x1  }
0x12d: {  	v2 =	vadd.f32 v2, v62;
	_ =	sdelay $0x1  }
0x12e: {  	[tilespmem:s24+$0x20] =	vst v2  }
0x12f: {  	v2 =	vld [tilespmem:$0xF0]  }
0x130: {  	v3 =	vld [tilespmem:$0x70];
	_ =	sdelay $0x6  }
0x131: {  	v2 =	vld.idx.msk [tilespmem:v2+s17+$0x0], $0xffff  }
0x132: {  	v3 =	vld.idx.msk [tilespmem:v3+s17+$0x0], $0xffff;
	_ =	sdelay $0x3  }
0x133: {  	v63 =	vld [tilespmem:s24+$0x30]  }
0x134: {  	v2 =	vsub.f32 v2, v3;
	_ =	sdelay $0x1  }
.Ltmp12:
0x135: {  	v2 =	vmul.f32 v2, v2;
	(pc) =	sbr.rel .LBB2_14-.Ltmp12, $3  }
0x136: {  	_ = 	snop  }
0x137: {  	v2 =	vadd.f32 v2, v63;
	_ =	sdelay $0x1  }
0x138: {  	[tilespmem:s24+$0x30] =	vst v2  }
.LBB2_15:
0x139: {  	p1 =	sle.u32 s9, $0x0  }
0x13a: {  	s23 =	simm.s32 $0xC480;
	s24 =	simm.s32 @!p1 $0x0;
	s26 =	simm.s32 @!p1 $0x1  }
0x13b: {  	[hbm4b:s16+s24] =	stream.linear.scatter @!p1 [tilespmem:s23], [sflag:$0x1], $0x80, $0x38;
	[tilespmem:$0x13FB8] =	vst v63  }
0x13c: {  	s25 =	smov.u32 s16;
	_ =	swait.ge @!p1 [sflag:s26], $0x80  }
0x13d: {  	s23 =	simm.s32 $0x1;
	s24 =	simm.s32 $0xC500;
	[sflag:s26] =	ssyncset.done @!p1 $0x0  }
.LBB2_16:
0x13e: {  	[sflag:s26] =	ssyncadd.s32 @!p1 $0xFFFFFF80;
	s26 =	smov.u32 s23;
	s23 =	sadd.s32 $0x1, s23  }
0x13f: {  	s25 =	sadd.s32 $0x10, s25;
	p2 =	sne.s32 s23, $0xC4  }
.Ltmp13:
0x140: {  	p1 =	sge.u32 s26, s9;
	(pc) =	sbr.rel @p2 .LBB2_16-.Ltmp13, $4  }
0x141: {  	s28 =	simm.s32 @!p1 $0x0;
	s26 =	simm.s32 @!p1 $0x1  }
0x142: {  	[hbm4b:s25+s28] =	stream.linear.scatter @!p1 [tilespmem:s24], [sflag:$0x1], $0x80, $0x38;
	[tilespmem:$0x13FB8] =	vst v63  }
0x143: {  	_ =	swait.ge @!p1 [sflag:s26], $0x80  }
0x144: {  	s24 =	sadd.s32 $0x80, s24;
	[sflag:s26] =	ssyncset.done @!p1 $0x0  }
0x145: {  	[sflag:s26] =	ssyncadd.s32 @!p1 $0xFFFFFF80  }
0x146: {  	s23 =	simm.s32 @p0 $0xC480;
	s24 =	simm.s32 @p0 $0x1;
	[bflag:$0x0] =	sbarrier.arrive $0xFFFF  }
0x147: {  	[tilespmem:s23], [sflag:$0x1] =	stream.linear.gather @p0 [spmem:s8], $0xC08, $0x38;
	[tilespmem:$0x13FB8] =	vst v63  }
0x148: {  	_ =	swait.ge @p0 [sflag:s24], $0xC08  }
0x149: {  	[sflag:s24] =	ssyncset.done @p0 $0x0  }
0x14a: {  	s25 =	simm.s32 @p0 $0x0;
	[sflag:s24] =	ssyncadd.s32 @p0 $0xFFFFF3F8  }
0x14b: {  	[hbm4b:s12+s25] =	stream.linear.scatter @p0 [tilespmem:s23], [sflag:$0x1], $0xC08, $0x38;
	[tilespmem:$0x13FB8] =	vst v63  }
0x14c: {  	_ =	swait.ge @p0 [sflag:s24], $0xC08  }
0x14d: {  	[sflag:s24] =	ssyncset.done @p0 $0x0  }
0x14e: {  	s23 =	simm.s32 @!p0 $0xC480;
	[sflag:s24] =	ssyncadd.s32 @p0 $0xFFFFF3F8;
	s24 =	simm.s32 @!p0 $0x1  }
0x14f: {  	[tilespmem:s23], [sflag:$0x1] =	stream.linear.gather @!p0 [spmem:s10], $0xC38, $0x38;
	[tilespmem:$0x13FB8] =	vst v63  }
0x150: {  	s22 =	sadd.s32 $0x1, s22;
	_ =	swait.ge @!p0 [sflag:s24], $0xC38  }
0x151: {  	p1 =	sne.s32 s22, s13;
	[sflag:s24] =	ssyncset.done @!p0 $0x0  }
.Ltmp14:
0x152: {  	s25 =	simm.s32 @!p0 $0x0;
	[sflag:s24] =	ssyncadd.s32 @!p0 $0xFFFFF3C8;
	(pc) =	sbr.rel @p1 .LBB2_1-.Ltmp14, $4  }
0x153: {  	[hbm4b:s11+s25] =	stream.linear.scatter @!p0 [tilespmem:s23], [sflag:$0x1], $0xC38, $0x38;
	[tilespmem:$0x13FB8] =	vst v63  }
0x154: {  	_ =	swait.ge @!p0 [sflag:s24], $0xC38  }
0x155: {  	[sflag:s24] =	ssyncset.done @!p0 $0x0  }
0x156: {  	[sflag:s24] =	ssyncadd.s32 @!p0 $0xFFFFF3C8  }
0x157: {  	_ =	sfence.sel $0x180000  }
0x158: {  	[bflag:$0x0] =	sbarrier.arrive $0xFFFF  }
0x159: {  	p0 =	sne.s32 s0, $0x0;
	_ =	strace $0x90000047  }
0x15a: {  	s0 =	sadd.s32 @!p0 $0x100000, s1;
	[bflag:$0x2] =	sbarrier.arrive $0xFFFF  }
0x15b: {  	[sflag:s0] =	ssyncadd.tile.s32 @!p0 $0x1;
	_ =	shalt  }
.Lfunc_end2:
_tile_overlayer_lowered:
.L_overlay_start_2:
0x15c: {  	(tag) =	ssettag $0x2  }
0x15d: {  	s0 =	rddreg [dreg:$0x0];
	s2 =	stileid.u32  }
0x15e: {  	s1 =	rddreg [dreg:$0x1];
	p0 =	sne.s32 s2, $0x0  }
0x15f: {  	s3 =	rddreg [dreg:$0x2];
	[bflag:$0x3] =	sbarrier.arrive $0xFFFF;
	s2 =	simm.s32 @!p0 $0x1C01  }
0x160: {  	[timem:s3], [sflag:s2] =	dma.local @!p0 [hbm:s0], s1  }
0x161: {  	s0 =	simm.s32 @!p0 $0x1  }
0x162: {  	_ =	swait.ge @!p0 [sflag:s0], s1  }
0x163: {  	s1 =	ssub.s32 @!p0 $0x0, s1;
	[sflag:s0] =	ssyncset.done @!p0 $0x0  }
0x164: {  	[sflag:s0] =	ssyncadd.s32 @!p0 s1  }
0x165: {  	[bflag:$0x3] =	sbarrier.arrive $0xFFFF  }
0x166: {  	_ =	shalt  }

// kernel: kernel.14.cloned.1.call-start
scs
__scs_entry_jumppad:
0x0: {  	(pc) =	sbr.rel $0x88, $3  }
0x1: {  	(tag) =	ssettag $0x0;
	lr =	simm.s32 $0x1  }
0x2: {  	[smem:$0x3F8D] =	sst lr;
	_ =	strace $0xD0000000  }
0x3: {  	_ = 	snop  }
0x4: {  	_ = 	snop  }
0x5: {  	_ = 	snop  }
0x6: {  	_ = 	snop  }
0x7: {  	_ = 	snop  }
__scs_overlays_trampoline_lowered:
0x8: {  	[smem:$0x3F9C] =	sst s0  }
0x9: {  	[smem:$0x3F9D] =	sst s1  }
0xa: {  	[smem:$0x3F9E] =	sst s2  }
0xb: {  	[smem:$0x3F9F] =	sst s3  }
0xc: {  	[smem:$0x3FA0] =	sst s4  }
0xd: {  	[smem:$0x3FA1] =	sst s5  }
0xe: {  	[smem:$0x3FA2] =	sst s6  }
0xf: {  	[smem:$0x3FA3] =	sst s7  }
0x10: {  	[smem:$0x3FA4] =	sst s8  }
0x11: {  	[smem:$0x3FA5] =	sst s9;
	s0 =	simm.s32 @!p0 $0x0  }
0x12: {  	s1 =	sld [smem:$0x3F8B];
	s0 =	simm.s32 @p0 $0x1  }
0x13: {  	[smem:$0x3FA6] =	sst s0;
	s0 =	simm.s32 @!p1 $0x0  }
0x14: {  	s2 =	sld [smem:$0x3F8A];
	s0 =	simm.s32 @p1 $0x1  }
0x15: {  	[smem:$0x3FA7] =	sst s0;
	s0 =	simm.s32 @!p2 $0x0  }
0x16: {  	s3 =	sld [smem:$0x3FDB];
	s0 =	simm.s32 @p2 $0x1  }
0x17: {  	s4 =	simm.s32 $0x1BF5;
	[smem:$0x3FA9] =	sst s0  }
0x18: {  	s0 =	sld [smem:$0x3F8C];
	_ =	swait.ge [sflag:s4], $0x0  }
0x19: {  	s7 =	sld [smem:$0x3F8D]  }
0x1a: {  	s8 =	sadd.s32 $0xFFFFE003, lr  }
0x1b: {  	s9 =	sadd.s32 $0xFFFFFEF7, lr;
	s5 =	simm.s32 $0xFFFFFFFF;
	p2 =	slt.u32 s8, $0xFFFFF086  }
0x1c: {  	p1 =	slt.u32 s9, $0xF7A;
	s5 =	simm.s32 @!p2 $0x0  }
0x1d: {  	s5 =	simm.s32 @p1 $0x1;
	p0 =	seq.s32 s7, s2  }
0x1e: {  	s7 =	smul.u32 @!p0 $0xF7A, s2;
	p2 =	seq.s32 @!p0 s5, $0x0  }
0x1f: {  	s9 =	smul.u32 $0xF7A, s1;
	s8 =	simm.s32 @!p0 $0x1BF5;
	p2 =	por !p2, p0  }
0x20: {  	[sflag:s8] =	ssyncset.s32 @!p0 $0xFFFFF086;
	s6 =	sadd.s32 @!p0 s3, s7;
	s7 =	simm.s32 @!p0 $0x108  }
0x21: {  	s3 =	sadd.s32 s3, s9;
	s6 =	sadd.s32 @!p0 $0x88, s6;
	s7 =	simm.s32 @p2 $0x1082  }
0x22: {  	[simem:s7], [sflag:s8] =	dma.local @!p0 [hbm:s6], $0xF7A  }
0x23: {  	s9 =	sor.u32 $0xD0000000, s2;
	s6 =	simm.s32 $0x108;
	_ =	swait.ge @!p0 [sflag:s8], $0x0  }
0x24: {  	s3 =	sadd.s32 $0x88, s3;
	s6 =	simm.s32 @!p1 $0x1082;
	[sflag:s4] =	ssyncset.s32 $0xFFFFF086  }
0x25: {  	[simem:s6], [sflag:s4] =	dma.local [hbm:s3], $0xF7A  }
0x26: {  	[smem:$0x3F8D] =	sst s1;
	(tag) =	ssettag s2;
	_ =	strace s9  }
0x27: {  	s1 =	sld [smem:$0x3F9D]  }
0x28: {  	s2 =	sld [smem:$0x3F9E]  }
0x29: {  	s4 =	sld [smem:$0x3FA0]  }
0x2a: {  	p0 =	seq.s32 s5, $0x0;
	s5 =	sld [smem:$0x3FA1]  }
0x2b: {  	s6 =	sld [smem:$0x3FA2]  }
0x2c: {  	s7 =	sld [smem:$0x3FA3]  }
0x2d: {  	s3 =	simm.s32 $0x108;
	s8 =	sld [smem:$0x3FA4]  }
0x2e: {  	s3 =	simm.s32 @!p0 $0x1082;
	s9 =	sld [smem:$0x3FA5]  }
0x2f: {  	lr =	sadd.s32 s0, s3;
	s0 =	sld [smem:$0x3F9C]  }
0x30: {  	s3 =	sld [smem:$0x3F9F]  }
0x31: {  	[smem:$0x3FA8] =	sst s10  }
0x32: {  	s10 =	sld [smem:$0x3FA6];
	_ =	sdelay $0x3  }
0x33: {  	p0 =	seq.s32 s10, $0x1;
	s10 =	sld [smem:$0x3FA8];
	_ =	sdelay $0x3  }
0x34: {  	[smem:$0x3FA8] =	sst s10  }
0x35: {  	s10 =	sld [smem:$0x3FA7];
	_ =	sdelay $0x3  }
0x36: {  	p1 =	seq.s32 s10, $0x1;
	s10 =	sld [smem:$0x3FA8];
	_ =	sdelay $0x3  }
0x37: {  	[smem:$0x3FA8] =	sst s10  }
0x38: {  	s10 =	sld [smem:$0x3FA9]  }
0x39: {  	_ = 	snop;
	(pc) =	sbr.ind lr, $3  }
0x3a: {  	_ = 	snop  }
0x3b: {  	_ = 	snop  }
0x3c: {  	p2 =	seq.s32 s10, $0x1;
	s10 =	sld [smem:$0x3FA8]  }
0x3d: {  	_ =	shalt  }
0x3e: {  	_ =	shalt  }
0x3f: {  	_ =	shalt  }
0x40: {  	_ =	shalt  }
0x41: {  	_ =	shalt  }
0x42: {  	_ =	shalt  }
0x43: {  	_ =	shalt  }
0x44: {  	_ =	shalt  }
0x45: {  	_ =	shalt  }
0x46: {  	_ =	shalt  }
0x47: {  	_ =	shalt  }
0x48: {  	_ =	shalt  }
0x49: {  	_ =	shalt  }
0x4a: {  	_ =	shalt  }
0x4b: {  	_ =	shalt  }
0x4c: {  	_ =	shalt  }
0x4d: {  	_ =	shalt  }
0x4e: {  	_ =	shalt  }
0x4f: {  	_ =	shalt  }
0x50: {  	_ =	shalt  }
0x51: {  	_ =	shalt  }
0x52: {  	_ =	shalt  }
0x53: {  	_ =	shalt  }
0x54: {  	_ =	shalt  }
0x55: {  	_ =	shalt  }
0x56: {  	_ =	shalt  }
0x57: {  	_ =	shalt  }
0x58: {  	_ =	shalt  }
0x59: {  	_ =	shalt  }
0x5a: {  	_ =	shalt  }
0x5b: {  	_ =	shalt  }
0x5c: {  	_ =	shalt  }
0x5d: {  	_ =	shalt  }
0x5e: {  	_ =	shalt  }
0x5f: {  	_ =	shalt  }
0x60: {  	_ =	shalt  }
0x61: {  	_ =	shalt  }
0x62: {  	_ =	shalt  }
0x63: {  	_ =	shalt  }
0x64: {  	_ =	shalt  }
0x65: {  	_ =	shalt  }
0x66: {  	_ =	shalt  }
0x67: {  	_ =	shalt  }
0x68: {  	_ =	shalt  }
0x69: {  	_ =	shalt  }
0x6a: {  	_ =	shalt  }
0x6b: {  	_ =	shalt  }
0x6c: {  	_ =	shalt  }
0x6d: {  	_ =	shalt  }
0x6e: {  	_ =	shalt  }
0x6f: {  	_ =	shalt  }
0x70: {  	_ =	shalt  }
0x71: {  	_ =	shalt  }
0x72: {  	_ =	shalt  }
0x73: {  	_ =	shalt  }
0x74: {  	_ =	shalt  }
0x75: {  	_ =	shalt  }
0x76: {  	_ =	shalt  }
0x77: {  	_ =	shalt  }
0x78: {  	_ =	shalt  }
0x79: {  	_ =	shalt  }
0x7a: {  	_ =	shalt  }
0x7b: {  	_ =	shalt  }
0x7c: {  	_ =	shalt  }
0x7d: {  	_ =	shalt  }
0x7e: {  	_ =	shalt  }
0x7f: {  	_ =	shalt  }
0x80: {  	_ =	shalt  }
0x81: {  	_ =	shalt  }
0x82: {  	_ =	shalt  }
0x83: {  	_ =	shalt  }
0x84: {  	_ =	shalt  }
0x85: {  	_ =	shalt  }
0x86: {  	_ =	shalt  }
0x87: {  	_ =	shalt  }
.Lfunc_end0:
.L_simem_size_0:
called_computation.1_lowered:
.L_overlay_start_0:
0x88: {  	s2 =	sld [smem:$0x3FD9]  }
0x89: {  	s3 =	sld [smem:$0x3FFE];
	_ =	sdelay $0x1  }
0x8a: {  	s1 =	srdreg.scid  }
0x8b: {  	s0 =	sand.u32 $0x1, s1  }
0x8c: {  	s16 =	sshll.u32 s0, $0xA;
	s2 =	sadd.s32 s3, s2  }
0x8d: {  	s2 =	sadd.s32 s2, s16  }
0x8e: {  	[smem:$0x3FB4] =	sst s2  }
0x8f: {  	_ = 	snop  }
0x90: {  	(tm) =	ssettm $0x1  }
0x91: {  	s17 =	sld [smem:$0x3FFB];
	_ =	sdelay $0x3  }
0x92: {  	_ =	strace s17  }
0x93: {  	s2 =	sld [smem:$0x3FFC];
	_ =	sdelay $0x3  }
0x94: {  	_ =	strace s2  }
0x95: {  	s2 =	sld [smem:$0x3FFD];
	_ =	sdelay $0x3  }
0x96: {  	_ =	strace s2  }
0x97: {  	_ =	strace $0x8FFFFFFF  }
0x98: {  	s18 =	sld [smem:$0x3FDB];
	_ =	sdelay $0x1  }
0x99: {  	s19 =	simm.s32 $_scs_section_size  }
0x9a: {  	s4 =	simm.s32 $_size__tile_overlayer_lowered;
	s5 =	simm.s32 $_tile_overlayer_lowered  }
0x9b: {  	s22 =	simm.s32 $0x1BFF;
	s21 =	sshll.u32 s5, $0x1;
	s2 =	sadd.s32 s19, s18  }
0x9c: {  	s6 =	simm.s32 $0x0;
	s20 =	sshll.u32 s4, $0x1;
	s4 =	sadd.s32 s21, s2  }
0x9d: {  	[timem:s6], [sflag:s22] =	dma.local [hbm:s4], s20  }
0x9e: {  	_ =	swait.ge [sflag:s22], s20  }
0x9f: {  	s3 =	ssub.s32 $0x0, s20;
	[sflag:s22] =	ssyncset.done $0x0  }
0xa0: {  	[sflag:s22] =	ssyncadd.s32 s3;
	_ =	sdelay $0x1  }
0xa1: {  	s23 =	simm.s32 $0x1B8B  }
0xa2: {  	_ =	swait.ge [sflag:s23], $0x1  }
0xa3: {  	[sflag:s23] =	ssyncset.done $0x0  }
0xa4: {  	s25 =	simm.s32 $0x1B8E;
	s24 =	sld [smem:$0x3FFE];
	[sflag:s23] =	ssyncadd.s32 $0xFFFFFFFF  }
0xa5: {  	s26 =	simm.s32 $execute0_lowered;
	[smem:$0x3FD2] =	sst s25  }
0xa6: {  	s4 =	sshll.u32 s26, $0x1;
	_ =	strace $0x80000049;
	[dreg:$0x1] =	wrdreg $0xFFFFFFFF  }
0xa7: {  	s28 =	simm.s32 $_size_execute0_lowered;
	s2 =	sadd.s32 s2, s4;
	[dreg:$0x0] =	wrdreg $0x0  }
0xa8: {  	s4 =	sshll.u32 s28, $0x1;
	[dreg:$0x2] =	wrdreg s2  }
0xa9: {  	[dreg:$0x3] =	wrdreg s4  }
0xaa: {  	[dreg:$0x4] =	wrdreg $0xC0  }
0xab: {  	_ =	task [dreg:s6], $0x5FFFF  }
0xac: {  	[dreg:$0x1] =	wrdreg $0xFFFFFFFF  }
0xad: {  	[dreg:$0x0] =	wrdreg $0x60  }
0xae: {  	[dreg:$0x2] =	wrdreg s24  }
0xaf: {  	[dreg:$0x3] =	wrdreg $0x5C400  }
0xb0: {  	[dreg:$0x4] =	wrdreg $0x9  }
0xb1: {  	_ =	task.clear_ibuf [dreg:s6], $0x5FFFF;
	_ =	strace $0x90000049  }
0xb2: {  	s29 =	simm.s32 $0x9;
	_ =	strace $0x8000004B  }
0xb3: {  	_ =	swait.ge [sflag:s29], $0x1  }
0xb4: {  	[sflag:s29] =	ssyncadd.s32 $0xFFFFFFFF  }
0xb5: {  	_ =	strace $0x9000004B  }
0xb6: {  	_ =	sfence  }
0xb7: {  	s30 =	sld [smem:$0x0];
	_ =	sdelay $0x2  }
0xb8: {  	s31 =	sshll.u32 s1, $0xD;
	s1 =	sshrl.u32 s1, $0x2  }
0xb9: {  	s3 =	sand.u32 $0x4000, s31;
	s1 =	sadd.s32 s1, s30  }
0xba: {  	s0 =	sor.u32 s3, s0;
	s1 =	sshll.u32 s1, $0x11  }
0xbb: {  	s0 =	sor.u32 s1, s0  }
0xbc: {  	s0 =	sadd.s32 $0x8F2B, s0  }
0xbd: {  	[sflag:s0] =	ssyncadd.remote.s32 $0x1  }
0xbe: {  	_ =	sfence.sel $0xFFFF  }
0xbf: {  	[dreg:$0x0] =	wrdreg $0xFFFFFFFF;
	(pc) =	sbr.abs _section_cstart, $3  }
0xc0: {  	[dreg:$0x1] =	wrdreg $0xFFFFFFFF  }
0xc1: {  	_ =	task.clear_ibuf [dreg:s6], $0x2FFFF;
	_ =	strace $0x9FFFFFFF  }
0xc2: {  	(tm) =	ssettm $0x7FFFFFFF  }
0xc3: {  	_ =	shalt  }
tec
execute0_lowered:
.L_overlay_start_1:
0x0: {  	(tag) =	ssettag $0x1  }
0x1: {  	s0 =	rddreg [dreg:$0x0]  }
0x2: {  	s1 =	rddreg [dreg:$0x1];
	s2 =	simm.s32 $0x0  }
0x3: {  	s3 =	srdreg.scid;
	s17 =	stileid.u32;
	s14 =	simm.s32 $0x186  }
0x4: {  	s28 =	simm.s32 $0x4540;
	s29 =	simm.s32 $0x7;
	s31 =	simm.s32 $0x80  }
0x5: {  	[smem:$0x7FF] =	sst s2;
	s3 =	sand.u32 $0x1, s3;
	s4 =	sadd.s32 $0x56C00, s0  }
0x6: {  	s5 =	sadd.s32 $0x427600, s0;
	s9 =	smul.u32 $0x61C00, s17;
	s7 =	sadd.s32 $0x3A00, s0  }
0x7: {  	s8 =	sadd.s32 $0x3CA00, s0;
	s25 =	smul.u32 $0x186, s17;
	s13 =	sadd.s32 $0x186900, s1  }
0x8: {  	s26 =	smin.u32 s17, $0xA;
	p0 =	sgt.u32 s17, $0x9;
	s30 =	smul.u32 $0xC38, s17  }
0x9: {  	s22 =	smul.u32 $0x30E0, s17;
	p1 =	seq.s32 s17, $0xF;
	p2 =	sne.s32 s17, $0xF  }
0xa: {  	_ =	strace $0x8000004A;
	s6 =	sshll.u32 s3, $0x2;
	s16 =	smul.u32 $0xC350, s3  }
0xb: {  	s11 =	ssub.s32 $0x2, s3;
	[dreg:$0x4] =	wrdreg s13;
	s19 =	smul.u32 $0x186A00, s3  }
0xc: {  	s14 =	simm.s32 @!p0 $0x187;
	s3 =	smul.u32 $0x30D40, s3;
	s10 =	sadd.s32 s6, s0  }
0xd: {  	s6 =	sadd.s32 $0x1C200, s0;
	s0 =	sadd.s32 $0xB8E00, s0;
	s9 =	sshrl.u32 s9, $0x2  }
0xe: {  	s12 =	sshrl.u32 s11, $0x1;
	s13 =	sadd.s32 s26, s25;
	s9 =	sadd.s32 s9, s1  }
0xf: {  	s11 =	ssub.s32 s11, s12;
	s10 =	sadd.s32 $0xB8800, s10;
	s20 =	sadd.s32 s30, s16  }
0x10: {  	s21 =	sshrl.u32 s19, $0x3;
	s30 =	sadd.s32 $0x186000, s1;
	[dreg:$0x5] =	wrdreg s10  }
0x11: {  	v0 =	vmov s16;
	s16 =	simm.s32 $0x4D40;
	s24 =	sadd.s32 $0x18000, s9;
	[dreg:$0xd] =	wrdreg s30  }
0x12: {  	s10 =	sshll.u32 s13, $0x4;
	s23 =	sadd.s32 $0x18600, s9;
	[dreg:$0x3] =	wrdreg s24  }
0x13: {  	s12 =	sadd.s32 s0, s21;
	s26 =	smax.u32 s11, $0x1;
	[dreg:$0x9] =	wrdreg s23  }
0x14: {  	s21 =	simm.s32 $0x4;
	s15 =	sadd.s32 s6, s10;
	[dreg:$0xc] =	wrdreg s26  }
0x15: {  	s11 =	simm.s32 $0x0;
	s18 =	sadd.s32 s7, s10;
	[dreg:$0x6] =	wrdreg s15  }
0x16: {  	s10 =	sadd.s32 s8, s10;
	s25 =	sadd.s32 $0x30C00, s12;
	[dreg:$0x7] =	wrdreg s18  }
0x17: {  	s26 =	sadd.s32 $0x16E900, s1;
	s12 =	simm.s32 $0x3;
	[dreg:$0x8] =	wrdreg s10  }
.Ltmp0:
0x18: {  	s18 =	sadd.s32 $0xFFFFFFFF, s14;
	s10 =	sshll.u32 s20, $0x2;
	(pc) =	sbr.rel .LBB2_1-.Ltmp0, $4  }
0x19: {  	[dreg:$0xb] =	wrdreg s25;
	s25 =	simm.s32 $0x1;
	s20 =	simm.s32 $0x2520  }
0x1a: {  	s15 =	simm.s32 $0x2;
	s10 =	sadd.s32 s10, s0;
	s0 =	sadd.s32 s3, s0  }
0x1b: {  	s24 =	sadd.s32 $0x30C0, s10;
	s23 =	sadd.s32 s22, s0;
	s10 =	simm.s32 $0x290  }
0x1c: {  	v1 =	vimm.f32 $0.0e+00;
	[dreg:$0xa] =	wrdreg s24;
	s24 =	sadd.s32 $0x2DD20, s0;
	s0 =	simm.s32 $0x5  }
.LBB2_32:
0x1d: {  	[sflag:s29] =	ssyncadd.s32 $0xFFFFF100;
	s3 =	rddreg [dreg:$0xd]  }
0x1e: {  	[tilespmem:s16], [sflag:$0x7] =	stream.linear.gather [spmem:s3], $0xA00, $0x38;
	[tilespmem:$0x1E2E0] =	vst v63  }
0x1f: {  	_ =	swait.ge [sflag:s29], $0xA00  }
0x20: {  	[sflag:s29] =	ssyncset.done $0x0  }
0x21: {  	s30 =	rddreg [dreg:$0xb];
	[sflag:s29] =	ssyncadd.s32 $0xFFFFF600  }
0x22: {  	[hbm4b:s30+s2] =	stream.linear.scatter [tilespmem:s16], [sflag:$0x7], $0xA00, $0x38;
	[tilespmem:$0x1E2E0] =	vst v63  }
0x23: {  	_ =	swait.ge [sflag:s29], $0xA00  }
0x24: {  	[sflag:s29] =	ssyncset.done $0x0  }
0x25: {  	s11 =	rddreg [dreg:$0xe];
	[sflag:s29] =	ssyncadd.s32 $0xFFFFF600  }
.LBB2_33:
0x26: {  	s11 =	sadd.s32 $0x1, s11;
	s3 =	rddreg [dreg:$0xc]  }
0x27: {  	p3 =	sne.s32 s11, s3  }
.Ltmp1:
0x28: {  	_ = 	snop;
	(pc) =	sbr.rel @!p3 .LBB2_34-.Ltmp1, $1  }
0x29: {  	_ =	sdelay $0x3  }
.LBB2_1:
0x2a: {  	[dreg:$0xe] =	wrdreg s11;
	s3 =	simm.s32 $0x80;
	s11 =	simm.s32 $0x0  }
.LBB2_2:
0x2b: {  	p3 =	sne.s32 s3, $0x1F80;
	[tilespmem:s11+$0x4540] =	vst v1;
	s19 =	smov.u32 s3;
	s3 =	sadd.s32 $0x80, s3  }
.Ltmp2:
0x2c: {  	[tilespmem:s11+$0x4550] =	vst v1;
	(pc) =	sbr.rel @p3 .LBB2_2-.Ltmp2, $2  }
0x2d: {  	_ =	sdelay $0x2  }
0x2e: {  	s11 =	sshra.s32 s19, $0x2  }
.Ltmp3:
0x2f: {  	(pc) =	sbr.rel @!p1 .LBB2_4-.Ltmp3, $3  }
0x30: {  	_ =	sdelay $0x1  }
0x31: {  	[tilespmem:s11+$0x4540] =	vst v1;
	s3 =	simm.s32 $0x0  }
0x32: {  	[tilespmem:s11+$0x4550] =	vst v1;
	s11 =	sshra.s32 s3, $0x2  }
0x33: {  	s11 =	sadd.s32 s11, s26  }
0x34: {  	[spmem:s11] =	stream.linear.scatter [tilespmem:s28], [sflag:$0x7], $0x800, $0x38;
	[tilespmem:$0x1E2E0] =	vst v63  }
0x35: {  	s3 =	sadd.s32 $0x2000, s3;
	_ =	swait.ge [sflag:s29], $0x800  }
.LBB2_8:
0x36: {  	s11 =	sshra.s32 s3, $0x2;
	[sflag:s29] =	ssyncset.done $0x0;
	p3 =	sne.s32 s3, $0x5E000  }
.Ltmp4:
0x37: {  	s11 =	sadd.s32 s11, s26;
	[sflag:s29] =	ssyncadd.s32 $0xFFFFF800;
	(pc) =	sbr.rel @p3 .LBB2_8-.Ltmp4, $3  }
0x38: {  	[spmem:s11] =	stream.linear.scatter [tilespmem:s28], [sflag:$0x7], $0x800, $0x38;
	[tilespmem:$0x1E2E0] =	vst v63  }
0x39: {  	s3 =	sadd.s32 $0x2000, s3;
	_ =	sdelay $0x1  }
0x3a: {  	_ =	swait.ge [sflag:s29], $0x800  }
0x3b: {  	[sflag:s29] =	ssyncset.done $0x0  }
.Ltmp5:
0x3c: {  	s3 =	rddreg [dreg:$0x4];
	[sflag:s29] =	ssyncadd.s32 $0xFFFFF800;
	(pc) =	sbr.rel .LBB2_10-.Ltmp5, $4  }
0x3d: {  	[spmem:s3] =	stream.linear.scatter [tilespmem:s28], [sflag:$0x7], $0x100, $0x38;
	[tilespmem:$0x1E2E0] =	vst v63  }
0x3e: {  	_ =	swait.ge [sflag:s29], $0x100  }
0x3f: {  	[sflag:s29] =	ssyncset.done $0x0  }
0x40: {  	[sflag:s29] =	ssyncadd.s32 $0xFFFFFF00  }
.LBB2_4:
0x41: {  	s11 =	sadd.s32 s11, s9  }
0x42: {  	[spmem:s11] =	stream.linear.scatter [tilespmem:s28], [sflag:$0x7], $0x800, $0x38;
	[tilespmem:$0x1E2E0] =	vst v63  }
0x43: {  	s3 =	sadd.s32 $0x2000, s3;
	_ =	swait.ge [sflag:s29], $0x800  }
.LBB2_5:
0x44: {  	s11 =	sshra.s32 s3, $0x2;
	[sflag:s29] =	ssyncset.done $0x0;
	p3 =	sne.s32 s3, $0x5E000  }
.Ltmp6:
0x45: {  	s11 =	sadd.s32 s11, s9;
	[sflag:s29] =	ssyncadd.s32 $0xFFFFF800;
	(pc) =	sbr.rel @p3 .LBB2_5-.Ltmp6, $3  }
0x46: {  	[spmem:s11] =	stream.linear.scatter [tilespmem:s28], [sflag:$0x7], $0x800, $0x38;
	[tilespmem:$0x1E2E0] =	vst v63  }
0x47: {  	s3 =	sadd.s32 $0x2000, s3;
	_ =	sdelay $0x1  }
0x48: {  	_ =	swait.ge [sflag:s29], $0x800  }
0x49: {  	[sflag:s29] =	ssyncset.done $0x0  }
0x4a: {  	s3 =	rddreg [dreg:$0x3];
	[sflag:s29] =	ssyncadd.s32 $0xFFFFF800  }
0x4b: {  	[spmem:s3] =	stream.linear.scatter [tilespmem:s28], [sflag:$0x7], $0x700, $0x38;
	[tilespmem:$0x1E2E0] =	vst v63  }
0x4c: {  	_ =	swait.ge [sflag:s29], $0x700  }
0x4d: {  	[sflag:s29] =	ssyncset.done $0x0  }
0x4e: {  	[sflag:s29] =	ssyncadd.s32 $0xFFFFF900  }
.LBB2_10:
0x4f: {  	s22 =	simm.s32 $0x0;
	s3 =	rddreg [dreg:$0x5];
	s11 =	simm.s32 $0x4520  }
0x50: {  	[tilespmem:s11], [sflag:$0x7] =	stream.linear.gather [hbm4b:s3+s22], $0x20, $0x38;
	[tilespmem:$0x1E2E0] =	vst v63  }
0x51: {  	_ =	swait.ge [sflag:s29], $0x20  }
0x52: {  	[sflag:s29] =	ssyncset.done $0x0  }
0x53: {  	[sflag:s29] =	ssyncadd.s32 $0xFFFFFFE0  }
0x54: {  	[bflag:$0x0] =	sbarrier.arrive $0xFFFF  }
0x55: {  	v2 =	vld [tilespmem:$0x4520];
	s11 =	rddreg [dreg:$0x6]  }
0x56: {  	v3 =	vld [tilespmem:$0x4530];
	[tilespmem:s22], [sflag:$0x7] =	stream.linear.gather [hbm4b:s11+s22], $0x80, $0x38  }
0x57: {  	_ =	swait.ge [sflag:s29], $0x80  }
0x58: {  	[sflag:s29] =	ssyncset.done $0x0  }
0x59: {  	s17 =	rddreg [dreg:$0x7];
	[sflag:s29] =	ssyncadd.s32 $0xFFFFFF80  }
0x5a: {  	[tilespmem:s31], [sflag:$0x7] =	stream.linear.gather [hbm4b:s17+s22], $0x80, $0x38;
	[tilespmem:$0x1E2E0] =	vst v63  }
0x5b: {  	_ =	swait.ge [sflag:s29], $0x80  }
0x5c: {  	[sflag:s29] =	ssyncset.done $0x0  }
0x5d: {  	s30 =	simm.s32 $0x200;
	s19 =	rddreg [dreg:$0x8];
	[sflag:s29] =	ssyncadd.s32 $0xFFFFFF80  }
0x5e: {  	[tilespmem:s30], [sflag:$0x7] =	stream.linear.gather [hbm4b:s19+s22], $0x80, $0x38;
	[tilespmem:$0x1E2E0] =	vst v63  }
0x5f: {  	_ =	swait.ge [sflag:s29], $0x80  }
0x60: {  	[sflag:s29] =	ssyncset.done $0x0  }
0x61: {  	[sflag:s29] =	ssyncadd.s32 $0xFFFFFF80  }
0x62: {  	v4 =	vld [tilespmem:$0x0]  }
0x63: {  	v5 =	vld [tilespmem:$0x80]  }
0x64: {  	v6 =	vld [tilespmem:$0x10]  }
0x65: {  	v7 =	vld [tilespmem:$0x90]  }
0x66: {  	v8 =	vld [tilespmem:$0x20]  }
0x67: {  	v9 =	vld [tilespmem:$0xA0];
	v4 =	vadd.s32 v0, v4  }
0x68: {  	[tilespmem:$0x100] =	vst v4;
	v4 =	vadd.s32 v0, v5;
	v5 =	vld [tilespmem:$0x30]  }
0x69: {  	v56 =	vld [tilespmem:$0xB0];
	[tilespmem:$0x180] =	vst v4;
	v4 =	vadd.s32 v0, v6  }
0x6a: {  	v57 =	vld [tilespmem:$0x40];
	[tilespmem:$0x110] =	vst v4;
	v4 =	vadd.s32 v0, v7  }
0x6b: {  	v58 =	vld [tilespmem:$0xC0];
	[tilespmem:$0x190] =	vst v4;
	v4 =	vadd.s32 v0, v8  }
0x6c: {  	v59 =	vld [tilespmem:$0x50];
	[tilespmem:$0x120] =	vst v4;
	v4 =	vadd.s32 v0, v9  }
0x6d: {  	[tilespmem:$0x1A0] =	vst v4;
	v4 =	vadd.s32 v0, v5;
	v5 =	vld [tilespmem:$0xD0]  }
0x6e: {  	v60 =	vld [tilespmem:$0x60];
	[tilespmem:$0x130] =	vst v4;
	v4 =	vadd.s32 v0, v56  }
0x6f: {  	v61 =	vld [tilespmem:$0xE0];
	[tilespmem:$0x1B0] =	vst v4;
	v4 =	vadd.s32 v0, v57  }
0x70: {  	v62 =	vld [tilespmem:$0x70];
	[tilespmem:$0x140] =	vst v4;
	v4 =	vadd.s32 v0, v58  }
0x71: {  	v63 =	vld [tilespmem:$0xF0];
	[tilespmem:$0x1C0] =	vst v4;
	v4 =	vadd.s32 v0, v59  }
0x72: {  	[tilespmem:$0x150] =	vst v4;
	v4 =	vadd.s32 v0, v5  }
0x73: {  	[tilespmem:$0x1D0] =	vst v4;
	v4 =	vadd.s32 v0, v60  }
0x74: {  	[tilespmem:$0x160] =	vst v4;
	v4 =	vadd.s32 v0, v61  }
0x75: {  	[tilespmem:$0x1E0] =	vst v4;
	v4 =	vadd.s32 v0, v62  }
.Ltmp7:
0x76: {  	[tilespmem:$0x170] =	vst v4;
	v4 =	vadd.s32 v0, v63;
	(pc) =	sbr.rel .LBB2_11-.Ltmp7, $4  }
0x77: {  	s17 =	simm.s32 $0x100;
	[tilespmem:$0x1F0] =	vst v4  }
0x78: {  	[tilespmem:s10], [sflag:$0x3] =	stream.indirect.gather [hbm4b:s4+s31], $0x20, s17, s31, $0xb8;
	[tilespmem:$0x1E2E0] =	vst v63  }
0x79: {  	s19 =	simm.s32 $0x180;
	s30 =	simm.s32 $0x1290  }
0x7a: {  	[tilespmem:s30], [sflag:$0x3] =	stream.indirect.gather [hbm4b:s5+s31], $0x20, s19, s31, $0xb8;
	[tilespmem:$0x1E2E0] =	vst v63  }
.LBB2_22:
0x7b: {  	s3 =	simm.s32 $0x2290  }
0x7c: {  	[spmem:s1] =	stream.indirect.scatter.add.f32 [tilespmem:s20], [sflag:$0x6], $0x20, s3, s31, $0xb8;
	[tilespmem:$0x1E2E0] =	vst v63  }
.LBB2_23:
0x7d: {  	s22 =	sadd.s32 $0x1, s22  }
0x7e: {  	p3 =	sne.s32 s22, $0x187  }
.Ltmp8:
0x7f: {  	_ = 	snop;
	(pc) =	sbr.rel @!p3 .LBB2_24-.Ltmp8, $1  }
0x80: {  	_ =	sdelay $0x3  }
.LBB2_11:
0x81: {  	p3 =	sge.u32 s22, s14  }
.Ltmp9:
0x82: {  	_ = 	snop;
	(pc) =	sbr.rel @p3 .LBB2_23-.Ltmp9, $1  }
0x83: {  	_ =	sdelay $0x3  }
0x84: {  	s3 =	sand.u32 $0x1, s22  }
0x85: {  	p3 =	seq.s32 s3, $0x1  }
.Ltmp10:
0x86: {  	_ = 	snop;
	(pc) =	sbr.rel @p3 .LBB2_18-.Ltmp10, $1  }
0x87: {  	_ =	sdelay $0x3  }
0x88: {  	p4 =	seq.s32 s22, $0x0  }
0x89: {  	s11 =	simm.s32 @!p4 $0x6  }
0x8a: {  	s19 =	sadd.s32 s13, s22;
	p3 =	sge.u32 s22, s18;
	_ =	swait.ge @!p4 [sflag:s11], $0x1000  }
0x8b: {  	s19 =	sshll.u32 @!p3 s19, $0x4;
	[sflag:s11] =	ssyncset.done @!p4 $0x0  }
0x8c: {  	[sflag:s11] =	ssyncadd.s32 @!p4 $0xFFFFF000;
	s11 =	sadd.s32 @!p3 $0x10, s19  }
0x8d: {  	s30 =	simm.s32 @!p3 $0x0;
	s17 =	simm.s32 @!p3 $0x2290;
	s19 =	sadd.s32 @!p3 s6, s11  }
0x8e: {  	[tilespmem:s17], [sflag:$0x2] =	stream.linear.gather @!p3 [hbm4b:s19+s30], $0x80, $0x38;
	[tilespmem:$0x1E2E0] =	vst v63  }
0x8f: {  	s17 =	sadd.s32 @!p3 s7, s11;
	s19 =	simm.s32 @!p3 $0x2310  }
0x90: {  	[tilespmem:s19], [sflag:$0x2] =	stream.linear.gather @!p3 [hbm4b:s17+s30], $0x80, $0x38;
	[tilespmem:$0x1E2E0] =	vst v63  }
0x91: {  	s11 =	sadd.s32 @!p3 s8, s11;
	s17 =	simm.s32 @!p3 $0x2490  }
0x92: {  	[tilespmem:s17], [sflag:$0x2] =	stream.linear.gather @!p3 [hbm4b:s11+s30], $0x80, $0x38;
	[tilespmem:$0x1E2E0] =	vst v63  }
0x93: {  	_ =	swait.ge [sflag:s12], $0x1000  }
0x94: {  	[sflag:s12] =	ssyncset.done $0x0  }
0x95: {  	[sflag:s12] =	ssyncadd.s32 $0xFFFFF000  }
0x96: {  	_ =	swait.ge [sflag:s12], $0x1000  }
0x97: {  	[sflag:s12] =	ssyncset.done $0x0  }
0x98: {  	s11 =	simm.s32 $0x0;
	[sflag:s12] =	ssyncadd.s32 $0xFFFFF000  }
0x99: {  	v4 =	vld [tilespmem:s11+$0x1290]  }
0x9a: {  	v5 =	vld [tilespmem:s11+$0x12A0]  }
0x9b: {  	s30 =	simm.s32 $0x200;
	v7 =	vld [tilespmem:s11+$0x290]  }
0x9c: {  	s19 =	simm.s32 $0x80;
	v6 =	vld.msk [tilespmem:s30+$0x0 ss:$0x0], $0xffff  }
.LBB2_14:
0x9d: {  	p4 =	sne.s32 s19, $0x3F80;
	v8 =	vld [tilespmem:s11+$0x2A0];
	_ =	sdelay $0x3  }
0x9e: {  	v4 =	vadd.f32 v4, v7  }
0x9f: {  	v7 =	vmul.f32 v6, v2;
	v6 =	vmul.f32 v6, v3;
	v5 =	vadd.f32 v5, v8;
	_ =	sdelay $0x1  }
0xa0: {  	v7 =	vadd.f32 v4, v7;
	v5 =	vadd.f32 v5, v6  }
.Ltmp11:
0xa1: {  	s17 =	sshra.s32 s19, $0x2;
	(pc) =	sbr.rel @p4 .LBB2_14-.Ltmp11, $4  }
0xa2: {  	v6 =	vmax.f32 v7, $0.0e+00;
	v4 =	vld [tilespmem:s17+$0x1290];
	v8 =	vmax.f32 v5, $0.0e+00  }
0xa3: {  	v5 =	vld [tilespmem:s17+$0x12A0];
	[tilespmem:s11+$0x290] =	vst v6  }
0xa4: {  	s30 =	sadd.s32 $0x1, s30;
	v7 =	vld [tilespmem:s17+$0x290];
	[tilespmem:s11+$0x2A0] =	vst v8;
	s11 =	smov.u32 s17  }
0xa5: {  	s19 =	sadd.s32 $0x80, s19;
	v6 =	vld.msk [tilespmem:s30+$0x0 ss:$0x0], $0xffff  }
0xa6: {  	v8 =	vld [tilespmem:s11+$0x2A0];
	_ =	sdelay $0x3  }
0xa7: {  	v4 =	vadd.f32 v4, v7;
	v62 =	vmul.f32 v6, v2  }
0xa8: {  	v63 =	vmul.f32 v6, v3;
	v5 =	vadd.f32 v5, v8  }
.Ltmp12:
0xa9: {  	v4 =	vadd.f32 v4, v62;
	(pc) =	sbr.rel @p3 .LBB2_17-.Ltmp12, $4  }
0xaa: {  	v5 =	vadd.f32 v5, v63  }
0xab: {  	v4 =	vmax.f32 v4, $0.0e+00  }
0xac: {  	v5 =	vmax.f32 v5, $0.0e+00;
	[tilespmem:s11+$0x290] =	vst v4  }
0xad: {  	[tilespmem:s11+$0x2A0] =	vst v5  }
0xae: {  	_ =	swait.ge [sflag:s15], $0x80  }
0xaf: {  	[sflag:s15] =	ssyncset.done $0x0  }
0xb0: {  	[sflag:s15] =	ssyncadd.s32 $0xFFFFFF80  }
0xb1: {  	_ =	swait.ge [sflag:s15], $0x80  }
0xb2: {  	[sflag:s15] =	ssyncset.done $0x0  }
0xb3: {  	[sflag:s15] =	ssyncadd.s32 $0xFFFFFF80  }
0xb4: {  	_ =	swait.ge [sflag:s15], $0x80  }
0xb5: {  	[sflag:s15] =	ssyncset.done $0x0  }
0xb6: {  	[sflag:s15] =	ssyncadd.s32 $0xFFFFFF80  }
0xb7: {  	v4 =	vld [tilespmem:$0x2290]  }
0xb8: {  	v5 =	vld [tilespmem:$0x2310]  }
0xb9: {  	v6 =	vld [tilespmem:$0x22A0]  }
0xba: {  	v7 =	vld [tilespmem:$0x2320]  }
0xbb: {  	v8 =	vld [tilespmem:$0x22B0]  }
0xbc: {  	v9 =	vld [tilespmem:$0x2330];
	v4 =	vadd.s32 v0, v4  }
0xbd: {  	[tilespmem:$0x2390] =	vst v4;
	v4 =	vadd.s32 v0, v5;
	v5 =	vld [tilespmem:$0x22C0]  }
0xbe: {  	v56 =	vld [tilespmem:$0x2340];
	[tilespmem:$0x2410] =	vst v4;
	v4 =	vadd.s32 v0, v6  }
0xbf: {  	v57 =	vld [tilespmem:$0x22D0];
	[tilespmem:$0x23A0] =	vst v4;
	v4 =	vadd.s32 v0, v7  }
0xc0: {  	v58 =	vld [tilespmem:$0x2350];
	[tilespmem:$0x2420] =	vst v4;
	v4 =	vadd.s32 v0, v8  }
0xc1: {  	v59 =	vld [tilespmem:$0x22E0];
	[tilespmem:$0x23B0] =	vst v4;
	v4 =	vadd.s32 v0, v9  }
0xc2: {  	[tilespmem:$0x2430] =	vst v4;
	v4 =	vadd.s32 v0, v5;
	v5 =	vld [tilespmem:$0x2360]  }
0xc3: {  	v60 =	vld [tilespmem:$0x22F0];
	[tilespmem:$0x23C0] =	vst v4;
	v4 =	vadd.s32 v0, v56  }
0xc4: {  	v61 =	vld [tilespmem:$0x2370];
	[tilespmem:$0x2440] =	vst v4;
	v4 =	vadd.s32 v0, v57  }
0xc5: {  	v62 =	vld [tilespmem:$0x2300];
	[tilespmem:$0x23D0] =	vst v4;
	v4 =	vadd.s32 v0, v58  }
0xc6: {  	v63 =	vld [tilespmem:$0x2380];
	[tilespmem:$0x2450] =	vst v4;
	v4 =	vadd.s32 v0, v59  }
0xc7: {  	[tilespmem:$0x23E0] =	vst v4;
	v4 =	vadd.s32 v0, v5  }
0xc8: {  	[tilespmem:$0x2460] =	vst v4;
	v4 =	vadd.s32 v0, v60  }
0xc9: {  	[tilespmem:$0x23F0] =	vst v4;
	v4 =	vadd.s32 v0, v61  }
0xca: {  	[tilespmem:$0x2470] =	vst v4;
	v4 =	vadd.s32 v0, v62  }
0xcb: {  	[tilespmem:$0x2400] =	vst v4;
	v4 =	vadd.s32 v0, v63  }
0xcc: {  	s11 =	simm.s32 $0x2390;
	[tilespmem:$0x2480] =	vst v4  }
0xcd: {  	[tilespmem:s20], [sflag:$0x4] =	stream.indirect.gather [hbm4b:s4+s31], $0x20, s11, s31, $0xb8;
	[tilespmem:$0x1E2E0] =	vst v63  }
0xce: {  	s30 =	simm.s32 $0x2410;
	s17 =	simm.s32 $0x3520  }
0xcf: {  	[tilespmem:s17], [sflag:$0x4] =	stream.indirect.gather [hbm4b:s5+s31], $0x20, s30, s31, $0xb8;
	[tilespmem:$0x1E2E0] =	vst v63  }
.LBB2_17:
0xd0: {  	p3 =	seq.s32 s3, $0x0  }
.Ltmp13:
0xd1: {  	_ = 	snop;
	(pc) =	sbr.rel @p3 .LBB2_23-.Ltmp13, $2  }
0xd2: {  	_ =	sdelay $0x2  }
0xd3: {  	[spmem:s1] =	stream.indirect.scatter.add.f32 [tilespmem:s10], [sflag:$0x5], $0x20, s2, s31, $0xb8;
	[tilespmem:$0x1E2E0] =	vst v63  }
.LBB2_18:
0xd4: {  	p3 =	sge.u32 s22, s18  }
0xd5: {  	s3 =	sadd.s32 @!p3 s13, s22  }
0xd6: {  	_ =	swait.ge [sflag:s0], $0x1000;
	s3 =	sshll.u32 @!p3 s3, $0x4  }
0xd7: {  	[sflag:s0] =	ssyncset.done $0x0;
	s3 =	sadd.s32 @!p3 $0x10, s3  }
0xd8: {  	s17 =	simm.s32 @!p3 $0x0;
	[sflag:s0] =	ssyncadd.s32 $0xFFFFF000;
	s11 =	sadd.s32 @!p3 s6, s3  }
0xd9: {  	[tilespmem:s17], [sflag:$0x1] =	stream.linear.gather @!p3 [hbm4b:s11+s17], $0x80, $0x38;
	[tilespmem:$0x1E2E0] =	vst v63  }
0xda: {  	s19 =	simm.s32 @!p3 $0x80;
	s11 =	sadd.s32 @!p3 s7, s3  }
0xdb: {  	[tilespmem:s19], [sflag:$0x1] =	stream.linear.gather @!p3 [hbm4b:s11+s17], $0x80, $0x38;
	[tilespmem:$0x1E2E0] =	vst v63  }
0xdc: {  	s3 =	sadd.s32 @!p3 s8, s3;
	s11 =	simm.s32 @!p3 $0x200  }
0xdd: {  	[tilespmem:s11], [sflag:$0x1] =	stream.linear.gather @!p3 [hbm4b:s3+s17], $0x80, $0x38;
	[tilespmem:$0x1E2E0] =	vst v63  }
0xde: {  	_ =	swait.ge [sflag:s21], $0x1000  }
0xdf: {  	[sflag:s21] =	ssyncset.done $0x0  }
0xe0: {  	[sflag:s21] =	ssyncadd.s32 $0xFFFFF000  }
0xe1: {  	_ =	swait.ge [sflag:s21], $0x1000  }
0xe2: {  	[sflag:s21] =	ssyncset.done $0x0  }
0xe3: {  	s3 =	simm.s32 $0x0;
	[sflag:s21] =	ssyncadd.s32 $0xFFFFF000  }
0xe4: {  	v4 =	vld [tilespmem:s3+$0x3520]  }
0xe5: {  	v5 =	vld [tilespmem:s3+$0x3530]  }
0xe6: {  	s11 =	simm.s32 $0x2490;
	v7 =	vld [tilespmem:s3+$0x2520]  }
0xe7: {  	s19 =	simm.s32 $0x80;
	v6 =	vld.msk [tilespmem:s11+$0x0 ss:$0x0], $0xffff  }
.LBB2_19:
0xe8: {  	p4 =	sne.s32 s19, $0x3F80;
	v8 =	vld [tilespmem:s3+$0x2530];
	_ =	sdelay $0x3  }
0xe9: {  	v4 =	vadd.f32 v4, v7  }
0xea: {  	v7 =	vmul.f32 v6, v2;
	v6 =	vmul.f32 v6, v3;
	v5 =	vadd.f32 v5, v8;
	_ =	sdelay $0x1  }
0xeb: {  	v7 =	vadd.f32 v4, v7;
	v5 =	vadd.f32 v5, v6  }
.Ltmp14:
0xec: {  	s17 =	sshra.s32 s19, $0x2;
	(pc) =	sbr.rel @p4 .LBB2_19-.Ltmp14, $4  }
0xed: {  	v6 =	vmax.f32 v7, $0.0e+00;
	v4 =	vld [tilespmem:s17+$0x3520];
	v8 =	vmax.f32 v5, $0.0e+00  }
0xee: {  	v5 =	vld [tilespmem:s17+$0x3530];
	[tilespmem:s3+$0x2520] =	vst v6  }
0xef: {  	s11 =	sadd.s32 $0x1, s11;
	v7 =	vld [tilespmem:s17+$0x2520];
	[tilespmem:s3+$0x2530] =	vst v8;
	s3 =	smov.u32 s17  }
0xf0: {  	s19 =	sadd.s32 $0x80, s19;
	v6 =	vld.msk [tilespmem:s11+$0x0 ss:$0x0], $0xffff  }
0xf1: {  	v8 =	vld [tilespmem:s3+$0x2530];
	_ =	sdelay $0x3  }
0xf2: {  	v4 =	vadd.f32 v4, v7;
	v62 =	vmul.f32 v6, v2  }
0xf3: {  	v63 =	vmul.f32 v6, v3;
	v5 =	vadd.f32 v5, v8  }
.Ltmp15:
0xf4: {  	v4 =	vadd.f32 v4, v62;
	(pc) =	sbr.rel @p3 .LBB2_22-.Ltmp15, $4  }
0xf5: {  	v5 =	vadd.f32 v5, v63  }
0xf6: {  	v4 =	vmax.f32 v4, $0.0e+00  }
0xf7: {  	v5 =	vmax.f32 v5, $0.0e+00;
	[tilespmem:s3+$0x2520] =	vst v4  }
0xf8: {  	[tilespmem:s3+$0x2530] =	vst v5  }
0xf9: {  	_ =	swait.ge [sflag:s25], $0x80  }
0xfa: {  	[sflag:s25] =	ssyncset.done $0x0  }
0xfb: {  	[sflag:s25] =	ssyncadd.s32 $0xFFFFFF80  }
0xfc: {  	_ =	swait.ge [sflag:s25], $0x80  }
0xfd: {  	[sflag:s25] =	ssyncset.done $0x0  }
0xfe: {  	[sflag:s25] =	ssyncadd.s32 $0xFFFFFF80  }
0xff: {  	_ =	swait.ge [sflag:s25], $0x80  }
0x100: {  	[sflag:s25] =	ssyncset.done $0x0  }
0x101: {  	[sflag:s25] =	ssyncadd.s32 $0xFFFFFF80  }
0x102: {  	v4 =	vld [tilespmem:$0x0]  }
0x103: {  	v5 =	vld [tilespmem:$0x80]  }
0x104: {  	v6 =	vld [tilespmem:$0x10]  }
0x105: {  	v7 =	vld [tilespmem:$0x90]  }
0x106: {  	v8 =	vld [tilespmem:$0x20]  }
0x107: {  	v9 =	vld [tilespmem:$0xA0];
	v4 =	vadd.s32 v0, v4  }
0x108: {  	[tilespmem:$0x100] =	vst v4;
	v4 =	vadd.s32 v0, v5;
	v5 =	vld [tilespmem:$0x30]  }
0x109: {  	v56 =	vld [tilespmem:$0xB0];
	[tilespmem:$0x180] =	vst v4;
	v4 =	vadd.s32 v0, v6  }
0x10a: {  	v57 =	vld [tilespmem:$0x40];
	[tilespmem:$0x110] =	vst v4;
	v4 =	vadd.s32 v0, v7  }
0x10b: {  	v58 =	vld [tilespmem:$0xC0];
	[tilespmem:$0x190] =	vst v4;
	v4 =	vadd.s32 v0, v8  }
0x10c: {  	v59 =	vld [tilespmem:$0x50];
	[tilespmem:$0x120] =	vst v4;
	v4 =	vadd.s32 v0, v9  }
0x10d: {  	[tilespmem:$0x1A0] =	vst v4;
	v4 =	vadd.s32 v0, v5;
	v5 =	vld [tilespmem:$0xD0]  }
0x10e: {  	v60 =	vld [tilespmem:$0x60];
	[tilespmem:$0x130] =	vst v4;
	v4 =	vadd.s32 v0, v56  }
0x10f: {  	v61 =	vld [tilespmem:$0xE0];
	[tilespmem:$0x1B0] =	vst v4;
	v4 =	vadd.s32 v0, v57  }
0x110: {  	v62 =	vld [tilespmem:$0x70];
	[tilespmem:$0x140] =	vst v4;
	v4 =	vadd.s32 v0, v58  }
0x111: {  	v63 =	vld [tilespmem:$0xF0];
	[tilespmem:$0x1C0] =	vst v4;
	v4 =	vadd.s32 v0, v59  }
0x112: {  	[tilespmem:$0x150] =	vst v4;
	v4 =	vadd.s32 v0, v5  }
0x113: {  	[tilespmem:$0x1D0] =	vst v4;
	v4 =	vadd.s32 v0, v60  }
0x114: {  	[tilespmem:$0x160] =	vst v4;
	v4 =	vadd.s32 v0, v61  }
0x115: {  	[tilespmem:$0x1E0] =	vst v4;
	v4 =	vadd.s32 v0, v62  }
.Ltmp16:
0x116: {  	[tilespmem:$0x170] =	vst v4;
	v4 =	vadd.s32 v0, v63;
	(pc) =	sbr.rel .LBB2_22-.Ltmp16, $4  }
0x117: {  	s3 =	simm.s32 $0x100;
	[tilespmem:$0x1F0] =	vst v4  }
0x118: {  	[tilespmem:s10], [sflag:$0x3] =	stream.indirect.gather [hbm4b:s4+s31], $0x20, s3, s31, $0xb8;
	[tilespmem:$0x1E2E0] =	vst v63  }
0x119: {  	s30 =	simm.s32 $0x180;
	s11 =	simm.s32 $0x1290  }
0x11a: {  	[tilespmem:s11], [sflag:$0x3] =	stream.indirect.gather [hbm4b:s5+s31], $0x20, s30, s31, $0xb8;
	[tilespmem:$0x1E2E0] =	vst v63  }
.LBB2_24:
.Ltmp17:
0x11b: {  	(pc) =	sbr.rel @!p0 .LBB2_25-.Ltmp17, $1  }
0x11c: {  	_ =	sdelay $0x3  }
0x11d: {  	s3 =	simm.s32 $0x6  }
.Ltmp18:
0x11e: {  	_ =	swait.ge [sflag:s3], $0x1000;
	(pc) =	sbr.rel @p1 .LBB2_30-.Ltmp18, $4  }
.Ltmp19:
0x11f: {  	[sflag:s3] =	ssyncset.done $0x0;
	(pc) =	sbr.rel @!p1 .LBB2_27-.Ltmp19, $4  }
0x120: {  	[sflag:s3] =	ssyncadd.s32 $0xFFFFF000  }
0x121: {  	[bflag:$0x0] =	sbarrier.arrive $0xFFFF  }
0x122: {  	_ = 	snop  }
0x123: {  	_ = 	snop  }
.LBB2_25:
0x124: {  	_ =	swait.ge [sflag:s0], $0x1000  }
0x125: {  	[sflag:s0] =	ssyncset.done $0x0  }
0x126: {  	[sflag:s0] =	ssyncadd.s32 $0xFFFFF000  }
0x127: {  	[bflag:$0x0] =	sbarrier.arrive $0xFFFF  }
.LBB2_27:
0x128: {  	[tilespmem:s16], [sflag:$0x7] =	stream.linear.gather [spmem:s9], $0xF00, $0x38;
	[tilespmem:$0x1E2E0] =	vst v63  }
0x129: {  	_ =	swait.ge [sflag:s29], $0xF00  }
0x12a: {  	[sflag:s29] =	ssyncset.done $0x0  }
0x12b: {  	s3 =	sadd.s32 $0x0, s23;
	[sflag:s29] =	ssyncadd.s32 $0xFFFFF100  }
0x12c: {  	[hbm4b:s3+s2] =	stream.linear.scatter [tilespmem:s16], [sflag:$0x7], $0xF00, $0x38;
	[tilespmem:$0x1E2E0] =	vst v63  }
0x12d: {  	_ =	swait.ge [sflag:s29], $0xF00  }
0x12e: {  	s11 =	smov.u32 s9;
	s3 =	simm.s32 $0x1E0;
	[sflag:s29] =	ssyncset.done $0x0  }
.LBB2_28:
0x12f: {  	p3 =	sne.s32 s3, $0x2EE0;
	[sflag:s29] =	ssyncadd.s32 $0xFFFFF100;
	s11 =	sadd.s32 $0xF00, s11  }
0x130: {  	[tilespmem:s16], [sflag:$0x7] =	stream.linear.gather [spmem:s11], $0xF00, $0x38;
	[tilespmem:$0x1E2E0] =	vst v63  }
0x131: {  	s17 =	smov.u32 s3;
	s3 =	sadd.s32 $0x1E0, s3;
	_ =	swait.ge [sflag:s29], $0xF00  }
.Ltmp20:
0x132: {  	[sflag:s29] =	ssyncset.done $0x0;
	(pc) =	sbr.rel @p3 .LBB2_28-.Ltmp20, $4  }
0x133: {  	s17 =	sadd.s32 s17, s23;
	[sflag:s29] =	ssyncadd.s32 $0xFFFFF100  }
0x134: {  	[hbm4b:s17+s2] =	stream.linear.scatter [tilespmem:s16], [sflag:$0x7], $0xF00, $0x38;
	[tilespmem:$0x1E2E0] =	vst v63  }
0x135: {  	_ =	swait.ge [sflag:s29], $0xF00  }
0x136: {  	[sflag:s29] =	ssyncset.done $0x0  }
0x137: {  	[sflag:s29] =	ssyncadd.s32 $0xFFFFF100;
	s3 =	rddreg [dreg:$0x9]  }
0x138: {  	[tilespmem:s16], [sflag:$0x7] =	stream.linear.gather [spmem:s3], $0x100, $0x38;
	[tilespmem:$0x1E2E0] =	vst v63  }
0x139: {  	_ =	swait.ge [sflag:s29], $0x100  }
0x13a: {  	[sflag:s29] =	ssyncset.done $0x0  }
.Ltmp21:
0x13b: {  	s30 =	rddreg [dreg:$0xa];
	[sflag:s29] =	ssyncadd.s32 $0xFFFFFF00;
	(pc) =	sbr.rel @p2 .LBB2_33-.Ltmp21, $4  }
0x13c: {  	[hbm4b:s30+s2] =	stream.linear.scatter [tilespmem:s16], [sflag:$0x7], $0x100, $0x38;
	[tilespmem:$0x1E2E0] =	vst v63  }
0x13d: {  	_ =	swait.ge [sflag:s29], $0x100  }
0x13e: {  	[sflag:s29] =	ssyncset.done $0x0  }
0x13f: {  	s11 =	rddreg [dreg:$0xe];
	[sflag:s29] =	ssyncadd.s32 $0xFFFFFF00  }
.LBB2_30:
0x140: {  	[tilespmem:s16], [sflag:$0x7] =	stream.linear.gather [spmem:s26], $0xF00, $0x38;
	[tilespmem:$0x1E2E0] =	vst v63  }
0x141: {  	_ =	swait.ge [sflag:s29], $0xF00  }
0x142: {  	[sflag:s29] =	ssyncset.done $0x0  }
0x143: {  	s3 =	sadd.s32 $0x0, s24;
	[sflag:s29] =	ssyncadd.s32 $0xFFFFF100  }
0x144: {  	[hbm4b:s3+s2] =	stream.linear.scatter [tilespmem:s16], [sflag:$0x7], $0xF00, $0x38;
	[tilespmem:$0x1E2E0] =	vst v63  }
0x145: {  	_ =	swait.ge [sflag:s29], $0xF00  }
0x146: {  	s11 =	smov.u32 s26;
	s3 =	simm.s32 $0x1E0;
	[sflag:s29] =	ssyncset.done $0x0  }
.LBB2_31:
0x147: {  	p3 =	sne.s32 s3, $0x2D00;
	[sflag:s29] =	ssyncadd.s32 $0xFFFFF100;
	s11 =	sadd.s32 $0xF00, s11  }
0x148: {  	[tilespmem:s16], [sflag:$0x7] =	stream.linear.gather [spmem:s11], $0xF00, $0x38;
	[tilespmem:$0x1E2E0] =	vst v63  }
0x149: {  	s17 =	smov.u32 s3;
	s3 =	sadd.s32 $0x1E0, s3;
	_ =	swait.ge [sflag:s29], $0xF00  }
.Ltmp22:
0x14a: {  	[sflag:s29] =	ssyncset.done $0x0;
	(pc) =	sbr.rel @p3 .LBB2_31-.Ltmp22, $4  }
0x14b: {  	s17 =	sadd.s32 s17, s24;
	[sflag:s29] =	ssyncadd.s32 $0xFFFFF100  }
0x14c: {  	[hbm4b:s17+s2] =	stream.linear.scatter [tilespmem:s16], [sflag:$0x7], $0xF00, $0x38;
	[tilespmem:$0x1E2E0] =	vst v63  }
0x14d: {  	_ =	swait.ge [sflag:s29], $0xF00  }
0x14e: {  	[sflag:s29] =	ssyncset.done $0x0  }
.Ltmp23:
0x14f: {  	_ = 	snop;
	(pc) =	sbr.rel .LBB2_32-.Ltmp23, $1  }
0x150: {  	_ =	sdelay $0x3  }
.LBB2_34:
0x151: {  	_ =	sfence.sel $0x180000  }
0x152: {  	[bflag:$0x0] =	sbarrier.arrive $0xFFFF  }
0x153: {  	_ =	strace $0x9000004A  }
0x154: {  	s0 =	stileid.u32;
	[bflag:$0x2] =	sbarrier.arrive $0xFFFF  }
0x155: {  	p0 =	sne.s32 s0, $0x0;
	s0 =	rddreg [dreg:$0x2]  }
0x156: {  	s0 =	sadd.s32 @!p0 $0x100000, s0  }
0x157: {  	[sflag:s0] =	ssyncadd.tile.s32 @!p0 $0x1;
	_ =	shalt  }
.Lfunc_end2:
_tile_overlayer_lowered:
.L_overlay_start_2:
0x158: {  	(tag) =	ssettag $0x2  }
0x159: {  	s0 =	rddreg [dreg:$0x0];
	s2 =	stileid.u32  }
0x15a: {  	s1 =	rddreg [dreg:$0x1];
	p0 =	sne.s32 s2, $0x0  }
0x15b: {  	s3 =	rddreg [dreg:$0x2];
	[bflag:$0x3] =	sbarrier.arrive $0xFFFF;
	s2 =	simm.s32 @!p0 $0x1C07  }
0x15c: {  	[timem:s3], [sflag:s2] =	dma.local @!p0 [hbm:s0], s1  }
0x15d: {  	s0 =	simm.s32 @!p0 $0x7  }
0x15e: {  	_ =	swait.ge @!p0 [sflag:s0], s1  }
0x15f: {  	s1 =	ssub.s32 @!p0 $0x0, s1;
	[sflag:s0] =	ssyncset.done @!p0 $0x0  }
0x160: {  	[sflag:s0] =	ssyncadd.s32 @!p0 s1  }
0x161: {  	[bflag:$0x3] =	sbarrier.arrive $0xFFFF  }
0x162: {  	_ =	shalt  }

// kernel: kernel.17.cloned.1.call-start
scs
__scs_entry_jumppad:
0x0: {  	(pc) =	sbr.rel $0x88, $3  }
0x1: {  	(tag) =	ssettag $0x0;
	lr =	simm.s32 $0x1  }
0x2: {  	[smem:$0x3F8D] =	sst lr;
	_ =	strace $0xD0000000  }
0x3: {  	_ = 	snop  }
0x4: {  	_ = 	snop  }
0x5: {  	_ = 	snop  }
0x6: {  	_ = 	snop  }
0x7: {  	_ = 	snop  }
__scs_overlays_trampoline_lowered:
0x8: {  	[smem:$0x3F9C] =	sst s0  }
0x9: {  	[smem:$0x3F9D] =	sst s1  }
0xa: {  	[smem:$0x3F9E] =	sst s2  }
0xb: {  	[smem:$0x3F9F] =	sst s3  }
0xc: {  	[smem:$0x3FA0] =	sst s4  }
0xd: {  	[smem:$0x3FA1] =	sst s5  }
0xe: {  	[smem:$0x3FA2] =	sst s6  }
0xf: {  	[smem:$0x3FA3] =	sst s7  }
0x10: {  	[smem:$0x3FA4] =	sst s8  }
0x11: {  	[smem:$0x3FA5] =	sst s9;
	s0 =	simm.s32 @!p0 $0x0  }
0x12: {  	s1 =	sld [smem:$0x3F8B];
	s0 =	simm.s32 @p0 $0x1  }
0x13: {  	[smem:$0x3FA6] =	sst s0;
	s0 =	simm.s32 @!p1 $0x0  }
0x14: {  	s2 =	sld [smem:$0x3F8A];
	s0 =	simm.s32 @p1 $0x1  }
0x15: {  	[smem:$0x3FA7] =	sst s0;
	s0 =	simm.s32 @!p2 $0x0  }
0x16: {  	s3 =	sld [smem:$0x3FDB];
	s0 =	simm.s32 @p2 $0x1  }
0x17: {  	s4 =	simm.s32 $0x1BF5;
	[smem:$0x3FA9] =	sst s0  }
0x18: {  	s0 =	sld [smem:$0x3F8C];
	_ =	swait.ge [sflag:s4], $0x0  }
0x19: {  	s7 =	sld [smem:$0x3F8D]  }
0x1a: {  	s8 =	sadd.s32 $0xFFFFE003, lr  }
0x1b: {  	s9 =	sadd.s32 $0xFFFFFEF7, lr;
	s5 =	simm.s32 $0xFFFFFFFF;
	p2 =	slt.u32 s8, $0xFFFFF086  }
0x1c: {  	p1 =	slt.u32 s9, $0xF7A;
	s5 =	simm.s32 @!p2 $0x0  }
0x1d: {  	s5 =	simm.s32 @p1 $0x1;
	p0 =	seq.s32 s7, s2  }
0x1e: {  	s7 =	smul.u32 @!p0 $0xF7A, s2;
	p2 =	seq.s32 @!p0 s5, $0x0  }
0x1f: {  	s9 =	smul.u32 $0xF7A, s1;
	s8 =	simm.s32 @!p0 $0x1BF5;
	p2 =	por !p2, p0  }
0x20: {  	[sflag:s8] =	ssyncset.s32 @!p0 $0xFFFFF086;
	s6 =	sadd.s32 @!p0 s3, s7;
	s7 =	simm.s32 @!p0 $0x108  }
0x21: {  	s3 =	sadd.s32 s3, s9;
	s6 =	sadd.s32 @!p0 $0x88, s6;
	s7 =	simm.s32 @p2 $0x1082  }
0x22: {  	[simem:s7], [sflag:s8] =	dma.local @!p0 [hbm:s6], $0xF7A  }
0x23: {  	s9 =	sor.u32 $0xD0000000, s2;
	s6 =	simm.s32 $0x108;
	_ =	swait.ge @!p0 [sflag:s8], $0x0  }
0x24: {  	s3 =	sadd.s32 $0x88, s3;
	s6 =	simm.s32 @!p1 $0x1082;
	[sflag:s4] =	ssyncset.s32 $0xFFFFF086  }
0x25: {  	[simem:s6], [sflag:s4] =	dma.local [hbm:s3], $0xF7A  }
0x26: {  	[smem:$0x3F8D] =	sst s1;
	(tag) =	ssettag s2;
	_ =	strace s9  }
0x27: {  	s1 =	sld [smem:$0x3F9D]  }
0x28: {  	s2 =	sld [smem:$0x3F9E]  }
0x29: {  	s4 =	sld [smem:$0x3FA0]  }
0x2a: {  	p0 =	seq.s32 s5, $0x0;
	s5 =	sld [smem:$0x3FA1]  }
0x2b: {  	s6 =	sld [smem:$0x3FA2]  }
0x2c: {  	s7 =	sld [smem:$0x3FA3]  }
0x2d: {  	s3 =	simm.s32 $0x108;
	s8 =	sld [smem:$0x3FA4]  }
0x2e: {  	s3 =	simm.s32 @!p0 $0x1082;
	s9 =	sld [smem:$0x3FA5]  }
0x2f: {  	lr =	sadd.s32 s0, s3;
	s0 =	sld [smem:$0x3F9C]  }
0x30: {  	s3 =	sld [smem:$0x3F9F]  }
0x31: {  	[smem:$0x3FA8] =	sst s10  }
0x32: {  	s10 =	sld [smem:$0x3FA6];
	_ =	sdelay $0x3  }
0x33: {  	p0 =	seq.s32 s10, $0x1;
	s10 =	sld [smem:$0x3FA8];
	_ =	sdelay $0x3  }
0x34: {  	[smem:$0x3FA8] =	sst s10  }
0x35: {  	s10 =	sld [smem:$0x3FA7];
	_ =	sdelay $0x3  }
0x36: {  	p1 =	seq.s32 s10, $0x1;
	s10 =	sld [smem:$0x3FA8];
	_ =	sdelay $0x3  }
0x37: {  	[smem:$0x3FA8] =	sst s10  }
0x38: {  	s10 =	sld [smem:$0x3FA9]  }
0x39: {  	_ = 	snop;
	(pc) =	sbr.ind lr, $3  }
0x3a: {  	_ = 	snop  }
0x3b: {  	_ = 	snop  }
0x3c: {  	p2 =	seq.s32 s10, $0x1;
	s10 =	sld [smem:$0x3FA8]  }
0x3d: {  	_ =	shalt  }
0x3e: {  	_ =	shalt  }
0x3f: {  	_ =	shalt  }
0x40: {  	_ =	shalt  }
0x41: {  	_ =	shalt  }
0x42: {  	_ =	shalt  }
0x43: {  	_ =	shalt  }
0x44: {  	_ =	shalt  }
0x45: {  	_ =	shalt  }
0x46: {  	_ =	shalt  }
0x47: {  	_ =	shalt  }
0x48: {  	_ =	shalt  }
0x49: {  	_ =	shalt  }
0x4a: {  	_ =	shalt  }
0x4b: {  	_ =	shalt  }
0x4c: {  	_ =	shalt  }
0x4d: {  	_ =	shalt  }
0x4e: {  	_ =	shalt  }
0x4f: {  	_ =	shalt  }
0x50: {  	_ =	shalt  }
0x51: {  	_ =	shalt  }
0x52: {  	_ =	shalt  }
0x53: {  	_ =	shalt  }
0x54: {  	_ =	shalt  }
0x55: {  	_ =	shalt  }
0x56: {  	_ =	shalt  }
0x57: {  	_ =	shalt  }
0x58: {  	_ =	shalt  }
0x59: {  	_ =	shalt  }
0x5a: {  	_ =	shalt  }
0x5b: {  	_ =	shalt  }
0x5c: {  	_ =	shalt  }
0x5d: {  	_ =	shalt  }
0x5e: {  	_ =	shalt  }
0x5f: {  	_ =	shalt  }
0x60: {  	_ =	shalt  }
0x61: {  	_ =	shalt  }
0x62: {  	_ =	shalt  }
0x63: {  	_ =	shalt  }
0x64: {  	_ =	shalt  }
0x65: {  	_ =	shalt  }
0x66: {  	_ =	shalt  }
0x67: {  	_ =	shalt  }
0x68: {  	_ =	shalt  }
0x69: {  	_ =	shalt  }
0x6a: {  	_ =	shalt  }
0x6b: {  	_ =	shalt  }
0x6c: {  	_ =	shalt  }
0x6d: {  	_ =	shalt  }
0x6e: {  	_ =	shalt  }
0x6f: {  	_ =	shalt  }
0x70: {  	_ =	shalt  }
0x71: {  	_ =	shalt  }
0x72: {  	_ =	shalt  }
0x73: {  	_ =	shalt  }
0x74: {  	_ =	shalt  }
0x75: {  	_ =	shalt  }
0x76: {  	_ =	shalt  }
0x77: {  	_ =	shalt  }
0x78: {  	_ =	shalt  }
0x79: {  	_ =	shalt  }
0x7a: {  	_ =	shalt  }
0x7b: {  	_ =	shalt  }
0x7c: {  	_ =	shalt  }
0x7d: {  	_ =	shalt  }
0x7e: {  	_ =	shalt  }
0x7f: {  	_ =	shalt  }
0x80: {  	_ =	shalt  }
0x81: {  	_ =	shalt  }
0x82: {  	_ =	shalt  }
0x83: {  	_ =	shalt  }
0x84: {  	_ =	shalt  }
0x85: {  	_ =	shalt  }
0x86: {  	_ =	shalt  }
0x87: {  	_ =	shalt  }
.Lfunc_end0:
.L_simem_size_0:
called_computation.2_lowered:
.L_overlay_start_0:
0x88: {  	s2 =	sld [smem:$0x3FD9]  }
0x89: {  	s3 =	sld [smem:$0x3FFE];
	_ =	sdelay $0x1  }
0x8a: {  	s1 =	srdreg.scid  }
0x8b: {  	s0 =	sand.u32 $0x1, s1  }
0x8c: {  	s16 =	sshll.u32 s0, $0xA;
	s2 =	sadd.s32 s3, s2  }
0x8d: {  	s2 =	sadd.s32 s2, s16  }
0x8e: {  	[smem:$0x3FB4] =	sst s2  }
0x8f: {  	_ = 	snop  }
0x90: {  	(tm) =	ssettm $0x1  }
0x91: {  	s17 =	sld [smem:$0x3FFB];
	_ =	sdelay $0x3  }
0x92: {  	_ =	strace s17  }
0x93: {  	s2 =	sld [smem:$0x3FFC];
	_ =	sdelay $0x3  }
0x94: {  	_ =	strace s2  }
0x95: {  	s2 =	sld [smem:$0x3FFD];
	_ =	sdelay $0x3  }
0x96: {  	_ =	strace s2  }
0x97: {  	_ =	strace $0x8FFFFFFF  }
0x98: {  	s18 =	sld [smem:$0x3FDB];
	_ =	sdelay $0x1  }
0x99: {  	s19 =	simm.s32 $_scs_section_size  }
0x9a: {  	s4 =	simm.s32 $_size__tile_overlayer_lowered;
	s5 =	simm.s32 $_tile_overlayer_lowered  }
0x9b: {  	s22 =	simm.s32 $0x1BFF;
	s21 =	sshll.u32 s5, $0x1;
	s2 =	sadd.s32 s19, s18  }
0x9c: {  	s6 =	simm.s32 $0x0;
	s20 =	sshll.u32 s4, $0x1;
	s4 =	sadd.s32 s21, s2  }
0x9d: {  	[timem:s6], [sflag:s22] =	dma.local [hbm:s4], s20  }
0x9e: {  	_ =	swait.ge [sflag:s22], s20  }
0x9f: {  	s3 =	ssub.s32 $0x0, s20;
	[sflag:s22] =	ssyncset.done $0x0  }
0xa0: {  	[sflag:s22] =	ssyncadd.s32 s3;
	_ =	sdelay $0x1  }
0xa1: {  	s23 =	simm.s32 $0x1B8B  }
0xa2: {  	_ =	swait.ge [sflag:s23], $0x1  }
0xa3: {  	[sflag:s23] =	ssyncset.done $0x0  }
0xa4: {  	s25 =	simm.s32 $0x1B8E;
	s24 =	sld [smem:$0x3FFE];
	[sflag:s23] =	ssyncadd.s32 $0xFFFFFFFF  }
0xa5: {  	s26 =	simm.s32 $execute0_lowered;
	[smem:$0x3FD2] =	sst s25  }
0xa6: {  	s4 =	sshll.u32 s26, $0x1;
	_ =	strace $0x8000004C;
	[dreg:$0x1] =	wrdreg $0xFFFFFFFF  }
0xa7: {  	s28 =	simm.s32 $_size_execute0_lowered;
	s2 =	sadd.s32 s2, s4;
	[dreg:$0x0] =	wrdreg $0x0  }
0xa8: {  	s4 =	sshll.u32 s28, $0x1;
	[dreg:$0x2] =	wrdreg s2  }
0xa9: {  	[dreg:$0x3] =	wrdreg s4  }
0xaa: {  	[dreg:$0x4] =	wrdreg $0xC0  }
0xab: {  	_ =	task [dreg:s6], $0x5FFFF  }
0xac: {  	[dreg:$0x1] =	wrdreg $0xFFFFFFFF  }
0xad: {  	[dreg:$0x0] =	wrdreg $0x60  }
0xae: {  	[dreg:$0x2] =	wrdreg s24  }
0xaf: {  	[dreg:$0x3] =	wrdreg $0x5C400  }
0xb0: {  	[dreg:$0x4] =	wrdreg $0x9  }
0xb1: {  	_ =	task.clear_ibuf [dreg:s6], $0x5FFFF;
	_ =	strace $0x9000004C  }
0xb2: {  	s29 =	simm.s32 $0x9;
	_ =	strace $0x8000004E  }
0xb3: {  	_ =	swait.ge [sflag:s29], $0x1  }
0xb4: {  	[sflag:s29] =	ssyncadd.s32 $0xFFFFFFFF  }
0xb5: {  	_ =	strace $0x9000004E  }
0xb6: {  	_ =	sfence  }
0xb7: {  	s30 =	sld [smem:$0x0];
	_ =	sdelay $0x2  }
0xb8: {  	s31 =	sshll.u32 s1, $0xD;
	s1 =	sshrl.u32 s1, $0x2  }
0xb9: {  	s3 =	sand.u32 $0x4000, s31;
	s1 =	sadd.s32 s1, s30  }
0xba: {  	s0 =	sor.u32 s3, s0;
	s1 =	sshll.u32 s1, $0x11  }
0xbb: {  	s0 =	sor.u32 s1, s0  }
0xbc: {  	s0 =	sadd.s32 $0x8F2B, s0  }
0xbd: {  	[sflag:s0] =	ssyncadd.remote.s32 $0x1  }
0xbe: {  	_ =	sfence.sel $0xFFFF  }
0xbf: {  	[dreg:$0x0] =	wrdreg $0xFFFFFFFF;
	(pc) =	sbr.abs _section_cstart, $3  }
0xc0: {  	[dreg:$0x1] =	wrdreg $0xFFFFFFFF  }
0xc1: {  	_ =	task.clear_ibuf [dreg:s6], $0x2FFFF;
	_ =	strace $0x9FFFFFFF  }
0xc2: {  	(tm) =	ssettm $0x7FFFFFFF  }
0xc3: {  	_ =	shalt  }
tec
execute0_lowered:
.L_overlay_start_1:
0x0: {  	(tag) =	ssettag $0x1  }
0x1: {  	s0 =	rddreg [dreg:$0x0]  }
0x2: {  	s1 =	rddreg [dreg:$0x1];
	s2 =	simm.s32 $0x0  }
0x3: {  	s3 =	srdreg.scid;
	s17 =	stileid.u32;
	s14 =	simm.s32 $0x186  }
0x4: {  	s28 =	simm.s32 $0x4540;
	s29 =	simm.s32 $0x7;
	s31 =	simm.s32 $0x80  }
0x5: {  	[smem:$0x7FF] =	sst s2;
	s3 =	sand.u32 $0x1, s3;
	s4 =	sadd.s32 $0x56C00, s0  }
0x6: {  	s5 =	sadd.s32 $0xB8E00, s0;
	s9 =	smul.u32 $0x61C00, s17;
	s7 =	sadd.s32 $0x3A00, s0  }
0x7: {  	s8 =	sadd.s32 $0x3CA00, s0;
	s25 =	smul.u32 $0x186, s17;
	s13 =	sadd.s32 $0x186900, s1  }
0x8: {  	s26 =	smin.u32 s17, $0xA;
	p0 =	sgt.u32 s17, $0x9;
	s30 =	smul.u32 $0xC38, s17  }
0x9: {  	s22 =	smul.u32 $0x30E0, s17;
	p1 =	seq.s32 s17, $0xF;
	p2 =	sne.s32 s17, $0xF  }
0xa: {  	_ =	strace $0x8000004D;
	s6 =	sshll.u32 s3, $0x2;
	s16 =	smul.u32 $0xC350, s3  }
0xb: {  	s11 =	ssub.s32 $0x2, s3;
	[dreg:$0x4] =	wrdreg s13;
	s19 =	smul.u32 $0x186A00, s3  }
0xc: {  	s14 =	simm.s32 @!p0 $0x187;
	s3 =	smul.u32 $0x30D40, s3;
	s10 =	sadd.s32 s6, s0  }
0xd: {  	s6 =	sadd.s32 $0x1C200, s0;
	s0 =	sadd.s32 $0x2A1400, s0;
	s9 =	sshrl.u32 s9, $0x2  }
0xe: {  	s12 =	sshrl.u32 s11, $0x1;
	s13 =	sadd.s32 s26, s25;
	s9 =	sadd.s32 s9, s1  }
0xf: {  	s11 =	ssub.s32 s11, s12;
	s10 =	sadd.s32 $0xB8A00, s10;
	s20 =	sadd.s32 s30, s16  }
0x10: {  	s21 =	sshrl.u32 s19, $0x3;
	s30 =	sadd.s32 $0x186000, s1;
	[dreg:$0x5] =	wrdreg s10  }
0x11: {  	v0 =	vmov s16;
	s16 =	simm.s32 $0x4D40;
	s24 =	sadd.s32 $0x18000, s9;
	[dreg:$0xd] =	wrdreg s30  }
0x12: {  	s10 =	sshll.u32 s13, $0x4;
	s23 =	sadd.s32 $0x18600, s9;
	[dreg:$0x3] =	wrdreg s24  }
0x13: {  	s12 =	sadd.s32 s0, s21;
	s26 =	smax.u32 s11, $0x1;
	[dreg:$0x9] =	wrdreg s23  }
0x14: {  	s21 =	simm.s32 $0x4;
	s15 =	sadd.s32 s6, s10;
	[dreg:$0xc] =	wrdreg s26  }
0x15: {  	s11 =	simm.s32 $0x0;
	s18 =	sadd.s32 s7, s10;
	[dreg:$0x6] =	wrdreg s15  }
0x16: {  	s10 =	sadd.s32 s8, s10;
	s25 =	sadd.s32 $0x30C00, s12;
	[dreg:$0x7] =	wrdreg s18  }
0x17: {  	s26 =	sadd.s32 $0x16E900, s1;
	s12 =	simm.s32 $0x3;
	[dreg:$0x8] =	wrdreg s10  }
.Ltmp0:
0x18: {  	s18 =	sadd.s32 $0xFFFFFFFF, s14;
	s10 =	sshll.u32 s20, $0x2;
	(pc) =	sbr.rel .LBB2_1-.Ltmp0, $4  }
0x19: {  	[dreg:$0xb] =	wrdreg s25;
	s25 =	simm.s32 $0x1;
	s20 =	simm.s32 $0x2520  }
0x1a: {  	s15 =	simm.s32 $0x2;
	s10 =	sadd.s32 s10, s0;
	s0 =	sadd.s32 s3, s0  }
0x1b: {  	s24 =	sadd.s32 $0x30C0, s10;
	s23 =	sadd.s32 s22, s0;
	s10 =	simm.s32 $0x290  }
0x1c: {  	v1 =	vimm.f32 $0.0e+00;
	[dreg:$0xa] =	wrdreg s24;
	s24 =	sadd.s32 $0x2DD20, s0;
	s0 =	simm.s32 $0x5  }
.LBB2_32:
0x1d: {  	[sflag:s29] =	ssyncadd.s32 $0xFFFFF100;
	s3 =	rddreg [dreg:$0xd]  }
0x1e: {  	[tilespmem:s16], [sflag:$0x7] =	stream.linear.gather [spmem:s3], $0xA00, $0x38;
	[tilespmem:$0x1E2E0] =	vst v63  }
0x1f: {  	_ =	swait.ge [sflag:s29], $0xA00  }
0x20: {  	[sflag:s29] =	ssyncset.done $0x0  }
0x21: {  	s30 =	rddreg [dreg:$0xb];
	[sflag:s29] =	ssyncadd.s32 $0xFFFFF600  }
0x22: {  	[hbm4b:s30+s2] =	stream.linear.scatter [tilespmem:s16], [sflag:$0x7], $0xA00, $0x38;
	[tilespmem:$0x1E2E0] =	vst v63  }
0x23: {  	_ =	swait.ge [sflag:s29], $0xA00  }
0x24: {  	[sflag:s29] =	ssyncset.done $0x0  }
0x25: {  	s11 =	rddreg [dreg:$0xe];
	[sflag:s29] =	ssyncadd.s32 $0xFFFFF600  }
.LBB2_33:
0x26: {  	s11 =	sadd.s32 $0x1, s11;
	s3 =	rddreg [dreg:$0xc]  }
0x27: {  	p3 =	sne.s32 s11, s3  }
.Ltmp1:
0x28: {  	_ = 	snop;
	(pc) =	sbr.rel @!p3 .LBB2_34-.Ltmp1, $1  }
0x29: {  	_ =	sdelay $0x3  }
.LBB2_1:
0x2a: {  	[dreg:$0xe] =	wrdreg s11;
	s3 =	simm.s32 $0x80;
	s11 =	simm.s32 $0x0  }
.LBB2_2:
0x2b: {  	p3 =	sne.s32 s3, $0x1F80;
	[tilespmem:s11+$0x4540] =	vst v1;
	s19 =	smov.u32 s3;
	s3 =	sadd.s32 $0x80, s3  }
.Ltmp2:
0x2c: {  	[tilespmem:s11+$0x4550] =	vst v1;
	(pc) =	sbr.rel @p3 .LBB2_2-.Ltmp2, $2  }
0x2d: {  	_ =	sdelay $0x2  }
0x2e: {  	s11 =	sshra.s32 s19, $0x2  }
.Ltmp3:
0x2f: {  	(pc) =	sbr.rel @!p1 .LBB2_4-.Ltmp3, $3  }
0x30: {  	_ =	sdelay $0x1  }
0x31: {  	[tilespmem:s11+$0x4540] =	vst v1;
	s3 =	simm.s32 $0x0  }
0x32: {  	[tilespmem:s11+$0x4550] =	vst v1;
	s11 =	sshra.s32 s3, $0x2  }
0x33: {  	s11 =	sadd.s32 s11, s26  }
0x34: {  	[spmem:s11] =	stream.linear.scatter [tilespmem:s28], [sflag:$0x7], $0x800, $0x38;
	[tilespmem:$0x1E2E0] =	vst v63  }
0x35: {  	s3 =	sadd.s32 $0x2000, s3;
	_ =	swait.ge [sflag:s29], $0x800  }
.LBB2_8:
0x36: {  	s11 =	sshra.s32 s3, $0x2;
	[sflag:s29] =	ssyncset.done $0x0;
	p3 =	sne.s32 s3, $0x5E000  }
.Ltmp4:
0x37: {  	s11 =	sadd.s32 s11, s26;
	[sflag:s29] =	ssyncadd.s32 $0xFFFFF800;
	(pc) =	sbr.rel @p3 .LBB2_8-.Ltmp4, $3  }
0x38: {  	[spmem:s11] =	stream.linear.scatter [tilespmem:s28], [sflag:$0x7], $0x800, $0x38;
	[tilespmem:$0x1E2E0] =	vst v63  }
0x39: {  	s3 =	sadd.s32 $0x2000, s3;
	_ =	sdelay $0x1  }
0x3a: {  	_ =	swait.ge [sflag:s29], $0x800  }
0x3b: {  	[sflag:s29] =	ssyncset.done $0x0  }
.Ltmp5:
0x3c: {  	s3 =	rddreg [dreg:$0x4];
	[sflag:s29] =	ssyncadd.s32 $0xFFFFF800;
	(pc) =	sbr.rel .LBB2_10-.Ltmp5, $4  }
0x3d: {  	[spmem:s3] =	stream.linear.scatter [tilespmem:s28], [sflag:$0x7], $0x100, $0x38;
	[tilespmem:$0x1E2E0] =	vst v63  }
0x3e: {  	_ =	swait.ge [sflag:s29], $0x100  }
0x3f: {  	[sflag:s29] =	ssyncset.done $0x0  }
0x40: {  	[sflag:s29] =	ssyncadd.s32 $0xFFFFFF00  }
.LBB2_4:
0x41: {  	s11 =	sadd.s32 s11, s9  }
0x42: {  	[spmem:s11] =	stream.linear.scatter [tilespmem:s28], [sflag:$0x7], $0x800, $0x38;
	[tilespmem:$0x1E2E0] =	vst v63  }
0x43: {  	s3 =	sadd.s32 $0x2000, s3;
	_ =	swait.ge [sflag:s29], $0x800  }
.LBB2_5:
0x44: {  	s11 =	sshra.s32 s3, $0x2;
	[sflag:s29] =	ssyncset.done $0x0;
	p3 =	sne.s32 s3, $0x5E000  }
.Ltmp6:
0x45: {  	s11 =	sadd.s32 s11, s9;
	[sflag:s29] =	ssyncadd.s32 $0xFFFFF800;
	(pc) =	sbr.rel @p3 .LBB2_5-.Ltmp6, $3  }
0x46: {  	[spmem:s11] =	stream.linear.scatter [tilespmem:s28], [sflag:$0x7], $0x800, $0x38;
	[tilespmem:$0x1E2E0] =	vst v63  }
0x47: {  	s3 =	sadd.s32 $0x2000, s3;
	_ =	sdelay $0x1  }
0x48: {  	_ =	swait.ge [sflag:s29], $0x800  }
0x49: {  	[sflag:s29] =	ssyncset.done $0x0  }
0x4a: {  	s3 =	rddreg [dreg:$0x3];
	[sflag:s29] =	ssyncadd.s32 $0xFFFFF800  }
0x4b: {  	[spmem:s3] =	stream.linear.scatter [tilespmem:s28], [sflag:$0x7], $0x700, $0x38;
	[tilespmem:$0x1E2E0] =	vst v63  }
0x4c: {  	_ =	swait.ge [sflag:s29], $0x700  }
0x4d: {  	[sflag:s29] =	ssyncset.done $0x0  }
0x4e: {  	[sflag:s29] =	ssyncadd.s32 $0xFFFFF900  }
.LBB2_10:
0x4f: {  	s22 =	simm.s32 $0x0;
	s3 =	rddreg [dreg:$0x5];
	s11 =	simm.s32 $0x4520  }
0x50: {  	[tilespmem:s11], [sflag:$0x7] =	stream.linear.gather [hbm4b:s3+s22], $0x20, $0x38;
	[tilespmem:$0x1E2E0] =	vst v63  }
0x51: {  	_ =	swait.ge [sflag:s29], $0x20  }
0x52: {  	[sflag:s29] =	ssyncset.done $0x0  }
0x53: {  	[sflag:s29] =	ssyncadd.s32 $0xFFFFFFE0  }
0x54: {  	[bflag:$0x0] =	sbarrier.arrive $0xFFFF  }
0x55: {  	v2 =	vld [tilespmem:$0x4520];
	s11 =	rddreg [dreg:$0x6]  }
0x56: {  	v3 =	vld [tilespmem:$0x4530];
	[tilespmem:s22], [sflag:$0x7] =	stream.linear.gather [hbm4b:s11+s22], $0x80, $0x38  }
0x57: {  	_ =	swait.ge [sflag:s29], $0x80  }
0x58: {  	[sflag:s29] =	ssyncset.done $0x0  }
0x59: {  	s17 =	rddreg [dreg:$0x7];
	[sflag:s29] =	ssyncadd.s32 $0xFFFFFF80  }
0x5a: {  	[tilespmem:s31], [sflag:$0x7] =	stream.linear.gather [hbm4b:s17+s22], $0x80, $0x38;
	[tilespmem:$0x1E2E0] =	vst v63  }
0x5b: {  	_ =	swait.ge [sflag:s29], $0x80  }
0x5c: {  	[sflag:s29] =	ssyncset.done $0x0  }
0x5d: {  	s30 =	simm.s32 $0x200;
	s19 =	rddreg [dreg:$0x8];
	[sflag:s29] =	ssyncadd.s32 $0xFFFFFF80  }
0x5e: {  	[tilespmem:s30], [sflag:$0x7] =	stream.linear.gather [hbm4b:s19+s22], $0x80, $0x38;
	[tilespmem:$0x1E2E0] =	vst v63  }
0x5f: {  	_ =	swait.ge [sflag:s29], $0x80  }
0x60: {  	[sflag:s29] =	ssyncset.done $0x0  }
0x61: {  	[sflag:s29] =	ssyncadd.s32 $0xFFFFFF80  }
0x62: {  	v4 =	vld [tilespmem:$0x0]  }
0x63: {  	v5 =	vld [tilespmem:$0x80]  }
0x64: {  	v6 =	vld [tilespmem:$0x10]  }
0x65: {  	v7 =	vld [tilespmem:$0x90]  }
0x66: {  	v8 =	vld [tilespmem:$0x20]  }
0x67: {  	v9 =	vld [tilespmem:$0xA0];
	v4 =	vadd.s32 v0, v4  }
0x68: {  	[tilespmem:$0x100] =	vst v4;
	v4 =	vadd.s32 v0, v5;
	v5 =	vld [tilespmem:$0x30]  }
0x69: {  	v56 =	vld [tilespmem:$0xB0];
	[tilespmem:$0x180] =	vst v4;
	v4 =	vadd.s32 v0, v6  }
0x6a: {  	v57 =	vld [tilespmem:$0x40];
	[tilespmem:$0x110] =	vst v4;
	v4 =	vadd.s32 v0, v7  }
0x6b: {  	v58 =	vld [tilespmem:$0xC0];
	[tilespmem:$0x190] =	vst v4;
	v4 =	vadd.s32 v0, v8  }
0x6c: {  	v59 =	vld [tilespmem:$0x50];
	[tilespmem:$0x120] =	vst v4;
	v4 =	vadd.s32 v0, v9  }
0x6d: {  	[tilespmem:$0x1A0] =	vst v4;
	v4 =	vadd.s32 v0, v5;
	v5 =	vld [tilespmem:$0xD0]  }
0x6e: {  	v60 =	vld [tilespmem:$0x60];
	[tilespmem:$0x130] =	vst v4;
	v4 =	vadd.s32 v0, v56  }
0x6f: {  	v61 =	vld [tilespmem:$0xE0];
	[tilespmem:$0x1B0] =	vst v4;
	v4 =	vadd.s32 v0, v57  }
0x70: {  	v62 =	vld [tilespmem:$0x70];
	[tilespmem:$0x140] =	vst v4;
	v4 =	vadd.s32 v0, v58  }
0x71: {  	v63 =	vld [tilespmem:$0xF0];
	[tilespmem:$0x1C0] =	vst v4;
	v4 =	vadd.s32 v0, v59  }
0x72: {  	[tilespmem:$0x150] =	vst v4;
	v4 =	vadd.s32 v0, v5  }
0x73: {  	[tilespmem:$0x1D0] =	vst v4;
	v4 =	vadd.s32 v0, v60  }
0x74: {  	[tilespmem:$0x160] =	vst v4;
	v4 =	vadd.s32 v0, v61  }
0x75: {  	[tilespmem:$0x1E0] =	vst v4;
	v4 =	vadd.s32 v0, v62  }
.Ltmp7:
0x76: {  	[tilespmem:$0x170] =	vst v4;
	v4 =	vadd.s32 v0, v63;
	(pc) =	sbr.rel .LBB2_11-.Ltmp7, $4  }
0x77: {  	s17 =	simm.s32 $0x100;
	[tilespmem:$0x1F0] =	vst v4  }
0x78: {  	[tilespmem:s10], [sflag:$0x3] =	stream.indirect.gather [hbm4b:s4+s31], $0x20, s17, s31, $0xb8;
	[tilespmem:$0x1E2E0] =	vst v63  }
0x79: {  	s19 =	simm.s32 $0x180;
	s30 =	simm.s32 $0x1290  }
0x7a: {  	[tilespmem:s30], [sflag:$0x3] =	stream.indirect.gather [hbm4b:s5+s31], $0x20, s19, s31, $0xb8;
	[tilespmem:$0x1E2E0] =	vst v63  }
.LBB2_22:
0x7b: {  	s3 =	simm.s32 $0x2290  }
0x7c: {  	[spmem:s1] =	stream.indirect.scatter.add.f32 [tilespmem:s20], [sflag:$0x6], $0x20, s3, s31, $0xb8;
	[tilespmem:$0x1E2E0] =	vst v63  }
.LBB2_23:
0x7d: {  	s22 =	sadd.s32 $0x1, s22  }
0x7e: {  	p3 =	sne.s32 s22, $0x187  }
.Ltmp8:
0x7f: {  	_ = 	snop;
	(pc) =	sbr.rel @!p3 .LBB2_24-.Ltmp8, $1  }
0x80: {  	_ =	sdelay $0x3  }
.LBB2_11:
0x81: {  	p3 =	sge.u32 s22, s14  }
.Ltmp9:
0x82: {  	_ = 	snop;
	(pc) =	sbr.rel @p3 .LBB2_23-.Ltmp9, $1  }
0x83: {  	_ =	sdelay $0x3  }
0x84: {  	s3 =	sand.u32 $0x1, s22  }
0x85: {  	p3 =	seq.s32 s3, $0x1  }
.Ltmp10:
0x86: {  	_ = 	snop;
	(pc) =	sbr.rel @p3 .LBB2_18-.Ltmp10, $1  }
0x87: {  	_ =	sdelay $0x3  }
0x88: {  	p4 =	seq.s32 s22, $0x0  }
0x89: {  	s11 =	simm.s32 @!p4 $0x6  }
0x8a: {  	s19 =	sadd.s32 s13, s22;
	p3 =	sge.u32 s22, s18;
	_ =	swait.ge @!p4 [sflag:s11], $0x1000  }
0x8b: {  	s19 =	sshll.u32 @!p3 s19, $0x4;
	[sflag:s11] =	ssyncset.done @!p4 $0x0  }
0x8c: {  	[sflag:s11] =	ssyncadd.s32 @!p4 $0xFFFFF000;
	s11 =	sadd.s32 @!p3 $0x10, s19  }
0x8d: {  	s30 =	simm.s32 @!p3 $0x0;
	s17 =	simm.s32 @!p3 $0x2290;
	s19 =	sadd.s32 @!p3 s6, s11  }
0x8e: {  	[tilespmem:s17], [sflag:$0x2] =	stream.linear.gather @!p3 [hbm4b:s19+s30], $0x80, $0x38;
	[tilespmem:$0x1E2E0] =	vst v63  }
0x8f: {  	s17 =	sadd.s32 @!p3 s7, s11;
	s19 =	simm.s32 @!p3 $0x2310  }
0x90: {  	[tilespmem:s19], [sflag:$0x2] =	stream.linear.gather @!p3 [hbm4b:s17+s30], $0x80, $0x38;
	[tilespmem:$0x1E2E0] =	vst v63  }
0x91: {  	s11 =	sadd.s32 @!p3 s8, s11;
	s17 =	simm.s32 @!p3 $0x2490  }
0x92: {  	[tilespmem:s17], [sflag:$0x2] =	stream.linear.gather @!p3 [hbm4b:s11+s30], $0x80, $0x38;
	[tilespmem:$0x1E2E0] =	vst v63  }
0x93: {  	_ =	swait.ge [sflag:s12], $0x1000  }
0x94: {  	[sflag:s12] =	ssyncset.done $0x0  }
0x95: {  	[sflag:s12] =	ssyncadd.s32 $0xFFFFF000  }
0x96: {  	_ =	swait.ge [sflag:s12], $0x1000  }
0x97: {  	[sflag:s12] =	ssyncset.done $0x0  }
0x98: {  	s11 =	simm.s32 $0x0;
	[sflag:s12] =	ssyncadd.s32 $0xFFFFF000  }
0x99: {  	v4 =	vld [tilespmem:s11+$0x1290]  }
0x9a: {  	v5 =	vld [tilespmem:s11+$0x12A0]  }
0x9b: {  	s30 =	simm.s32 $0x200;
	v7 =	vld [tilespmem:s11+$0x290]  }
0x9c: {  	s19 =	simm.s32 $0x80;
	v6 =	vld.msk [tilespmem:s30+$0x0 ss:$0x0], $0xffff  }
.LBB2_14:
0x9d: {  	p4 =	sne.s32 s19, $0x3F80;
	v8 =	vld [tilespmem:s11+$0x2A0];
	_ =	sdelay $0x3  }
0x9e: {  	v4 =	vadd.f32 v4, v7  }
0x9f: {  	v7 =	vmul.f32 v6, v2;
	v6 =	vmul.f32 v6, v3;
	v5 =	vadd.f32 v5, v8;
	_ =	sdelay $0x1  }
0xa0: {  	v7 =	vadd.f32 v4, v7;
	v5 =	vadd.f32 v5, v6  }
.Ltmp11:
0xa1: {  	s17 =	sshra.s32 s19, $0x2;
	(pc) =	sbr.rel @p4 .LBB2_14-.Ltmp11, $4  }
0xa2: {  	v6 =	vmax.f32 v7, $0.0e+00;
	v4 =	vld [tilespmem:s17+$0x1290];
	v8 =	vmax.f32 v5, $0.0e+00  }
0xa3: {  	v5 =	vld [tilespmem:s17+$0x12A0];
	[tilespmem:s11+$0x290] =	vst v6  }
0xa4: {  	s30 =	sadd.s32 $0x1, s30;
	v7 =	vld [tilespmem:s17+$0x290];
	[tilespmem:s11+$0x2A0] =	vst v8;
	s11 =	smov.u32 s17  }
0xa5: {  	s19 =	sadd.s32 $0x80, s19;
	v6 =	vld.msk [tilespmem:s30+$0x0 ss:$0x0], $0xffff  }
0xa6: {  	v8 =	vld [tilespmem:s11+$0x2A0];
	_ =	sdelay $0x3  }
0xa7: {  	v4 =	vadd.f32 v4, v7;
	v62 =	vmul.f32 v6, v2  }
0xa8: {  	v63 =	vmul.f32 v6, v3;
	v5 =	vadd.f32 v5, v8  }
.Ltmp12:
0xa9: {  	v4 =	vadd.f32 v4, v62;
	(pc) =	sbr.rel @p3 .LBB2_17-.Ltmp12, $4  }
0xaa: {  	v5 =	vadd.f32 v5, v63  }
0xab: {  	v4 =	vmax.f32 v4, $0.0e+00  }
0xac: {  	v5 =	vmax.f32 v5, $0.0e+00;
	[tilespmem:s11+$0x290] =	vst v4  }
0xad: {  	[tilespmem:s11+$0x2A0] =	vst v5  }
0xae: {  	_ =	swait.ge [sflag:s15], $0x80  }
0xaf: {  	[sflag:s15] =	ssyncset.done $0x0  }
0xb0: {  	[sflag:s15] =	ssyncadd.s32 $0xFFFFFF80  }
0xb1: {  	_ =	swait.ge [sflag:s15], $0x80  }
0xb2: {  	[sflag:s15] =	ssyncset.done $0x0  }
0xb3: {  	[sflag:s15] =	ssyncadd.s32 $0xFFFFFF80  }
0xb4: {  	_ =	swait.ge [sflag:s15], $0x80  }
0xb5: {  	[sflag:s15] =	ssyncset.done $0x0  }
0xb6: {  	[sflag:s15] =	ssyncadd.s32 $0xFFFFFF80  }
0xb7: {  	v4 =	vld [tilespmem:$0x2290]  }
0xb8: {  	v5 =	vld [tilespmem:$0x2310]  }
0xb9: {  	v6 =	vld [tilespmem:$0x22A0]  }
0xba: {  	v7 =	vld [tilespmem:$0x2320]  }
0xbb: {  	v8 =	vld [tilespmem:$0x22B0]  }
0xbc: {  	v9 =	vld [tilespmem:$0x2330];
	v4 =	vadd.s32 v0, v4  }
0xbd: {  	[tilespmem:$0x2390] =	vst v4;
	v4 =	vadd.s32 v0, v5;
	v5 =	vld [tilespmem:$0x22C0]  }
0xbe: {  	v56 =	vld [tilespmem:$0x2340];
	[tilespmem:$0x2410] =	vst v4;
	v4 =	vadd.s32 v0, v6  }
0xbf: {  	v57 =	vld [tilespmem:$0x22D0];
	[tilespmem:$0x23A0] =	vst v4;
	v4 =	vadd.s32 v0, v7  }
0xc0: {  	v58 =	vld [tilespmem:$0x2350];
	[tilespmem:$0x2420] =	vst v4;
	v4 =	vadd.s32 v0, v8  }
0xc1: {  	v59 =	vld [tilespmem:$0x22E0];
	[tilespmem:$0x23B0] =	vst v4;
	v4 =	vadd.s32 v0, v9  }
0xc2: {  	[tilespmem:$0x2430] =	vst v4;
	v4 =	vadd.s32 v0, v5;
	v5 =	vld [tilespmem:$0x2360]  }
0xc3: {  	v60 =	vld [tilespmem:$0x22F0];
	[tilespmem:$0x23C0] =	vst v4;
	v4 =	vadd.s32 v0, v56  }
0xc4: {  	v61 =	vld [tilespmem:$0x2370];
	[tilespmem:$0x2440] =	vst v4;
	v4 =	vadd.s32 v0, v57  }
0xc5: {  	v62 =	vld [tilespmem:$0x2300];
	[tilespmem:$0x23D0] =	vst v4;
	v4 =	vadd.s32 v0, v58  }
0xc6: {  	v63 =	vld [tilespmem:$0x2380];
	[tilespmem:$0x2450] =	vst v4;
	v4 =	vadd.s32 v0, v59  }
0xc7: {  	[tilespmem:$0x23E0] =	vst v4;
	v4 =	vadd.s32 v0, v5  }
0xc8: {  	[tilespmem:$0x2460] =	vst v4;
	v4 =	vadd.s32 v0, v60  }
0xc9: {  	[tilespmem:$0x23F0] =	vst v4;
	v4 =	vadd.s32 v0, v61  }
0xca: {  	[tilespmem:$0x2470] =	vst v4;
	v4 =	vadd.s32 v0, v62  }
0xcb: {  	[tilespmem:$0x2400] =	vst v4;
	v4 =	vadd.s32 v0, v63  }
0xcc: {  	s11 =	simm.s32 $0x2390;
	[tilespmem:$0x2480] =	vst v4  }
0xcd: {  	[tilespmem:s20], [sflag:$0x4] =	stream.indirect.gather [hbm4b:s4+s31], $0x20, s11, s31, $0xb8;
	[tilespmem:$0x1E2E0] =	vst v63  }
0xce: {  	s30 =	simm.s32 $0x2410;
	s17 =	simm.s32 $0x3520  }
0xcf: {  	[tilespmem:s17], [sflag:$0x4] =	stream.indirect.gather [hbm4b:s5+s31], $0x20, s30, s31, $0xb8;
	[tilespmem:$0x1E2E0] =	vst v63  }
.LBB2_17:
0xd0: {  	p3 =	seq.s32 s3, $0x0  }
.Ltmp13:
0xd1: {  	_ = 	snop;
	(pc) =	sbr.rel @p3 .LBB2_23-.Ltmp13, $2  }
0xd2: {  	_ =	sdelay $0x2  }
0xd3: {  	[spmem:s1] =	stream.indirect.scatter.add.f32 [tilespmem:s10], [sflag:$0x5], $0x20, s2, s31, $0xb8;
	[tilespmem:$0x1E2E0] =	vst v63  }
.LBB2_18:
0xd4: {  	p3 =	sge.u32 s22, s18  }
0xd5: {  	s3 =	sadd.s32 @!p3 s13, s22  }
0xd6: {  	_ =	swait.ge [sflag:s0], $0x1000;
	s3 =	sshll.u32 @!p3 s3, $0x4  }
0xd7: {  	[sflag:s0] =	ssyncset.done $0x0;
	s3 =	sadd.s32 @!p3 $0x10, s3  }
0xd8: {  	s17 =	simm.s32 @!p3 $0x0;
	[sflag:s0] =	ssyncadd.s32 $0xFFFFF000;
	s11 =	sadd.s32 @!p3 s6, s3  }
0xd9: {  	[tilespmem:s17], [sflag:$0x1] =	stream.linear.gather @!p3 [hbm4b:s11+s17], $0x80, $0x38;
	[tilespmem:$0x1E2E0] =	vst v63  }
0xda: {  	s19 =	simm.s32 @!p3 $0x80;
	s11 =	sadd.s32 @!p3 s7, s3  }
0xdb: {  	[tilespmem:s19], [sflag:$0x1] =	stream.linear.gather @!p3 [hbm4b:s11+s17], $0x80, $0x38;
	[tilespmem:$0x1E2E0] =	vst v63  }
0xdc: {  	s3 =	sadd.s32 @!p3 s8, s3;
	s11 =	simm.s32 @!p3 $0x200  }
0xdd: {  	[tilespmem:s11], [sflag:$0x1] =	stream.linear.gather @!p3 [hbm4b:s3+s17], $0x80, $0x38;
	[tilespmem:$0x1E2E0] =	vst v63  }
0xde: {  	_ =	swait.ge [sflag:s21], $0x1000  }
0xdf: {  	[sflag:s21] =	ssyncset.done $0x0  }
0xe0: {  	[sflag:s21] =	ssyncadd.s32 $0xFFFFF000  }
0xe1: {  	_ =	swait.ge [sflag:s21], $0x1000  }
0xe2: {  	[sflag:s21] =	ssyncset.done $0x0  }
0xe3: {  	s3 =	simm.s32 $0x0;
	[sflag:s21] =	ssyncadd.s32 $0xFFFFF000  }
0xe4: {  	v4 =	vld [tilespmem:s3+$0x3520]  }
0xe5: {  	v5 =	vld [tilespmem:s3+$0x3530]  }
0xe6: {  	s11 =	simm.s32 $0x2490;
	v7 =	vld [tilespmem:s3+$0x2520]  }
0xe7: {  	s19 =	simm.s32 $0x80;
	v6 =	vld.msk [tilespmem:s11+$0x0 ss:$0x0], $0xffff  }
.LBB2_19:
0xe8: {  	p4 =	sne.s32 s19, $0x3F80;
	v8 =	vld [tilespmem:s3+$0x2530];
	_ =	sdelay $0x3  }
0xe9: {  	v4 =	vadd.f32 v4, v7  }
0xea: {  	v7 =	vmul.f32 v6, v2;
	v6 =	vmul.f32 v6, v3;
	v5 =	vadd.f32 v5, v8;
	_ =	sdelay $0x1  }
0xeb: {  	v7 =	vadd.f32 v4, v7;
	v5 =	vadd.f32 v5, v6  }
.Ltmp14:
0xec: {  	s17 =	sshra.s32 s19, $0x2;
	(pc) =	sbr.rel @p4 .LBB2_19-.Ltmp14, $4  }
0xed: {  	v6 =	vmax.f32 v7, $0.0e+00;
	v4 =	vld [tilespmem:s17+$0x3520];
	v8 =	vmax.f32 v5, $0.0e+00  }
0xee: {  	v5 =	vld [tilespmem:s17+$0x3530];
	[tilespmem:s3+$0x2520] =	vst v6  }
0xef: {  	s11 =	sadd.s32 $0x1, s11;
	v7 =	vld [tilespmem:s17+$0x2520];
	[tilespmem:s3+$0x2530] =	vst v8;
	s3 =	smov.u32 s17  }
0xf0: {  	s19 =	sadd.s32 $0x80, s19;
	v6 =	vld.msk [tilespmem:s11+$0x0 ss:$0x0], $0xffff  }
0xf1: {  	v8 =	vld [tilespmem:s3+$0x2530];
	_ =	sdelay $0x3  }
0xf2: {  	v4 =	vadd.f32 v4, v7;
	v62 =	vmul.f32 v6, v2  }
0xf3: {  	v63 =	vmul.f32 v6, v3;
	v5 =	vadd.f32 v5, v8  }
.Ltmp15:
0xf4: {  	v4 =	vadd.f32 v4, v62;
	(pc) =	sbr.rel @p3 .LBB2_22-.Ltmp15, $4  }
0xf5: {  	v5 =	vadd.f32 v5, v63  }
0xf6: {  	v4 =	vmax.f32 v4, $0.0e+00  }
0xf7: {  	v5 =	vmax.f32 v5, $0.0e+00;
	[tilespmem:s3+$0x2520] =	vst v4  }
0xf8: {  	[tilespmem:s3+$0x2530] =	vst v5  }
0xf9: {  	_ =	swait.ge [sflag:s25], $0x80  }
0xfa: {  	[sflag:s25] =	ssyncset.done $0x0  }
0xfb: {  	[sflag:s25] =	ssyncadd.s32 $0xFFFFFF80  }
0xfc: {  	_ =	swait.ge [sflag:s25], $0x80  }
0xfd: {  	[sflag:s25] =	ssyncset.done $0x0  }
0xfe: {  	[sflag:s25] =	ssyncadd.s32 $0xFFFFFF80  }
0xff: {  	_ =	swait.ge [sflag:s25], $0x80  }
0x100: {  	[sflag:s25] =	ssyncset.done $0x0  }
0x101: {  	[sflag:s25] =	ssyncadd.s32 $0xFFFFFF80  }
0x102: {  	v4 =	vld [tilespmem:$0x0]  }
0x103: {  	v5 =	vld [tilespmem:$0x80]  }
0x104: {  	v6 =	vld [tilespmem:$0x10]  }
0x105: {  	v7 =	vld [tilespmem:$0x90]  }
0x106: {  	v8 =	vld [tilespmem:$0x20]  }
0x107: {  	v9 =	vld [tilespmem:$0xA0];
	v4 =	vadd.s32 v0, v4  }
0x108: {  	[tilespmem:$0x100] =	vst v4;
	v4 =	vadd.s32 v0, v5;
	v5 =	vld [tilespmem:$0x30]  }
0x109: {  	v56 =	vld [tilespmem:$0xB0];
	[tilespmem:$0x180] =	vst v4;
	v4 =	vadd.s32 v0, v6  }
0x10a: {  	v57 =	vld [tilespmem:$0x40];
	[tilespmem:$0x110] =	vst v4;
	v4 =	vadd.s32 v0, v7  }
0x10b: {  	v58 =	vld [tilespmem:$0xC0];
	[tilespmem:$0x190] =	vst v4;
	v4 =	vadd.s32 v0, v8  }
0x10c: {  	v59 =	vld [tilespmem:$0x50];
	[tilespmem:$0x120] =	vst v4;
	v4 =	vadd.s32 v0, v9  }
0x10d: {  	[tilespmem:$0x1A0] =	vst v4;
	v4 =	vadd.s32 v0, v5;
	v5 =	vld [tilespmem:$0xD0]  }
0x10e: {  	v60 =	vld [tilespmem:$0x60];
	[tilespmem:$0x130] =	vst v4;
	v4 =	vadd.s32 v0, v56  }
0x10f: {  	v61 =	vld [tilespmem:$0xE0];
	[tilespmem:$0x1B0] =	vst v4;
	v4 =	vadd.s32 v0, v57  }
0x110: {  	v62 =	vld [tilespmem:$0x70];
	[tilespmem:$0x140] =	vst v4;
	v4 =	vadd.s32 v0, v58  }
0x111: {  	v63 =	vld [tilespmem:$0xF0];
	[tilespmem:$0x1C0] =	vst v4;
	v4 =	vadd.s32 v0, v59  }
0x112: {  	[tilespmem:$0x150] =	vst v4;
	v4 =	vadd.s32 v0, v5  }
0x113: {  	[tilespmem:$0x1D0] =	vst v4;
	v4 =	vadd.s32 v0, v60  }
0x114: {  	[tilespmem:$0x160] =	vst v4;
	v4 =	vadd.s32 v0, v61  }
0x115: {  	[tilespmem:$0x1E0] =	vst v4;
	v4 =	vadd.s32 v0, v62  }
.Ltmp16:
0x116: {  	[tilespmem:$0x170] =	vst v4;
	v4 =	vadd.s32 v0, v63;
	(pc) =	sbr.rel .LBB2_22-.Ltmp16, $4  }
0x117: {  	s3 =	simm.s32 $0x100;
	[tilespmem:$0x1F0] =	vst v4  }
0x118: {  	[tilespmem:s10], [sflag:$0x3] =	stream.indirect.gather [hbm4b:s4+s31], $0x20, s3, s31, $0xb8;
	[tilespmem:$0x1E2E0] =	vst v63  }
0x119: {  	s30 =	simm.s32 $0x180;
	s11 =	simm.s32 $0x1290  }
0x11a: {  	[tilespmem:s11], [sflag:$0x3] =	stream.indirect.gather [hbm4b:s5+s31], $0x20, s30, s31, $0xb8;
	[tilespmem:$0x1E2E0] =	vst v63  }
.LBB2_24:
.Ltmp17:
0x11b: {  	(pc) =	sbr.rel @!p0 .LBB2_25-.Ltmp17, $1  }
0x11c: {  	_ =	sdelay $0x3  }
0x11d: {  	s3 =	simm.s32 $0x6  }
.Ltmp18:
0x11e: {  	_ =	swait.ge [sflag:s3], $0x1000;
	(pc) =	sbr.rel @p1 .LBB2_30-.Ltmp18, $4  }
.Ltmp19:
0x11f: {  	[sflag:s3] =	ssyncset.done $0x0;
	(pc) =	sbr.rel @!p1 .LBB2_27-.Ltmp19, $4  }
0x120: {  	[sflag:s3] =	ssyncadd.s32 $0xFFFFF000  }
0x121: {  	[bflag:$0x0] =	sbarrier.arrive $0xFFFF  }
0x122: {  	_ = 	snop  }
0x123: {  	_ = 	snop  }
.LBB2_25:
0x124: {  	_ =	swait.ge [sflag:s0], $0x1000  }
0x125: {  	[sflag:s0] =	ssyncset.done $0x0  }
0x126: {  	[sflag:s0] =	ssyncadd.s32 $0xFFFFF000  }
0x127: {  	[bflag:$0x0] =	sbarrier.arrive $0xFFFF  }
.LBB2_27:
0x128: {  	[tilespmem:s16], [sflag:$0x7] =	stream.linear.gather [spmem:s9], $0xF00, $0x38;
	[tilespmem:$0x1E2E0] =	vst v63  }
0x129: {  	_ =	swait.ge [sflag:s29], $0xF00  }
0x12a: {  	[sflag:s29] =	ssyncset.done $0x0  }
0x12b: {  	s3 =	sadd.s32 $0x0, s23;
	[sflag:s29] =	ssyncadd.s32 $0xFFFFF100  }
0x12c: {  	[hbm4b:s3+s2] =	stream.linear.scatter [tilespmem:s16], [sflag:$0x7], $0xF00, $0x38;
	[tilespmem:$0x1E2E0] =	vst v63  }
0x12d: {  	_ =	swait.ge [sflag:s29], $0xF00  }
0x12e: {  	s11 =	smov.u32 s9;
	s3 =	simm.s32 $0x1E0;
	[sflag:s29] =	ssyncset.done $0x0  }
.LBB2_28:
0x12f: {  	p3 =	sne.s32 s3, $0x2EE0;
	[sflag:s29] =	ssyncadd.s32 $0xFFFFF100;
	s11 =	sadd.s32 $0xF00, s11  }
0x130: {  	[tilespmem:s16], [sflag:$0x7] =	stream.linear.gather [spmem:s11], $0xF00, $0x38;
	[tilespmem:$0x1E2E0] =	vst v63  }
0x131: {  	s17 =	smov.u32 s3;
	s3 =	sadd.s32 $0x1E0, s3;
	_ =	swait.ge [sflag:s29], $0xF00  }
.Ltmp20:
0x132: {  	[sflag:s29] =	ssyncset.done $0x0;
	(pc) =	sbr.rel @p3 .LBB2_28-.Ltmp20, $4  }
0x133: {  	s17 =	sadd.s32 s17, s23;
	[sflag:s29] =	ssyncadd.s32 $0xFFFFF100  }
0x134: {  	[hbm4b:s17+s2] =	stream.linear.scatter [tilespmem:s16], [sflag:$0x7], $0xF00, $0x38;
	[tilespmem:$0x1E2E0] =	vst v63  }
0x135: {  	_ =	swait.ge [sflag:s29], $0xF00  }
0x136: {  	[sflag:s29] =	ssyncset.done $0x0  }
0x137: {  	[sflag:s29] =	ssyncadd.s32 $0xFFFFF100;
	s3 =	rddreg [dreg:$0x9]  }
0x138: {  	[tilespmem:s16], [sflag:$0x7] =	stream.linear.gather [spmem:s3], $0x100, $0x38;
	[tilespmem:$0x1E2E0] =	vst v63  }
0x139: {  	_ =	swait.ge [sflag:s29], $0x100  }
0x13a: {  	[sflag:s29] =	ssyncset.done $0x0  }
.Ltmp21:
0x13b: {  	s30 =	rddreg [dreg:$0xa];
	[sflag:s29] =	ssyncadd.s32 $0xFFFFFF00;
	(pc) =	sbr.rel @p2 .LBB2_33-.Ltmp21, $4  }
0x13c: {  	[hbm4b:s30+s2] =	stream.linear.scatter [tilespmem:s16], [sflag:$0x7], $0x100, $0x38;
	[tilespmem:$0x1E2E0] =	vst v63  }
0x13d: {  	_ =	swait.ge [sflag:s29], $0x100  }
0x13e: {  	[sflag:s29] =	ssyncset.done $0x0  }
0x13f: {  	s11 =	rddreg [dreg:$0xe];
	[sflag:s29] =	ssyncadd.s32 $0xFFFFFF00  }
.LBB2_30:
0x140: {  	[tilespmem:s16], [sflag:$0x7] =	stream.linear.gather [spmem:s26], $0xF00, $0x38;
	[tilespmem:$0x1E2E0] =	vst v63  }
0x141: {  	_ =	swait.ge [sflag:s29], $0xF00  }
0x142: {  	[sflag:s29] =	ssyncset.done $0x0  }
0x143: {  	s3 =	sadd.s32 $0x0, s24;
	[sflag:s29] =	ssyncadd.s32 $0xFFFFF100  }
0x144: {  	[hbm4b:s3+s2] =	stream.linear.scatter [tilespmem:s16], [sflag:$0x7], $0xF00, $0x38;
	[tilespmem:$0x1E2E0] =	vst v63  }
0x145: {  	_ =	swait.ge [sflag:s29], $0xF00  }
0x146: {  	s11 =	smov.u32 s26;
	s3 =	simm.s32 $0x1E0;
	[sflag:s29] =	ssyncset.done $0x0  }
.LBB2_31:
0x147: {  	p3 =	sne.s32 s3, $0x2D00;
	[sflag:s29] =	ssyncadd.s32 $0xFFFFF100;
	s11 =	sadd.s32 $0xF00, s11  }
0x148: {  	[tilespmem:s16], [sflag:$0x7] =	stream.linear.gather [spmem:s11], $0xF00, $0x38;
	[tilespmem:$0x1E2E0] =	vst v63  }
0x149: {  	s17 =	smov.u32 s3;
	s3 =	sadd.s32 $0x1E0, s3;
	_ =	swait.ge [sflag:s29], $0xF00  }
.Ltmp22:
0x14a: {  	[sflag:s29] =	ssyncset.done $0x0;
	(pc) =	sbr.rel @p3 .LBB2_31-.Ltmp22, $4  }
0x14b: {  	s17 =	sadd.s32 s17, s24;
	[sflag:s29] =	ssyncadd.s32 $0xFFFFF100  }
0x14c: {  	[hbm4b:s17+s2] =	stream.linear.scatter [tilespmem:s16], [sflag:$0x7], $0xF00, $0x38;
	[tilespmem:$0x1E2E0] =	vst v63  }
0x14d: {  	_ =	swait.ge [sflag:s29], $0xF00  }
0x14e: {  	[sflag:s29] =	ssyncset.done $0x0  }
.Ltmp23:
0x14f: {  	_ = 	snop;
	(pc) =	sbr.rel .LBB2_32-.Ltmp23, $1  }
0x150: {  	_ =	sdelay $0x3  }
.LBB2_34:
0x151: {  	_ =	sfence.sel $0x180000  }
0x152: {  	[bflag:$0x0] =	sbarrier.arrive $0xFFFF  }
0x153: {  	_ =	strace $0x9000004D  }
0x154: {  	s0 =	stileid.u32;
	[bflag:$0x2] =	sbarrier.arrive $0xFFFF  }
0x155: {  	p0 =	sne.s32 s0, $0x0;
	s0 =	rddreg [dreg:$0x2]  }
0x156: {  	s0 =	sadd.s32 @!p0 $0x100000, s0  }
0x157: {  	[sflag:s0] =	ssyncadd.tile.s32 @!p0 $0x1;
	_ =	shalt  }
.Lfunc_end2:
_tile_overlayer_lowered:
.L_overlay_start_2:
0x158: {  	(tag) =	ssettag $0x2  }
0x159: {  	s0 =	rddreg [dreg:$0x0];
	s2 =	stileid.u32  }
0x15a: {  	s1 =	rddreg [dreg:$0x1];
	p0 =	sne.s32 s2, $0x0  }
0x15b: {  	s3 =	rddreg [dreg:$0x2];
	[bflag:$0x3] =	sbarrier.arrive $0xFFFF;
	s2 =	simm.s32 @!p0 $0x1C07  }
0x15c: {  	[timem:s3], [sflag:s2] =	dma.local @!p0 [hbm:s0], s1  }
0x15d: {  	s0 =	simm.s32 @!p0 $0x7  }
0x15e: {  	_ =	swait.ge @!p0 [sflag:s0], s1  }
0x15f: {  	s1 =	ssub.s32 @!p0 $0x0, s1;
	[sflag:s0] =	ssyncset.done @!p0 $0x0  }
0x160: {  	[sflag:s0] =	ssyncadd.s32 @!p0 s1  }
0x161: {  	[bflag:$0x3] =	sbarrier.arrive $0xFFFF  }
0x162: {  	_ =	shalt  }

// kernel: kernel.20.cloned.1.call-start
scs
__scs_entry_jumppad:
0x0: {  	(pc) =	sbr.rel $0x88, $3  }
0x1: {  	(tag) =	ssettag $0x0;
	lr =	simm.s32 $0x1  }
0x2: {  	[smem:$0x3F8D] =	sst lr;
	_ =	strace $0xD0000000  }
0x3: {  	_ = 	snop  }
0x4: {  	_ = 	snop  }
0x5: {  	_ = 	snop  }
0x6: {  	_ = 	snop  }
0x7: {  	_ = 	snop  }
__scs_overlays_trampoline_lowered:
0x8: {  	[smem:$0x3F9C] =	sst s0  }
0x9: {  	[smem:$0x3F9D] =	sst s1  }
0xa: {  	[smem:$0x3F9E] =	sst s2  }
0xb: {  	[smem:$0x3F9F] =	sst s3  }
0xc: {  	[smem:$0x3FA0] =	sst s4  }
0xd: {  	[smem:$0x3FA1] =	sst s5  }
0xe: {  	[smem:$0x3FA2] =	sst s6  }
0xf: {  	[smem:$0x3FA3] =	sst s7  }
0x10: {  	[smem:$0x3FA4] =	sst s8  }
0x11: {  	[smem:$0x3FA5] =	sst s9;
	s0 =	simm.s32 @!p0 $0x0  }
0x12: {  	s1 =	sld [smem:$0x3F8B];
	s0 =	simm.s32 @p0 $0x1  }
0x13: {  	[smem:$0x3FA6] =	sst s0;
	s0 =	simm.s32 @!p1 $0x0  }
0x14: {  	s2 =	sld [smem:$0x3F8A];
	s0 =	simm.s32 @p1 $0x1  }
0x15: {  	[smem:$0x3FA7] =	sst s0;
	s0 =	simm.s32 @!p2 $0x0  }
0x16: {  	s3 =	sld [smem:$0x3FDB];
	s0 =	simm.s32 @p2 $0x1  }
0x17: {  	s4 =	simm.s32 $0x1BF5;
	[smem:$0x3FA9] =	sst s0  }
0x18: {  	s0 =	sld [smem:$0x3F8C];
	_ =	swait.ge [sflag:s4], $0x0  }
0x19: {  	s7 =	sld [smem:$0x3F8D]  }
0x1a: {  	s8 =	sadd.s32 $0xFFFFE003, lr  }
0x1b: {  	s9 =	sadd.s32 $0xFFFFFEF7, lr;
	s5 =	simm.s32 $0xFFFFFFFF;
	p2 =	slt.u32 s8, $0xFFFFF086  }
0x1c: {  	p1 =	slt.u32 s9, $0xF7A;
	s5 =	simm.s32 @!p2 $0x0  }
0x1d: {  	s5 =	simm.s32 @p1 $0x1;
	p0 =	seq.s32 s7, s2  }
0x1e: {  	s7 =	smul.u32 @!p0 $0xF7A, s2;
	p2 =	seq.s32 @!p0 s5, $0x0  }
0x1f: {  	s9 =	smul.u32 $0xF7A, s1;
	s8 =	simm.s32 @!p0 $0x1BF5;
	p2 =	por !p2, p0  }
0x20: {  	[sflag:s8] =	ssyncset.s32 @!p0 $0xFFFFF086;
	s6 =	sadd.s32 @!p0 s3, s7;
	s7 =	simm.s32 @!p0 $0x108  }
0x21: {  	s3 =	sadd.s32 s3, s9;
	s6 =	sadd.s32 @!p0 $0x88, s6;
	s7 =	simm.s32 @p2 $0x1082  }
0x22: {  	[simem:s7], [sflag:s8] =	dma.local @!p0 [hbm:s6], $0xF7A  }
0x23: {  	s9 =	sor.u32 $0xD0000000, s2;
	s6 =	simm.s32 $0x108;
	_ =	swait.ge @!p0 [sflag:s8], $0x0  }
0x24: {  	s3 =	sadd.s32 $0x88, s3;
	s6 =	simm.s32 @!p1 $0x1082;
	[sflag:s4] =	ssyncset.s32 $0xFFFFF086  }
0x25: {  	[simem:s6], [sflag:s4] =	dma.local [hbm:s3], $0xF7A  }
0x26: {  	[smem:$0x3F8D] =	sst s1;
	(tag) =	ssettag s2;
	_ =	strace s9  }
0x27: {  	s1 =	sld [smem:$0x3F9D]  }
0x28: {  	s2 =	sld [smem:$0x3F9E]  }
0x29: {  	s4 =	sld [smem:$0x3FA0]  }
0x2a: {  	p0 =	seq.s32 s5, $0x0;
	s5 =	sld [smem:$0x3FA1]  }
0x2b: {  	s6 =	sld [smem:$0x3FA2]  }
0x2c: {  	s7 =	sld [smem:$0x3FA3]  }
0x2d: {  	s3 =	simm.s32 $0x108;
	s8 =	sld [smem:$0x3FA4]  }
0x2e: {  	s3 =	simm.s32 @!p0 $0x1082;
	s9 =	sld [smem:$0x3FA5]  }
0x2f: {  	lr =	sadd.s32 s0, s3;
	s0 =	sld [smem:$0x3F9C]  }
0x30: {  	s3 =	sld [smem:$0x3F9F]  }
0x31: {  	[smem:$0x3FA8] =	sst s10  }
0x32: {  	s10 =	sld [smem:$0x3FA6];
	_ =	sdelay $0x3  }
0x33: {  	p0 =	seq.s32 s10, $0x1;
	s10 =	sld [smem:$0x3FA8];
	_ =	sdelay $0x3  }
0x34: {  	[smem:$0x3FA8] =	sst s10  }
0x35: {  	s10 =	sld [smem:$0x3FA7];
	_ =	sdelay $0x3  }
0x36: {  	p1 =	seq.s32 s10, $0x1;
	s10 =	sld [smem:$0x3FA8];
	_ =	sdelay $0x3  }
0x37: {  	[smem:$0x3FA8] =	sst s10  }
0x38: {  	s10 =	sld [smem:$0x3FA9]  }
0x39: {  	_ = 	snop;
	(pc) =	sbr.ind lr, $3  }
0x3a: {  	_ = 	snop  }
0x3b: {  	_ = 	snop  }
0x3c: {  	p2 =	seq.s32 s10, $0x1;
	s10 =	sld [smem:$0x3FA8]  }
0x3d: {  	_ =	shalt  }
0x3e: {  	_ =	shalt  }
0x3f: {  	_ =	shalt  }
0x40: {  	_ =	shalt  }
0x41: {  	_ =	shalt  }
0x42: {  	_ =	shalt  }
0x43: {  	_ =	shalt  }
0x44: {  	_ =	shalt  }
0x45: {  	_ =	shalt  }
0x46: {  	_ =	shalt  }
0x47: {  	_ =	shalt  }
0x48: {  	_ =	shalt  }
0x49: {  	_ =	shalt  }
0x4a: {  	_ =	shalt  }
0x4b: {  	_ =	shalt  }
0x4c: {  	_ =	shalt  }
0x4d: {  	_ =	shalt  }
0x4e: {  	_ =	shalt  }
0x4f: {  	_ =	shalt  }
0x50: {  	_ =	shalt  }
0x51: {  	_ =	shalt  }
0x52: {  	_ =	shalt  }
0x53: {  	_ =	shalt  }
0x54: {  	_ =	shalt  }
0x55: {  	_ =	shalt  }
0x56: {  	_ =	shalt  }
0x57: {  	_ =	shalt  }
0x58: {  	_ =	shalt  }
0x59: {  	_ =	shalt  }
0x5a: {  	_ =	shalt  }
0x5b: {  	_ =	shalt  }
0x5c: {  	_ =	shalt  }
0x5d: {  	_ =	shalt  }
0x5e: {  	_ =	shalt  }
0x5f: {  	_ =	shalt  }
0x60: {  	_ =	shalt  }
0x61: {  	_ =	shalt  }
0x62: {  	_ =	shalt  }
0x63: {  	_ =	shalt  }
0x64: {  	_ =	shalt  }
0x65: {  	_ =	shalt  }
0x66: {  	_ =	shalt  }
0x67: {  	_ =	shalt  }
0x68: {  	_ =	shalt  }
0x69: {  	_ =	shalt  }
0x6a: {  	_ =	shalt  }
0x6b: {  	_ =	shalt  }
0x6c: {  	_ =	shalt  }
0x6d: {  	_ =	shalt  }
0x6e: {  	_ =	shalt  }
0x6f: {  	_ =	shalt  }
0x70: {  	_ =	shalt  }
0x71: {  	_ =	shalt  }
0x72: {  	_ =	shalt  }
0x73: {  	_ =	shalt  }
0x74: {  	_ =	shalt  }
0x75: {  	_ =	shalt  }
0x76: {  	_ =	shalt  }
0x77: {  	_ =	shalt  }
0x78: {  	_ =	shalt  }
0x79: {  	_ =	shalt  }
0x7a: {  	_ =	shalt  }
0x7b: {  	_ =	shalt  }
0x7c: {  	_ =	shalt  }
0x7d: {  	_ =	shalt  }
0x7e: {  	_ =	shalt  }
0x7f: {  	_ =	shalt  }
0x80: {  	_ =	shalt  }
0x81: {  	_ =	shalt  }
0x82: {  	_ =	shalt  }
0x83: {  	_ =	shalt  }
0x84: {  	_ =	shalt  }
0x85: {  	_ =	shalt  }
0x86: {  	_ =	shalt  }
0x87: {  	_ =	shalt  }
.Lfunc_end0:
.L_simem_size_0:
called_computation.3_lowered:
.L_overlay_start_0:
0x88: {  	s2 =	sld [smem:$0x3FD9]  }
0x89: {  	s3 =	sld [smem:$0x3FFE];
	_ =	sdelay $0x1  }
0x8a: {  	s1 =	srdreg.scid  }
0x8b: {  	s0 =	sand.u32 $0x1, s1  }
0x8c: {  	s16 =	sshll.u32 s0, $0xA;
	s2 =	sadd.s32 s3, s2  }
0x8d: {  	s2 =	sadd.s32 s2, s16  }
0x8e: {  	[smem:$0x3FB4] =	sst s2  }
0x8f: {  	_ = 	snop  }
0x90: {  	(tm) =	ssettm $0x1  }
0x91: {  	s17 =	sld [smem:$0x3FFB];
	_ =	sdelay $0x3  }
0x92: {  	_ =	strace s17  }
0x93: {  	s2 =	sld [smem:$0x3FFC];
	_ =	sdelay $0x3  }
0x94: {  	_ =	strace s2  }
0x95: {  	s2 =	sld [smem:$0x3FFD];
	_ =	sdelay $0x3  }
0x96: {  	_ =	strace s2  }
0x97: {  	_ =	strace $0x8FFFFFFF  }
0x98: {  	s18 =	sld [smem:$0x3FDB];
	_ =	sdelay $0x1  }
0x99: {  	s19 =	simm.s32 $_scs_section_size  }
0x9a: {  	s4 =	simm.s32 $_size__tile_overlayer_lowered;
	s5 =	simm.s32 $_tile_overlayer_lowered  }
0x9b: {  	s22 =	simm.s32 $0x1BFF;
	s21 =	sshll.u32 s5, $0x1;
	s2 =	sadd.s32 s19, s18  }
0x9c: {  	s6 =	simm.s32 $0x0;
	s20 =	sshll.u32 s4, $0x1;
	s4 =	sadd.s32 s21, s2  }
0x9d: {  	[timem:s6], [sflag:s22] =	dma.local [hbm:s4], s20  }
0x9e: {  	_ =	swait.ge [sflag:s22], s20  }
0x9f: {  	s3 =	ssub.s32 $0x0, s20;
	[sflag:s22] =	ssyncset.done $0x0  }
0xa0: {  	[sflag:s22] =	ssyncadd.s32 s3;
	_ =	sdelay $0x1  }
0xa1: {  	s23 =	simm.s32 $0x1B8B  }
0xa2: {  	_ =	swait.ge [sflag:s23], $0x1  }
0xa3: {  	[sflag:s23] =	ssyncset.done $0x0  }
0xa4: {  	s25 =	simm.s32 $0x1B8E;
	s24 =	sld [smem:$0x3FFE];
	[sflag:s23] =	ssyncadd.s32 $0xFFFFFFFF  }
0xa5: {  	s26 =	simm.s32 $execute0_lowered;
	[smem:$0x3FD2] =	sst s25  }
0xa6: {  	s4 =	sshll.u32 s26, $0x1;
	_ =	strace $0x8000004F;
	[dreg:$0x1] =	wrdreg $0xFFFFFFFF  }
0xa7: {  	s28 =	simm.s32 $_size_execute0_lowered;
	s2 =	sadd.s32 s2, s4;
	[dreg:$0x0] =	wrdreg $0x0  }
0xa8: {  	s4 =	sshll.u32 s28, $0x1;
	[dreg:$0x2] =	wrdreg s2  }
0xa9: {  	[dreg:$0x3] =	wrdreg s4  }
0xaa: {  	[dreg:$0x4] =	wrdreg $0xC0  }
0xab: {  	_ =	task [dreg:s6], $0x5FFFF  }
0xac: {  	[dreg:$0x1] =	wrdreg $0xFFFFFFFF  }
0xad: {  	[dreg:$0x0] =	wrdreg $0x60  }
0xae: {  	[dreg:$0x2] =	wrdreg s24  }
0xaf: {  	[dreg:$0x3] =	wrdreg $0x5C400  }
0xb0: {  	[dreg:$0x4] =	wrdreg $0x9  }
0xb1: {  	_ =	task.clear_ibuf [dreg:s6], $0x5FFFF;
	_ =	strace $0x9000004F  }
0xb2: {  	s29 =	simm.s32 $0x9;
	_ =	strace $0x80000051  }
0xb3: {  	_ =	swait.ge [sflag:s29], $0x1  }
0xb4: {  	[sflag:s29] =	ssyncadd.s32 $0xFFFFFFFF  }
0xb5: {  	_ =	strace $0x90000051  }
0xb6: {  	_ =	sfence  }
0xb7: {  	s30 =	sld [smem:$0x0];
	_ =	sdelay $0x2  }
0xb8: {  	s31 =	sshll.u32 s1, $0xD;
	s1 =	sshrl.u32 s1, $0x2  }
0xb9: {  	s3 =	sand.u32 $0x4000, s31;
	s1 =	sadd.s32 s1, s30  }
0xba: {  	s0 =	sor.u32 s3, s0;
	s1 =	sshll.u32 s1, $0x11  }
0xbb: {  	s0 =	sor.u32 s1, s0  }
0xbc: {  	s0 =	sadd.s32 $0x8F2B, s0  }
0xbd: {  	[sflag:s0] =	ssyncadd.remote.s32 $0x1  }
0xbe: {  	_ =	sfence.sel $0xFFFF  }
0xbf: {  	[dreg:$0x0] =	wrdreg $0xFFFFFFFF;
	(pc) =	sbr.abs _section_cstart, $3  }
0xc0: {  	[dreg:$0x1] =	wrdreg $0xFFFFFFFF  }
0xc1: {  	_ =	task.clear_ibuf [dreg:s6], $0x2FFFF;
	_ =	strace $0x9FFFFFFF  }
0xc2: {  	(tm) =	ssettm $0x7FFFFFFF  }
0xc3: {  	_ =	shalt  }
tec
execute0_lowered:
.L_overlay_start_1:
0x0: {  	(tag) =	ssettag $0x1  }
0x1: {  	s0 =	rddreg [dreg:$0x0]  }
0x2: {  	s1 =	rddreg [dreg:$0x1];
	s2 =	simm.s32 $0x0  }
0x3: {  	s3 =	srdreg.scid;
	s17 =	stileid.u32;
	s14 =	simm.s32 $0x186  }
0x4: {  	s28 =	simm.s32 $0x4540;
	s29 =	simm.s32 $0x7;
	s31 =	simm.s32 $0x80  }
0x5: {  	[smem:$0x7FF] =	sst s2;
	s3 =	sand.u32 $0x1, s3;
	s4 =	sadd.s32 $0x56C00, s0  }
0x6: {  	s5 =	sadd.s32 $0xB8E00, s0;
	s9 =	smul.u32 $0x61C00, s17;
	s7 =	sadd.s32 $0x3A00, s0  }
0x7: {  	s8 =	sadd.s32 $0x3CA00, s0;
	s25 =	smul.u32 $0x186, s17;
	s13 =	sadd.s32 $0x186900, s1  }
0x8: {  	s26 =	smin.u32 s17, $0xA;
	p0 =	sgt.u32 s17, $0x9;
	s30 =	smul.u32 $0xC38, s17  }
0x9: {  	s22 =	smul.u32 $0x30E0, s17;
	p1 =	seq.s32 s17, $0xF;
	p2 =	sne.s32 s17, $0xF  }
0xa: {  	_ =	strace $0x80000050;
	s6 =	sshll.u32 s3, $0x2;
	s16 =	smul.u32 $0xC350, s3  }
0xb: {  	s11 =	ssub.s32 $0x2, s3;
	[dreg:$0x4] =	wrdreg s13;
	s19 =	smul.u32 $0x186A00, s3  }
0xc: {  	s14 =	simm.s32 @!p0 $0x187;
	s3 =	smul.u32 $0x30D40, s3;
	s10 =	sadd.s32 s6, s0  }
0xd: {  	s6 =	sadd.s32 $0x1C200, s0;
	s0 =	sadd.s32 $0x2A1400, s0;
	s9 =	sshrl.u32 s9, $0x2  }
0xe: {  	s12 =	sshrl.u32 s11, $0x1;
	s13 =	sadd.s32 s26, s25;
	s9 =	sadd.s32 s9, s1  }
0xf: {  	s11 =	ssub.s32 s11, s12;
	s10 =	sadd.s32 $0xB8C00, s10;
	s20 =	sadd.s32 s30, s16  }
0x10: {  	s21 =	sshrl.u32 s19, $0x3;
	s30 =	sadd.s32 $0x186000, s1;
	[dreg:$0x5] =	wrdreg s10  }
0x11: {  	v0 =	vmov s16;
	s16 =	simm.s32 $0x4D40;
	s24 =	sadd.s32 $0x18000, s9;
	[dreg:$0xd] =	wrdreg s30  }
0x12: {  	s10 =	sshll.u32 s13, $0x4;
	s23 =	sadd.s32 $0x18600, s9;
	[dreg:$0x3] =	wrdreg s24  }
0x13: {  	s12 =	sadd.s32 s0, s21;
	s26 =	smax.u32 s11, $0x1;
	[dreg:$0x9] =	wrdreg s23  }
0x14: {  	s21 =	simm.s32 $0x4;
	s15 =	sadd.s32 s6, s10;
	[dreg:$0xc] =	wrdreg s26  }
0x15: {  	s11 =	simm.s32 $0x0;
	s18 =	sadd.s32 s7, s10;
	[dreg:$0x6] =	wrdreg s15  }
0x16: {  	s10 =	sadd.s32 s8, s10;
	s25 =	sadd.s32 $0x30C00, s12;
	[dreg:$0x7] =	wrdreg s18  }
0x17: {  	s26 =	sadd.s32 $0x16E900, s1;
	s12 =	simm.s32 $0x3;
	[dreg:$0x8] =	wrdreg s10  }
.Ltmp0:
0x18: {  	s18 =	sadd.s32 $0xFFFFFFFF, s14;
	s10 =	sshll.u32 s20, $0x2;
	(pc) =	sbr.rel .LBB2_1-.Ltmp0, $4  }
0x19: {  	[dreg:$0xb] =	wrdreg s25;
	s25 =	simm.s32 $0x1;
	s20 =	simm.s32 $0x2520  }
0x1a: {  	s15 =	simm.s32 $0x2;
	s10 =	sadd.s32 s10, s0;
	s0 =	sadd.s32 s3, s0  }
0x1b: {  	s24 =	sadd.s32 $0x30C0, s10;
	s23 =	sadd.s32 s22, s0;
	s10 =	simm.s32 $0x290  }
0x1c: {  	v1 =	vimm.f32 $0.0e+00;
	[dreg:$0xa] =	wrdreg s24;
	s24 =	sadd.s32 $0x2DD20, s0;
	s0 =	simm.s32 $0x5  }
.LBB2_32:
0x1d: {  	[sflag:s29] =	ssyncadd.s32 $0xFFFFF100;
	s3 =	rddreg [dreg:$0xd]  }
0x1e: {  	[tilespmem:s16], [sflag:$0x7] =	stream.linear.gather [spmem:s3], $0xA00, $0x38;
	[tilespmem:$0x1E2E0] =	vst v63  }
0x1f: {  	_ =	swait.ge [sflag:s29], $0xA00  }
0x20: {  	[sflag:s29] =	ssyncset.done $0x0  }
0x21: {  	s30 =	rddreg [dreg:$0xb];
	[sflag:s29] =	ssyncadd.s32 $0xFFFFF600  }
0x22: {  	[hbm4b:s30+s2] =	stream.linear.scatter [tilespmem:s16], [sflag:$0x7], $0xA00, $0x38;
	[tilespmem:$0x1E2E0] =	vst v63  }
0x23: {  	_ =	swait.ge [sflag:s29], $0xA00  }
0x24: {  	[sflag:s29] =	ssyncset.done $0x0  }
0x25: {  	s11 =	rddreg [dreg:$0xe];
	[sflag:s29] =	ssyncadd.s32 $0xFFFFF600  }
.LBB2_33:
0x26: {  	s11 =	sadd.s32 $0x1, s11;
	s3 =	rddreg [dreg:$0xc]  }
0x27: {  	p3 =	sne.s32 s11, s3  }
.Ltmp1:
0x28: {  	_ = 	snop;
	(pc) =	sbr.rel @!p3 .LBB2_34-.Ltmp1, $1  }
0x29: {  	_ =	sdelay $0x3  }
.LBB2_1:
0x2a: {  	[dreg:$0xe] =	wrdreg s11;
	s3 =	simm.s32 $0x80;
	s11 =	simm.s32 $0x0  }
.LBB2_2:
0x2b: {  	p3 =	sne.s32 s3, $0x1F80;
	[tilespmem:s11+$0x4540] =	vst v1;
	s19 =	smov.u32 s3;
	s3 =	sadd.s32 $0x80, s3  }
.Ltmp2:
0x2c: {  	[tilespmem:s11+$0x4550] =	vst v1;
	(pc) =	sbr.rel @p3 .LBB2_2-.Ltmp2, $2  }
0x2d: {  	_ =	sdelay $0x2  }
0x2e: {  	s11 =	sshra.s32 s19, $0x2  }
.Ltmp3:
0x2f: {  	(pc) =	sbr.rel @!p1 .LBB2_4-.Ltmp3, $3  }
0x30: {  	_ =	sdelay $0x1  }
0x31: {  	[tilespmem:s11+$0x4540] =	vst v1;
	s3 =	simm.s32 $0x0  }
0x32: {  	[tilespmem:s11+$0x4550] =	vst v1;
	s11 =	sshra.s32 s3, $0x2  }
0x33: {  	s11 =	sadd.s32 s11, s26  }
0x34: {  	[spmem:s11] =	stream.linear.scatter [tilespmem:s28], [sflag:$0x7], $0x800, $0x38;
	[tilespmem:$0x1E2E0] =	vst v63  }
0x35: {  	s3 =	sadd.s32 $0x2000, s3;
	_ =	swait.ge [sflag:s29], $0x800  }
.LBB2_8:
0x36: {  	s11 =	sshra.s32 s3, $0x2;
	[sflag:s29] =	ssyncset.done $0x0;
	p3 =	sne.s32 s3, $0x5E000  }
.Ltmp4:
0x37: {  	s11 =	sadd.s32 s11, s26;
	[sflag:s29] =	ssyncadd.s32 $0xFFFFF800;
	(pc) =	sbr.rel @p3 .LBB2_8-.Ltmp4, $3  }
0x38: {  	[spmem:s11] =	stream.linear.scatter [tilespmem:s28], [sflag:$0x7], $0x800, $0x38;
	[tilespmem:$0x1E2E0] =	vst v63  }
0x39: {  	s3 =	sadd.s32 $0x2000, s3;
	_ =	sdelay $0x1  }
0x3a: {  	_ =	swait.ge [sflag:s29], $0x800  }
0x3b: {  	[sflag:s29] =	ssyncset.done $0x0  }
.Ltmp5:
0x3c: {  	s3 =	rddreg [dreg:$0x4];
	[sflag:s29] =	ssyncadd.s32 $0xFFFFF800;
	(pc) =	sbr.rel .LBB2_10-.Ltmp5, $4  }
0x3d: {  	[spmem:s3] =	stream.linear.scatter [tilespmem:s28], [sflag:$0x7], $0x100, $0x38;
	[tilespmem:$0x1E2E0] =	vst v63  }
0x3e: {  	_ =	swait.ge [sflag:s29], $0x100  }
0x3f: {  	[sflag:s29] =	ssyncset.done $0x0  }
0x40: {  	[sflag:s29] =	ssyncadd.s32 $0xFFFFFF00  }
.LBB2_4:
0x41: {  	s11 =	sadd.s32 s11, s9  }
0x42: {  	[spmem:s11] =	stream.linear.scatter [tilespmem:s28], [sflag:$0x7], $0x800, $0x38;
	[tilespmem:$0x1E2E0] =	vst v63  }
0x43: {  	s3 =	sadd.s32 $0x2000, s3;
	_ =	swait.ge [sflag:s29], $0x800  }
.LBB2_5:
0x44: {  	s11 =	sshra.s32 s3, $0x2;
	[sflag:s29] =	ssyncset.done $0x0;
	p3 =	sne.s32 s3, $0x5E000  }
.Ltmp6:
0x45: {  	s11 =	sadd.s32 s11, s9;
	[sflag:s29] =	ssyncadd.s32 $0xFFFFF800;
	(pc) =	sbr.rel @p3 .LBB2_5-.Ltmp6, $3  }
0x46: {  	[spmem:s11] =	stream.linear.scatter [tilespmem:s28], [sflag:$0x7], $0x800, $0x38;
	[tilespmem:$0x1E2E0] =	vst v63  }
0x47: {  	s3 =	sadd.s32 $0x2000, s3;
	_ =	sdelay $0x1  }
0x48: {  	_ =	swait.ge [sflag:s29], $0x800  }
0x49: {  	[sflag:s29] =	ssyncset.done $0x0  }
0x4a: {  	s3 =	rddreg [dreg:$0x3];
	[sflag:s29] =	ssyncadd.s32 $0xFFFFF800  }
0x4b: {  	[spmem:s3] =	stream.linear.scatter [tilespmem:s28], [sflag:$0x7], $0x700, $0x38;
	[tilespmem:$0x1E2E0] =	vst v63  }
0x4c: {  	_ =	swait.ge [sflag:s29], $0x700  }
0x4d: {  	[sflag:s29] =	ssyncset.done $0x0  }
0x4e: {  	[sflag:s29] =	ssyncadd.s32 $0xFFFFF900  }
.LBB2_10:
0x4f: {  	s22 =	simm.s32 $0x0;
	s3 =	rddreg [dreg:$0x5];
	s11 =	simm.s32 $0x4520  }
0x50: {  	[tilespmem:s11], [sflag:$0x7] =	stream.linear.gather [hbm4b:s3+s22], $0x20, $0x38;
	[tilespmem:$0x1E2E0] =	vst v63  }
0x51: {  	_ =	swait.ge [sflag:s29], $0x20  }
0x52: {  	[sflag:s29] =	ssyncset.done $0x0  }
0x53: {  	[sflag:s29] =	ssyncadd.s32 $0xFFFFFFE0  }
0x54: {  	[bflag:$0x0] =	sbarrier.arrive $0xFFFF  }
0x55: {  	v2 =	vld [tilespmem:$0x4520];
	s11 =	rddreg [dreg:$0x6]  }
0x56: {  	v3 =	vld [tilespmem:$0x4530];
	[tilespmem:s22], [sflag:$0x7] =	stream.linear.gather [hbm4b:s11+s22], $0x80, $0x38  }
0x57: {  	_ =	swait.ge [sflag:s29], $0x80  }
0x58: {  	[sflag:s29] =	ssyncset.done $0x0  }
0x59: {  	s17 =	rddreg [dreg:$0x7];
	[sflag:s29] =	ssyncadd.s32 $0xFFFFFF80  }
0x5a: {  	[tilespmem:s31], [sflag:$0x7] =	stream.linear.gather [hbm4b:s17+s22], $0x80, $0x38;
	[tilespmem:$0x1E2E0] =	vst v63  }
0x5b: {  	_ =	swait.ge [sflag:s29], $0x80  }
0x5c: {  	[sflag:s29] =	ssyncset.done $0x0  }
0x5d: {  	s30 =	simm.s32 $0x200;
	s19 =	rddreg [dreg:$0x8];
	[sflag:s29] =	ssyncadd.s32 $0xFFFFFF80  }
0x5e: {  	[tilespmem:s30], [sflag:$0x7] =	stream.linear.gather [hbm4b:s19+s22], $0x80, $0x38;
	[tilespmem:$0x1E2E0] =	vst v63  }
0x5f: {  	_ =	swait.ge [sflag:s29], $0x80  }
0x60: {  	[sflag:s29] =	ssyncset.done $0x0  }
0x61: {  	[sflag:s29] =	ssyncadd.s32 $0xFFFFFF80  }
0x62: {  	v4 =	vld [tilespmem:$0x0]  }
0x63: {  	v5 =	vld [tilespmem:$0x80]  }
0x64: {  	v6 =	vld [tilespmem:$0x10]  }
0x65: {  	v7 =	vld [tilespmem:$0x90]  }
0x66: {  	v8 =	vld [tilespmem:$0x20]  }
0x67: {  	v9 =	vld [tilespmem:$0xA0];
	v4 =	vadd.s32 v0, v4  }
0x68: {  	[tilespmem:$0x100] =	vst v4;
	v4 =	vadd.s32 v0, v5;
	v5 =	vld [tilespmem:$0x30]  }
0x69: {  	v56 =	vld [tilespmem:$0xB0];
	[tilespmem:$0x180] =	vst v4;
	v4 =	vadd.s32 v0, v6  }
0x6a: {  	v57 =	vld [tilespmem:$0x40];
	[tilespmem:$0x110] =	vst v4;
	v4 =	vadd.s32 v0, v7  }
0x6b: {  	v58 =	vld [tilespmem:$0xC0];
	[tilespmem:$0x190] =	vst v4;
	v4 =	vadd.s32 v0, v8  }
0x6c: {  	v59 =	vld [tilespmem:$0x50];
	[tilespmem:$0x120] =	vst v4;
	v4 =	vadd.s32 v0, v9  }
0x6d: {  	[tilespmem:$0x1A0] =	vst v4;
	v4 =	vadd.s32 v0, v5;
	v5 =	vld [tilespmem:$0xD0]  }
0x6e: {  	v60 =	vld [tilespmem:$0x60];
	[tilespmem:$0x130] =	vst v4;
	v4 =	vadd.s32 v0, v56  }
0x6f: {  	v61 =	vld [tilespmem:$0xE0];
	[tilespmem:$0x1B0] =	vst v4;
	v4 =	vadd.s32 v0, v57  }
0x70: {  	v62 =	vld [tilespmem:$0x70];
	[tilespmem:$0x140] =	vst v4;
	v4 =	vadd.s32 v0, v58  }
0x71: {  	v63 =	vld [tilespmem:$0xF0];
	[tilespmem:$0x1C0] =	vst v4;
	v4 =	vadd.s32 v0, v59  }
0x72: {  	[tilespmem:$0x150] =	vst v4;
	v4 =	vadd.s32 v0, v5  }
0x73: {  	[tilespmem:$0x1D0] =	vst v4;
	v4 =	vadd.s32 v0, v60  }
0x74: {  	[tilespmem:$0x160] =	vst v4;
	v4 =	vadd.s32 v0, v61  }
0x75: {  	[tilespmem:$0x1E0] =	vst v4;
	v4 =	vadd.s32 v0, v62  }
.Ltmp7:
0x76: {  	[tilespmem:$0x170] =	vst v4;
	v4 =	vadd.s32 v0, v63;
	(pc) =	sbr.rel .LBB2_11-.Ltmp7, $4  }
0x77: {  	s17 =	simm.s32 $0x100;
	[tilespmem:$0x1F0] =	vst v4  }
0x78: {  	[tilespmem:s10], [sflag:$0x3] =	stream.indirect.gather [hbm4b:s4+s31], $0x20, s17, s31, $0xb8;
	[tilespmem:$0x1E2E0] =	vst v63  }
0x79: {  	s19 =	simm.s32 $0x180;
	s30 =	simm.s32 $0x1290  }
0x7a: {  	[tilespmem:s30], [sflag:$0x3] =	stream.indirect.gather [hbm4b:s5+s31], $0x20, s19, s31, $0xb8;
	[tilespmem:$0x1E2E0] =	vst v63  }
.LBB2_22:
0x7b: {  	s3 =	simm.s32 $0x2290  }
0x7c: {  	[spmem:s1] =	stream.indirect.scatter.add.f32 [tilespmem:s20], [sflag:$0x6], $0x20, s3, s31, $0xb8;
	[tilespmem:$0x1E2E0] =	vst v63  }
.LBB2_23:
0x7d: {  	s22 =	sadd.s32 $0x1, s22  }
0x7e: {  	p3 =	sne.s32 s22, $0x187  }
.Ltmp8:
0x7f: {  	_ = 	snop;
	(pc) =	sbr.rel @!p3 .LBB2_24-.Ltmp8, $1  }
0x80: {  	_ =	sdelay $0x3  }
.LBB2_11:
0x81: {  	p3 =	sge.u32 s22, s14  }
.Ltmp9:
0x82: {  	_ = 	snop;
	(pc) =	sbr.rel @p3 .LBB2_23-.Ltmp9, $1  }
0x83: {  	_ =	sdelay $0x3  }
0x84: {  	s3 =	sand.u32 $0x1, s22  }
0x85: {  	p3 =	seq.s32 s3, $0x1  }
.Ltmp10:
0x86: {  	_ = 	snop;
	(pc) =	sbr.rel @p3 .LBB2_18-.Ltmp10, $1  }
0x87: {  	_ =	sdelay $0x3  }
0x88: {  	p4 =	seq.s32 s22, $0x0  }
0x89: {  	s11 =	simm.s32 @!p4 $0x6  }
0x8a: {  	s19 =	sadd.s32 s13, s22;
	p3 =	sge.u32 s22, s18;
	_ =	swait.ge @!p4 [sflag:s11], $0x1000  }
0x8b: {  	s19 =	sshll.u32 @!p3 s19, $0x4;
	[sflag:s11] =	ssyncset.done @!p4 $0x0  }
0x8c: {  	[sflag:s11] =	ssyncadd.s32 @!p4 $0xFFFFF000;
	s11 =	sadd.s32 @!p3 $0x10, s19  }
0x8d: {  	s30 =	simm.s32 @!p3 $0x0;
	s17 =	simm.s32 @!p3 $0x2290;
	s19 =	sadd.s32 @!p3 s6, s11  }
0x8e: {  	[tilespmem:s17], [sflag:$0x2] =	stream.linear.gather @!p3 [hbm4b:s19+s30], $0x80, $0x38;
	[tilespmem:$0x1E2E0] =	vst v63  }
0x8f: {  	s17 =	sadd.s32 @!p3 s7, s11;
	s19 =	simm.s32 @!p3 $0x2310  }
0x90: {  	[tilespmem:s19], [sflag:$0x2] =	stream.linear.gather @!p3 [hbm4b:s17+s30], $0x80, $0x38;
	[tilespmem:$0x1E2E0] =	vst v63  }
0x91: {  	s11 =	sadd.s32 @!p3 s8, s11;
	s17 =	simm.s32 @!p3 $0x2490  }
0x92: {  	[tilespmem:s17], [sflag:$0x2] =	stream.linear.gather @!p3 [hbm4b:s11+s30], $0x80, $0x38;
	[tilespmem:$0x1E2E0] =	vst v63  }
0x93: {  	_ =	swait.ge [sflag:s12], $0x1000  }
0x94: {  	[sflag:s12] =	ssyncset.done $0x0  }
0x95: {  	[sflag:s12] =	ssyncadd.s32 $0xFFFFF000  }
0x96: {  	_ =	swait.ge [sflag:s12], $0x1000  }
0x97: {  	[sflag:s12] =	ssyncset.done $0x0  }
0x98: {  	s11 =	simm.s32 $0x0;
	[sflag:s12] =	ssyncadd.s32 $0xFFFFF000  }
0x99: {  	v4 =	vld [tilespmem:s11+$0x1290]  }
0x9a: {  	v5 =	vld [tilespmem:s11+$0x12A0]  }
0x9b: {  	s30 =	simm.s32 $0x200;
	v7 =	vld [tilespmem:s11+$0x290]  }
0x9c: {  	s19 =	simm.s32 $0x80;
	v6 =	vld.msk [tilespmem:s30+$0x0 ss:$0x0], $0xffff  }
.LBB2_14:
0x9d: {  	p4 =	sne.s32 s19, $0x3F80;
	v8 =	vld [tilespmem:s11+$0x2A0];
	_ =	sdelay $0x3  }
0x9e: {  	v4 =	vadd.f32 v4, v7  }
0x9f: {  	v7 =	vmul.f32 v6, v2;
	v6 =	vmul.f32 v6, v3;
	v5 =	vadd.f32 v5, v8;
	_ =	sdelay $0x1  }
0xa0: {  	v7 =	vadd.f32 v4, v7;
	v5 =	vadd.f32 v5, v6  }
.Ltmp11:
0xa1: {  	s17 =	sshra.s32 s19, $0x2;
	(pc) =	sbr.rel @p4 .LBB2_14-.Ltmp11, $4  }
0xa2: {  	v6 =	vmax.f32 v7, $0.0e+00;
	v4 =	vld [tilespmem:s17+$0x1290];
	v8 =	vmax.f32 v5, $0.0e+00  }
0xa3: {  	v5 =	vld [tilespmem:s17+$0x12A0];
	[tilespmem:s11+$0x290] =	vst v6  }
0xa4: {  	s30 =	sadd.s32 $0x1, s30;
	v7 =	vld [tilespmem:s17+$0x290];
	[tilespmem:s11+$0x2A0] =	vst v8;
	s11 =	smov.u32 s17  }
0xa5: {  	s19 =	sadd.s32 $0x80, s19;
	v6 =	vld.msk [tilespmem:s30+$0x0 ss:$0x0], $0xffff  }
0xa6: {  	v8 =	vld [tilespmem:s11+$0x2A0];
	_ =	sdelay $0x3  }
0xa7: {  	v4 =	vadd.f32 v4, v7;
	v62 =	vmul.f32 v6, v2  }
0xa8: {  	v63 =	vmul.f32 v6, v3;
	v5 =	vadd.f32 v5, v8  }
.Ltmp12:
0xa9: {  	v4 =	vadd.f32 v4, v62;
	(pc) =	sbr.rel @p3 .LBB2_17-.Ltmp12, $4  }
0xaa: {  	v5 =	vadd.f32 v5, v63  }
0xab: {  	v4 =	vmax.f32 v4, $0.0e+00  }
0xac: {  	v5 =	vmax.f32 v5, $0.0e+00;
	[tilespmem:s11+$0x290] =	vst v4  }
0xad: {  	[tilespmem:s11+$0x2A0] =	vst v5  }
0xae: {  	_ =	swait.ge [sflag:s15], $0x80  }
0xaf: {  	[sflag:s15] =	ssyncset.done $0x0  }
0xb0: {  	[sflag:s15] =	ssyncadd.s32 $0xFFFFFF80  }
0xb1: {  	_ =	swait.ge [sflag:s15], $0x80  }
0xb2: {  	[sflag:s15] =	ssyncset.done $0x0  }
0xb3: {  	[sflag:s15] =	ssyncadd.s32 $0xFFFFFF80  }
0xb4: {  	_ =	swait.ge [sflag:s15], $0x80  }
0xb5: {  	[sflag:s15] =	ssyncset.done $0x0  }
0xb6: {  	[sflag:s15] =	ssyncadd.s32 $0xFFFFFF80  }
0xb7: {  	v4 =	vld [tilespmem:$0x2290]  }
0xb8: {  	v5 =	vld [tilespmem:$0x2310]  }
0xb9: {  	v6 =	vld [tilespmem:$0x22A0]  }
0xba: {  	v7 =	vld [tilespmem:$0x2320]  }
0xbb: {  	v8 =	vld [tilespmem:$0x22B0]  }
0xbc: {  	v9 =	vld [tilespmem:$0x2330];
	v4 =	vadd.s32 v0, v4  }
0xbd: {  	[tilespmem:$0x2390] =	vst v4;
	v4 =	vadd.s32 v0, v5;
	v5 =	vld [tilespmem:$0x22C0]  }
0xbe: {  	v56 =	vld [tilespmem:$0x2340];
	[tilespmem:$0x2410] =	vst v4;
	v4 =	vadd.s32 v0, v6  }
0xbf: {  	v57 =	vld [tilespmem:$0x22D0];
	[tilespmem:$0x23A0] =	vst v4;
	v4 =	vadd.s32 v0, v7  }
0xc0: {  	v58 =	vld [tilespmem:$0x2350];
	[tilespmem:$0x2420] =	vst v4;
	v4 =	vadd.s32 v0, v8  }
0xc1: {  	v59 =	vld [tilespmem:$0x22E0];
	[tilespmem:$0x23B0] =	vst v4;
	v4 =	vadd.s32 v0, v9  }
0xc2: {  	[tilespmem:$0x2430] =	vst v4;
	v4 =	vadd.s32 v0, v5;
	v5 =	vld [tilespmem:$0x2360]  }
0xc3: {  	v60 =	vld [tilespmem:$0x22F0];
	[tilespmem:$0x23C0] =	vst v4;
	v4 =	vadd.s32 v0, v56  }
0xc4: {  	v61 =	vld [tilespmem:$0x2370];
	[tilespmem:$0x2440] =	vst v4;
	v4 =	vadd.s32 v0, v57  }
0xc5: {  	v62 =	vld [tilespmem:$0x2300];
	[tilespmem:$0x23D0] =	vst v4;
	v4 =	vadd.s32 v0, v58  }
0xc6: {  	v63 =	vld [tilespmem:$0x2380];
	[tilespmem:$0x2450] =	vst v4;
	v4 =	vadd.s32 v0, v59  }
0xc7: {  	[tilespmem:$0x23E0] =	vst v4;
	v4 =	vadd.s32 v0, v5  }
0xc8: {  	[tilespmem:$0x2460] =	vst v4;
	v4 =	vadd.s32 v0, v60  }
0xc9: {  	[tilespmem:$0x23F0] =	vst v4;
	v4 =	vadd.s32 v0, v61  }
0xca: {  	[tilespmem:$0x2470] =	vst v4;
	v4 =	vadd.s32 v0, v62  }
0xcb: {  	[tilespmem:$0x2400] =	vst v4;
	v4 =	vadd.s32 v0, v63  }
0xcc: {  	s11 =	simm.s32 $0x2390;
	[tilespmem:$0x2480] =	vst v4  }
0xcd: {  	[tilespmem:s20], [sflag:$0x4] =	stream.indirect.gather [hbm4b:s4+s31], $0x20, s11, s31, $0xb8;
	[tilespmem:$0x1E2E0] =	vst v63  }
0xce: {  	s30 =	simm.s32 $0x2410;
	s17 =	simm.s32 $0x3520  }
0xcf: {  	[tilespmem:s17], [sflag:$0x4] =	stream.indirect.gather [hbm4b:s5+s31], $0x20, s30, s31, $0xb8;
	[tilespmem:$0x1E2E0] =	vst v63  }
.LBB2_17:
0xd0: {  	p3 =	seq.s32 s3, $0x0  }
.Ltmp13:
0xd1: {  	_ = 	snop;
	(pc) =	sbr.rel @p3 .LBB2_23-.Ltmp13, $2  }
0xd2: {  	_ =	sdelay $0x2  }
0xd3: {  	[spmem:s1] =	stream.indirect.scatter.add.f32 [tilespmem:s10], [sflag:$0x5], $0x20, s2, s31, $0xb8;
	[tilespmem:$0x1E2E0] =	vst v63  }
.LBB2_18:
0xd4: {  	p3 =	sge.u32 s22, s18  }
0xd5: {  	s3 =	sadd.s32 @!p3 s13, s22  }
0xd6: {  	_ =	swait.ge [sflag:s0], $0x1000;
	s3 =	sshll.u32 @!p3 s3, $0x4  }
0xd7: {  	[sflag:s0] =	ssyncset.done $0x0;
	s3 =	sadd.s32 @!p3 $0x10, s3  }
0xd8: {  	s17 =	simm.s32 @!p3 $0x0;
	[sflag:s0] =	ssyncadd.s32 $0xFFFFF000;
	s11 =	sadd.s32 @!p3 s6, s3  }
0xd9: {  	[tilespmem:s17], [sflag:$0x1] =	stream.linear.gather @!p3 [hbm4b:s11+s17], $0x80, $0x38;
	[tilespmem:$0x1E2E0] =	vst v63  }
0xda: {  	s19 =	simm.s32 @!p3 $0x80;
	s11 =	sadd.s32 @!p3 s7, s3  }
0xdb: {  	[tilespmem:s19], [sflag:$0x1] =	stream.linear.gather @!p3 [hbm4b:s11+s17], $0x80, $0x38;
	[tilespmem:$0x1E2E0] =	vst v63  }
0xdc: {  	s3 =	sadd.s32 @!p3 s8, s3;
	s11 =	simm.s32 @!p3 $0x200  }
0xdd: {  	[tilespmem:s11], [sflag:$0x1] =	stream.linear.gather @!p3 [hbm4b:s3+s17], $0x80, $0x38;
	[tilespmem:$0x1E2E0] =	vst v63  }
0xde: {  	_ =	swait.ge [sflag:s21], $0x1000  }
0xdf: {  	[sflag:s21] =	ssyncset.done $0x0  }
0xe0: {  	[sflag:s21] =	ssyncadd.s32 $0xFFFFF000  }
0xe1: {  	_ =	swait.ge [sflag:s21], $0x1000  }
0xe2: {  	[sflag:s21] =	ssyncset.done $0x0  }
0xe3: {  	s3 =	simm.s32 $0x0;
	[sflag:s21] =	ssyncadd.s32 $0xFFFFF000  }
0xe4: {  	v4 =	vld [tilespmem:s3+$0x3520]  }
0xe5: {  	v5 =	vld [tilespmem:s3+$0x3530]  }
0xe6: {  	s11 =	simm.s32 $0x2490;
	v7 =	vld [tilespmem:s3+$0x2520]  }
0xe7: {  	s19 =	simm.s32 $0x80;
	v6 =	vld.msk [tilespmem:s11+$0x0 ss:$0x0], $0xffff  }
.LBB2_19:
0xe8: {  	p4 =	sne.s32 s19, $0x3F80;
	v8 =	vld [tilespmem:s3+$0x2530];
	_ =	sdelay $0x3  }
0xe9: {  	v4 =	vadd.f32 v4, v7  }
0xea: {  	v7 =	vmul.f32 v6, v2;
	v6 =	vmul.f32 v6, v3;
	v5 =	vadd.f32 v5, v8;
	_ =	sdelay $0x1  }
0xeb: {  	v7 =	vadd.f32 v4, v7;
	v5 =	vadd.f32 v5, v6  }
.Ltmp14:
0xec: {  	s17 =	sshra.s32 s19, $0x2;
	(pc) =	sbr.rel @p4 .LBB2_19-.Ltmp14, $4  }
0xed: {  	v6 =	vmax.f32 v7, $0.0e+00;
	v4 =	vld [tilespmem:s17+$0x3520];
	v8 =	vmax.f32 v5, $0.0e+00  }
0xee: {  	v5 =	vld [tilespmem:s17+$0x3530];
	[tilespmem:s3+$0x2520] =	vst v6  }
0xef: {  	s11 =	sadd.s32 $0x1, s11;
	v7 =	vld [tilespmem:s17+$0x2520];
	[tilespmem:s3+$0x2530] =	vst v8;
	s3 =	smov.u32 s17  }
0xf0: {  	s19 =	sadd.s32 $0x80, s19;
	v6 =	vld.msk [tilespmem:s11+$0x0 ss:$0x0], $0xffff  }
0xf1: {  	v8 =	vld [tilespmem:s3+$0x2530];
	_ =	sdelay $0x3  }
0xf2: {  	v4 =	vadd.f32 v4, v7;
	v62 =	vmul.f32 v6, v2  }
0xf3: {  	v63 =	vmul.f32 v6, v3;
	v5 =	vadd.f32 v5, v8  }
.Ltmp15:
0xf4: {  	v4 =	vadd.f32 v4, v62;
	(pc) =	sbr.rel @p3 .LBB2_22-.Ltmp15, $4  }
0xf5: {  	v5 =	vadd.f32 v5, v63  }
0xf6: {  	v4 =	vmax.f32 v4, $0.0e+00  }
0xf7: {  	v5 =	vmax.f32 v5, $0.0e+00;
	[tilespmem:s3+$0x2520] =	vst v4  }
0xf8: {  	[tilespmem:s3+$0x2530] =	vst v5  }
0xf9: {  	_ =	swait.ge [sflag:s25], $0x80  }
0xfa: {  	[sflag:s25] =	ssyncset.done $0x0  }
0xfb: {  	[sflag:s25] =	ssyncadd.s32 $0xFFFFFF80  }
0xfc: {  	_ =	swait.ge [sflag:s25], $0x80  }
0xfd: {  	[sflag:s25] =	ssyncset.done $0x0  }
0xfe: {  	[sflag:s25] =	ssyncadd.s32 $0xFFFFFF80  }
0xff: {  	_ =	swait.ge [sflag:s25], $0x80  }
0x100: {  	[sflag:s25] =	ssyncset.done $0x0  }
0x101: {  	[sflag:s25] =	ssyncadd.s32 $0xFFFFFF80  }
0x102: {  	v4 =	vld [tilespmem:$0x0]  }
0x103: {  	v5 =	vld [tilespmem:$0x80]  }
0x104: {  	v6 =	vld [tilespmem:$0x10]  }
0x105: {  	v7 =	vld [tilespmem:$0x90]  }
0x106: {  	v8 =	vld [tilespmem:$0x20]  }
0x107: {  	v9 =	vld [tilespmem:$0xA0];
	v4 =	vadd.s32 v0, v4  }
0x108: {  	[tilespmem:$0x100] =	vst v4;
	v4 =	vadd.s32 v0, v5;
	v5 =	vld [tilespmem:$0x30]  }
0x109: {  	v56 =	vld [tilespmem:$0xB0];
	[tilespmem:$0x180] =	vst v4;
	v4 =	vadd.s32 v0, v6  }
0x10a: {  	v57 =	vld [tilespmem:$0x40];
	[tilespmem:$0x110] =	vst v4;
	v4 =	vadd.s32 v0, v7  }
0x10b: {  	v58 =	vld [tilespmem:$0xC0];
	[tilespmem:$0x190] =	vst v4;
	v4 =	vadd.s32 v0, v8  }
0x10c: {  	v59 =	vld [tilespmem:$0x50];
	[tilespmem:$0x120] =	vst v4;
	v4 =	vadd.s32 v0, v9  }
0x10d: {  	[tilespmem:$0x1A0] =	vst v4;
	v4 =	vadd.s32 v0, v5;
	v5 =	vld [tilespmem:$0xD0]  }
0x10e: {  	v60 =	vld [tilespmem:$0x60];
	[tilespmem:$0x130] =	vst v4;
	v4 =	vadd.s32 v0, v56  }
0x10f: {  	v61 =	vld [tilespmem:$0xE0];
	[tilespmem:$0x1B0] =	vst v4;
	v4 =	vadd.s32 v0, v57  }
0x110: {  	v62 =	vld [tilespmem:$0x70];
	[tilespmem:$0x140] =	vst v4;
	v4 =	vadd.s32 v0, v58  }
0x111: {  	v63 =	vld [tilespmem:$0xF0];
	[tilespmem:$0x1C0] =	vst v4;
	v4 =	vadd.s32 v0, v59  }
0x112: {  	[tilespmem:$0x150] =	vst v4;
	v4 =	vadd.s32 v0, v5  }
0x113: {  	[tilespmem:$0x1D0] =	vst v4;
	v4 =	vadd.s32 v0, v60  }
0x114: {  	[tilespmem:$0x160] =	vst v4;
	v4 =	vadd.s32 v0, v61  }
0x115: {  	[tilespmem:$0x1E0] =	vst v4;
	v4 =	vadd.s32 v0, v62  }
.Ltmp16:
0x116: {  	[tilespmem:$0x170] =	vst v4;
	v4 =	vadd.s32 v0, v63;
	(pc) =	sbr.rel .LBB2_22-.Ltmp16, $4  }
0x117: {  	s3 =	simm.s32 $0x100;
	[tilespmem:$0x1F0] =	vst v4  }
0x118: {  	[tilespmem:s10], [sflag:$0x3] =	stream.indirect.gather [hbm4b:s4+s31], $0x20, s3, s31, $0xb8;
	[tilespmem:$0x1E2E0] =	vst v63  }
0x119: {  	s30 =	simm.s32 $0x180;
	s11 =	simm.s32 $0x1290  }
0x11a: {  	[tilespmem:s11], [sflag:$0x3] =	stream.indirect.gather [hbm4b:s5+s31], $0x20, s30, s31, $0xb8;
	[tilespmem:$0x1E2E0] =	vst v63  }
.LBB2_24:
.Ltmp17:
0x11b: {  	(pc) =	sbr.rel @!p0 .LBB2_25-.Ltmp17, $1  }
0x11c: {  	_ =	sdelay $0x3  }
0x11d: {  	s3 =	simm.s32 $0x6  }
.Ltmp18:
0x11e: {  	_ =	swait.ge [sflag:s3], $0x1000;
	(pc) =	sbr.rel @p1 .LBB2_30-.Ltmp18, $4  }
.Ltmp19:
0x11f: {  	[sflag:s3] =	ssyncset.done $0x0;
	(pc) =	sbr.rel @!p1 .LBB2_27-.Ltmp19, $4  }
0x120: {  	[sflag:s3] =	ssyncadd.s32 $0xFFFFF000  }
0x121: {  	[bflag:$0x0] =	sbarrier.arrive $0xFFFF  }
0x122: {  	_ = 	snop  }
0x123: {  	_ = 	snop  }
.LBB2_25:
0x124: {  	_ =	swait.ge [sflag:s0], $0x1000  }
0x125: {  	[sflag:s0] =	ssyncset.done $0x0  }
0x126: {  	[sflag:s0] =	ssyncadd.s32 $0xFFFFF000  }
0x127: {  	[bflag:$0x0] =	sbarrier.arrive $0xFFFF  }
.LBB2_27:
0x128: {  	[tilespmem:s16], [sflag:$0x7] =	stream.linear.gather [spmem:s9], $0xF00, $0x38;
	[tilespmem:$0x1E2E0] =	vst v63  }
0x129: {  	_ =	swait.ge [sflag:s29], $0xF00  }
0x12a: {  	[sflag:s29] =	ssyncset.done $0x0  }
0x12b: {  	s3 =	sadd.s32 $0x0, s23;
	[sflag:s29] =	ssyncadd.s32 $0xFFFFF100  }
0x12c: {  	[hbm4b:s3+s2] =	stream.linear.scatter [tilespmem:s16], [sflag:$0x7], $0xF00, $0x38;
	[tilespmem:$0x1E2E0] =	vst v63  }
0x12d: {  	_ =	swait.ge [sflag:s29], $0xF00  }
0x12e: {  	s11 =	smov.u32 s9;
	s3 =	simm.s32 $0x1E0;
	[sflag:s29] =	ssyncset.done $0x0  }
.LBB2_28:
0x12f: {  	p3 =	sne.s32 s3, $0x2EE0;
	[sflag:s29] =	ssyncadd.s32 $0xFFFFF100;
	s11 =	sadd.s32 $0xF00, s11  }
0x130: {  	[tilespmem:s16], [sflag:$0x7] =	stream.linear.gather [spmem:s11], $0xF00, $0x38;
	[tilespmem:$0x1E2E0] =	vst v63  }
0x131: {  	s17 =	smov.u32 s3;
	s3 =	sadd.s32 $0x1E0, s3;
	_ =	swait.ge [sflag:s29], $0xF00  }
.Ltmp20:
0x132: {  	[sflag:s29] =	ssyncset.done $0x0;
	(pc) =	sbr.rel @p3 .LBB2_28-.Ltmp20, $4  }
0x133: {  	s17 =	sadd.s32 s17, s23;
	[sflag:s29] =	ssyncadd.s32 $0xFFFFF100  }
0x134: {  	[hbm4b:s17+s2] =	stream.linear.scatter [tilespmem:s16], [sflag:$0x7], $0xF00, $0x38;
	[tilespmem:$0x1E2E0] =	vst v63  }
0x135: {  	_ =	swait.ge [sflag:s29], $0xF00  }
0x136: {  	[sflag:s29] =	ssyncset.done $0x0  }
0x137: {  	[sflag:s29] =	ssyncadd.s32 $0xFFFFF100;
	s3 =	rddreg [dreg:$0x9]  }
0x138: {  	[tilespmem:s16], [sflag:$0x7] =	stream.linear.gather [spmem:s3], $0x100, $0x38;
	[tilespmem:$0x1E2E0] =	vst v63  }
0x139: {  	_ =	swait.ge [sflag:s29], $0x100  }
0x13a: {  	[sflag:s29] =	ssyncset.done $0x0  }
.Ltmp21:
0x13b: {  	s30 =	rddreg [dreg:$0xa];
	[sflag:s29] =	ssyncadd.s32 $0xFFFFFF00;
	(pc) =	sbr.rel @p2 .LBB2_33-.Ltmp21, $4  }
0x13c: {  	[hbm4b:s30+s2] =	stream.linear.scatter [tilespmem:s16], [sflag:$0x7], $0x100, $0x38;
	[tilespmem:$0x1E2E0] =	vst v63  }
0x13d: {  	_ =	swait.ge [sflag:s29], $0x100  }
0x13e: {  	[sflag:s29] =	ssyncset.done $0x0  }
0x13f: {  	s11 =	rddreg [dreg:$0xe];
	[sflag:s29] =	ssyncadd.s32 $0xFFFFFF00  }
.LBB2_30:
0x140: {  	[tilespmem:s16], [sflag:$0x7] =	stream.linear.gather [spmem:s26], $0xF00, $0x38;
	[tilespmem:$0x1E2E0] =	vst v63  }
0x141: {  	_ =	swait.ge [sflag:s29], $0xF00  }
0x142: {  	[sflag:s29] =	ssyncset.done $0x0  }
0x143: {  	s3 =	sadd.s32 $0x0, s24;
	[sflag:s29] =	ssyncadd.s32 $0xFFFFF100  }
0x144: {  	[hbm4b:s3+s2] =	stream.linear.scatter [tilespmem:s16], [sflag:$0x7], $0xF00, $0x38;
	[tilespmem:$0x1E2E0] =	vst v63  }
0x145: {  	_ =	swait.ge [sflag:s29], $0xF00  }
0x146: {  	s11 =	smov.u32 s26;
	s3 =	simm.s32 $0x1E0;
	[sflag:s29] =	ssyncset.done $0x0  }
.LBB2_31:
0x147: {  	p3 =	sne.s32 s3, $0x2D00;
	[sflag:s29] =	ssyncadd.s32 $0xFFFFF100;
	s11 =	sadd.s32 $0xF00, s11  }
0x148: {  	[tilespmem:s16], [sflag:$0x7] =	stream.linear.gather [spmem:s11], $0xF00, $0x38;
	[tilespmem:$0x1E2E0] =	vst v63  }
0x149: {  	s17 =	smov.u32 s3;
	s3 =	sadd.s32 $0x1E0, s3;
	_ =	swait.ge [sflag:s29], $0xF00  }
.Ltmp22:
0x14a: {  	[sflag:s29] =	ssyncset.done $0x0;
	(pc) =	sbr.rel @p3 .LBB2_31-.Ltmp22, $4  }
0x14b: {  	s17 =	sadd.s32 s17, s24;
	[sflag:s29] =	ssyncadd.s32 $0xFFFFF100  }
0x14c: {  	[hbm4b:s17+s2] =	stream.linear.scatter [tilespmem:s16], [sflag:$0x7], $0xF00, $0x38;
	[tilespmem:$0x1E2E0] =	vst v63  }
0x14d: {  	_ =	swait.ge [sflag:s29], $0xF00  }
0x14e: {  	[sflag:s29] =	ssyncset.done $0x0  }
.Ltmp23:
0x14f: {  	_ = 	snop;
	(pc) =	sbr.rel .LBB2_32-.Ltmp23, $1  }
0x150: {  	_ =	sdelay $0x3  }
.LBB2_34:
0x151: {  	_ =	sfence.sel $0x180000  }
0x152: {  	[bflag:$0x0] =	sbarrier.arrive $0xFFFF  }
0x153: {  	_ =	strace $0x90000050  }
0x154: {  	s0 =	stileid.u32;
	[bflag:$0x2] =	sbarrier.arrive $0xFFFF  }
0x155: {  	p0 =	sne.s32 s0, $0x0;
	s0 =	rddreg [dreg:$0x2]  }
0x156: {  	s0 =	sadd.s32 @!p0 $0x100000, s0  }
0x157: {  	[sflag:s0] =	ssyncadd.tile.s32 @!p0 $0x1;
	_ =	shalt  }
.Lfunc_end2:
_tile_overlayer_lowered:
.L_overlay_start_2:
0x158: {  	(tag) =	ssettag $0x2  }
0x159: {  	s0 =	rddreg [dreg:$0x0];
	s2 =	stileid.u32  }
0x15a: {  	s1 =	rddreg [dreg:$0x1];
	p0 =	sne.s32 s2, $0x0  }
0x15b: {  	s3 =	rddreg [dreg:$0x2];
	[bflag:$0x3] =	sbarrier.arrive $0xFFFF;
	s2 =	simm.s32 @!p0 $0x1C07  }
0x15c: {  	[timem:s3], [sflag:s2] =	dma.local @!p0 [hbm:s0], s1  }
0x15d: {  	s0 =	simm.s32 @!p0 $0x7  }
0x15e: {  	_ =	swait.ge @!p0 [sflag:s0], s1  }
0x15f: {  	s1 =	ssub.s32 @!p0 $0x0, s1;
	[sflag:s0] =	ssyncset.done @!p0 $0x0  }
0x160: {  	[sflag:s0] =	ssyncadd.s32 @!p0 s1  }
0x161: {  	[bflag:$0x3] =	sbarrier.arrive $0xFFFF  }
0x162: {  	_ =	shalt  }

</sc_bundles>
